<compile_context>
chip_gen: v7x
topology: tpu7x:2x2x1
jax: 0.10.2.dev20260603
libtpu: 0.0.44.dev20260713+nightly
codegen_flags: <defaults>
</compile_context>

<pallas_src>
import functools
import jax
import jax.numpy as jnp
from jax import lax
from jax.experimental import pallas as pl
from jax.experimental.pallas import tpu as pltpu
from jax.experimental.pallas import tpu_sc as plsc

N_NODES = 2249
N_DRUG = 2033
NHID = 128
ALPHA = 0.9
N_EDGES = 143936
BATCH = 16384

NP = 2304
BLK = 256
E_T = 9088
EP = 16 * E_T
NROWS_I = 71
R = 576
BUF_MAIN = R * NP
BUFLEN = BUF_MAIN + 2048
STRIPE = BUF_MAIN // 16
DST_PAD = 4000

_SC_MESH = plsc.VectorSubcoreMesh(core_axis_name="c", subcore_axis_name="s")


def _sc_build_body(srcs, dsts, ones_h, zeros_h, c_out,
                   src_v, dst_v, idx1d, ones_v, buf, zsem):
    core = lax.axis_index("c")
    sub = lax.axis_index("s")
    pltpu.sync_copy(ones_h, ones_v)
    eoff = sub * E_T
    lane = lax.iota(jnp.int32, 16)
    gbase = BUF_MAIN + sub * 128
    for g in range(3):
        pltpu.sync_copy(srcs.at[pl.ds(g * EP + eoff, E_T)], src_v)
        pltpu.sync_copy(dsts.at[pl.ds(g * EP + eoff, E_T)], dst_v)
        for ch_i in range(2):
            chunk = core * 2 + ch_i
            base = chunk * R
            zcp = pltpu.async_copy(zeros_h, buf.at[pl.ds(sub * STRIPE, STRIPE)],
                                   zsem)

            def idx_body(b, carry):
                for k in range(8):
                    e = b * 128 + k * 16
                    s = src_v[pl.ds(e, 16)]
                    d = dst_v[pl.ds(e, 16)]
                    rel = d - base
                    ok = (rel >= 0) & (rel < R)
                    flat = rel * NP + s
                    flat = jnp.where(ok, flat, gbase + k * 16 + lane)
                    idx1d[pl.ds(e, 16)] = flat
                return carry
            lax.fori_loop(0, NROWS_I, idx_body, 0)
            zcp.wait()
            plsc.subcore_barrier()

            pltpu.sync_copy(ones_v, buf.at[idx1d], add=True)
            plsc.subcore_barrier()

            dst_off = g * NP * NP + base * NP + sub * STRIPE
            pltpu.sync_copy(buf.at[pl.ds(sub * STRIPE, STRIPE)],
                            c_out.at[pl.ds(dst_off, STRIPE)])
            plsc.subcore_barrier()


def _sc_build(srcs, dsts):
    ones_h = jnp.ones((E_T,), jnp.float32)
    zeros_h = jnp.zeros((STRIPE,), jnp.float32)
    k = pl.kernel(
        _sc_build_body,
        out_type=jax.ShapeDtypeStruct((3 * NP * NP,), jnp.float32),
        mesh=_SC_MESH,
        scratch_types=[
            pltpu.VMEM((E_T,), jnp.int32),
            pltpu.VMEM((E_T,), jnp.int32),
            pltpu.VMEM((E_T,), jnp.int32),
            pltpu.VMEM((E_T,), jnp.float32),
            pltpu.VMEM_SHARED((BUFLEN,), jnp.float32),
            pltpu.SemaphoreType.DMA,
        ],
    )
    return k(srcs, dsts, ones_h, zeros_h).reshape(3, NP, NP)


def _sc_gather_body(nf, s0r, s1r, dr, di, idx_s, rows_a, rows_b,
                    sg0, sg1, sw0, sw1):
    core = lax.axis_index("c")
    sub = lax.axis_index("s")
    wid = sub * 2 + core
    pltpu.sync_copy(s0r.at[pl.ds(wid * 4, 4)], idx_s.at[pl.ds(0, 4)])
    pltpu.sync_copy(s1r.at[pl.ds(wid * 4, 4)], idx_s.at[pl.ds(4, 4)])

    def addb(i, carry):
        r = 4 + i // 8
        c = (i % 8) * 16
        idx_s[r, pl.ds(c, 16)] = idx_s[r, pl.ds(c, 16)] + N_DRUG
        return carry
    lax.fori_loop(0, 32, addb, 0)

    bufs = (rows_a, rows_b)
    gsems = (sg0, sg1)
    wsems = (sw0, sw1)
    outs = (dr, dr, dr, dr, di, di, di, di)
    gathers = [None] * 8
    wbs = [None] * 8
    for j in range(2):
        gathers[j] = pltpu.async_copy(nf.at[idx_s.at[j]], bufs[j], gsems[j])
    for j in range(8):
        gathers[j].wait()
        off = wid * 512 + (j % 4) * 128
        wbs[j] = pltpu.async_copy(bufs[j % 2], outs[j].at[pl.ds(off, 128)],
                                  wsems[j % 2])
        if j + 2 < 8:
            wbs[j].wait()
            gathers[j + 2] = pltpu.async_copy(nf.at[idx_s.at[j + 2]],
                                              bufs[j % 2], gsems[j % 2])
    wbs[6].wait()
    wbs[7].wait()


def _sc_gather(nf, s0r, s1r):
    k = pl.kernel(
        _sc_gather_body,
        out_type=(jax.ShapeDtypeStruct((BATCH, NHID), jnp.float32),
                  jax.ShapeDtypeStruct((BATCH, NHID), jnp.float32)),
        mesh=_SC_MESH,
        scratch_types=[
            pltpu.VMEM((8, 128), jnp.int32),
            pltpu.VMEM((128, NHID), jnp.float32),
            pltpu.VMEM((128, NHID), jnp.float32),
            pltpu.SemaphoreType.DMA,
            pltpu.SemaphoreType.DMA,
            pltpu.SemaphoreType.DMA,
            pltpu.SemaphoreType.DMA,
        ],
    )
    return k(nf, s0r, s1r)


def _dot3(a, b):
    ah = a.astype(jnp.bfloat16)
    al = (a - ah.astype(jnp.float32)).astype(jnp.bfloat16)
    bh = b.astype(jnp.bfloat16)
    bl = (b - bh.astype(jnp.float32)).astype(jnp.bfloat16)
    mm = functools.partial(jnp.dot, preferred_element_type=jnp.float32)
    return (mm(ah, bl) + mm(al, bh)) + mm(ah, bh)


def _h1_body(a_ref, w_ref, b_ref, o_ref):
    w = w_ref[0] + w_ref[1]
    b = b_ref[0] + b_ref[1]
    o_ref[...] = _dot3(a_ref[...], w) + b


def _mm_h1(adj_p, w_p, b):
    return pl.pallas_call(
        _h1_body,
        grid=(NP // BLK,),
        in_specs=[
            pl.BlockSpec((BLK, N_NODES), lambda i: (i, 0)),
            pl.BlockSpec((2, N_NODES, NHID), lambda i: (0, 0, 0)),
            pl.BlockSpec((2, 1, NHID), lambda i: (0, 0, 0)),
        ],
        out_specs=pl.BlockSpec((BLK, NHID), lambda i: (i, 0)),
        out_shape=jax.ShapeDtypeStruct((NP, NHID), jnp.float32),
    )(adj_p, w_p, b)


NBLK = NP // BLK


def _dotc(c, b):
    ch = c.astype(jnp.bfloat16)
    bh = b.astype(jnp.bfloat16)
    bl = (b - bh.astype(jnp.float32)).astype(jnp.bfloat16)
    mm = functools.partial(jnp.dot, preferred_element_type=jnp.float32)
    return mm(ch, bl) + mm(ch, bh)


def _agg_core(c_ref, m):
    cb = c_ref[0]
    deg = jnp.sum(cb, axis=1, keepdims=True)
    invd = 0.5 / jnp.maximum(deg, 1.0)
    return jnp.maximum(_dotc(cb, m) * invd, 0.0)


def _pcol(x, pw2, pb2, col):
    p = jnp.sum(x * pw2, axis=1, keepdims=True) + pb2
    z = jnp.zeros_like(p)
    cols = [z, z, z]
    cols[col] = p
    return jnp.concatenate(cols + [z] * 5, axis=1)


def _agg_round_body(col, c_ref, m_ref, w_ref, b_ref, pw2_ref, pb2_ref,
                    x_ref, mn_ref, p_ref):
    x = _agg_core(c_ref, m_ref[0])
    x_ref[0] = x
    w = w_ref[0] + w_ref[1]
    mn_ref[0] = _dot3(x, w) + (b_ref[0] + b_ref[1])
    p_ref[0] = _pcol(x, pw2_ref[...], pb2_ref[0, 0], col)


def _agg_round(c_all, m, w, b, pw2, pb2, col, m_shared):
    if m_shared:
        m_spec = pl.BlockSpec((1, NP, NHID), lambda g, i: (0, 0, 0))
    else:
        m_spec = pl.BlockSpec((1, NP, NHID), lambda g, i: (g, 0, 0))
    return pl.pallas_call(
        functools.partial(_agg_round_body, col),
        grid=(3, NP // BLK),
        in_specs=[
            pl.BlockSpec((1, BLK, NP), lambda g, i: (g, i, 0)),
            m_spec,
            pl.BlockSpec((2, NHID, NHID), lambda g, i: (0, 0, 0)),
            pl.BlockSpec((2, 1, NHID), lambda g, i: (0, 0, 0)),
            pl.BlockSpec((1, NHID), lambda g, i: (0, 0)),
            pl.BlockSpec((1, 1), lambda g, i: (0, 0)),
        ],
        out_specs=[
            pl.BlockSpec((1, BLK, NHID), lambda g, i: (g, i, 0)),
            pl.BlockSpec((1, BLK, NHID), lambda g, i: (g, i, 0)),
            pl.BlockSpec((1, BLK, 8), lambda g, i: (g, i, 0)),
        ],
        out_shape=[
            jax.ShapeDtypeStruct((3, NP, NHID), jnp.float32),
            jax.ShapeDtypeStruct((3, NP, NHID), jnp.float32),
            jax.ShapeDtypeStruct((3, NP, 8), jnp.float32),
        ],
    )(c_all, m, w, b, pw2, pb2)


def _agg_last_body(c_ref, m_ref, pw2_ref, pb2_ref, x_ref, p_ref):
    x = _agg_core(c_ref, m_ref[0])
    x_ref[0] = x
    p_ref[0] = _pcol(x, pw2_ref[...], pb2_ref[0, 0], 2)


def _agg_last(c_all, m, pw2, pb2):
    return pl.pallas_call(
        _agg_last_body,
        grid=(3, NP // BLK),
        in_specs=[
            pl.BlockSpec((1, BLK, NP), lambda g, i: (g, i, 0)),
            pl.BlockSpec((1, NP, NHID), lambda g, i: (g, 0, 0)),
            pl.BlockSpec((1, NHID), lambda g, i: (0, 0)),
            pl.BlockSpec((1, 1), lambda g, i: (0, 0)),
        ],
        out_specs=[
            pl.BlockSpec((1, BLK, NHID), lambda g, i: (g, i, 0)),
            pl.BlockSpec((1, BLK, 8), lambda g, i: (g, i, 0)),
        ],
        out_shape=[
            jax.ShapeDtypeStruct((3, NP, NHID), jnp.float32),
            jax.ShapeDtypeStruct((3, NP, 8), jnp.float32),
        ],
    )(c_all, m, pw2, pb2)


def _finalize_body(c_ref, p1_ref, p2_ref, p3_ref, x1_ref, x2_ref, x3_ref,
                   pw1_ref, pb1_ref, o_ref):
    g = pl.program_id(1)
    gw = jnp.where(g == 0, 0.3, 0.35)
    cb = c_ref[0]
    deg = jnp.sum(cb, axis=1, keepdims=True)
    invd = 1.0 / jnp.maximum(deg, 1.0)
    pw1 = pw1_ref[...]
    pb1 = pb1_ref[0, 0]
    xs_blk = []
    gcols = []
    for x_ref in (x1_ref, x2_ref, x3_ref):
        xb = x_ref[0]
        xs_blk.append(xb)
        gcols.append(jnp.sum(xb * pw1, axis=1, keepdims=True) + pb1)
    p = p1_ref[0] + p2_ref[0] + p3_ref[0]
    sl = (_dotc(cb, p) * invd)[:, :3]
    gsc = jnp.concatenate(gcols, axis=1)
    w = ALPHA * gsc + (1.0 - ALPHA) * sl
    m = jnp.max(w, axis=1, keepdims=True)
    e = jnp.exp(w - m)
    wn = e / jnp.sum(e, axis=1, keepdims=True)
    contrib = gw * (wn[:, 0:1] * xs_blk[0]
                    + wn[:, 1:2] * xs_blk[1]
                    + wn[:, 2:3] * xs_blk[2])

    @pl.when(g == 0)
    def _():
        o_ref[...] = contrib

    @pl.when(g > 0)
    def _():
        o_ref[...] = o_ref[...] + contrib


def _finalize_all(c_all, p1, p2, p3, x1, x2, x3, pw1, pb1):
    xspec = pl.BlockSpec((1, BLK, NHID), lambda i, g: (g, i, 0))
    pspec = pl.BlockSpec((1, NP, 8), lambda i, g: (g, 0, 0))
    return pl.pallas_call(
        _finalize_body,
        grid=(NP // BLK, 3),
        in_specs=[
            pl.BlockSpec((1, BLK, NP), lambda i, g: (g, i, 0)),
            pspec, pspec, pspec,
            xspec, xspec, xspec,
            pl.BlockSpec((1, NHID), lambda i, g: (0, 0)),
            pl.BlockSpec((1, 1), lambda i, g: (0, 0)),
        ],
        out_specs=pl.BlockSpec((BLK, NHID), lambda i, g: (i, 0)),
        out_shape=jax.ShapeDtypeStruct((NP, NHID), jnp.float32),
    )(c_all, p1, p2, p3, x1, x2, x3, pw1, pb1)


BMLP = 512


def _dot2(a, b):
    ah = a.astype(jnp.bfloat16)
    al = (a - ah.astype(jnp.float32)).astype(jnp.bfloat16)
    bh = b.astype(jnp.bfloat16)
    mm = functools.partial(jnp.dot, preferred_element_type=jnp.float32)
    return mm(al, bh) + mm(ah, bh)


def _mlp_body(dr_ref, di_ref, w0_ref, b0_ref, w1_ref, b1_ref, w2_ref, b2_ref,
              w3_ref, b3_ref, emb_ref, o_ref):
    e = dr_ref[...] * di_ref[...]
    emb_ref[...] = e
    h = jnp.maximum(_dot2(e, w0_ref[...]) + b0_ref[...], 0.0)
    h = jnp.maximum(_dot2(h, w1_ref[...]) + b1_ref[...], 0.0)
    h = jnp.maximum(_dot2(h, w2_ref[...]) + b2_ref[...], 0.0)
    o_ref[...] = _dot2(h, w3_ref[...]) + b3_ref[...]


def _mlp(dr, di, w0, b0, w1, b1, w2, b2, w3p, b3p):
    full = lambda r, c: pl.BlockSpec((r, c), lambda i: (0, 0))
    return pl.pallas_call(
        _mlp_body,
        grid=(BATCH // BMLP,),
        in_specs=[
            pl.BlockSpec((BMLP, NHID), lambda i: (i, 0)),
            pl.BlockSpec((BMLP, NHID), lambda i: (i, 0)),
            full(NHID, 1024), full(1, 1024),
            full(1024, 512), full(1, 512),
            full(512, 256), full(1, 256),
            full(256, 128), full(1, 128),
        ],
        out_specs=[
            pl.BlockSpec((BMLP, NHID), lambda i: (i, 0)),
            pl.BlockSpec((BMLP, 128), lambda i: (i, 0)),
        ],
        out_shape=[
            jax.ShapeDtypeStruct((BATCH, NHID), jnp.float32),
            jax.ShapeDtypeStruct((BATCH, 128), jnp.float32),
        ],
    )(dr, di, w0, b0, w1, b1, w2, b2, w3p, b3p)


def kernel(sample, adj, adj_edge_index1, adj_edge_index2, adj_edge_index3,
           W_gc1, b_gc1, W_gc2, b_gc2, W_gc3, b_gc3,
           pool_w1, pool_b1, pool_w2, pool_b2,
           mlp_w0, mlp_b0, mlp_w1, mlp_b1, mlp_w2, mlp_b2, mlp_w3, mlp_b3):
    f32 = jnp.float32

    srcs = jnp.concatenate(
        [jnp.pad(ei[0].astype(jnp.int32), (0, EP - N_EDGES))
         for ei in (adj_edge_index1, adj_edge_index2, adj_edge_index3)])
    dsts = jnp.concatenate(
        [jnp.pad(ei[1].astype(jnp.int32), (0, EP - N_EDGES),
                 constant_values=DST_PAD)
         for ei in (adj_edge_index1, adj_edge_index2, adj_edge_index3)])
    adj_p = adj.astype(f32)
    w1_p = W_gc1.astype(f32)
    b1r = b_gc1.reshape(2, 1, NHID).astype(f32)
    b2r = b_gc2.reshape(2, 1, NHID).astype(f32)
    b3r = b_gc3.reshape(2, 1, NHID).astype(f32)
    pw1 = pool_w1.reshape(1, NHID).astype(f32)
    pw2 = pool_w2.reshape(1, NHID).astype(f32)
    pb1 = pool_b1.reshape(1, 1).astype(f32)
    pb2 = pool_b2.reshape(1, 1).astype(f32)
    s0r = sample[:, 0].astype(jnp.int32).reshape(128, 128)
    s1r = sample[:, 1].astype(jnp.int32).reshape(128, 128)
    w3p = jnp.pad(mlp_w3.astype(f32), ((0, 0), (0, 126)))
    b3p = jnp.pad(mlp_b3.astype(f32), (0, 126)).reshape(1, 128)
    b0r = mlp_b0.reshape(1, 1024).astype(f32)
    b1m = mlp_b1.reshape(1, 512).astype(f32)
    b2m = mlp_b2.reshape(1, 256).astype(f32)

    c_all = _sc_build(srcs, dsts)

    h1 = _mm_h1(adj_p, w1_p, b1r)

    h1b = h1.reshape(1, NP, NHID)
    x1, m2, p1 = _agg_round(c_all, h1b, W_gc2.astype(f32), b2r, pw2, pb2, 0,
                            m_shared=True)
    x2, m3, p2 = _agg_round(c_all, m2, W_gc3.astype(f32), b3r, pw2, pb2, 1,
                            m_shared=False)
    x3, p3 = _agg_last(c_all, m3, pw2, pb2)
    nf = _finalize_all(c_all, p1, p2, p3, x1, x2, x3, pw1, pb1)

    dr_rows, di_rows = _sc_gather(nf, s0r, s1r)

    emb, outp = _mlp(dr_rows, di_rows, mlp_w0.astype(f32), b0r,
                     mlp_w1.astype(f32), b1m, mlp_w2.astype(f32), b2m, w3p, b3p)
    return emb, outp[:, :2]

# --- scband reference (transcript-rebuilt; emitter-appended) ---
"""Pipeline reference for scband-gmamda-86517821210791 (READ-ONLY COPY).

The authoritative reference and input builder live on the scoring server;
editing this copy changes nothing except your own understanding.
"""

import jax, jax.numpy as jnp
import numpy as np

N_NODES = 2249
N_DRUG = 2033
NHID = 128
KERNELS = 2
ALPHA = 0.9
N_EDGES = 143936
BATCH = 16384

def _deg_norm_agg(msg, dst, n):
    agg = jax.ops.segment_sum(msg, dst, num_segments=n)
    deg = jax.ops.segment_sum(jnp.ones((dst.shape[0],), msg.dtype), dst, num_segments=n)
    return agg / jnp.maximum(deg, 1.0)[:, None]

def _mkgc(x, Ws, bs, ei, n):
    src, dst = ei[0], ei[1]
    k = Ws.shape[0]
    acc = 0.0
    for i in range(k):
        h = x @ Ws[i] + bs[i]
        acc = acc + _deg_norm_agg(h[src], dst, n)
    return jax.nn.relu(acc / k)

def _glapool(x, ei, w1, b1, w2, b2, alpha, n):
    src, dst = ei[0], ei[1]
    s_g = x @ w1 + b1
    h = x @ w2 + b2
    s_l = _deg_norm_agg(h[src], dst, n)
    return alpha * s_g + (1.0 - alpha) * s_l

def setup_inputs(seed: int = 0):
    key = jax.random.key(seed)
    ks = jax.random.split(key, 24)
    def nrm(k, shape, scale=0.02):
        return jax.random.normal(k, shape, dtype=jnp.float32) * scale
    inp = {}
    inp["sample"] = jax.random.randint(ks[0], (BATCH, 2), 0, 216)
    inp["adj"] = jax.random.uniform(ks[1], (N_NODES, N_NODES), dtype=jnp.float32)
    inp["adj_edge_index1"] = jax.random.randint(ks[2], (2, N_EDGES), 0, N_NODES)
    inp["adj_edge_index2"] = jax.random.randint(ks[3], (2, N_EDGES), 0, N_NODES)
    inp["adj_edge_index3"] = jax.random.randint(ks[4], (2, N_EDGES), 0, N_NODES)
    inp["W_gc1"] = nrm(ks[5], (KERNELS, N_NODES, NHID), 0.02)
    inp["b_gc1"] = jnp.zeros((KERNELS, NHID), jnp.float32)
    inp["W_gc2"] = nrm(ks[6], (KERNELS, NHID, NHID), 0.08)
    inp["b_gc2"] = jnp.zeros((KERNELS, NHID), jnp.float32)
    inp["W_gc3"] = nrm(ks[7], (KERNELS, NHID, NHID), 0.08)
    inp["b_gc3"] = jnp.zeros((KERNELS, NHID), jnp.float32)
    inp["pool_w1"] = nrm(ks[8], (NHID, 1), 0.08)
    inp["pool_b1"] = jnp.zeros((1,), jnp.float32)
    inp["pool_w2"] = nrm(ks[9], (NHID, 1), 0.08)
    inp["pool_b2"] = jnp.zeros((1,), jnp.float32)
    inp["mlp_w0"] = nrm(ks[10], (NHID, 1024), 0.08)
    inp["mlp_b0"] = jnp.zeros((1024,), jnp.float32)
    inp["mlp_w1"] = nrm(ks[11], (1024, 512), 0.03)
    inp["mlp_b1"] = jnp.zeros((512,), jnp.float32)
    inp["mlp_w2"] = nrm(ks[12], (512, 256), 0.04)
    inp["mlp_b2"] = jnp.zeros((256,), jnp.float32)
    inp["mlp_w3"] = nrm(ks[13], (256, 2), 0.06)
    inp["mlp_b3"] = jnp.zeros((2,), jnp.float32)
    return inp

def reference(sample, adj, adj_edge_index1, adj_edge_index2, adj_edge_index3, W_gc1, b_gc1, W_gc2, b_gc2, W_gc3, b_gc3, pool_w1, pool_b1, pool_w2, pool_b2, mlp_w0, mlp_b0, mlp_w1, mlp_b1, mlp_w2, mlp_b2, mlp_w3, mlp_b3):
    n = adj.shape[0]
    def node_feature(ei):
        x1 = _mkgc(adj, W_gc1, b_gc1, ei, n)
        x2 = _mkgc(x1, W_gc2, b_gc2, ei, n)
        x3 = _mkgc(x2, W_gc3, b_gc3, ei, n)
        w = jnp.concatenate([
            _glapool(x1, ei, pool_w1, pool_b1, pool_w2, pool_b2, ALPHA, n),
            _glapool(x2, ei, pool_w1, pool_b1, pool_w2, pool_b2, ALPHA, n),
            _glapool(x3, ei, pool_w1, pool_b1, pool_w2, pool_b2, ALPHA, n)], axis=-1)
        w = jax.nn.softmax(w, axis=-1)
        return w[:, 0:1] * x1 + w[:, 1:2] * x2 + w[:, 2:3] * x3
    nf = 0.3 * node_feature(adj_edge_index1) + 0.35 * node_feature(adj_edge_index2) + 0.35 * node_feature(adj_edge_index3)
    dr = nf[:N_DRUG]
    di = nf[N_DRUG:]
    emb = dr[sample[:, 0]] * di[sample[:, 1]]
    h = jax.nn.relu(emb @ mlp_w0 + mlp_b0)
    h = jax.nn.relu(h @ mlp_w1 + mlp_b1)
    h = jax.nn.relu(h @ mlp_w2 + mlp_b2)
    out = h @ mlp_w3 + mlp_b3
    return (emb, out)

if __name__ == "__main__":
    import jax
    _d = setup_inputs()
    print(jax.jit(kernel)(*tuple(_d.values())))

</pallas_src>

<mosaic_0001>
#map = affine_map<(d0, d1) -> (0)>
module attributes {stable_mosaic.version = 14 : i64} {
  func.func @_sc_build_body(%arg0: i32, %arg1: i32, %arg2: memref<436224xi32, #tpu.memory_space<hbm>>, %arg3: memref<436224xi32, #tpu.memory_space<hbm>>, %arg4: memref<9088xf32, #tpu.memory_space<hbm>>, %arg5: memref<82944xf32, #tpu.memory_space<hbm>>, %arg6: memref<15925248xf32, #tpu.memory_space<hbm>>, %arg7: memref<9088xi32, #tpu.memory_space<vmem>>, %arg8: memref<9088xi32, #tpu.memory_space<vmem>>, %arg9: memref<9088xi32, #tpu.memory_space<vmem>>, %arg10: memref<9088xf32, #tpu.memory_space<vmem>>, %arg11: memref<1329152xf32, #tpu.memory_space<vmem_shared>>, %arg12: memref<!tpu.dma_semaphore, #tpu.memory_space<semaphore_mem>>) attributes {dimension_semantics = [#tpu.dimension_semantics<core_parallel>, #tpu.dimension_semantics<subcore_parallel>], iteration_bounds = array<i64: 2, 16>, scalar_prefetch = 0 : i64, scratch_operands = 6 : i64, tpu.core_type = #tpu.core_type<sc_vector_subcore>, window_params = [{transform_indices = #map}, {transform_indices = #map}, {transform_indices = #map}, {transform_indices = #map}, {transform_indices = #map}]} {
    "tpu.region"() ({
      %run_scoped3A = tpu.sem_alloc : memref<!tpu.dma_semaphore, #tpu.memory_space<semaphore_mem>>
      tpu.enqueue_dma source(%arg4 : memref<9088xf32, #tpu.memory_space<hbm>>) target(%arg10 : memref<9088xf32, #tpu.memory_space<vmem>>) target_semaphore(%run_scoped3A : memref<!tpu.dma_semaphore, #tpu.memory_space<semaphore_mem>>)
      tpu.wait_dma2 semaphore(%run_scoped3A : memref<!tpu.dma_semaphore, #tpu.memory_space<semaphore_mem>>) src(%arg4 : memref<9088xf32, #tpu.memory_space<hbm>>) dst(%arg10 : memref<9088xf32, #tpu.memory_space<vmem>>)
      tpu.yield
    }) : () -> ()
    %mul3A = arith.constant 9088 : i32
    %mul3A_0 = arith.muli %arg1, %mul3A : i32
    %iota3A = tpu.iota {dimensions = array<i32: 0>} : vector<16xi32>
    %mul3A_1 = arith.constant 128 : i32
    %mul3A_2 = arith.muli %arg1, %mul3A_1 : i32
    %add3A = arith.constant 1327104 : i32
    %add3A_3 = arith.addi %add3A, %mul3A_2 : i32
    %add3A_4 = arith.constant 0 : i32
    %add3A_5 = arith.addi %add3A_4, %mul3A_0 : i32
    "tpu.region"() ({
      %run_scoped3A = tpu.sem_alloc : memref<!tpu.dma_semaphore, #tpu.memory_space<semaphore_mem>>
      %dma_start3A_180 = tpu.memref_slice %arg2[%add3A_5] : memref<436224xi32, #tpu.memory_space<hbm>> -> memref<9088xi32, #tpu.memory_space<hbm>>
      %dma_start3A_181 = tpu.memref_slice %arg2[%add3A_5] : memref<436224xi32, #tpu.memory_space<hbm>> -> memref<9088xi32, #tpu.memory_space<hbm>>
      tpu.enqueue_dma source(%dma_start3A_181 : memref<9088xi32, #tpu.memory_space<hbm>>) target(%arg7 : memref<9088xi32, #tpu.memory_space<vmem>>) target_semaphore(%run_scoped3A : memref<!tpu.dma_semaphore, #tpu.memory_space<semaphore_mem>>)
      %dma_wait3A_182 = tpu.memref_slice %arg2[%add3A_5] : memref<436224xi32, #tpu.memory_space<hbm>> -> memref<9088xi32, #tpu.memory_space<hbm>>
      %dma_wait3A_183 = tpu.memref_slice %arg2[%add3A_5] : memref<436224xi32, #tpu.memory_space<hbm>> -> memref<9088xi32, #tpu.memory_space<hbm>>
      tpu.wait_dma2 semaphore(%run_scoped3A : memref<!tpu.dma_semaphore, #tpu.memory_space<semaphore_mem>>) src(%dma_wait3A_183 : memref<9088xi32, #tpu.memory_space<hbm>>) dst(%arg7 : memref<9088xi32, #tpu.memory_space<vmem>>)
      tpu.yield
    }) : () -> ()
    %add3A_6 = arith.constant 0 : i32
    %add3A_7 = arith.addi %add3A_6, %mul3A_0 : i32
    "tpu.region"() ({
      %run_scoped3A = tpu.sem_alloc : memref<!tpu.dma_semaphore, #tpu.memory_space<semaphore_mem>>
      %dma_start3A_180 = tpu.memref_slice %arg3[%add3A_7] : memref<436224xi32, #tpu.memory_space<hbm>> -> memref<9088xi32, #tpu.memory_space<hbm>>
      %dma_start3A_181 = tpu.memref_slice %arg3[%add3A_7] : memref<436224xi32, #tpu.memory_space<hbm>> -> memref<9088xi32, #tpu.memory_space<hbm>>
      tpu.enqueue_dma source(%dma_start3A_181 : memref<9088xi32, #tpu.memory_space<hbm>>) target(%arg8 : memref<9088xi32, #tpu.memory_space<vmem>>) target_semaphore(%run_scoped3A : memref<!tpu.dma_semaphore, #tpu.memory_space<semaphore_mem>>)
      %dma_wait3A_182 = tpu.memref_slice %arg3[%add3A_7] : memref<436224xi32, #tpu.memory_space<hbm>> -> memref<9088xi32, #tpu.memory_space<hbm>>
      %dma_wait3A_183 = tpu.memref_slice %arg3[%add3A_7] : memref<436224xi32, #tpu.memory_space<hbm>> -> memref<9088xi32, #tpu.memory_space<hbm>>
      tpu.wait_dma2 semaphore(%run_scoped3A : memref<!tpu.dma_semaphore, #tpu.memory_space<semaphore_mem>>) src(%dma_wait3A_183 : memref<9088xi32, #tpu.memory_space<hbm>>) dst(%arg8 : memref<9088xi32, #tpu.memory_space<vmem>>)
      tpu.yield
    }) : () -> ()
    %mul3A_8 = arith.constant 2 : i32
    %mul3A_9 = arith.muli %arg0, %mul3A_8 : i32
    %add3A_10 = arith.constant 0 : i32
    %add3A_11 = arith.addi %mul3A_9, %add3A_10 : i32
    %mul3A_12 = arith.constant 576 : i32
    %mul3A_13 = arith.muli %add3A_11, %mul3A_12 : i32
    %mul3A_14 = arith.constant 82944 : i32
    %mul3A_15 = arith.muli %arg1, %mul3A_14 : i32
    %dma_start3A = tpu.memref_slice %arg11[%mul3A_15] : memref<1329152xf32, #tpu.memory_space<vmem_shared>> -> memref<82944xf32, #tpu.memory_space<vmem_shared>>
    tpu.enqueue_dma source(%arg5 : memref<82944xf32, #tpu.memory_space<hbm>>) target(%dma_start3A : memref<82944xf32, #tpu.memory_space<vmem_shared>>) target_semaphore(%arg12 : memref<!tpu.dma_semaphore, #tpu.memory_space<semaphore_mem>>)
    %scan3A = arith.constant 0 : i32
    %scan3A_16 = arith.constant 0 : i32
    %scan3A_17 = arith.constant 71 : i32
    %scan3A_18 = arith.addi %scan3A_16, %scan3A_17 : i32
    %scan3A_19 = arith.constant 1 : i32
    scf.for %scan3A_180 = %scan3A_16 to %scan3A_18 step %scan3A_19  : i32 {
      %mul3A_181 = arith.constant 128 : i32
      %mul3A_182 = arith.muli %scan3A_180, %mul3A_181 : i32
      %add3A_183 = arith.constant 0 : i32
      %add3A_184 = arith.addi %mul3A_182, %add3A_183 : i32
      %get3A = arith.index_cast %add3A_184 : i32 to index
      %get3A_185 = tpu.vector_load %arg7[%get3A] {strides = array<i32>} : memref<9088xi32, #tpu.memory_space<vmem>>, vector<16xi32>,
      %get3A_186 = vector.shape_cast %get3A_185 : vector<16xi32> to vector<16xi32>
      %get3A_187 = arith.index_cast %add3A_184 : i32 to index
      %get3A_188 = tpu.vector_load %arg8[%get3A_187] {strides = array<i32>} : memref<9088xi32, #tpu.memory_space<vmem>>, vector<16xi32>,
      %get3A_189 = vector.shape_cast %get3A_188 : vector<16xi32> to vector<16xi32>
      %sub3A = vector.broadcast %mul3A_13 : i32 to vector<16xi32>
      %sub3A_190 = arith.subi %get3A_189, %sub3A : vector<16xi32>
      %ge3A = arith.constant 0 : i32
      %ge3A_191 = vector.broadcast %ge3A : i32 to vector<16xi32>
      %ge3A_192 = arith.cmpi sge, %sub3A_190, %ge3A_191 : vector<16xi32>
      %lt3A = arith.constant 576 : i32
      %lt3A_193 = vector.broadcast %lt3A : i32 to vector<16xi32>
      %lt3A_194 = arith.cmpi slt, %sub3A_190, %lt3A_193 : vector<16xi32>
      %and3A = arith.andi %ge3A_192, %lt3A_194 : vector<16xi1>
      %mul3A_195 = arith.constant 2304 : i32
      %mul3A_196 = vector.broadcast %mul3A_195 : i32 to vector<16xi32>
      %mul3A_197 = arith.muli %sub3A_190, %mul3A_196 : vector<16xi32>
      %add3A_198 = arith.addi %mul3A_197, %get3A_186 : vector<16xi32>
      %add3A_199 = arith.constant 0 : i32
      %add3A_200 = arith.addi %add3A_3, %add3A_199 : i32
      %add3A_201 = vector.broadcast %add3A_200 : i32 to vector<16xi32>
      %add3A_202 = arith.addi %add3A_201, %iota3A : vector<16xi32>
      %select_n3A = arith.select %and3A, %add3A_198, %add3A_202 : vector<16xi1>, vector<16xi32>
      %swap3A = arith.index_cast %add3A_184 : i32 to index
      %swap3A_203 = tpu.vector_load %arg9[%swap3A] {strides = array<i32>} : memref<9088xi32, #tpu.memory_space<vmem>>, vector<16xi32>,
      %swap3A_204 = vector.shape_cast %swap3A_203 : vector<16xi32> to vector<16xi32>
      %swap3A_205 = vector.shape_cast %select_n3A : vector<16xi32> to vector<16xi32>
      tpu.vector_store %arg9[%swap3A], %swap3A_205 {strides = array<i32>} : memref<9088xi32, #tpu.memory_space<vmem>>, vector<16xi32>,
      %mul3A_206 = arith.constant 128 : i32
      %mul3A_207 = arith.muli %scan3A_180, %mul3A_206 : i32
      %add3A_208 = arith.constant 16 : i32
      %add3A_209 = arith.addi %mul3A_207, %add3A_208 : i32
      %get3A_210 = arith.index_cast %add3A_209 : i32 to index
      %get3A_211 = tpu.vector_load %arg7[%get3A_210] {strides = array<i32>} : memref<9088xi32, #tpu.memory_space<vmem>>, vector<16xi32>,
      %get3A_212 = vector.shape_cast %get3A_211 : vector<16xi32> to vector<16xi32>
      %get3A_213 = arith.index_cast %add3A_209 : i32 to index
      %get3A_214 = tpu.vector_load %arg8[%get3A_213] {strides = array<i32>} : memref<9088xi32, #tpu.memory_space<vmem>>, vector<16xi32>,
      %get3A_215 = vector.shape_cast %get3A_214 : vector<16xi32> to vector<16xi32>
      %sub3A_216 = vector.broadcast %mul3A_13 : i32 to vector<16xi32>
      %sub3A_217 = arith.subi %get3A_215, %sub3A_216 : vector<16xi32>
      %ge3A_218 = arith.constant 0 : i32
      %ge3A_219 = vector.broadcast %ge3A_218 : i32 to vector<16xi32>
      %ge3A_220 = arith.cmpi sge, %sub3A_217, %ge3A_219 : vector<16xi32>
      %lt3A_221 = arith.constant 576 : i32
      %lt3A_222 = vector.broadcast %lt3A_221 : i32 to vector<16xi32>
      %lt3A_223 = arith.cmpi slt, %sub3A_217, %lt3A_222 : vector<16xi32>
      %and3A_224 = arith.andi %ge3A_220, %lt3A_223 : vector<16xi1>
      %mul3A_225 = arith.constant 2304 : i32
      %mul3A_226 = vector.broadcast %mul3A_225 : i32 to vector<16xi32>
      %mul3A_227 = arith.muli %sub3A_217, %mul3A_226 : vector<16xi32>
      %add3A_228 = arith.addi %mul3A_227, %get3A_212 : vector<16xi32>
      %add3A_229 = arith.constant 16 : i32
      %add3A_230 = arith.addi %add3A_3, %add3A_229 : i32
      %add3A_231 = vector.broadcast %add3A_230 : i32 to vector<16xi32>
      %add3A_232 = arith.addi %add3A_231, %iota3A : vector<16xi32>
      %select_n3A_233 = arith.select %and3A_224, %add3A_228, %add3A_232 : vector<16xi1>, vector<16xi32>
      %swap3A_234 = arith.index_cast %add3A_209 : i32 to index
      %swap3A_235 = tpu.vector_load %arg9[%swap3A_234] {strides = array<i32>} : memref<9088xi32, #tpu.memory_space<vmem>>, vector<16xi32>,
      %swap3A_236 = vector.shape_cast %swap3A_235 : vector<16xi32> to vector<16xi32>
      %swap3A_237 = vector.shape_cast %select_n3A_233 : vector<16xi32> to vector<16xi32>
      tpu.vector_store %arg9[%swap3A_234], %swap3A_237 {strides = array<i32>} : memref<9088xi32, #tpu.memory_space<vmem>>, vector<16xi32>,
      %mul3A_238 = arith.constant 128 : i32
      %mul3A_239 = arith.muli %scan3A_180, %mul3A_238 : i32
      %add3A_240 = arith.constant 32 : i32
      %add3A_241 = arith.addi %mul3A_239, %add3A_240 : i32
      %get3A_242 = arith.index_cast %add3A_241 : i32 to index
      %get3A_243 = tpu.vector_load %arg7[%get3A_242] {strides = array<i32>} : memref<9088xi32, #tpu.memory_space<vmem>>, vector<16xi32>,
      %get3A_244 = vector.shape_cast %get3A_243 : vector<16xi32> to vector<16xi32>
      %get3A_245 = arith.index_cast %add3A_241 : i32 to index
      %get3A_246 = tpu.vector_load %arg8[%get3A_245] {strides = array<i32>} : memref<9088xi32, #tpu.memory_space<vmem>>, vector<16xi32>,
      %get3A_247 = vector.shape_cast %get3A_246 : vector<16xi32> to vector<16xi32>
      %sub3A_248 = vector.broadcast %mul3A_13 : i32 to vector<16xi32>
      %sub3A_249 = arith.subi %get3A_247, %sub3A_248 : vector<16xi32>
      %ge3A_250 = arith.constant 0 : i32
      %ge3A_251 = vector.broadcast %ge3A_250 : i32 to vector<16xi32>
      %ge3A_252 = arith.cmpi sge, %sub3A_249, %ge3A_251 : vector<16xi32>
      %lt3A_253 = arith.constant 576 : i32
      %lt3A_254 = vector.broadcast %lt3A_253 : i32 to vector<16xi32>
      %lt3A_255 = arith.cmpi slt, %sub3A_249, %lt3A_254 : vector<16xi32>
      %and3A_256 = arith.andi %ge3A_252, %lt3A_255 : vector<16xi1>
      %mul3A_257 = arith.constant 2304 : i32
      %mul3A_258 = vector.broadcast %mul3A_257 : i32 to vector<16xi32>
      %mul3A_259 = arith.muli %sub3A_249, %mul3A_258 : vector<16xi32>
      %add3A_260 = arith.addi %mul3A_259, %get3A_244 : vector<16xi32>
      %add3A_261 = arith.constant 32 : i32
      %add3A_262 = arith.addi %add3A_3, %add3A_261 : i32
      %add3A_263 = vector.broadcast %add3A_262 : i32 to vector<16xi32>
      %add3A_264 = arith.addi %add3A_263, %iota3A : vector<16xi32>
      %select_n3A_265 = arith.select %and3A_256, %add3A_260, %add3A_264 : vector<16xi1>, vector<16xi32>
      %swap3A_266 = arith.index_cast %add3A_241 : i32 to index
      %swap3A_267 = tpu.vector_load %arg9[%swap3A_266] {strides = array<i32>} : memref<9088xi32, #tpu.memory_space<vmem>>, vector<16xi32>,
      %swap3A_268 = vector.shape_cast %swap3A_267 : vector<16xi32> to vector<16xi32>
      %swap3A_269 = vector.shape_cast %select_n3A_265 : vector<16xi32> to vector<16xi32>
      tpu.vector_store %arg9[%swap3A_266], %swap3A_269 {strides = array<i32>} : memref<9088xi32, #tpu.memory_space<vmem>>, vector<16xi32>,
      %mul3A_270 = arith.constant 128 : i32
      %mul3A_271 = arith.muli %scan3A_180, %mul3A_270 : i32
      %add3A_272 = arith.constant 48 : i32
      %add3A_273 = arith.addi %mul3A_271, %add3A_272 : i32
      %get3A_274 = arith.index_cast %add3A_273 : i32 to index
      %get3A_275 = tpu.vector_load %arg7[%get3A_274] {strides = array<i32>} : memref<9088xi32, #tpu.memory_space<vmem>>, vector<16xi32>,
      %get3A_276 = vector.shape_cast %get3A_275 : vector<16xi32> to vector<16xi32>
      %get3A_277 = arith.index_cast %add3A_273 : i32 to index
      %get3A_278 = tpu.vector_load %arg8[%get3A_277] {strides = array<i32>} : memref<9088xi32, #tpu.memory_space<vmem>>, vector<16xi32>,
      %get3A_279 = vector.shape_cast %get3A_278 : vector<16xi32> to vector<16xi32>
      %sub3A_280 = vector.broadcast %mul3A_13 : i32 to vector<16xi32>
      %sub3A_281 = arith.subi %get3A_279, %sub3A_280 : vector<16xi32>
      %ge3A_282 = arith.constant 0 : i32
      %ge3A_283 = vector.broadcast %ge3A_282 : i32 to vector<16xi32>
      %ge3A_284 = arith.cmpi sge, %sub3A_281, %ge3A_283 : vector<16xi32>
      %lt3A_285 = arith.constant 576 : i32
      %lt3A_286 = vector.broadcast %lt3A_285 : i32 to vector<16xi32>
      %lt3A_287 = arith.cmpi slt, %sub3A_281, %lt3A_286 : vector<16xi32>
      %and3A_288 = arith.andi %ge3A_284, %lt3A_287 : vector<16xi1>
      %mul3A_289 = arith.constant 2304 : i32
      %mul3A_290 = vector.broadcast %mul3A_289 : i32 to vector<16xi32>
      %mul3A_291 = arith.muli %sub3A_281, %mul3A_290 : vector<16xi32>
      %add3A_292 = arith.addi %mul3A_291, %get3A_276 : vector<16xi32>
      %add3A_293 = arith.constant 48 : i32
      %add3A_294 = arith.addi %add3A_3, %add3A_293 : i32
      %add3A_295 = vector.broadcast %add3A_294 : i32 to vector<16xi32>
      %add3A_296 = arith.addi %add3A_295, %iota3A : vector<16xi32>
      %select_n3A_297 = arith.select %and3A_288, %add3A_292, %add3A_296 : vector<16xi1>, vector<16xi32>
      %swap3A_298 = arith.index_cast %add3A_273 : i32 to index
      %swap3A_299 = tpu.vector_load %arg9[%swap3A_298] {strides = array<i32>} : memref<9088xi32, #tpu.memory_space<vmem>>, vector<16xi32>,
      %swap3A_300 = vector.shape_cast %swap3A_299 : vector<16xi32> to vector<16xi32>
      %swap3A_301 = vector.shape_cast %select_n3A_297 : vector<16xi32> to vector<16xi32>
      tpu.vector_store %arg9[%swap3A_298], %swap3A_301 {strides = array<i32>} : memref<9088xi32, #tpu.memory_space<vmem>>, vector<16xi32>,
      %mul3A_302 = arith.constant 128 : i32
      %mul3A_303 = arith.muli %scan3A_180, %mul3A_302 : i32
      %add3A_304 = arith.constant 64 : i32
      %add3A_305 = arith.addi %mul3A_303, %add3A_304 : i32
      %get3A_306 = arith.index_cast %add3A_305 : i32 to index
      %get3A_307 = tpu.vector_load %arg7[%get3A_306] {strides = array<i32>} : memref<9088xi32, #tpu.memory_space<vmem>>, vector<16xi32>,
      %get3A_308 = vector.shape_cast %get3A_307 : vector<16xi32> to vector<16xi32>
      %get3A_309 = arith.index_cast %add3A_305 : i32 to index
      %get3A_310 = tpu.vector_load %arg8[%get3A_309] {strides = array<i32>} : memref<9088xi32, #tpu.memory_space<vmem>>, vector<16xi32>,
      %get3A_311 = vector.shape_cast %get3A_310 : vector<16xi32> to vector<16xi32>
      %sub3A_312 = vector.broadcast %mul3A_13 : i32 to vector<16xi32>
      %sub3A_313 = arith.subi %get3A_311, %sub3A_312 : vector<16xi32>
      %ge3A_314 = arith.constant 0 : i32
      %ge3A_315 = vector.broadcast %ge3A_314 : i32 to vector<16xi32>
      %ge3A_316 = arith.cmpi sge, %sub3A_313, %ge3A_315 : vector<16xi32>
      %lt3A_317 = arith.constant 576 : i32
      %lt3A_318 = vector.broadcast %lt3A_317 : i32 to vector<16xi32>
      %lt3A_319 = arith.cmpi slt, %sub3A_313, %lt3A_318 : vector<16xi32>
      %and3A_320 = arith.andi %ge3A_316, %lt3A_319 : vector<16xi1>
      %mul3A_321 = arith.constant 2304 : i32
      %mul3A_322 = vector.broadcast %mul3A_321 : i32 to vector<16xi32>
      %mul3A_323 = arith.muli %sub3A_313, %mul3A_322 : vector<16xi32>
      %add3A_324 = arith.addi %mul3A_323, %get3A_308 : vector<16xi32>
      %add3A_325 = arith.constant 64 : i32
      %add3A_326 = arith.addi %add3A_3, %add3A_325 : i32
      %add3A_327 = vector.broadcast %add3A_326 : i32 to vector<16xi32>
      %add3A_328 = arith.addi %add3A_327, %iota3A : vector<16xi32>
      %select_n3A_329 = arith.select %and3A_320, %add3A_324, %add3A_328 : vector<16xi1>, vector<16xi32>
      %swap3A_330 = arith.index_cast %add3A_305 : i32 to index
      %swap3A_331 = tpu.vector_load %arg9[%swap3A_330] {strides = array<i32>} : memref<9088xi32, #tpu.memory_space<vmem>>, vector<16xi32>,
      %swap3A_332 = vector.shape_cast %swap3A_331 : vector<16xi32> to vector<16xi32>
      %swap3A_333 = vector.shape_cast %select_n3A_329 : vector<16xi32> to vector<16xi32>
      tpu.vector_store %arg9[%swap3A_330], %swap3A_333 {strides = array<i32>} : memref<9088xi32, #tpu.memory_space<vmem>>, vector<16xi32>,
      %mul3A_334 = arith.constant 128 : i32
      %mul3A_335 = arith.muli %scan3A_180, %mul3A_334 : i32
      %add3A_336 = arith.constant 80 : i32
      %add3A_337 = arith.addi %mul3A_335, %add3A_336 : i32
      %get3A_338 = arith.index_cast %add3A_337 : i32 to index
      %get3A_339 = tpu.vector_load %arg7[%get3A_338] {strides = array<i32>} : memref<9088xi32, #tpu.memory_space<vmem>>, vector<16xi32>,
      %get3A_340 = vector.shape_cast %get3A_339 : vector<16xi32> to vector<16xi32>
      %get3A_341 = arith.index_cast %add3A_337 : i32 to index
      %get3A_342 = tpu.vector_load %arg8[%get3A_341] {strides = array<i32>} : memref<9088xi32, #tpu.memory_space<vmem>>, vector<16xi32>,
      %get3A_343 = vector.shape_cast %get3A_342 : vector<16xi32> to vector<16xi32>
      %sub3A_344 = vector.broadcast %mul3A_13 : i32 to vector<16xi32>
      %sub3A_345 = arith.subi %get3A_343, %sub3A_344 : vector<16xi32>
      %ge3A_346 = arith.constant 0 : i32
      %ge3A_347 = vector.broadcast %ge3A_346 : i32 to vector<16xi32>
      %ge3A_348 = arith.cmpi sge, %sub3A_345, %ge3A_347 : vector<16xi32>
      %lt3A_349 = arith.constant 576 : i32
      %lt3A_350 = vector.broadcast %lt3A_349 : i32 to vector<16xi32>
      %lt3A_351 = arith.cmpi slt, %sub3A_345, %lt3A_350 : vector<16xi32>
      %and3A_352 = arith.andi %ge3A_348, %lt3A_351 : vector<16xi1>
      %mul3A_353 = arith.constant 2304 : i32
      %mul3A_354 = vector.broadcast %mul3A_353 : i32 to vector<16xi32>
      %mul3A_355 = arith.muli %sub3A_345, %mul3A_354 : vector<16xi32>
      %add3A_356 = arith.addi %mul3A_355, %get3A_340 : vector<16xi32>
      %add3A_357 = arith.constant 80 : i32
      %add3A_358 = arith.addi %add3A_3, %add3A_357 : i32
      %add3A_359 = vector.broadcast %add3A_358 : i32 to vector<16xi32>
      %add3A_360 = arith.addi %add3A_359, %iota3A : vector<16xi32>
      %select_n3A_361 = arith.select %and3A_352, %add3A_356, %add3A_360 : vector<16xi1>, vector<16xi32>
      %swap3A_362 = arith.index_cast %add3A_337 : i32 to index
      %swap3A_363 = tpu.vector_load %arg9[%swap3A_362] {strides = array<i32>} : memref<9088xi32, #tpu.memory_space<vmem>>, vector<16xi32>,
      %swap3A_364 = vector.shape_cast %swap3A_363 : vector<16xi32> to vector<16xi32>
      %swap3A_365 = vector.shape_cast %select_n3A_361 : vector<16xi32> to vector<16xi32>
      tpu.vector_store %arg9[%swap3A_362], %swap3A_365 {strides = array<i32>} : memref<9088xi32, #tpu.memory_space<vmem>>, vector<16xi32>,
      %mul3A_366 = arith.constant 128 : i32
      %mul3A_367 = arith.muli %scan3A_180, %mul3A_366 : i32
      %add3A_368 = arith.constant 96 : i32
      %add3A_369 = arith.addi %mul3A_367, %add3A_368 : i32
      %get3A_370 = arith.index_cast %add3A_369 : i32 to index
      %get3A_371 = tpu.vector_load %arg7[%get3A_370] {strides = array<i32>} : memref<9088xi32, #tpu.memory_space<vmem>>, vector<16xi32>,
      %get3A_372 = vector.shape_cast %get3A_371 : vector<16xi32> to vector<16xi32>
      %get3A_373 = arith.index_cast %add3A_369 : i32 to index
      %get3A_374 = tpu.vector_load %arg8[%get3A_373] {strides = array<i32>} : memref<9088xi32, #tpu.memory_space<vmem>>, vector<16xi32>,
      %get3A_375 = vector.shape_cast %get3A_374 : vector<16xi32> to vector<16xi32>
      %sub3A_376 = vector.broadcast %mul3A_13 : i32 to vector<16xi32>
      %sub3A_377 = arith.subi %get3A_375, %sub3A_376 : vector<16xi32>
      %ge3A_378 = arith.constant 0 : i32
      %ge3A_379 = vector.broadcast %ge3A_378 : i32 to vector<16xi32>
      %ge3A_380 = arith.cmpi sge, %sub3A_377, %ge3A_379 : vector<16xi32>
      %lt3A_381 = arith.constant 576 : i32
      %lt3A_382 = vector.broadcast %lt3A_381 : i32 to vector<16xi32>
      %lt3A_383 = arith.cmpi slt, %sub3A_377, %lt3A_382 : vector<16xi32>
      %and3A_384 = arith.andi %ge3A_380, %lt3A_383 : vector<16xi1>
      %mul3A_385 = arith.constant 2304 : i32
      %mul3A_386 = vector.broadcast %mul3A_385 : i32 to vector<16xi32>
      %mul3A_387 = arith.muli %sub3A_377, %mul3A_386 : vector<16xi32>
      %add3A_388 = arith.addi %mul3A_387, %get3A_372 : vector<16xi32>
      %add3A_389 = arith.constant 96 : i32
      %add3A_390 = arith.addi %add3A_3, %add3A_389 : i32
      %add3A_391 = vector.broadcast %add3A_390 : i32 to vector<16xi32>
      %add3A_392 = arith.addi %add3A_391, %iota3A : vector<16xi32>
      %select_n3A_393 = arith.select %and3A_384, %add3A_388, %add3A_392 : vector<16xi1>, vector<16xi32>
      %swap3A_394 = arith.index_cast %add3A_369 : i32 to index
      %swap3A_395 = tpu.vector_load %arg9[%swap3A_394] {strides = array<i32>} : memref<9088xi32, #tpu.memory_space<vmem>>, vector<16xi32>,
      %swap3A_396 = vector.shape_cast %swap3A_395 : vector<16xi32> to vector<16xi32>
      %swap3A_397 = vector.shape_cast %select_n3A_393 : vector<16xi32> to vector<16xi32>
      tpu.vector_store %arg9[%swap3A_394], %swap3A_397 {strides = array<i32>} : memref<9088xi32, #tpu.memory_space<vmem>>, vector<16xi32>,
      %mul3A_398 = arith.constant 128 : i32
      %mul3A_399 = arith.muli %scan3A_180, %mul3A_398 : i32
      %add3A_400 = arith.constant 112 : i32
      %add3A_401 = arith.addi %mul3A_399, %add3A_400 : i32
      %get3A_402 = arith.index_cast %add3A_401 : i32 to index
      %get3A_403 = tpu.vector_load %arg7[%get3A_402] {strides = array<i32>} : memref<9088xi32, #tpu.memory_space<vmem>>, vector<16xi32>,
      %get3A_404 = vector.shape_cast %get3A_403 : vector<16xi32> to vector<16xi32>
      %get3A_405 = arith.index_cast %add3A_401 : i32 to index
      %get3A_406 = tpu.vector_load %arg8[%get3A_405] {strides = array<i32>} : memref<9088xi32, #tpu.memory_space<vmem>>, vector<16xi32>,
      %get3A_407 = vector.shape_cast %get3A_406 : vector<16xi32> to vector<16xi32>
      %sub3A_408 = vector.broadcast %mul3A_13 : i32 to vector<16xi32>
      %sub3A_409 = arith.subi %get3A_407, %sub3A_408 : vector<16xi32>
      %ge3A_410 = arith.constant 0 : i32
      %ge3A_411 = vector.broadcast %ge3A_410 : i32 to vector<16xi32>
      %ge3A_412 = arith.cmpi sge, %sub3A_409, %ge3A_411 : vector<16xi32>
      %lt3A_413 = arith.constant 576 : i32
      %lt3A_414 = vector.broadcast %lt3A_413 : i32 to vector<16xi32>
      %lt3A_415 = arith.cmpi slt, %sub3A_409, %lt3A_414 : vector<16xi32>
      %and3A_416 = arith.andi %ge3A_412, %lt3A_415 : vector<16xi1>
      %mul3A_417 = arith.constant 2304 : i32
      %mul3A_418 = vector.broadcast %mul3A_417 : i32 to vector<16xi32>
      %mul3A_419 = arith.muli %sub3A_409, %mul3A_418 : vector<16xi32>
      %add3A_420 = arith.addi %mul3A_419, %get3A_404 : vector<16xi32>
      %add3A_421 = arith.constant 112 : i32
      %add3A_422 = arith.addi %add3A_3, %add3A_421 : i32
      %add3A_423 = vector.broadcast %add3A_422 : i32 to vector<16xi32>
      %add3A_424 = arith.addi %add3A_423, %iota3A : vector<16xi32>
      %select_n3A_425 = arith.select %and3A_416, %add3A_420, %add3A_424 : vector<16xi1>, vector<16xi32>
      %swap3A_426 = arith.index_cast %add3A_401 : i32 to index
      %swap3A_427 = tpu.vector_load %arg9[%swap3A_426] {strides = array<i32>} : memref<9088xi32, #tpu.memory_space<vmem>>, vector<16xi32>,
      %swap3A_428 = vector.shape_cast %swap3A_427 : vector<16xi32> to vector<16xi32>
      %swap3A_429 = vector.shape_cast %select_n3A_425 : vector<16xi32> to vector<16xi32>
      tpu.vector_store %arg9[%swap3A_426], %swap3A_429 {strides = array<i32>} : memref<9088xi32, #tpu.memory_space<vmem>>, vector<16xi32>,
    }
    %scan3A_20 = arith.constant 71 : i32
    %dma_wait3A = tpu.memref_slice %arg11[%mul3A_15] : memref<1329152xf32, #tpu.memory_space<vmem_shared>> -> memref<82944xf32, #tpu.memory_space<vmem_shared>>
    tpu.wait_dma2 semaphore(%arg12 : memref<!tpu.dma_semaphore, #tpu.memory_space<semaphore_mem>>) src(%arg5 : memref<82944xf32, #tpu.memory_space<hbm>>) dst(%dma_wait3A : memref<82944xf32, #tpu.memory_space<vmem_shared>>)
    %barrier3A = arith.constant 0 : index
    tpu.barrier barrier_id(%barrier3A)
    "tpu.region"() ({
      %run_scoped3A = tpu.sem_alloc : memref<!tpu.dma_semaphore, #tpu.memory_space<semaphore_mem>>
      %dma_start3A_180 = arith.constant 0 : i32
      %dma_start3A_181 = tpu.memref_slice %arg11[%dma_start3A_180] : memref<1329152xf32, #tpu.memory_space<vmem_shared>> -> memref<1329152xf32, #tpu.memory_space<vmem_shared>>
      tpu.enqueue_indirect_dma source(%arg10 : memref<9088xf32, #tpu.memory_space<vmem>>) target(%dma_start3A_181 : memref<1329152xf32, #tpu.memory_space<vmem_shared>>) offsets(%arg9 : memref<9088xi32, #tpu.memory_space<vmem>>) semaphore(%run_scoped3A : memref<!tpu.dma_semaphore, #tpu.memory_space<semaphore_mem>>) {add = true}
      %dma_wait3A_182 = arith.constant 0 : i32
      %dma_wait3A_183 = tpu.memref_slice %arg11[%dma_wait3A_182] : memref<1329152xf32, #tpu.memory_space<vmem_shared>> -> memref<1329152xf32, #tpu.memory_space<vmem_shared>>
      tpu.wait_indirect_dma semaphore(%run_scoped3A : memref<!tpu.dma_semaphore, #tpu.memory_space<semaphore_mem>>) src(%arg10 : memref<9088xf32, #tpu.memory_space<vmem>>) dst(%dma_wait3A_183 : memref<1329152xf32, #tpu.memory_space<vmem_shared>>)
      tpu.yield
    }) : () -> ()
    %barrier3A_21 = arith.constant 0 : index
    tpu.barrier barrier_id(%barrier3A_21)
    %mul3A_22 = arith.constant 2304 : i32
    %mul3A_23 = arith.muli %mul3A_13, %mul3A_22 : i32
    %add3A_24 = arith.constant 0 : i32
    %add3A_25 = arith.addi %add3A_24, %mul3A_23 : i32
    %mul3A_26 = arith.constant 82944 : i32
    %mul3A_27 = arith.muli %arg1, %mul3A_26 : i32
    %add3A_28 = arith.addi %add3A_25, %mul3A_27 : i32
    %mul3A_29 = arith.constant 82944 : i32
    %mul3A_30 = arith.muli %arg1, %mul3A_29 : i32
    "tpu.region"() ({
      %run_scoped3A = tpu.sem_alloc : memref<!tpu.dma_semaphore, #tpu.memory_space<semaphore_mem>>
      %dma_start3A_180 = tpu.memref_slice %arg6[%add3A_28] : memref<15925248xf32, #tpu.memory_space<hbm>> -> memref<82944xf32, #tpu.memory_space<hbm>>
      %dma_start3A_181 = tpu.memref_slice %arg11[%mul3A_30] : memref<1329152xf32, #tpu.memory_space<vmem_shared>> -> memref<82944xf32, #tpu.memory_space<vmem_shared>>
      tpu.enqueue_dma source(%dma_start3A_181 : memref<82944xf32, #tpu.memory_space<vmem_shared>>) target(%dma_start3A_180 : memref<82944xf32, #tpu.memory_space<hbm>>) target_semaphore(%run_scoped3A : memref<!tpu.dma_semaphore, #tpu.memory_space<semaphore_mem>>)
      %dma_wait3A_182 = tpu.memref_slice %arg6[%add3A_28] : memref<15925248xf32, #tpu.memory_space<hbm>> -> memref<82944xf32, #tpu.memory_space<hbm>>
      %dma_wait3A_183 = tpu.memref_slice %arg11[%mul3A_30] : memref<1329152xf32, #tpu.memory_space<vmem_shared>> -> memref<82944xf32, #tpu.memory_space<vmem_shared>>
      tpu.wait_dma2 semaphore(%run_scoped3A : memref<!tpu.dma_semaphore, #tpu.memory_space<semaphore_mem>>) src(%dma_wait3A_183 : memref<82944xf32, #tpu.memory_space<vmem_shared>>) dst(%dma_wait3A_182 : memref<82944xf32, #tpu.memory_space<hbm>>)
      tpu.yield
    }) : () -> ()
    %barrier3A_31 = arith.constant 0 : index
    tpu.barrier barrier_id(%barrier3A_31)
    %mul3A_32 = arith.constant 2 : i32
    %mul3A_33 = arith.muli %arg0, %mul3A_32 : i32
    %add3A_34 = arith.constant 1 : i32
    %add3A_35 = arith.addi %mul3A_33, %add3A_34 : i32
    %mul3A_36 = arith.constant 576 : i32
    %mul3A_37 = arith.muli %add3A_35, %mul3A_36 : i32
    %mul3A_38 = arith.constant 82944 : i32
    %mul3A_39 = arith.muli %arg1, %mul3A_38 : i32
    %dma_start3A_40 = tpu.memref_slice %arg11[%mul3A_39] : memref<1329152xf32, #tpu.memory_space<vmem_shared>> -> memref<82944xf32, #tpu.memory_space<vmem_shared>>
    tpu.enqueue_dma source(%arg5 : memref<82944xf32, #tpu.memory_space<hbm>>) target(%dma_start3A_40 : memref<82944xf32, #tpu.memory_space<vmem_shared>>) target_semaphore(%arg12 : memref<!tpu.dma_semaphore, #tpu.memory_space<semaphore_mem>>)
    %scan3A_41 = arith.constant 0 : i32
    %scan3A_42 = arith.constant 0 : i32
    %scan3A_43 = arith.constant 71 : i32
    %scan3A_44 = arith.addi %scan3A_42, %scan3A_43 : i32
    %scan3A_45 = arith.constant 1 : i32
    scf.for %scan3A_180 = %scan3A_42 to %scan3A_44 step %scan3A_45  : i32 {
      %mul3A_181 = arith.constant 128 : i32
      %mul3A_182 = arith.muli %scan3A_180, %mul3A_181 : i32
      %add3A_183 = arith.constant 0 : i32
      %add3A_184 = arith.addi %mul3A_182, %add3A_183 : i32
      %get3A = arith.index_cast %add3A_184 : i32 to index
      %get3A_185 = tpu.vector_load %arg7[%get3A] {strides = array<i32>} : memref<9088xi32, #tpu.memory_space<vmem>>, vector<16xi32>,
      %get3A_186 = vector.shape_cast %get3A_185 : vector<16xi32> to vector<16xi32>
      %get3A_187 = arith.index_cast %add3A_184 : i32 to index
      %get3A_188 = tpu.vector_load %arg8[%get3A_187] {strides = array<i32>} : memref<9088xi32, #tpu.memory_space<vmem>>, vector<16xi32>,
      %get3A_189 = vector.shape_cast %get3A_188 : vector<16xi32> to vector<16xi32>
      %sub3A = vector.broadcast %mul3A_37 : i32 to vector<16xi32>
      %sub3A_190 = arith.subi %get3A_189, %sub3A : vector<16xi32>
      %ge3A = arith.constant 0 : i32
      %ge3A_191 = vector.broadcast %ge3A : i32 to vector<16xi32>
      %ge3A_192 = arith.cmpi sge, %sub3A_190, %ge3A_191 : vector<16xi32>
      %lt3A = arith.constant 576 : i32
      %lt3A_193 = vector.broadcast %lt3A : i32 to vector<16xi32>
      %lt3A_194 = arith.cmpi slt, %sub3A_190, %lt3A_193 : vector<16xi32>
      %and3A = arith.andi %ge3A_192, %lt3A_194 : vector<16xi1>
      %mul3A_195 = arith.constant 2304 : i32
      %mul3A_196 = vector.broadcast %mul3A_195 : i32 to vector<16xi32>
      %mul3A_197 = arith.muli %sub3A_190, %mul3A_196 : vector<16xi32>
      %add3A_198 = arith.addi %mul3A_197, %get3A_186 : vector<16xi32>
      %add3A_199 = arith.constant 0 : i32
      %add3A_200 = arith.addi %add3A_3, %add3A_199 : i32
      %add3A_201 = vector.broadcast %add3A_200 : i32 to vector<16xi32>
      %add3A_202 = arith.addi %add3A_201, %iota3A : vector<16xi32>
      %select_n3A = arith.select %and3A, %add3A_198, %add3A_202 : vector<16xi1>, vector<16xi32>
      %swap3A = arith.index_cast %add3A_184 : i32 to index
      %swap3A_203 = tpu.vector_load %arg9[%swap3A] {strides = array<i32>} : memref<9088xi32, #tpu.memory_space<vmem>>, vector<16xi32>,
      %swap3A_204 = vector.shape_cast %swap3A_203 : vector<16xi32> to vector<16xi32>
      %swap3A_205 = vector.shape_cast %select_n3A : vector<16xi32> to vector<16xi32>
      tpu.vector_store %arg9[%swap3A], %swap3A_205 {strides = array<i32>} : memref<9088xi32, #tpu.memory_space<vmem>>, vector<16xi32>,
      %mul3A_206 = arith.constant 128 : i32
      %mul3A_207 = arith.muli %scan3A_180, %mul3A_206 : i32
      %add3A_208 = arith.constant 16 : i32
      %add3A_209 = arith.addi %mul3A_207, %add3A_208 : i32
      %get3A_210 = arith.index_cast %add3A_209 : i32 to index
      %get3A_211 = tpu.vector_load %arg7[%get3A_210] {strides = array<i32>} : memref<9088xi32, #tpu.memory_space<vmem>>, vector<16xi32>,
      %get3A_212 = vector.shape_cast %get3A_211 : vector<16xi32> to vector<16xi32>
      %get3A_213 = arith.index_cast %add3A_209 : i32 to index
      %get3A_214 = tpu.vector_load %arg8[%get3A_213] {strides = array<i32>} : memref<9088xi32, #tpu.memory_space<vmem>>, vector<16xi32>,
      %get3A_215 = vector.shape_cast %get3A_214 : vector<16xi32> to vector<16xi32>
      %sub3A_216 = vector.broadcast %mul3A_37 : i32 to vector<16xi32>
      %sub3A_217 = arith.subi %get3A_215, %sub3A_216 : vector<16xi32>
      %ge3A_218 = arith.constant 0 : i32
      %ge3A_219 = vector.broadcast %ge3A_218 : i32 to vector<16xi32>
      %ge3A_220 = arith.cmpi sge, %sub3A_217, %ge3A_219 : vector<16xi32>
      %lt3A_221 = arith.constant 576 : i32
      %lt3A_222 = vector.broadcast %lt3A_221 : i32 to vector<16xi32>
      %lt3A_223 = arith.cmpi slt, %sub3A_217, %lt3A_222 : vector<16xi32>
      %and3A_224 = arith.andi %ge3A_220, %lt3A_223 : vector<16xi1>
      %mul3A_225 = arith.constant 2304 : i32
      %mul3A_226 = vector.broadcast %mul3A_225 : i32 to vector<16xi32>
      %mul3A_227 = arith.muli %sub3A_217, %mul3A_226 : vector<16xi32>
      %add3A_228 = arith.addi %mul3A_227, %get3A_212 : vector<16xi32>
      %add3A_229 = arith.constant 16 : i32
      %add3A_230 = arith.addi %add3A_3, %add3A_229 : i32
      %add3A_231 = vector.broadcast %add3A_230 : i32 to vector<16xi32>
      %add3A_232 = arith.addi %add3A_231, %iota3A : vector<16xi32>
      %select_n3A_233 = arith.select %and3A_224, %add3A_228, %add3A_232 : vector<16xi1>, vector<16xi32>
      %swap3A_234 = arith.index_cast %add3A_209 : i32 to index
      %swap3A_235 = tpu.vector_load %arg9[%swap3A_234] {strides = array<i32>} : memref<9088xi32, #tpu.memory_space<vmem>>, vector<16xi32>,
      %swap3A_236 = vector.shape_cast %swap3A_235 : vector<16xi32> to vector<16xi32>
      %swap3A_237 = vector.shape_cast %select_n3A_233 : vector<16xi32> to vector<16xi32>
      tpu.vector_store %arg9[%swap3A_234], %swap3A_237 {strides = array<i32>} : memref<9088xi32, #tpu.memory_space<vmem>>, vector<16xi32>,
      %mul3A_238 = arith.constant 128 : i32
      %mul3A_239 = arith.muli %scan3A_180, %mul3A_238 : i32
      %add3A_240 = arith.constant 32 : i32
      %add3A_241 = arith.addi %mul3A_239, %add3A_240 : i32
      %get3A_242 = arith.index_cast %add3A_241 : i32 to index
      %get3A_243 = tpu.vector_load %arg7[%get3A_242] {strides = array<i32>} : memref<9088xi32, #tpu.memory_space<vmem>>, vector<16xi32>,
      %get3A_244 = vector.shape_cast %get3A_243 : vector<16xi32> to vector<16xi32>
      %get3A_245 = arith.index_cast %add3A_241 : i32 to index
      %get3A_246 = tpu.vector_load %arg8[%get3A_245] {strides = array<i32>} : memref<9088xi32, #tpu.memory_space<vmem>>, vector<16xi32>,
      %get3A_247 = vector.shape_cast %get3A_246 : vector<16xi32> to vector<16xi32>
      %sub3A_248 = vector.broadcast %mul3A_37 : i32 to vector<16xi32>
      %sub3A_249 = arith.subi %get3A_247, %sub3A_248 : vector<16xi32>
      %ge3A_250 = arith.constant 0 : i32
      %ge3A_251 = vector.broadcast %ge3A_250 : i32 to vector<16xi32>
      %ge3A_252 = arith.cmpi sge, %sub3A_249, %ge3A_251 : vector<16xi32>
      %lt3A_253 = arith.constant 576 : i32
      %lt3A_254 = vector.broadcast %lt3A_253 : i32 to vector<16xi32>
      %lt3A_255 = arith.cmpi slt, %sub3A_249, %lt3A_254 : vector<16xi32>
      %and3A_256 = arith.andi %ge3A_252, %lt3A_255 : vector<16xi1>
      %mul3A_257 = arith.constant 2304 : i32
      %mul3A_258 = vector.broadcast %mul3A_257 : i32 to vector<16xi32>
      %mul3A_259 = arith.muli %sub3A_249, %mul3A_258 : vector<16xi32>
      %add3A_260 = arith.addi %mul3A_259, %get3A_244 : vector<16xi32>
      %add3A_261 = arith.constant 32 : i32
      %add3A_262 = arith.addi %add3A_3, %add3A_261 : i32
      %add3A_263 = vector.broadcast %add3A_262 : i32 to vector<16xi32>
      %add3A_264 = arith.addi %add3A_263, %iota3A : vector<16xi32>
      %select_n3A_265 = arith.select %and3A_256, %add3A_260, %add3A_264 : vector<16xi1>, vector<16xi32>
      %swap3A_266 = arith.index_cast %add3A_241 : i32 to index
      %swap3A_267 = tpu.vector_load %arg9[%swap3A_266] {strides = array<i32>} : memref<9088xi32, #tpu.memory_space<vmem>>, vector<16xi32>,
      %swap3A_268 = vector.shape_cast %swap3A_267 : vector<16xi32> to vector<16xi32>
      %swap3A_269 = vector.shape_cast %select_n3A_265 : vector<16xi32> to vector<16xi32>
      tpu.vector_store %arg9[%swap3A_266], %swap3A_269 {strides = array<i32>} : memref<9088xi32, #tpu.memory_space<vmem>>, vector<16xi32>,
      %mul3A_270 = arith.constant 128 : i32
      %mul3A_271 = arith.muli %scan3A_180, %mul3A_270 : i32
      %add3A_272 = arith.constant 48 : i32
      %add3A_273 = arith.addi %mul3A_271, %add3A_272 : i32
      %get3A_274 = arith.index_cast %add3A_273 : i32 to index
      %get3A_275 = tpu.vector_load %arg7[%get3A_274] {strides = array<i32>} : memref<9088xi32, #tpu.memory_space<vmem>>, vector<16xi32>,
      %get3A_276 = vector.shape_cast %get3A_275 : vector<16xi32> to vector<16xi32>
      %get3A_277 = arith.index_cast %add3A_273 : i32 to index
      %get3A_278 = tpu.vector_load %arg8[%get3A_277] {strides = array<i32>} : memref<9088xi32, #tpu.memory_space<vmem>>, vector<16xi32>,
      %get3A_279 = vector.shape_cast %get3A_278 : vector<16xi32> to vector<16xi32>
      %sub3A_280 = vector.broadcast %mul3A_37 : i32 to vector<16xi32>
      %sub3A_281 = arith.subi %get3A_279, %sub3A_280 : vector<16xi32>
      %ge3A_282 = arith.constant 0 : i32
      %ge3A_283 = vector.broadcast %ge3A_282 : i32 to vector<16xi32>
      %ge3A_284 = arith.cmpi sge, %sub3A_281, %ge3A_283 : vector<16xi32>
      %lt3A_285 = arith.constant 576 : i32
      %lt3A_286 = vector.broadcast %lt3A_285 : i32 to vector<16xi32>
      %lt3A_287 = arith.cmpi slt, %sub3A_281, %lt3A_286 : vector<16xi32>
      %and3A_288 = arith.andi %ge3A_284, %lt3A_287 : vector<16xi1>
      %mul3A_289 = arith.constant 2304 : i32
      %mul3A_290 = vector.broadcast %mul3A_289 : i32 to vector<16xi32>
      %mul3A_291 = arith.muli %sub3A_281, %mul3A_290 : vector<16xi32>
      %add3A_292 = arith.addi %mul3A_291, %get3A_276 : vector<16xi32>
      %add3A_293 = arith.constant 48 : i32
      %add3A_294 = arith.addi %add3A_3, %add3A_293 : i32
      %add3A_295 = vector.broadcast %add3A_294 : i32 to vector<16xi32>
      %add3A_296 = arith.addi %add3A_295, %iota3A : vector<16xi32>
      %select_n3A_297 = arith.select %and3A_288, %add3A_292, %add3A_296 : vector<16xi1>, vector<16xi32>
      %swap3A_298 = arith.index_cast %add3A_273 : i32 to index
      %swap3A_299 = tpu.vector_load %arg9[%swap3A_298] {strides = array<i32>} : memref<9088xi32, #tpu.memory_space<vmem>>, vector<16xi32>,
      %swap3A_300 = vector.shape_cast %swap3A_299 : vector<16xi32> to vector<16xi32>
      %swap3A_301 = vector.shape_cast %select_n3A_297 : vector<16xi32> to vector<16xi32>
      tpu.vector_store %arg9[%swap3A_298], %swap3A_301 {strides = array<i32>} : memref<9088xi32, #tpu.memory_space<vmem>>, vector<16xi32>,
      %mul3A_302 = arith.constant 128 : i32
      %mul3A_303 = arith.muli %scan3A_180, %mul3A_302 : i32
      %add3A_304 = arith.constant 64 : i32
      %add3A_305 = arith.addi %mul3A_303, %add3A_304 : i32
      %get3A_306 = arith.index_cast %add3A_305 : i32 to index
      %get3A_307 = tpu.vector_load %arg7[%get3A_306] {strides = array<i32>} : memref<9088xi32, #tpu.memory_space<vmem>>, vector<16xi32>,
      %get3A_308 = vector.shape_cast %get3A_307 : vector<16xi32> to vector<16xi32>
      %get3A_309 = arith.index_cast %add3A_305 : i32 to index
      %get3A_310 = tpu.vector_load %arg8[%get3A_309] {strides = array<i32>} : memref<9088xi32, #tpu.memory_space<vmem>>, vector<16xi32>,
      %get3A_311 = vector.shape_cast %get3A_310 : vector<16xi32> to vector<16xi32>
      %sub3A_312 = vector.broadcast %mul3A_37 : i32 to vector<16xi32>
      %sub3A_313 = arith.subi %get3A_311, %sub3A_312 : vector<16xi32>
      %ge3A_314 = arith.constant 0 : i32
      %ge3A_315 = vector.broadcast %ge3A_314 : i32 to vector<16xi32>
      %ge3A_316 = arith.cmpi sge, %sub3A_313, %ge3A_315 : vector<16xi32>
      %lt3A_317 = arith.constant 576 : i32
      %lt3A_318 = vector.broadcast %lt3A_317 : i32 to vector<16xi32>
      %lt3A_319 = arith.cmpi slt, %sub3A_313, %lt3A_318 : vector<16xi32>
      %and3A_320 = arith.andi %ge3A_316, %lt3A_319 : vector<16xi1>
      %mul3A_321 = arith.constant 2304 : i32
      %mul3A_322 = vector.broadcast %mul3A_321 : i32 to vector<16xi32>
      %mul3A_323 = arith.muli %sub3A_313, %mul3A_322 : vector<16xi32>
      %add3A_324 = arith.addi %mul3A_323, %get3A_308 : vector<16xi32>
      %add3A_325 = arith.constant 64 : i32
      %add3A_326 = arith.addi %add3A_3, %add3A_325 : i32
      %add3A_327 = vector.broadcast %add3A_326 : i32 to vector<16xi32>
      %add3A_328 = arith.addi %add3A_327, %iota3A : vector<16xi32>
      %select_n3A_329 = arith.select %and3A_320, %add3A_324, %add3A_328 : vector<16xi1>, vector<16xi32>
      %swap3A_330 = arith.index_cast %add3A_305 : i32 to index
      %swap3A_331 = tpu.vector_load %arg9[%swap3A_330] {strides = array<i32>} : memref<9088xi32, #tpu.memory_space<vmem>>, vector<16xi32>,
      %swap3A_332 = vector.shape_cast %swap3A_331 : vector<16xi32> to vector<16xi32>
      %swap3A_333 = vector.shape_cast %select_n3A_329 : vector<16xi32> to vector<16xi32>
      tpu.vector_store %arg9[%swap3A_330], %swap3A_333 {strides = array<i32>} : memref<9088xi32, #tpu.memory_space<vmem>>, vector<16xi32>,
      %mul3A_334 = arith.constant 128 : i32
      %mul3A_335 = arith.muli %scan3A_180, %mul3A_334 : i32
      %add3A_336 = arith.constant 80 : i32
      %add3A_337 = arith.addi %mul3A_335, %add3A_336 : i32
      %get3A_338 = arith.index_cast %add3A_337 : i32 to index
      %get3A_339 = tpu.vector_load %arg7[%get3A_338] {strides = array<i32>} : memref<9088xi32, #tpu.memory_space<vmem>>, vector<16xi32>,
      %get3A_340 = vector.shape_cast %get3A_339 : vector<16xi32> to vector<16xi32>
      %get3A_341 = arith.index_cast %add3A_337 : i32 to index
      %get3A_342 = tpu.vector_load %arg8[%get3A_341] {strides = array<i32>} : memref<9088xi32, #tpu.memory_space<vmem>>, vector<16xi32>,
      %get3A_343 = vector.shape_cast %get3A_342 : vector<16xi32> to vector<16xi32>
      %sub3A_344 = vector.broadcast %mul3A_37 : i32 to vector<16xi32>
      %sub3A_345 = arith.subi %get3A_343, %sub3A_344 : vector<16xi32>
      %ge3A_346 = arith.constant 0 : i32
      %ge3A_347 = vector.broadcast %ge3A_346 : i32 to vector<16xi32>
      %ge3A_348 = arith.cmpi sge, %sub3A_345, %ge3A_347 : vector<16xi32>
      %lt3A_349 = arith.constant 576 : i32
      %lt3A_350 = vector.broadcast %lt3A_349 : i32 to vector<16xi32>
      %lt3A_351 = arith.cmpi slt, %sub3A_345, %lt3A_350 : vector<16xi32>
      %and3A_352 = arith.andi %ge3A_348, %lt3A_351 : vector<16xi1>
      %mul3A_353 = arith.constant 2304 : i32
      %mul3A_354 = vector.broadcast %mul3A_353 : i32 to vector<16xi32>
      %mul3A_355 = arith.muli %sub3A_345, %mul3A_354 : vector<16xi32>
      %add3A_356 = arith.addi %mul3A_355, %get3A_340 : vector<16xi32>
      %add3A_357 = arith.constant 80 : i32
      %add3A_358 = arith.addi %add3A_3, %add3A_357 : i32
      %add3A_359 = vector.broadcast %add3A_358 : i32 to vector<16xi32>
      %add3A_360 = arith.addi %add3A_359, %iota3A : vector<16xi32>
      %select_n3A_361 = arith.select %and3A_352, %add3A_356, %add3A_360 : vector<16xi1>, vector<16xi32>
      %swap3A_362 = arith.index_cast %add3A_337 : i32 to index
      %swap3A_363 = tpu.vector_load %arg9[%swap3A_362] {strides = array<i32>} : memref<9088xi32, #tpu.memory_space<vmem>>, vector<16xi32>,
      %swap3A_364 = vector.shape_cast %swap3A_363 : vector<16xi32> to vector<16xi32>
      %swap3A_365 = vector.shape_cast %select_n3A_361 : vector<16xi32> to vector<16xi32>
      tpu.vector_store %arg9[%swap3A_362], %swap3A_365 {strides = array<i32>} : memref<9088xi32, #tpu.memory_space<vmem>>, vector<16xi32>,
      %mul3A_366 = arith.constant 128 : i32
      %mul3A_367 = arith.muli %scan3A_180, %mul3A_366 : i32
      %add3A_368 = arith.constant 96 : i32
      %add3A_369 = arith.addi %mul3A_367, %add3A_368 : i32
      %get3A_370 = arith.index_cast %add3A_369 : i32 to index
      %get3A_371 = tpu.vector_load %arg7[%get3A_370] {strides = array<i32>} : memref<9088xi32, #tpu.memory_space<vmem>>, vector<16xi32>,
      %get3A_372 = vector.shape_cast %get3A_371 : vector<16xi32> to vector<16xi32>
      %get3A_373 = arith.index_cast %add3A_369 : i32 to index
      %get3A_374 = tpu.vector_load %arg8[%get3A_373] {strides = array<i32>} : memref<9088xi32, #tpu.memory_space<vmem>>, vector<16xi32>,
      %get3A_375 = vector.shape_cast %get3A_374 : vector<16xi32> to vector<16xi32>
      %sub3A_376 = vector.broadcast %mul3A_37 : i32 to vector<16xi32>
      %sub3A_377 = arith.subi %get3A_375, %sub3A_376 : vector<16xi32>
      %ge3A_378 = arith.constant 0 : i32
      %ge3A_379 = vector.broadcast %ge3A_378 : i32 to vector<16xi32>
      %ge3A_380 = arith.cmpi sge, %sub3A_377, %ge3A_379 : vector<16xi32>
      %lt3A_381 = arith.constant 576 : i32
      %lt3A_382 = vector.broadcast %lt3A_381 : i32 to vector<16xi32>
      %lt3A_383 = arith.cmpi slt, %sub3A_377, %lt3A_382 : vector<16xi32>
      %and3A_384 = arith.andi %ge3A_380, %lt3A_383 : vector<16xi1>
      %mul3A_385 = arith.constant 2304 : i32
      %mul3A_386 = vector.broadcast %mul3A_385 : i32 to vector<16xi32>
      %mul3A_387 = arith.muli %sub3A_377, %mul3A_386 : vector<16xi32>
      %add3A_388 = arith.addi %mul3A_387, %get3A_372 : vector<16xi32>
      %add3A_389 = arith.constant 96 : i32
      %add3A_390 = arith.addi %add3A_3, %add3A_389 : i32
      %add3A_391 = vector.broadcast %add3A_390 : i32 to vector<16xi32>
      %add3A_392 = arith.addi %add3A_391, %iota3A : vector<16xi32>
      %select_n3A_393 = arith.select %and3A_384, %add3A_388, %add3A_392 : vector<16xi1>, vector<16xi32>
      %swap3A_394 = arith.index_cast %add3A_369 : i32 to index
      %swap3A_395 = tpu.vector_load %arg9[%swap3A_394] {strides = array<i32>} : memref<9088xi32, #tpu.memory_space<vmem>>, vector<16xi32>,
      %swap3A_396 = vector.shape_cast %swap3A_395 : vector<16xi32> to vector<16xi32>
      %swap3A_397 = vector.shape_cast %select_n3A_393 : vector<16xi32> to vector<16xi32>
      tpu.vector_store %arg9[%swap3A_394], %swap3A_397 {strides = array<i32>} : memref<9088xi32, #tpu.memory_space<vmem>>, vector<16xi32>,
      %mul3A_398 = arith.constant 128 : i32
      %mul3A_399 = arith.muli %scan3A_180, %mul3A_398 : i32
      %add3A_400 = arith.constant 112 : i32
      %add3A_401 = arith.addi %mul3A_399, %add3A_400 : i32
      %get3A_402 = arith.index_cast %add3A_401 : i32 to index
      %get3A_403 = tpu.vector_load %arg7[%get3A_402] {strides = array<i32>} : memref<9088xi32, #tpu.memory_space<vmem>>, vector<16xi32>,
      %get3A_404 = vector.shape_cast %get3A_403 : vector<16xi32> to vector<16xi32>
      %get3A_405 = arith.index_cast %add3A_401 : i32 to index
      %get3A_406 = tpu.vector_load %arg8[%get3A_405] {strides = array<i32>} : memref<9088xi32, #tpu.memory_space<vmem>>, vector<16xi32>,
      %get3A_407 = vector.shape_cast %get3A_406 : vector<16xi32> to vector<16xi32>
      %sub3A_408 = vector.broadcast %mul3A_37 : i32 to vector<16xi32>
      %sub3A_409 = arith.subi %get3A_407, %sub3A_408 : vector<16xi32>
      %ge3A_410 = arith.constant 0 : i32
      %ge3A_411 = vector.broadcast %ge3A_410 : i32 to vector<16xi32>
      %ge3A_412 = arith.cmpi sge, %sub3A_409, %ge3A_411 : vector<16xi32>
      %lt3A_413 = arith.constant 576 : i32
      %lt3A_414 = vector.broadcast %lt3A_413 : i32 to vector<16xi32>
      %lt3A_415 = arith.cmpi slt, %sub3A_409, %lt3A_414 : vector<16xi32>
      %and3A_416 = arith.andi %ge3A_412, %lt3A_415 : vector<16xi1>
      %mul3A_417 = arith.constant 2304 : i32
      %mul3A_418 = vector.broadcast %mul3A_417 : i32 to vector<16xi32>
      %mul3A_419 = arith.muli %sub3A_409, %mul3A_418 : vector<16xi32>
      %add3A_420 = arith.addi %mul3A_419, %get3A_404 : vector<16xi32>
      %add3A_421 = arith.constant 112 : i32
      %add3A_422 = arith.addi %add3A_3, %add3A_421 : i32
      %add3A_423 = vector.broadcast %add3A_422 : i32 to vector<16xi32>
      %add3A_424 = arith.addi %add3A_423, %iota3A : vector<16xi32>
      %select_n3A_425 = arith.select %and3A_416, %add3A_420, %add3A_424 : vector<16xi1>, vector<16xi32>
      %swap3A_426 = arith.index_cast %add3A_401 : i32 to index
      %swap3A_427 = tpu.vector_load %arg9[%swap3A_426] {strides = array<i32>} : memref<9088xi32, #tpu.memory_space<vmem>>, vector<16xi32>,
      %swap3A_428 = vector.shape_cast %swap3A_427 : vector<16xi32> to vector<16xi32>
      %swap3A_429 = vector.shape_cast %select_n3A_425 : vector<16xi32> to vector<16xi32>
      tpu.vector_store %arg9[%swap3A_426], %swap3A_429 {strides = array<i32>} : memref<9088xi32, #tpu.memory_space<vmem>>, vector<16xi32>,
    }
    %scan3A_46 = arith.constant 71 : i32
    %dma_wait3A_47 = tpu.memref_slice %arg11[%mul3A_39] : memref<1329152xf32, #tpu.memory_space<vmem_shared>> -> memref<82944xf32, #tpu.memory_space<vmem_shared>>
    tpu.wait_dma2 semaphore(%arg12 : memref<!tpu.dma_semaphore, #tpu.memory_space<semaphore_mem>>) src(%arg5 : memref<82944xf32, #tpu.memory_space<hbm>>) dst(%dma_wait3A_47 : memref<82944xf32, #tpu.memory_space<vmem_shared>>)
    %barrier3A_48 = arith.constant 0 : index
    tpu.barrier barrier_id(%barrier3A_48)
    "tpu.region"() ({
      %run_scoped3A = tpu.sem_alloc : memref<!tpu.dma_semaphore, #tpu.memory_space<semaphore_mem>>
      %dma_start3A_180 = arith.constant 0 : i32
      %dma_start3A_181 = tpu.memref_slice %arg11[%dma_start3A_180] : memref<1329152xf32, #tpu.memory_space<vmem_shared>> -> memref<1329152xf32, #tpu.memory_space<vmem_shared>>
      tpu.enqueue_indirect_dma source(%arg10 : memref<9088xf32, #tpu.memory_space<vmem>>) target(%dma_start3A_181 : memref<1329152xf32, #tpu.memory_space<vmem_shared>>) offsets(%arg9 : memref<9088xi32, #tpu.memory_space<vmem>>) semaphore(%run_scoped3A : memref<!tpu.dma_semaphore, #tpu.memory_space<semaphore_mem>>) {add = true}
      %dma_wait3A_182 = arith.constant 0 : i32
      %dma_wait3A_183 = tpu.memref_slice %arg11[%dma_wait3A_182] : memref<1329152xf32, #tpu.memory_space<vmem_shared>> -> memref<1329152xf32, #tpu.memory_space<vmem_shared>>
      tpu.wait_indirect_dma semaphore(%run_scoped3A : memref<!tpu.dma_semaphore, #tpu.memory_space<semaphore_mem>>) src(%arg10 : memref<9088xf32, #tpu.memory_space<vmem>>) dst(%dma_wait3A_183 : memref<1329152xf32, #tpu.memory_space<vmem_shared>>)
      tpu.yield
    }) : () -> ()
    %barrier3A_49 = arith.constant 0 : index
    tpu.barrier barrier_id(%barrier3A_49)
    %mul3A_50 = arith.constant 2304 : i32
    %mul3A_51 = arith.muli %mul3A_37, %mul3A_50 : i32
    %add3A_52 = arith.constant 0 : i32
    %add3A_53 = arith.addi %add3A_52, %mul3A_51 : i32
    %mul3A_54 = arith.constant 82944 : i32
    %mul3A_55 = arith.muli %arg1, %mul3A_54 : i32
    %add3A_56 = arith.addi %add3A_53, %mul3A_55 : i32
    %mul3A_57 = arith.constant 82944 : i32
    %mul3A_58 = arith.muli %arg1, %mul3A_57 : i32
    "tpu.region"() ({
      %run_scoped3A = tpu.sem_alloc : memref<!tpu.dma_semaphore, #tpu.memory_space<semaphore_mem>>
      %dma_start3A_180 = tpu.memref_slice %arg6[%add3A_56] : memref<15925248xf32, #tpu.memory_space<hbm>> -> memref<82944xf32, #tpu.memory_space<hbm>>
      %dma_start3A_181 = tpu.memref_slice %arg11[%mul3A_58] : memref<1329152xf32, #tpu.memory_space<vmem_shared>> -> memref<82944xf32, #tpu.memory_space<vmem_shared>>
      tpu.enqueue_dma source(%dma_start3A_181 : memref<82944xf32, #tpu.memory_space<vmem_shared>>) target(%dma_start3A_180 : memref<82944xf32, #tpu.memory_space<hbm>>) target_semaphore(%run_scoped3A : memref<!tpu.dma_semaphore, #tpu.memory_space<semaphore_mem>>)
      %dma_wait3A_182 = tpu.memref_slice %arg6[%add3A_56] : memref<15925248xf32, #tpu.memory_space<hbm>> -> memref<82944xf32, #tpu.memory_space<hbm>>
      %dma_wait3A_183 = tpu.memref_slice %arg11[%mul3A_58] : memref<1329152xf32, #tpu.memory_space<vmem_shared>> -> memref<82944xf32, #tpu.memory_space<vmem_shared>>
      tpu.wait_dma2 semaphore(%run_scoped3A : memref<!tpu.dma_semaphore, #tpu.memory_space<semaphore_mem>>) src(%dma_wait3A_183 : memref<82944xf32, #tpu.memory_space<vmem_shared>>) dst(%dma_wait3A_182 : memref<82944xf32, #tpu.memory_space<hbm>>)
      tpu.yield
    }) : () -> ()
    %barrier3A_59 = arith.constant 0 : index
    tpu.barrier barrier_id(%barrier3A_59)
    %add3A_60 = arith.constant 145408 : i32
    %add3A_61 = arith.addi %add3A_60, %mul3A_0 : i32
    "tpu.region"() ({
      %run_scoped3A = tpu.sem_alloc : memref<!tpu.dma_semaphore, #tpu.memory_space<semaphore_mem>>
      %dma_start3A_180 = tpu.memref_slice %arg2[%add3A_61] : memref<436224xi32, #tpu.memory_space<hbm>> -> memref<9088xi32, #tpu.memory_space<hbm>>
      %dma_start3A_181 = tpu.memref_slice %arg2[%add3A_61] : memref<436224xi32, #tpu.memory_space<hbm>> -> memref<9088xi32, #tpu.memory_space<hbm>>
      tpu.enqueue_dma source(%dma_start3A_181 : memref<9088xi32, #tpu.memory_space<hbm>>) target(%arg7 : memref<9088xi32, #tpu.memory_space<vmem>>) target_semaphore(%run_scoped3A : memref<!tpu.dma_semaphore, #tpu.memory_space<semaphore_mem>>)
      %dma_wait3A_182 = tpu.memref_slice %arg2[%add3A_61] : memref<436224xi32, #tpu.memory_space<hbm>> -> memref<9088xi32, #tpu.memory_space<hbm>>
      %dma_wait3A_183 = tpu.memref_slice %arg2[%add3A_61] : memref<436224xi32, #tpu.memory_space<hbm>> -> memref<9088xi32, #tpu.memory_space<hbm>>
      tpu.wait_dma2 semaphore(%run_scoped3A : memref<!tpu.dma_semaphore, #tpu.memory_space<semaphore_mem>>) src(%dma_wait3A_183 : memref<9088xi32, #tpu.memory_space<hbm>>) dst(%arg7 : memref<9088xi32, #tpu.memory_space<vmem>>)
      tpu.yield
    }) : () -> ()
    %add3A_62 = arith.constant 145408 : i32
    %add3A_63 = arith.addi %add3A_62, %mul3A_0 : i32
    "tpu.region"() ({
      %run_scoped3A = tpu.sem_alloc : memref<!tpu.dma_semaphore, #tpu.memory_space<semaphore_mem>>
      %dma_start3A_180 = tpu.memref_slice %arg3[%add3A_63] : memref<436224xi32, #tpu.memory_space<hbm>> -> memref<9088xi32, #tpu.memory_space<hbm>>
      %dma_start3A_181 = tpu.memref_slice %arg3[%add3A_63] : memref<436224xi32, #tpu.memory_space<hbm>> -> memref<9088xi32, #tpu.memory_space<hbm>>
      tpu.enqueue_dma source(%dma_start3A_181 : memref<9088xi32, #tpu.memory_space<hbm>>) target(%arg8 : memref<9088xi32, #tpu.memory_space<vmem>>) target_semaphore(%run_scoped3A : memref<!tpu.dma_semaphore, #tpu.memory_space<semaphore_mem>>)
      %dma_wait3A_182 = tpu.memref_slice %arg3[%add3A_63] : memref<436224xi32, #tpu.memory_space<hbm>> -> memref<9088xi32, #tpu.memory_space<hbm>>
      %dma_wait3A_183 = tpu.memref_slice %arg3[%add3A_63] : memref<436224xi32, #tpu.memory_space<hbm>> -> memref<9088xi32, #tpu.memory_space<hbm>>
      tpu.wait_dma2 semaphore(%run_scoped3A : memref<!tpu.dma_semaphore, #tpu.memory_space<semaphore_mem>>) src(%dma_wait3A_183 : memref<9088xi32, #tpu.memory_space<hbm>>) dst(%arg8 : memref<9088xi32, #tpu.memory_space<vmem>>)
      tpu.yield
    }) : () -> ()
    %mul3A_64 = arith.constant 2 : i32
    %mul3A_65 = arith.muli %arg0, %mul3A_64 : i32
    %add3A_66 = arith.constant 0 : i32
    %add3A_67 = arith.addi %mul3A_65, %add3A_66 : i32
    %mul3A_68 = arith.constant 576 : i32
    %mul3A_69 = arith.muli %add3A_67, %mul3A_68 : i32
    %mul3A_70 = arith.constant 82944 : i32
    %mul3A_71 = arith.muli %arg1, %mul3A_70 : i32
    %dma_start3A_72 = tpu.memref_slice %arg11[%mul3A_71] : memref<1329152xf32, #tpu.memory_space<vmem_shared>> -> memref<82944xf32, #tpu.memory_space<vmem_shared>>
    tpu.enqueue_dma source(%arg5 : memref<82944xf32, #tpu.memory_space<hbm>>) target(%dma_start3A_72 : memref<82944xf32, #tpu.memory_space<vmem_shared>>) target_semaphore(%arg12 : memref<!tpu.dma_semaphore, #tpu.memory_space<semaphore_mem>>)
    %scan3A_73 = arith.constant 0 : i32
    %scan3A_74 = arith.constant 0 : i32
    %scan3A_75 = arith.constant 71 : i32
    %scan3A_76 = arith.addi %scan3A_74, %scan3A_75 : i32
    %scan3A_77 = arith.constant 1 : i32
    scf.for %scan3A_180 = %scan3A_74 to %scan3A_76 step %scan3A_77  : i32 {
      %mul3A_181 = arith.constant 128 : i32
      %mul3A_182 = arith.muli %scan3A_180, %mul3A_181 : i32
      %add3A_183 = arith.constant 0 : i32
      %add3A_184 = arith.addi %mul3A_182, %add3A_183 : i32
      %get3A = arith.index_cast %add3A_184 : i32 to index
      %get3A_185 = tpu.vector_load %arg7[%get3A] {strides = array<i32>} : memref<9088xi32, #tpu.memory_space<vmem>>, vector<16xi32>,
      %get3A_186 = vector.shape_cast %get3A_185 : vector<16xi32> to vector<16xi32>
      %get3A_187 = arith.index_cast %add3A_184 : i32 to index
      %get3A_188 = tpu.vector_load %arg8[%get3A_187] {strides = array<i32>} : memref<9088xi32, #tpu.memory_space<vmem>>, vector<16xi32>,
      %get3A_189 = vector.shape_cast %get3A_188 : vector<16xi32> to vector<16xi32>
      %sub3A = vector.broadcast %mul3A_69 : i32 to vector<16xi32>
      %sub3A_190 = arith.subi %get3A_189, %sub3A : vector<16xi32>
      %ge3A = arith.constant 0 : i32
      %ge3A_191 = vector.broadcast %ge3A : i32 to vector<16xi32>
      %ge3A_192 = arith.cmpi sge, %sub3A_190, %ge3A_191 : vector<16xi32>
      %lt3A = arith.constant 576 : i32
      %lt3A_193 = vector.broadcast %lt3A : i32 to vector<16xi32>
      %lt3A_194 = arith.cmpi slt, %sub3A_190, %lt3A_193 : vector<16xi32>
      %and3A = arith.andi %ge3A_192, %lt3A_194 : vector<16xi1>
      %mul3A_195 = arith.constant 2304 : i32
      %mul3A_196 = vector.broadcast %mul3A_195 : i32 to vector<16xi32>
      %mul3A_197 = arith.muli %sub3A_190, %mul3A_196 : vector<16xi32>
      %add3A_198 = arith.addi %mul3A_197, %get3A_186 : vector<16xi32>
      %add3A_199 = arith.constant 0 : i32
      %add3A_200 = arith.addi %add3A_3, %add3A_199 : i32
      %add3A_201 = vector.broadcast %add3A_200 : i32 to vector<16xi32>
      %add3A_202 = arith.addi %add3A_201, %iota3A : vector<16xi32>
      %select_n3A = arith.select %and3A, %add3A_198, %add3A_202 : vector<16xi1>, vector<16xi32>
      %swap3A = arith.index_cast %add3A_184 : i32 to index
      %swap3A_203 = tpu.vector_load %arg9[%swap3A] {strides = array<i32>} : memref<9088xi32, #tpu.memory_space<vmem>>, vector<16xi32>,
      %swap3A_204 = vector.shape_cast %swap3A_203 : vector<16xi32> to vector<16xi32>
      %swap3A_205 = vector.shape_cast %select_n3A : vector<16xi32> to vector<16xi32>
      tpu.vector_store %arg9[%swap3A], %swap3A_205 {strides = array<i32>} : memref<9088xi32, #tpu.memory_space<vmem>>, vector<16xi32>,
      %mul3A_206 = arith.constant 128 : i32
      %mul3A_207 = arith.muli %scan3A_180, %mul3A_206 : i32
      %add3A_208 = arith.constant 16 : i32
      %add3A_209 = arith.addi %mul3A_207, %add3A_208 : i32
      %get3A_210 = arith.index_cast %add3A_209 : i32 to index
      %get3A_211 = tpu.vector_load %arg7[%get3A_210] {strides = array<i32>} : memref<9088xi32, #tpu.memory_space<vmem>>, vector<16xi32>,
      %get3A_212 = vector.shape_cast %get3A_211 : vector<16xi32> to vector<16xi32>
      %get3A_213 = arith.index_cast %add3A_209 : i32 to index
      %get3A_214 = tpu.vector_load %arg8[%get3A_213] {strides = array<i32>} : memref<9088xi32, #tpu.memory_space<vmem>>, vector<16xi32>,
      %get3A_215 = vector.shape_cast %get3A_214 : vector<16xi32> to vector<16xi32>
      %sub3A_216 = vector.broadcast %mul3A_69 : i32 to vector<16xi32>
      %sub3A_217 = arith.subi %get3A_215, %sub3A_216 : vector<16xi32>
      %ge3A_218 = arith.constant 0 : i32
      %ge3A_219 = vector.broadcast %ge3A_218 : i32 to vector<16xi32>
      %ge3A_220 = arith.cmpi sge, %sub3A_217, %ge3A_219 : vector<16xi32>
      %lt3A_221 = arith.constant 576 : i32
      %lt3A_222 = vector.broadcast %lt3A_221 : i32 to vector<16xi32>
      %lt3A_223 = arith.cmpi slt, %sub3A_217, %lt3A_222 : vector<16xi32>
      %and3A_224 = arith.andi %ge3A_220, %lt3A_223 : vector<16xi1>
      %mul3A_225 = arith.constant 2304 : i32
      %mul3A_226 = vector.broadcast %mul3A_225 : i32 to vector<16xi32>
      %mul3A_227 = arith.muli %sub3A_217, %mul3A_226 : vector<16xi32>
      %add3A_228 = arith.addi %mul3A_227, %get3A_212 : vector<16xi32>
      %add3A_229 = arith.constant 16 : i32
      %add3A_230 = arith.addi %add3A_3, %add3A_229 : i32
      %add3A_231 = vector.broadcast %add3A_230 : i32 to vector<16xi32>
      %add3A_232 = arith.addi %add3A_231, %iota3A : vector<16xi32>
      %select_n3A_233 = arith.select %and3A_224, %add3A_228, %add3A_232 : vector<16xi1>, vector<16xi32>
      %swap3A_234 = arith.index_cast %add3A_209 : i32 to index
      %swap3A_235 = tpu.vector_load %arg9[%swap3A_234] {strides = array<i32>} : memref<9088xi32, #tpu.memory_space<vmem>>, vector<16xi32>,
      %swap3A_236 = vector.shape_cast %swap3A_235 : vector<16xi32> to vector<16xi32>
      %swap3A_237 = vector.shape_cast %select_n3A_233 : vector<16xi32> to vector<16xi32>
      tpu.vector_store %arg9[%swap3A_234], %swap3A_237 {strides = array<i32>} : memref<9088xi32, #tpu.memory_space<vmem>>, vector<16xi32>,
      %mul3A_238 = arith.constant 128 : i32
      %mul3A_239 = arith.muli %scan3A_180, %mul3A_238 : i32
      %add3A_240 = arith.constant 32 : i32
      %add3A_241 = arith.addi %mul3A_239, %add3A_240 : i32
      %get3A_242 = arith.index_cast %add3A_241 : i32 to index
      %get3A_243 = tpu.vector_load %arg7[%get3A_242] {strides = array<i32>} : memref<9088xi32, #tpu.memory_space<vmem>>, vector<16xi32>,
      %get3A_244 = vector.shape_cast %get3A_243 : vector<16xi32> to vector<16xi32>
      %get3A_245 = arith.index_cast %add3A_241 : i32 to index
      %get3A_246 = tpu.vector_load %arg8[%get3A_245] {strides = array<i32>} : memref<9088xi32, #tpu.memory_space<vmem>>, vector<16xi32>,
      %get3A_247 = vector.shape_cast %get3A_246 : vector<16xi32> to vector<16xi32>
      %sub3A_248 = vector.broadcast %mul3A_69 : i32 to vector<16xi32>
      %sub3A_249 = arith.subi %get3A_247, %sub3A_248 : vector<16xi32>
      %ge3A_250 = arith.constant 0 : i32
      %ge3A_251 = vector.broadcast %ge3A_250 : i32 to vector<16xi32>
      %ge3A_252 = arith.cmpi sge, %sub3A_249, %ge3A_251 : vector<16xi32>
      %lt3A_253 = arith.constant 576 : i32
      %lt3A_254 = vector.broadcast %lt3A_253 : i32 to vector<16xi32>
      %lt3A_255 = arith.cmpi slt, %sub3A_249, %lt3A_254 : vector<16xi32>
      %and3A_256 = arith.andi %ge3A_252, %lt3A_255 : vector<16xi1>
      %mul3A_257 = arith.constant 2304 : i32
      %mul3A_258 = vector.broadcast %mul3A_257 : i32 to vector<16xi32>
      %mul3A_259 = arith.muli %sub3A_249, %mul3A_258 : vector<16xi32>
      %add3A_260 = arith.addi %mul3A_259, %get3A_244 : vector<16xi32>
      %add3A_261 = arith.constant 32 : i32
      %add3A_262 = arith.addi %add3A_3, %add3A_261 : i32
      %add3A_263 = vector.broadcast %add3A_262 : i32 to vector<16xi32>
      %add3A_264 = arith.addi %add3A_263, %iota3A : vector<16xi32>
      %select_n3A_265 = arith.select %and3A_256, %add3A_260, %add3A_264 : vector<16xi1>, vector<16xi32>
      %swap3A_266 = arith.index_cast %add3A_241 : i32 to index
      %swap3A_267 = tpu.vector_load %arg9[%swap3A_266] {strides = array<i32>} : memref<9088xi32, #tpu.memory_space<vmem>>, vector<16xi32>,
      %swap3A_268 = vector.shape_cast %swap3A_267 : vector<16xi32> to vector<16xi32>
      %swap3A_269 = vector.shape_cast %select_n3A_265 : vector<16xi32> to vector<16xi32>
      tpu.vector_store %arg9[%swap3A_266], %swap3A_269 {strides = array<i32>} : memref<9088xi32, #tpu.memory_space<vmem>>, vector<16xi32>,
      %mul3A_270 = arith.constant 128 : i32
      %mul3A_271 = arith.muli %scan3A_180, %mul3A_270 : i32
      %add3A_272 = arith.constant 48 : i32
      %add3A_273 = arith.addi %mul3A_271, %add3A_272 : i32
      %get3A_274 = arith.index_cast %add3A_273 : i32 to index
      %get3A_275 = tpu.vector_load %arg7[%get3A_274] {strides = array<i32>} : memref<9088xi32, #tpu.memory_space<vmem>>, vector<16xi32>,
      %get3A_276 = vector.shape_cast %get3A_275 : vector<16xi32> to vector<16xi32>
      %get3A_277 = arith.index_cast %add3A_273 : i32 to index
      %get3A_278 = tpu.vector_load %arg8[%get3A_277] {strides = array<i32>} : memref<9088xi32, #tpu.memory_space<vmem>>, vector<16xi32>,
      %get3A_279 = vector.shape_cast %get3A_278 : vector<16xi32> to vector<16xi32>
      %sub3A_280 = vector.broadcast %mul3A_69 : i32 to vector<16xi32>
      %sub3A_281 = arith.subi %get3A_279, %sub3A_280 : vector<16xi32>
      %ge3A_282 = arith.constant 0 : i32
      %ge3A_283 = vector.broadcast %ge3A_282 : i32 to vector<16xi32>
      %ge3A_284 = arith.cmpi sge, %sub3A_281, %ge3A_283 : vector<16xi32>
      %lt3A_285 = arith.constant 576 : i32
      %lt3A_286 = vector.broadcast %lt3A_285 : i32 to vector<16xi32>
      %lt3A_287 = arith.cmpi slt, %sub3A_281, %lt3A_286 : vector<16xi32>
      %and3A_288 = arith.andi %ge3A_284, %lt3A_287 : vector<16xi1>
      %mul3A_289 = arith.constant 2304 : i32
      %mul3A_290 = vector.broadcast %mul3A_289 : i32 to vector<16xi32>
      %mul3A_291 = arith.muli %sub3A_281, %mul3A_290 : vector<16xi32>
      %add3A_292 = arith.addi %mul3A_291, %get3A_276 : vector<16xi32>
      %add3A_293 = arith.constant 48 : i32
      %add3A_294 = arith.addi %add3A_3, %add3A_293 : i32
      %add3A_295 = vector.broadcast %add3A_294 : i32 to vector<16xi32>
      %add3A_296 = arith.addi %add3A_295, %iota3A : vector<16xi32>
      %select_n3A_297 = arith.select %and3A_288, %add3A_292, %add3A_296 : vector<16xi1>, vector<16xi32>
      %swap3A_298 = arith.index_cast %add3A_273 : i32 to index
      %swap3A_299 = tpu.vector_load %arg9[%swap3A_298] {strides = array<i32>} : memref<9088xi32, #tpu.memory_space<vmem>>, vector<16xi32>,
      %swap3A_300 = vector.shape_cast %swap3A_299 : vector<16xi32> to vector<16xi32>
      %swap3A_301 = vector.shape_cast %select_n3A_297 : vector<16xi32> to vector<16xi32>
      tpu.vector_store %arg9[%swap3A_298], %swap3A_301 {strides = array<i32>} : memref<9088xi32, #tpu.memory_space<vmem>>, vector<16xi32>,
      %mul3A_302 = arith.constant 128 : i32
      %mul3A_303 = arith.muli %scan3A_180, %mul3A_302 : i32
      %add3A_304 = arith.constant 64 : i32
      %add3A_305 = arith.addi %mul3A_303, %add3A_304 : i32
      %get3A_306 = arith.index_cast %add3A_305 : i32 to index
      %get3A_307 = tpu.vector_load %arg7[%get3A_306] {strides = array<i32>} : memref<9088xi32, #tpu.memory_space<vmem>>, vector<16xi32>,
      %get3A_308 = vector.shape_cast %get3A_307 : vector<16xi32> to vector<16xi32>
      %get3A_309 = arith.index_cast %add3A_305 : i32 to index
      %get3A_310 = tpu.vector_load %arg8[%get3A_309] {strides = array<i32>} : memref<9088xi32, #tpu.memory_space<vmem>>, vector<16xi32>,
      %get3A_311 = vector.shape_cast %get3A_310 : vector<16xi32> to vector<16xi32>
      %sub3A_312 = vector.broadcast %mul3A_69 : i32 to vector<16xi32>
      %sub3A_313 = arith.subi %get3A_311, %sub3A_312 : vector<16xi32>
      %ge3A_314 = arith.constant 0 : i32
      %ge3A_315 = vector.broadcast %ge3A_314 : i32 to vector<16xi32>
      %ge3A_316 = arith.cmpi sge, %sub3A_313, %ge3A_315 : vector<16xi32>
      %lt3A_317 = arith.constant 576 : i32
      %lt3A_318 = vector.broadcast %lt3A_317 : i32 to vector<16xi32>
      %lt3A_319 = arith.cmpi slt, %sub3A_313, %lt3A_318 : vector<16xi32>
      %and3A_320 = arith.andi %ge3A_316, %lt3A_319 : vector<16xi1>
      %mul3A_321 = arith.constant 2304 : i32
      %mul3A_322 = vector.broadcast %mul3A_321 : i32 to vector<16xi32>
      %mul3A_323 = arith.muli %sub3A_313, %mul3A_322 : vector<16xi32>
      %add3A_324 = arith.addi %mul3A_323, %get3A_308 : vector<16xi32>
      %add3A_325 = arith.constant 64 : i32
      %add3A_326 = arith.addi %add3A_3, %add3A_325 : i32
      %add3A_327 = vector.broadcast %add3A_326 : i32 to vector<16xi32>
      %add3A_328 = arith.addi %add3A_327, %iota3A : vector<16xi32>
      %select_n3A_329 = arith.select %and3A_320, %add3A_324, %add3A_328 : vector<16xi1>, vector<16xi32>
      %swap3A_330 = arith.index_cast %add3A_305 : i32 to index
      %swap3A_331 = tpu.vector_load %arg9[%swap3A_330] {strides = array<i32>} : memref<9088xi32, #tpu.memory_space<vmem>>, vector<16xi32>,
      %swap3A_332 = vector.shape_cast %swap3A_331 : vector<16xi32> to vector<16xi32>
      %swap3A_333 = vector.shape_cast %select_n3A_329 : vector<16xi32> to vector<16xi32>
      tpu.vector_store %arg9[%swap3A_330], %swap3A_333 {strides = array<i32>} : memref<9088xi32, #tpu.memory_space<vmem>>, vector<16xi32>,
      %mul3A_334 = arith.constant 128 : i32
      %mul3A_335 = arith.muli %scan3A_180, %mul3A_334 : i32
      %add3A_336 = arith.constant 80 : i32
      %add3A_337 = arith.addi %mul3A_335, %add3A_336 : i32
      %get3A_338 = arith.index_cast %add3A_337 : i32 to index
      %get3A_339 = tpu.vector_load %arg7[%get3A_338] {strides = array<i32>} : memref<9088xi32, #tpu.memory_space<vmem>>, vector<16xi32>,
      %get3A_340 = vector.shape_cast %get3A_339 : vector<16xi32> to vector<16xi32>
      %get3A_341 = arith.index_cast %add3A_337 : i32 to index
      %get3A_342 = tpu.vector_load %arg8[%get3A_341] {strides = array<i32>} : memref<9088xi32, #tpu.memory_space<vmem>>, vector<16xi32>,
      %get3A_343 = vector.shape_cast %get3A_342 : vector<16xi32> to vector<16xi32>
      %sub3A_344 = vector.broadcast %mul3A_69 : i32 to vector<16xi32>
      %sub3A_345 = arith.subi %get3A_343, %sub3A_344 : vector<16xi32>
      %ge3A_346 = arith.constant 0 : i32
      %ge3A_347 = vector.broadcast %ge3A_346 : i32 to vector<16xi32>
      %ge3A_348 = arith.cmpi sge, %sub3A_345, %ge3A_347 : vector<16xi32>
      %lt3A_349 = arith.constant 576 : i32
      %lt3A_350 = vector.broadcast %lt3A_349 : i32 to vector<16xi32>
      %lt3A_351 = arith.cmpi slt, %sub3A_345, %lt3A_350 : vector<16xi32>
      %and3A_352 = arith.andi %ge3A_348, %lt3A_351 : vector<16xi1>
      %mul3A_353 = arith.constant 2304 : i32
      %mul3A_354 = vector.broadcast %mul3A_353 : i32 to vector<16xi32>
      %mul3A_355 = arith.muli %sub3A_345, %mul3A_354 : vector<16xi32>
      %add3A_356 = arith.addi %mul3A_355, %get3A_340 : vector<16xi32>
      %add3A_357 = arith.constant 80 : i32
      %add3A_358 = arith.addi %add3A_3, %add3A_357 : i32
      %add3A_359 = vector.broadcast %add3A_358 : i32 to vector<16xi32>
      %add3A_360 = arith.addi %add3A_359, %iota3A : vector<16xi32>
      %select_n3A_361 = arith.select %and3A_352, %add3A_356, %add3A_360 : vector<16xi1>, vector<16xi32>
      %swap3A_362 = arith.index_cast %add3A_337 : i32 to index
      %swap3A_363 = tpu.vector_load %arg9[%swap3A_362] {strides = array<i32>} : memref<9088xi32, #tpu.memory_space<vmem>>, vector<16xi32>,
      %swap3A_364 = vector.shape_cast %swap3A_363 : vector<16xi32> to vector<16xi32>
      %swap3A_365 = vector.shape_cast %select_n3A_361 : vector<16xi32> to vector<16xi32>
      tpu.vector_store %arg9[%swap3A_362], %swap3A_365 {strides = array<i32>} : memref<9088xi32, #tpu.memory_space<vmem>>, vector<16xi32>,
      %mul3A_366 = arith.constant 128 : i32
      %mul3A_367 = arith.muli %scan3A_180, %mul3A_366 : i32
      %add3A_368 = arith.constant 96 : i32
      %add3A_369 = arith.addi %mul3A_367, %add3A_368 : i32
      %get3A_370 = arith.index_cast %add3A_369 : i32 to index
      %get3A_371 = tpu.vector_load %arg7[%get3A_370] {strides = array<i32>} : memref<9088xi32, #tpu.memory_space<vmem>>, vector<16xi32>,
      %get3A_372 = vector.shape_cast %get3A_371 : vector<16xi32> to vector<16xi32>
      %get3A_373 = arith.index_cast %add3A_369 : i32 to index
      %get3A_374 = tpu.vector_load %arg8[%get3A_373] {strides = array<i32>} : memref<9088xi32, #tpu.memory_space<vmem>>, vector<16xi32>,
      %get3A_375 = vector.shape_cast %get3A_374 : vector<16xi32> to vector<16xi32>
      %sub3A_376 = vector.broadcast %mul3A_69 : i32 to vector<16xi32>
      %sub3A_377 = arith.subi %get3A_375, %sub3A_376 : vector<16xi32>
      %ge3A_378 = arith.constant 0 : i32
      %ge3A_379 = vector.broadcast %ge3A_378 : i32 to vector<16xi32>
      %ge3A_380 = arith.cmpi sge, %sub3A_377, %ge3A_379 : vector<16xi32>
      %lt3A_381 = arith.constant 576 : i32
      %lt3A_382 = vector.broadcast %lt3A_381 : i32 to vector<16xi32>
      %lt3A_383 = arith.cmpi slt, %sub3A_377, %lt3A_382 : vector<16xi32>
      %and3A_384 = arith.andi %ge3A_380, %lt3A_383 : vector<16xi1>
      %mul3A_385 = arith.constant 2304 : i32
      %mul3A_386 = vector.broadcast %mul3A_385 : i32 to vector<16xi32>
      %mul3A_387 = arith.muli %sub3A_377, %mul3A_386 : vector<16xi32>
      %add3A_388 = arith.addi %mul3A_387, %get3A_372 : vector<16xi32>
      %add3A_389 = arith.constant 96 : i32
      %add3A_390 = arith.addi %add3A_3, %add3A_389 : i32
      %add3A_391 = vector.broadcast %add3A_390 : i32 to vector<16xi32>
      %add3A_392 = arith.addi %add3A_391, %iota3A : vector<16xi32>
      %select_n3A_393 = arith.select %and3A_384, %add3A_388, %add3A_392 : vector<16xi1>, vector<16xi32>
      %swap3A_394 = arith.index_cast %add3A_369 : i32 to index
      %swap3A_395 = tpu.vector_load %arg9[%swap3A_394] {strides = array<i32>} : memref<9088xi32, #tpu.memory_space<vmem>>, vector<16xi32>,
      %swap3A_396 = vector.shape_cast %swap3A_395 : vector<16xi32> to vector<16xi32>
      %swap3A_397 = vector.shape_cast %select_n3A_393 : vector<16xi32> to vector<16xi32>
      tpu.vector_store %arg9[%swap3A_394], %swap3A_397 {strides = array<i32>} : memref<9088xi32, #tpu.memory_space<vmem>>, vector<16xi32>,
      %mul3A_398 = arith.constant 128 : i32
      %mul3A_399 = arith.muli %scan3A_180, %mul3A_398 : i32
      %add3A_400 = arith.constant 112 : i32
      %add3A_401 = arith.addi %mul3A_399, %add3A_400 : i32
      %get3A_402 = arith.index_cast %add3A_401 : i32 to index
      %get3A_403 = tpu.vector_load %arg7[%get3A_402] {strides = array<i32>} : memref<9088xi32, #tpu.memory_space<vmem>>, vector<16xi32>,
      %get3A_404 = vector.shape_cast %get3A_403 : vector<16xi32> to vector<16xi32>
      %get3A_405 = arith.index_cast %add3A_401 : i32 to index
      %get3A_406 = tpu.vector_load %arg8[%get3A_405] {strides = array<i32>} : memref<9088xi32, #tpu.memory_space<vmem>>, vector<16xi32>,
      %get3A_407 = vector.shape_cast %get3A_406 : vector<16xi32> to vector<16xi32>
      %sub3A_408 = vector.broadcast %mul3A_69 : i32 to vector<16xi32>
      %sub3A_409 = arith.subi %get3A_407, %sub3A_408 : vector<16xi32>
      %ge3A_410 = arith.constant 0 : i32
      %ge3A_411 = vector.broadcast %ge3A_410 : i32 to vector<16xi32>
      %ge3A_412 = arith.cmpi sge, %sub3A_409, %ge3A_411 : vector<16xi32>
      %lt3A_413 = arith.constant 576 : i32
      %lt3A_414 = vector.broadcast %lt3A_413 : i32 to vector<16xi32>
      %lt3A_415 = arith.cmpi slt, %sub3A_409, %lt3A_414 : vector<16xi32>
      %and3A_416 = arith.andi %ge3A_412, %lt3A_415 : vector<16xi1>
      %mul3A_417 = arith.constant 2304 : i32
      %mul3A_418 = vector.broadcast %mul3A_417 : i32 to vector<16xi32>
      %mul3A_419 = arith.muli %sub3A_409, %mul3A_418 : vector<16xi32>
      %add3A_420 = arith.addi %mul3A_419, %get3A_404 : vector<16xi32>
      %add3A_421 = arith.constant 112 : i32
      %add3A_422 = arith.addi %add3A_3, %add3A_421 : i32
      %add3A_423 = vector.broadcast %add3A_422 : i32 to vector<16xi32>
      %add3A_424 = arith.addi %add3A_423, %iota3A : vector<16xi32>
      %select_n3A_425 = arith.select %and3A_416, %add3A_420, %add3A_424 : vector<16xi1>, vector<16xi32>
      %swap3A_426 = arith.index_cast %add3A_401 : i32 to index
      %swap3A_427 = tpu.vector_load %arg9[%swap3A_426] {strides = array<i32>} : memref<9088xi32, #tpu.memory_space<vmem>>, vector<16xi32>,
      %swap3A_428 = vector.shape_cast %swap3A_427 : vector<16xi32> to vector<16xi32>
      %swap3A_429 = vector.shape_cast %select_n3A_425 : vector<16xi32> to vector<16xi32>
      tpu.vector_store %arg9[%swap3A_426], %swap3A_429 {strides = array<i32>} : memref<9088xi32, #tpu.memory_space<vmem>>, vector<16xi32>,
    }
    %scan3A_78 = arith.constant 71 : i32
    %dma_wait3A_79 = tpu.memref_slice %arg11[%mul3A_71] : memref<1329152xf32, #tpu.memory_space<vmem_shared>> -> memref<82944xf32, #tpu.memory_space<vmem_shared>>
    tpu.wait_dma2 semaphore(%arg12 : memref<!tpu.dma_semaphore, #tpu.memory_space<semaphore_mem>>) src(%arg5 : memref<82944xf32, #tpu.memory_space<hbm>>) dst(%dma_wait3A_79 : memref<82944xf32, #tpu.memory_space<vmem_shared>>)
    %barrier3A_80 = arith.constant 0 : index
    tpu.barrier barrier_id(%barrier3A_80)
    "tpu.region"() ({
      %run_scoped3A = tpu.sem_alloc : memref<!tpu.dma_semaphore, #tpu.memory_space<semaphore_mem>>
      %dma_start3A_180 = arith.constant 0 : i32
      %dma_start3A_181 = tpu.memref_slice %arg11[%dma_start3A_180] : memref<1329152xf32, #tpu.memory_space<vmem_shared>> -> memref<1329152xf32, #tpu.memory_space<vmem_shared>>
      tpu.enqueue_indirect_dma source(%arg10 : memref<9088xf32, #tpu.memory_space<vmem>>) target(%dma_start3A_181 : memref<1329152xf32, #tpu.memory_space<vmem_shared>>) offsets(%arg9 : memref<9088xi32, #tpu.memory_space<vmem>>) semaphore(%run_scoped3A : memref<!tpu.dma_semaphore, #tpu.memory_space<semaphore_mem>>) {add = true}
      %dma_wait3A_182 = arith.constant 0 : i32
      %dma_wait3A_183 = tpu.memref_slice %arg11[%dma_wait3A_182] : memref<1329152xf32, #tpu.memory_space<vmem_shared>> -> memref<1329152xf32, #tpu.memory_space<vmem_shared>>
      tpu.wait_indirect_dma semaphore(%run_scoped3A : memref<!tpu.dma_semaphore, #tpu.memory_space<semaphore_mem>>) src(%arg10 : memref<9088xf32, #tpu.memory_space<vmem>>) dst(%dma_wait3A_183 : memref<1329152xf32, #tpu.memory_space<vmem_shared>>)
      tpu.yield
    }) : () -> ()
    %barrier3A_81 = arith.constant 0 : index
    tpu.barrier barrier_id(%barrier3A_81)
    %mul3A_82 = arith.constant 2304 : i32
    %mul3A_83 = arith.muli %mul3A_69, %mul3A_82 : i32
    %add3A_84 = arith.constant 5308416 : i32
    %add3A_85 = arith.addi %add3A_84, %mul3A_83 : i32
    %mul3A_86 = arith.constant 82944 : i32
    %mul3A_87 = arith.muli %arg1, %mul3A_86 : i32
    %add3A_88 = arith.addi %add3A_85, %mul3A_87 : i32
    %mul3A_89 = arith.constant 82944 : i32
    %mul3A_90 = arith.muli %arg1, %mul3A_89 : i32
    "tpu.region"() ({
      %run_scoped3A = tpu.sem_alloc : memref<!tpu.dma_semaphore, #tpu.memory_space<semaphore_mem>>
      %dma_start3A_180 = tpu.memref_slice %arg6[%add3A_88] : memref<15925248xf32, #tpu.memory_space<hbm>> -> memref<82944xf32, #tpu.memory_space<hbm>>
      %dma_start3A_181 = tpu.memref_slice %arg11[%mul3A_90] : memref<1329152xf32, #tpu.memory_space<vmem_shared>> -> memref<82944xf32, #tpu.memory_space<vmem_shared>>
      tpu.enqueue_dma source(%dma_start3A_181 : memref<82944xf32, #tpu.memory_space<vmem_shared>>) target(%dma_start3A_180 : memref<82944xf32, #tpu.memory_space<hbm>>) target_semaphore(%run_scoped3A : memref<!tpu.dma_semaphore, #tpu.memory_space<semaphore_mem>>)
      %dma_wait3A_182 = tpu.memref_slice %arg6[%add3A_88] : memref<15925248xf32, #tpu.memory_space<hbm>> -> memref<82944xf32, #tpu.memory_space<hbm>>
      %dma_wait3A_183 = tpu.memref_slice %arg11[%mul3A_90] : memref<1329152xf32, #tpu.memory_space<vmem_shared>> -> memref<82944xf32, #tpu.memory_space<vmem_shared>>
      tpu.wait_dma2 semaphore(%run_scoped3A : memref<!tpu.dma_semaphore, #tpu.memory_space<semaphore_mem>>) src(%dma_wait3A_183 : memref<82944xf32, #tpu.memory_space<vmem_shared>>) dst(%dma_wait3A_182 : memref<82944xf32, #tpu.memory_space<hbm>>)
      tpu.yield
    }) : () -> ()
    %barrier3A_91 = arith.constant 0 : index
    tpu.barrier barrier_id(%barrier3A_91)
    %mul3A_92 = arith.constant 2 : i32
    %mul3A_93 = arith.muli %arg0, %mul3A_92 : i32
    %add3A_94 = arith.constant 1 : i32
    %add3A_95 = arith.addi %mul3A_93, %add3A_94 : i32
    %mul3A_96 = arith.constant 576 : i32
    %mul3A_97 = arith.muli %add3A_95, %mul3A_96 : i32
    %mul3A_98 = arith.constant 82944 : i32
    %mul3A_99 = arith.muli %arg1, %mul3A_98 : i32
    %dma_start3A_100 = tpu.memref_slice %arg11[%mul3A_99] : memref<1329152xf32, #tpu.memory_space<vmem_shared>> -> memref<82944xf32, #tpu.memory_space<vmem_shared>>
    tpu.enqueue_dma source(%arg5 : memref<82944xf32, #tpu.memory_space<hbm>>) target(%dma_start3A_100 : memref<82944xf32, #tpu.memory_space<vmem_shared>>) target_semaphore(%arg12 : memref<!tpu.dma_semaphore, #tpu.memory_space<semaphore_mem>>)
    %scan3A_101 = arith.constant 0 : i32
    %scan3A_102 = arith.constant 0 : i32
    %scan3A_103 = arith.constant 71 : i32
    %scan3A_104 = arith.addi %scan3A_102, %scan3A_103 : i32
    %scan3A_105 = arith.constant 1 : i32
    scf.for %scan3A_180 = %scan3A_102 to %scan3A_104 step %scan3A_105  : i32 {
      %mul3A_181 = arith.constant 128 : i32
      %mul3A_182 = arith.muli %scan3A_180, %mul3A_181 : i32
      %add3A_183 = arith.constant 0 : i32
      %add3A_184 = arith.addi %mul3A_182, %add3A_183 : i32
      %get3A = arith.index_cast %add3A_184 : i32 to index
      %get3A_185 = tpu.vector_load %arg7[%get3A] {strides = array<i32>} : memref<9088xi32, #tpu.memory_space<vmem>>, vector<16xi32>,
      %get3A_186 = vector.shape_cast %get3A_185 : vector<16xi32> to vector<16xi32>
      %get3A_187 = arith.index_cast %add3A_184 : i32 to index
      %get3A_188 = tpu.vector_load %arg8[%get3A_187] {strides = array<i32>} : memref<9088xi32, #tpu.memory_space<vmem>>, vector<16xi32>,
      %get3A_189 = vector.shape_cast %get3A_188 : vector<16xi32> to vector<16xi32>
      %sub3A = vector.broadcast %mul3A_97 : i32 to vector<16xi32>
      %sub3A_190 = arith.subi %get3A_189, %sub3A : vector<16xi32>
      %ge3A = arith.constant 0 : i32
      %ge3A_191 = vector.broadcast %ge3A : i32 to vector<16xi32>
      %ge3A_192 = arith.cmpi sge, %sub3A_190, %ge3A_191 : vector<16xi32>
      %lt3A = arith.constant 576 : i32
      %lt3A_193 = vector.broadcast %lt3A : i32 to vector<16xi32>
      %lt3A_194 = arith.cmpi slt, %sub3A_190, %lt3A_193 : vector<16xi32>
      %and3A = arith.andi %ge3A_192, %lt3A_194 : vector<16xi1>
      %mul3A_195 = arith.constant 2304 : i32
      %mul3A_196 = vector.broadcast %mul3A_195 : i32 to vector<16xi32>
      %mul3A_197 = arith.muli %sub3A_190, %mul3A_196 : vector<16xi32>
      %add3A_198 = arith.addi %mul3A_197, %get3A_186 : vector<16xi32>
      %add3A_199 = arith.constant 0 : i32
      %add3A_200 = arith.addi %add3A_3, %add3A_199 : i32
      %add3A_201 = vector.broadcast %add3A_200 : i32 to vector<16xi32>
      %add3A_202 = arith.addi %add3A_201, %iota3A : vector<16xi32>
      %select_n3A = arith.select %and3A, %add3A_198, %add3A_202 : vector<16xi1>, vector<16xi32>
      %swap3A = arith.index_cast %add3A_184 : i32 to index
      %swap3A_203 = tpu.vector_load %arg9[%swap3A] {strides = array<i32>} : memref<9088xi32, #tpu.memory_space<vmem>>, vector<16xi32>,
      %swap3A_204 = vector.shape_cast %swap3A_203 : vector<16xi32> to vector<16xi32>
      %swap3A_205 = vector.shape_cast %select_n3A : vector<16xi32> to vector<16xi32>
      tpu.vector_store %arg9[%swap3A], %swap3A_205 {strides = array<i32>} : memref<9088xi32, #tpu.memory_space<vmem>>, vector<16xi32>,
      %mul3A_206 = arith.constant 128 : i32
      %mul3A_207 = arith.muli %scan3A_180, %mul3A_206 : i32
      %add3A_208 = arith.constant 16 : i32
      %add3A_209 = arith.addi %mul3A_207, %add3A_208 : i32
      %get3A_210 = arith.index_cast %add3A_209 : i32 to index
      %get3A_211 = tpu.vector_load %arg7[%get3A_210] {strides = array<i32>} : memref<9088xi32, #tpu.memory_space<vmem>>, vector<16xi32>,
      %get3A_212 = vector.shape_cast %get3A_211 : vector<16xi32> to vector<16xi32>
      %get3A_213 = arith.index_cast %add3A_209 : i32 to index
      %get3A_214 = tpu.vector_load %arg8[%get3A_213] {strides = array<i32>} : memref<9088xi32, #tpu.memory_space<vmem>>, vector<16xi32>,
      %get3A_215 = vector.shape_cast %get3A_214 : vector<16xi32> to vector<16xi32>
      %sub3A_216 = vector.broadcast %mul3A_97 : i32 to vector<16xi32>
      %sub3A_217 = arith.subi %get3A_215, %sub3A_216 : vector<16xi32>
      %ge3A_218 = arith.constant 0 : i32
      %ge3A_219 = vector.broadcast %ge3A_218 : i32 to vector<16xi32>
      %ge3A_220 = arith.cmpi sge, %sub3A_217, %ge3A_219 : vector<16xi32>
      %lt3A_221 = arith.constant 576 : i32
      %lt3A_222 = vector.broadcast %lt3A_221 : i32 to vector<16xi32>
      %lt3A_223 = arith.cmpi slt, %sub3A_217, %lt3A_222 : vector<16xi32>
      %and3A_224 = arith.andi %ge3A_220, %lt3A_223 : vector<16xi1>
      %mul3A_225 = arith.constant 2304 : i32
      %mul3A_226 = vector.broadcast %mul3A_225 : i32 to vector<16xi32>
      %mul3A_227 = arith.muli %sub3A_217, %mul3A_226 : vector<16xi32>
      %add3A_228 = arith.addi %mul3A_227, %get3A_212 : vector<16xi32>
      %add3A_229 = arith.constant 16 : i32
      %add3A_230 = arith.addi %add3A_3, %add3A_229 : i32
      %add3A_231 = vector.broadcast %add3A_230 : i32 to vector<16xi32>
      %add3A_232 = arith.addi %add3A_231, %iota3A : vector<16xi32>
      %select_n3A_233 = arith.select %and3A_224, %add3A_228, %add3A_232 : vector<16xi1>, vector<16xi32>
      %swap3A_234 = arith.index_cast %add3A_209 : i32 to index
      %swap3A_235 = tpu.vector_load %arg9[%swap3A_234] {strides = array<i32>} : memref<9088xi32, #tpu.memory_space<vmem>>, vector<16xi32>,
      %swap3A_236 = vector.shape_cast %swap3A_235 : vector<16xi32> to vector<16xi32>
      %swap3A_237 = vector.shape_cast %select_n3A_233 : vector<16xi32> to vector<16xi32>
      tpu.vector_store %arg9[%swap3A_234], %swap3A_237 {strides = array<i32>} : memref<9088xi32, #tpu.memory_space<vmem>>, vector<16xi32>,
      %mul3A_238 = arith.constant 128 : i32
      %mul3A_239 = arith.muli %scan3A_180, %mul3A_238 : i32
      %add3A_240 = arith.constant 32 : i32
      %add3A_241 = arith.addi %mul3A_239, %add3A_240 : i32
      %get3A_242 = arith.index_cast %add3A_241 : i32 to index
      %get3A_243 = tpu.vector_load %arg7[%get3A_242] {strides = array<i32>} : memref<9088xi32, #tpu.memory_space<vmem>>, vector<16xi32>,
      %get3A_244 = vector.shape_cast %get3A_243 : vector<16xi32> to vector<16xi32>
      %get3A_245 = arith.index_cast %add3A_241 : i32 to index
      %get3A_246 = tpu.vector_load %arg8[%get3A_245] {strides = array<i32>} : memref<9088xi32, #tpu.memory_space<vmem>>, vector<16xi32>,
      %get3A_247 = vector.shape_cast %get3A_246 : vector<16xi32> to vector<16xi32>
      %sub3A_248 = vector.broadcast %mul3A_97 : i32 to vector<16xi32>
      %sub3A_249 = arith.subi %get3A_247, %sub3A_248 : vector<16xi32>
      %ge3A_250 = arith.constant 0 : i32
      %ge3A_251 = vector.broadcast %ge3A_250 : i32 to vector<16xi32>
      %ge3A_252 = arith.cmpi sge, %sub3A_249, %ge3A_251 : vector<16xi32>
      %lt3A_253 = arith.constant 576 : i32
      %lt3A_254 = vector.broadcast %lt3A_253 : i32 to vector<16xi32>
      %lt3A_255 = arith.cmpi slt, %sub3A_249, %lt3A_254 : vector<16xi32>
      %and3A_256 = arith.andi %ge3A_252, %lt3A_255 : vector<16xi1>
      %mul3A_257 = arith.constant 2304 : i32
      %mul3A_258 = vector.broadcast %mul3A_257 : i32 to vector<16xi32>
      %mul3A_259 = arith.muli %sub3A_249, %mul3A_258 : vector<16xi32>
      %add3A_260 = arith.addi %mul3A_259, %get3A_244 : vector<16xi32>
      %add3A_261 = arith.constant 32 : i32
      %add3A_262 = arith.addi %add3A_3, %add3A_261 : i32
      %add3A_263 = vector.broadcast %add3A_262 : i32 to vector<16xi32>
      %add3A_264 = arith.addi %add3A_263, %iota3A : vector<16xi32>
      %select_n3A_265 = arith.select %and3A_256, %add3A_260, %add3A_264 : vector<16xi1>, vector<16xi32>
      %swap3A_266 = arith.index_cast %add3A_241 : i32 to index
      %swap3A_267 = tpu.vector_load %arg9[%swap3A_266] {strides = array<i32>} : memref<9088xi32, #tpu.memory_space<vmem>>, vector<16xi32>,
      %swap3A_268 = vector.shape_cast %swap3A_267 : vector<16xi32> to vector<16xi32>
      %swap3A_269 = vector.shape_cast %select_n3A_265 : vector<16xi32> to vector<16xi32>
      tpu.vector_store %arg9[%swap3A_266], %swap3A_269 {strides = array<i32>} : memref<9088xi32, #tpu.memory_space<vmem>>, vector<16xi32>,
      %mul3A_270 = arith.constant 128 : i32
      %mul3A_271 = arith.muli %scan3A_180, %mul3A_270 : i32
      %add3A_272 = arith.constant 48 : i32
      %add3A_273 = arith.addi %mul3A_271, %add3A_272 : i32
      %get3A_274 = arith.index_cast %add3A_273 : i32 to index
      %get3A_275 = tpu.vector_load %arg7[%get3A_274] {strides = array<i32>} : memref<9088xi32, #tpu.memory_space<vmem>>, vector<16xi32>,
      %get3A_276 = vector.shape_cast %get3A_275 : vector<16xi32> to vector<16xi32>
      %get3A_277 = arith.index_cast %add3A_273 : i32 to index
      %get3A_278 = tpu.vector_load %arg8[%get3A_277] {strides = array<i32>} : memref<9088xi32, #tpu.memory_space<vmem>>, vector<16xi32>,
      %get3A_279 = vector.shape_cast %get3A_278 : vector<16xi32> to vector<16xi32>
      %sub3A_280 = vector.broadcast %mul3A_97 : i32 to vector<16xi32>
      %sub3A_281 = arith.subi %get3A_279, %sub3A_280 : vector<16xi32>
      %ge3A_282 = arith.constant 0 : i32
      %ge3A_283 = vector.broadcast %ge3A_282 : i32 to vector<16xi32>
      %ge3A_284 = arith.cmpi sge, %sub3A_281, %ge3A_283 : vector<16xi32>
      %lt3A_285 = arith.constant 576 : i32
      %lt3A_286 = vector.broadcast %lt3A_285 : i32 to vector<16xi32>
      %lt3A_287 = arith.cmpi slt, %sub3A_281, %lt3A_286 : vector<16xi32>
      %and3A_288 = arith.andi %ge3A_284, %lt3A_287 : vector<16xi1>
      %mul3A_289 = arith.constant 2304 : i32
      %mul3A_290 = vector.broadcast %mul3A_289 : i32 to vector<16xi32>
      %mul3A_291 = arith.muli %sub3A_281, %mul3A_290 : vector<16xi32>
      %add3A_292 = arith.addi %mul3A_291, %get3A_276 : vector<16xi32>
      %add3A_293 = arith.constant 48 : i32
      %add3A_294 = arith.addi %add3A_3, %add3A_293 : i32
      %add3A_295 = vector.broadcast %add3A_294 : i32 to vector<16xi32>
      %add3A_296 = arith.addi %add3A_295, %iota3A : vector<16xi32>
      %select_n3A_297 = arith.select %and3A_288, %add3A_292, %add3A_296 : vector<16xi1>, vector<16xi32>
      %swap3A_298 = arith.index_cast %add3A_273 : i32 to index
      %swap3A_299 = tpu.vector_load %arg9[%swap3A_298] {strides = array<i32>} : memref<9088xi32, #tpu.memory_space<vmem>>, vector<16xi32>,
      %swap3A_300 = vector.shape_cast %swap3A_299 : vector<16xi32> to vector<16xi32>
      %swap3A_301 = vector.shape_cast %select_n3A_297 : vector<16xi32> to vector<16xi32>
      tpu.vector_store %arg9[%swap3A_298], %swap3A_301 {strides = array<i32>} : memref<9088xi32, #tpu.memory_space<vmem>>, vector<16xi32>,
      %mul3A_302 = arith.constant 128 : i32
      %mul3A_303 = arith.muli %scan3A_180, %mul3A_302 : i32
      %add3A_304 = arith.constant 64 : i32
      %add3A_305 = arith.addi %mul3A_303, %add3A_304 : i32
      %get3A_306 = arith.index_cast %add3A_305 : i32 to index
      %get3A_307 = tpu.vector_load %arg7[%get3A_306] {strides = array<i32>} : memref<9088xi32, #tpu.memory_space<vmem>>, vector<16xi32>,
      %get3A_308 = vector.shape_cast %get3A_307 : vector<16xi32> to vector<16xi32>
      %get3A_309 = arith.index_cast %add3A_305 : i32 to index
      %get3A_310 = tpu.vector_load %arg8[%get3A_309] {strides = array<i32>} : memref<9088xi32, #tpu.memory_space<vmem>>, vector<16xi32>,
      %get3A_311 = vector.shape_cast %get3A_310 : vector<16xi32> to vector<16xi32>
      %sub3A_312 = vector.broadcast %mul3A_97 : i32 to vector<16xi32>
      %sub3A_313 = arith.subi %get3A_311, %sub3A_312 : vector<16xi32>
      %ge3A_314 = arith.constant 0 : i32
      %ge3A_315 = vector.broadcast %ge3A_314 : i32 to vector<16xi32>
      %ge3A_316 = arith.cmpi sge, %sub3A_313, %ge3A_315 : vector<16xi32>
      %lt3A_317 = arith.constant 576 : i32
      %lt3A_318 = vector.broadcast %lt3A_317 : i32 to vector<16xi32>
      %lt3A_319 = arith.cmpi slt, %sub3A_313, %lt3A_318 : vector<16xi32>
      %and3A_320 = arith.andi %ge3A_316, %lt3A_319 : vector<16xi1>
      %mul3A_321 = arith.constant 2304 : i32
      %mul3A_322 = vector.broadcast %mul3A_321 : i32 to vector<16xi32>
      %mul3A_323 = arith.muli %sub3A_313, %mul3A_322 : vector<16xi32>
      %add3A_324 = arith.addi %mul3A_323, %get3A_308 : vector<16xi32>
      %add3A_325 = arith.constant 64 : i32
      %add3A_326 = arith.addi %add3A_3, %add3A_325 : i32
      %add3A_327 = vector.broadcast %add3A_326 : i32 to vector<16xi32>
      %add3A_328 = arith.addi %add3A_327, %iota3A : vector<16xi32>
      %select_n3A_329 = arith.select %and3A_320, %add3A_324, %add3A_328 : vector<16xi1>, vector<16xi32>
      %swap3A_330 = arith.index_cast %add3A_305 : i32 to index
      %swap3A_331 = tpu.vector_load %arg9[%swap3A_330] {strides = array<i32>} : memref<9088xi32, #tpu.memory_space<vmem>>, vector<16xi32>,
      %swap3A_332 = vector.shape_cast %swap3A_331 : vector<16xi32> to vector<16xi32>
      %swap3A_333 = vector.shape_cast %select_n3A_329 : vector<16xi32> to vector<16xi32>
      tpu.vector_store %arg9[%swap3A_330], %swap3A_333 {strides = array<i32>} : memref<9088xi32, #tpu.memory_space<vmem>>, vector<16xi32>,
      %mul3A_334 = arith.constant 128 : i32
      %mul3A_335 = arith.muli %scan3A_180, %mul3A_334 : i32
      %add3A_336 = arith.constant 80 : i32
      %add3A_337 = arith.addi %mul3A_335, %add3A_336 : i32
      %get3A_338 = arith.index_cast %add3A_337 : i32 to index
      %get3A_339 = tpu.vector_load %arg7[%get3A_338] {strides = array<i32>} : memref<9088xi32, #tpu.memory_space<vmem>>, vector<16xi32>,
      %get3A_340 = vector.shape_cast %get3A_339 : vector<16xi32> to vector<16xi32>
      %get3A_341 = arith.index_cast %add3A_337 : i32 to index
      %get3A_342 = tpu.vector_load %arg8[%get3A_341] {strides = array<i32>} : memref<9088xi32, #tpu.memory_space<vmem>>, vector<16xi32>,
      %get3A_343 = vector.shape_cast %get3A_342 : vector<16xi32> to vector<16xi32>
      %sub3A_344 = vector.broadcast %mul3A_97 : i32 to vector<16xi32>
      %sub3A_345 = arith.subi %get3A_343, %sub3A_344 : vector<16xi32>
      %ge3A_346 = arith.constant 0 : i32
      %ge3A_347 = vector.broadcast %ge3A_346 : i32 to vector<16xi32>
      %ge3A_348 = arith.cmpi sge, %sub3A_345, %ge3A_347 : vector<16xi32>
      %lt3A_349 = arith.constant 576 : i32
      %lt3A_350 = vector.broadcast %lt3A_349 : i32 to vector<16xi32>
      %lt3A_351 = arith.cmpi slt, %sub3A_345, %lt3A_350 : vector<16xi32>
      %and3A_352 = arith.andi %ge3A_348, %lt3A_351 : vector<16xi1>
      %mul3A_353 = arith.constant 2304 : i32
      %mul3A_354 = vector.broadcast %mul3A_353 : i32 to vector<16xi32>
      %mul3A_355 = arith.muli %sub3A_345, %mul3A_354 : vector<16xi32>
      %add3A_356 = arith.addi %mul3A_355, %get3A_340 : vector<16xi32>
      %add3A_357 = arith.constant 80 : i32
      %add3A_358 = arith.addi %add3A_3, %add3A_357 : i32
      %add3A_359 = vector.broadcast %add3A_358 : i32 to vector<16xi32>
      %add3A_360 = arith.addi %add3A_359, %iota3A : vector<16xi32>
      %select_n3A_361 = arith.select %and3A_352, %add3A_356, %add3A_360 : vector<16xi1>, vector<16xi32>
      %swap3A_362 = arith.index_cast %add3A_337 : i32 to index
      %swap3A_363 = tpu.vector_load %arg9[%swap3A_362] {strides = array<i32>} : memref<9088xi32, #tpu.memory_space<vmem>>, vector<16xi32>,
      %swap3A_364 = vector.shape_cast %swap3A_363 : vector<16xi32> to vector<16xi32>
      %swap3A_365 = vector.shape_cast %select_n3A_361 : vector<16xi32> to vector<16xi32>
      tpu.vector_store %arg9[%swap3A_362], %swap3A_365 {strides = array<i32>} : memref<9088xi32, #tpu.memory_space<vmem>>, vector<16xi32>,
      %mul3A_366 = arith.constant 128 : i32
      %mul3A_367 = arith.muli %scan3A_180, %mul3A_366 : i32
      %add3A_368 = arith.constant 96 : i32
      %add3A_369 = arith.addi %mul3A_367, %add3A_368 : i32
      %get3A_370 = arith.index_cast %add3A_369 : i32 to index
      %get3A_371 = tpu.vector_load %arg7[%get3A_370] {strides = array<i32>} : memref<9088xi32, #tpu.memory_space<vmem>>, vector<16xi32>,
      %get3A_372 = vector.shape_cast %get3A_371 : vector<16xi32> to vector<16xi32>
      %get3A_373 = arith.index_cast %add3A_369 : i32 to index
      %get3A_374 = tpu.vector_load %arg8[%get3A_373] {strides = array<i32>} : memref<9088xi32, #tpu.memory_space<vmem>>, vector<16xi32>,
      %get3A_375 = vector.shape_cast %get3A_374 : vector<16xi32> to vector<16xi32>
      %sub3A_376 = vector.broadcast %mul3A_97 : i32 to vector<16xi32>
      %sub3A_377 = arith.subi %get3A_375, %sub3A_376 : vector<16xi32>
      %ge3A_378 = arith.constant 0 : i32
      %ge3A_379 = vector.broadcast %ge3A_378 : i32 to vector<16xi32>
      %ge3A_380 = arith.cmpi sge, %sub3A_377, %ge3A_379 : vector<16xi32>
      %lt3A_381 = arith.constant 576 : i32
      %lt3A_382 = vector.broadcast %lt3A_381 : i32 to vector<16xi32>
      %lt3A_383 = arith.cmpi slt, %sub3A_377, %lt3A_382 : vector<16xi32>
      %and3A_384 = arith.andi %ge3A_380, %lt3A_383 : vector<16xi1>
      %mul3A_385 = arith.constant 2304 : i32
      %mul3A_386 = vector.broadcast %mul3A_385 : i32 to vector<16xi32>
      %mul3A_387 = arith.muli %sub3A_377, %mul3A_386 : vector<16xi32>
      %add3A_388 = arith.addi %mul3A_387, %get3A_372 : vector<16xi32>
      %add3A_389 = arith.constant 96 : i32
      %add3A_390 = arith.addi %add3A_3, %add3A_389 : i32
      %add3A_391 = vector.broadcast %add3A_390 : i32 to vector<16xi32>
      %add3A_392 = arith.addi %add3A_391, %iota3A : vector<16xi32>
      %select_n3A_393 = arith.select %and3A_384, %add3A_388, %add3A_392 : vector<16xi1>, vector<16xi32>
      %swap3A_394 = arith.index_cast %add3A_369 : i32 to index
      %swap3A_395 = tpu.vector_load %arg9[%swap3A_394] {strides = array<i32>} : memref<9088xi32, #tpu.memory_space<vmem>>, vector<16xi32>,
      %swap3A_396 = vector.shape_cast %swap3A_395 : vector<16xi32> to vector<16xi32>
      %swap3A_397 = vector.shape_cast %select_n3A_393 : vector<16xi32> to vector<16xi32>
      tpu.vector_store %arg9[%swap3A_394], %swap3A_397 {strides = array<i32>} : memref<9088xi32, #tpu.memory_space<vmem>>, vector<16xi32>,
      %mul3A_398 = arith.constant 128 : i32
      %mul3A_399 = arith.muli %scan3A_180, %mul3A_398 : i32
      %add3A_400 = arith.constant 112 : i32
      %add3A_401 = arith.addi %mul3A_399, %add3A_400 : i32
      %get3A_402 = arith.index_cast %add3A_401 : i32 to index
      %get3A_403 = tpu.vector_load %arg7[%get3A_402] {strides = array<i32>} : memref<9088xi32, #tpu.memory_space<vmem>>, vector<16xi32>,
      %get3A_404 = vector.shape_cast %get3A_403 : vector<16xi32> to vector<16xi32>
      %get3A_405 = arith.index_cast %add3A_401 : i32 to index
      %get3A_406 = tpu.vector_load %arg8[%get3A_405] {strides = array<i32>} : memref<9088xi32, #tpu.memory_space<vmem>>, vector<16xi32>,
      %get3A_407 = vector.shape_cast %get3A_406 : vector<16xi32> to vector<16xi32>
      %sub3A_408 = vector.broadcast %mul3A_97 : i32 to vector<16xi32>
      %sub3A_409 = arith.subi %get3A_407, %sub3A_408 : vector<16xi32>
      %ge3A_410 = arith.constant 0 : i32
      %ge3A_411 = vector.broadcast %ge3A_410 : i32 to vector<16xi32>
      %ge3A_412 = arith.cmpi sge, %sub3A_409, %ge3A_411 : vector<16xi32>
      %lt3A_413 = arith.constant 576 : i32
      %lt3A_414 = vector.broadcast %lt3A_413 : i32 to vector<16xi32>
      %lt3A_415 = arith.cmpi slt, %sub3A_409, %lt3A_414 : vector<16xi32>
      %and3A_416 = arith.andi %ge3A_412, %lt3A_415 : vector<16xi1>
      %mul3A_417 = arith.constant 2304 : i32
      %mul3A_418 = vector.broadcast %mul3A_417 : i32 to vector<16xi32>
      %mul3A_419 = arith.muli %sub3A_409, %mul3A_418 : vector<16xi32>
      %add3A_420 = arith.addi %mul3A_419, %get3A_404 : vector<16xi32>
      %add3A_421 = arith.constant 112 : i32
      %add3A_422 = arith.addi %add3A_3, %add3A_421 : i32
      %add3A_423 = vector.broadcast %add3A_422 : i32 to vector<16xi32>
      %add3A_424 = arith.addi %add3A_423, %iota3A : vector<16xi32>
      %select_n3A_425 = arith.select %and3A_416, %add3A_420, %add3A_424 : vector<16xi1>, vector<16xi32>
      %swap3A_426 = arith.index_cast %add3A_401 : i32 to index
      %swap3A_427 = tpu.vector_load %arg9[%swap3A_426] {strides = array<i32>} : memref<9088xi32, #tpu.memory_space<vmem>>, vector<16xi32>,
      %swap3A_428 = vector.shape_cast %swap3A_427 : vector<16xi32> to vector<16xi32>
      %swap3A_429 = vector.shape_cast %select_n3A_425 : vector<16xi32> to vector<16xi32>
      tpu.vector_store %arg9[%swap3A_426], %swap3A_429 {strides = array<i32>} : memref<9088xi32, #tpu.memory_space<vmem>>, vector<16xi32>,
    }
    %scan3A_106 = arith.constant 71 : i32
    %dma_wait3A_107 = tpu.memref_slice %arg11[%mul3A_99] : memref<1329152xf32, #tpu.memory_space<vmem_shared>> -> memref<82944xf32, #tpu.memory_space<vmem_shared>>
    tpu.wait_dma2 semaphore(%arg12 : memref<!tpu.dma_semaphore, #tpu.memory_space<semaphore_mem>>) src(%arg5 : memref<82944xf32, #tpu.memory_space<hbm>>) dst(%dma_wait3A_107 : memref<82944xf32, #tpu.memory_space<vmem_shared>>)
    %barrier3A_108 = arith.constant 0 : index
    tpu.barrier barrier_id(%barrier3A_108)
    "tpu.region"() ({
      %run_scoped3A = tpu.sem_alloc : memref<!tpu.dma_semaphore, #tpu.memory_space<semaphore_mem>>
      %dma_start3A_180 = arith.constant 0 : i32
      %dma_start3A_181 = tpu.memref_slice %arg11[%dma_start3A_180] : memref<1329152xf32, #tpu.memory_space<vmem_shared>> -> memref<1329152xf32, #tpu.memory_space<vmem_shared>>
      tpu.enqueue_indirect_dma source(%arg10 : memref<9088xf32, #tpu.memory_space<vmem>>) target(%dma_start3A_181 : memref<1329152xf32, #tpu.memory_space<vmem_shared>>) offsets(%arg9 : memref<9088xi32, #tpu.memory_space<vmem>>) semaphore(%run_scoped3A : memref<!tpu.dma_semaphore, #tpu.memory_space<semaphore_mem>>) {add = true}
      %dma_wait3A_182 = arith.constant 0 : i32
      %dma_wait3A_183 = tpu.memref_slice %arg11[%dma_wait3A_182] : memref<1329152xf32, #tpu.memory_space<vmem_shared>> -> memref<1329152xf32, #tpu.memory_space<vmem_shared>>
      tpu.wait_indirect_dma semaphore(%run_scoped3A : memref<!tpu.dma_semaphore, #tpu.memory_space<semaphore_mem>>) src(%arg10 : memref<9088xf32, #tpu.memory_space<vmem>>) dst(%dma_wait3A_183 : memref<1329152xf32, #tpu.memory_space<vmem_shared>>)
      tpu.yield
    }) : () -> ()
    %barrier3A_109 = arith.constant 0 : index
    tpu.barrier barrier_id(%barrier3A_109)
    %mul3A_110 = arith.constant 2304 : i32
    %mul3A_111 = arith.muli %mul3A_97, %mul3A_110 : i32
    %add3A_112 = arith.constant 5308416 : i32
    %add3A_113 = arith.addi %add3A_112, %mul3A_111 : i32
    %mul3A_114 = arith.constant 82944 : i32
    %mul3A_115 = arith.muli %arg1, %mul3A_114 : i32
    %add3A_116 = arith.addi %add3A_113, %mul3A_115 : i32
    %mul3A_117 = arith.constant 82944 : i32
    %mul3A_118 = arith.muli %arg1, %mul3A_117 : i32
    "tpu.region"() ({
      %run_scoped3A = tpu.sem_alloc : memref<!tpu.dma_semaphore, #tpu.memory_space<semaphore_mem>>
      %dma_start3A_180 = tpu.memref_slice %arg6[%add3A_116] : memref<15925248xf32, #tpu.memory_space<hbm>> -> memref<82944xf32, #tpu.memory_space<hbm>>
      %dma_start3A_181 = tpu.memref_slice %arg11[%mul3A_118] : memref<1329152xf32, #tpu.memory_space<vmem_shared>> -> memref<82944xf32, #tpu.memory_space<vmem_shared>>
      tpu.enqueue_dma source(%dma_start3A_181 : memref<82944xf32, #tpu.memory_space<vmem_shared>>) target(%dma_start3A_180 : memref<82944xf32, #tpu.memory_space<hbm>>) target_semaphore(%run_scoped3A : memref<!tpu.dma_semaphore, #tpu.memory_space<semaphore_mem>>)
      %dma_wait3A_182 = tpu.memref_slice %arg6[%add3A_116] : memref<15925248xf32, #tpu.memory_space<hbm>> -> memref<82944xf32, #tpu.memory_space<hbm>>
      %dma_wait3A_183 = tpu.memref_slice %arg11[%mul3A_118] : memref<1329152xf32, #tpu.memory_space<vmem_shared>> -> memref<82944xf32, #tpu.memory_space<vmem_shared>>
      tpu.wait_dma2 semaphore(%run_scoped3A : memref<!tpu.dma_semaphore, #tpu.memory_space<semaphore_mem>>) src(%dma_wait3A_183 : memref<82944xf32, #tpu.memory_space<vmem_shared>>) dst(%dma_wait3A_182 : memref<82944xf32, #tpu.memory_space<hbm>>)
      tpu.yield
    }) : () -> ()
    %barrier3A_119 = arith.constant 0 : index
    tpu.barrier barrier_id(%barrier3A_119)
    %add3A_120 = arith.constant 290816 : i32
    %add3A_121 = arith.addi %add3A_120, %mul3A_0 : i32
    "tpu.region"() ({
      %run_scoped3A = tpu.sem_alloc : memref<!tpu.dma_semaphore, #tpu.memory_space<semaphore_mem>>
      %dma_start3A_180 = tpu.memref_slice %arg2[%add3A_121] : memref<436224xi32, #tpu.memory_space<hbm>> -> memref<9088xi32, #tpu.memory_space<hbm>>
      %dma_start3A_181 = tpu.memref_slice %arg2[%add3A_121] : memref<436224xi32, #tpu.memory_space<hbm>> -> memref<9088xi32, #tpu.memory_space<hbm>>
      tpu.enqueue_dma source(%dma_start3A_181 : memref<9088xi32, #tpu.memory_space<hbm>>) target(%arg7 : memref<9088xi32, #tpu.memory_space<vmem>>) target_semaphore(%run_scoped3A : memref<!tpu.dma_semaphore, #tpu.memory_space<semaphore_mem>>)
      %dma_wait3A_182 = tpu.memref_slice %arg2[%add3A_121] : memref<436224xi32, #tpu.memory_space<hbm>> -> memref<9088xi32, #tpu.memory_space<hbm>>
      %dma_wait3A_183 = tpu.memref_slice %arg2[%add3A_121] : memref<436224xi32, #tpu.memory_space<hbm>> -> memref<9088xi32, #tpu.memory_space<hbm>>
      tpu.wait_dma2 semaphore(%run_scoped3A : memref<!tpu.dma_semaphore, #tpu.memory_space<semaphore_mem>>) src(%dma_wait3A_183 : memref<9088xi32, #tpu.memory_space<hbm>>) dst(%arg7 : memref<9088xi32, #tpu.memory_space<vmem>>)
      tpu.yield
    }) : () -> ()
    %add3A_122 = arith.constant 290816 : i32
    %add3A_123 = arith.addi %add3A_122, %mul3A_0 : i32
    "tpu.region"() ({
      %run_scoped3A = tpu.sem_alloc : memref<!tpu.dma_semaphore, #tpu.memory_space<semaphore_mem>>
      %dma_start3A_180 = tpu.memref_slice %arg3[%add3A_123] : memref<436224xi32, #tpu.memory_space<hbm>> -> memref<9088xi32, #tpu.memory_space<hbm>>
      %dma_start3A_181 = tpu.memref_slice %arg3[%add3A_123] : memref<436224xi32, #tpu.memory_space<hbm>> -> memref<9088xi32, #tpu.memory_space<hbm>>
      tpu.enqueue_dma source(%dma_start3A_181 : memref<9088xi32, #tpu.memory_space<hbm>>) target(%arg8 : memref<9088xi32, #tpu.memory_space<vmem>>) target_semaphore(%run_scoped3A : memref<!tpu.dma_semaphore, #tpu.memory_space<semaphore_mem>>)
      %dma_wait3A_182 = tpu.memref_slice %arg3[%add3A_123] : memref<436224xi32, #tpu.memory_space<hbm>> -> memref<9088xi32, #tpu.memory_space<hbm>>
      %dma_wait3A_183 = tpu.memref_slice %arg3[%add3A_123] : memref<436224xi32, #tpu.memory_space<hbm>> -> memref<9088xi32, #tpu.memory_space<hbm>>
      tpu.wait_dma2 semaphore(%run_scoped3A : memref<!tpu.dma_semaphore, #tpu.memory_space<semaphore_mem>>) src(%dma_wait3A_183 : memref<9088xi32, #tpu.memory_space<hbm>>) dst(%arg8 : memref<9088xi32, #tpu.memory_space<vmem>>)
      tpu.yield
    }) : () -> ()
    %mul3A_124 = arith.constant 2 : i32
    %mul3A_125 = arith.muli %arg0, %mul3A_124 : i32
    %add3A_126 = arith.constant 0 : i32
    %add3A_127 = arith.addi %mul3A_125, %add3A_126 : i32
    %mul3A_128 = arith.constant 576 : i32
    %mul3A_129 = arith.muli %add3A_127, %mul3A_128 : i32
    %mul3A_130 = arith.constant 82944 : i32
    %mul3A_131 = arith.muli %arg1, %mul3A_130 : i32
    %dma_start3A_132 = tpu.memref_slice %arg11[%mul3A_131] : memref<1329152xf32, #tpu.memory_space<vmem_shared>> -> memref<82944xf32, #tpu.memory_space<vmem_shared>>
    tpu.enqueue_dma source(%arg5 : memref<82944xf32, #tpu.memory_space<hbm>>) target(%dma_start3A_132 : memref<82944xf32, #tpu.memory_space<vmem_shared>>) target_semaphore(%arg12 : memref<!tpu.dma_semaphore, #tpu.memory_space<semaphore_mem>>)
    %scan3A_133 = arith.constant 0 : i32
    %scan3A_134 = arith.constant 0 : i32
    %scan3A_135 = arith.constant 71 : i32
    %scan3A_136 = arith.addi %scan3A_134, %scan3A_135 : i32
    %scan3A_137 = arith.constant 1 : i32
    scf.for %scan3A_180 = %scan3A_134 to %scan3A_136 step %scan3A_137  : i32 {
      %mul3A_181 = arith.constant 128 : i32
      %mul3A_182 = arith.muli %scan3A_180, %mul3A_181 : i32
      %add3A_183 = arith.constant 0 : i32
      %add3A_184 = arith.addi %mul3A_182, %add3A_183 : i32
      %get3A = arith.index_cast %add3A_184 : i32 to index
      %get3A_185 = tpu.vector_load %arg7[%get3A] {strides = array<i32>} : memref<9088xi32, #tpu.memory_space<vmem>>, vector<16xi32>,
      %get3A_186 = vector.shape_cast %get3A_185 : vector<16xi32> to vector<16xi32>
      %get3A_187 = arith.index_cast %add3A_184 : i32 to index
      %get3A_188 = tpu.vector_load %arg8[%get3A_187] {strides = array<i32>} : memref<9088xi32, #tpu.memory_space<vmem>>, vector<16xi32>,
      %get3A_189 = vector.shape_cast %get3A_188 : vector<16xi32> to vector<16xi32>
      %sub3A = vector.broadcast %mul3A_129 : i32 to vector<16xi32>
      %sub3A_190 = arith.subi %get3A_189, %sub3A : vector<16xi32>
      %ge3A = arith.constant 0 : i32
      %ge3A_191 = vector.broadcast %ge3A : i32 to vector<16xi32>
      %ge3A_192 = arith.cmpi sge, %sub3A_190, %ge3A_191 : vector<16xi32>
      %lt3A = arith.constant 576 : i32
      %lt3A_193 = vector.broadcast %lt3A : i32 to vector<16xi32>
      %lt3A_194 = arith.cmpi slt, %sub3A_190, %lt3A_193 : vector<16xi32>
      %and3A = arith.andi %ge3A_192, %lt3A_194 : vector<16xi1>
      %mul3A_195 = arith.constant 2304 : i32
      %mul3A_196 = vector.broadcast %mul3A_195 : i32 to vector<16xi32>
      %mul3A_197 = arith.muli %sub3A_190, %mul3A_196 : vector<16xi32>
      %add3A_198 = arith.addi %mul3A_197, %get3A_186 : vector<16xi32>
      %add3A_199 = arith.constant 0 : i32
      %add3A_200 = arith.addi %add3A_3, %add3A_199 : i32
      %add3A_201 = vector.broadcast %add3A_200 : i32 to vector<16xi32>
      %add3A_202 = arith.addi %add3A_201, %iota3A : vector<16xi32>
      %select_n3A = arith.select %and3A, %add3A_198, %add3A_202 : vector<16xi1>, vector<16xi32>
      %swap3A = arith.index_cast %add3A_184 : i32 to index
      %swap3A_203 = tpu.vector_load %arg9[%swap3A] {strides = array<i32>} : memref<9088xi32, #tpu.memory_space<vmem>>, vector<16xi32>,
      %swap3A_204 = vector.shape_cast %swap3A_203 : vector<16xi32> to vector<16xi32>
      %swap3A_205 = vector.shape_cast %select_n3A : vector<16xi32> to vector<16xi32>
      tpu.vector_store %arg9[%swap3A], %swap3A_205 {strides = array<i32>} : memref<9088xi32, #tpu.memory_space<vmem>>, vector<16xi32>,
      %mul3A_206 = arith.constant 128 : i32
      %mul3A_207 = arith.muli %scan3A_180, %mul3A_206 : i32
      %add3A_208 = arith.constant 16 : i32
      %add3A_209 = arith.addi %mul3A_207, %add3A_208 : i32
      %get3A_210 = arith.index_cast %add3A_209 : i32 to index
      %get3A_211 = tpu.vector_load %arg7[%get3A_210] {strides = array<i32>} : memref<9088xi32, #tpu.memory_space<vmem>>, vector<16xi32>,
      %get3A_212 = vector.shape_cast %get3A_211 : vector<16xi32> to vector<16xi32>
      %get3A_213 = arith.index_cast %add3A_209 : i32 to index
      %get3A_214 = tpu.vector_load %arg8[%get3A_213] {strides = array<i32>} : memref<9088xi32, #tpu.memory_space<vmem>>, vector<16xi32>,
      %get3A_215 = vector.shape_cast %get3A_214 : vector<16xi32> to vector<16xi32>
      %sub3A_216 = vector.broadcast %mul3A_129 : i32 to vector<16xi32>
      %sub3A_217 = arith.subi %get3A_215, %sub3A_216 : vector<16xi32>
      %ge3A_218 = arith.constant 0 : i32
      %ge3A_219 = vector.broadcast %ge3A_218 : i32 to vector<16xi32>
      %ge3A_220 = arith.cmpi sge, %sub3A_217, %ge3A_219 : vector<16xi32>
      %lt3A_221 = arith.constant 576 : i32
      %lt3A_222 = vector.broadcast %lt3A_221 : i32 to vector<16xi32>
      %lt3A_223 = arith.cmpi slt, %sub3A_217, %lt3A_222 : vector<16xi32>
      %and3A_224 = arith.andi %ge3A_220, %lt3A_223 : vector<16xi1>
      %mul3A_225 = arith.constant 2304 : i32
      %mul3A_226 = vector.broadcast %mul3A_225 : i32 to vector<16xi32>
      %mul3A_227 = arith.muli %sub3A_217, %mul3A_226 : vector<16xi32>
      %add3A_228 = arith.addi %mul3A_227, %get3A_212 : vector<16xi32>
      %add3A_229 = arith.constant 16 : i32
      %add3A_230 = arith.addi %add3A_3, %add3A_229 : i32
      %add3A_231 = vector.broadcast %add3A_230 : i32 to vector<16xi32>
      %add3A_232 = arith.addi %add3A_231, %iota3A : vector<16xi32>
      %select_n3A_233 = arith.select %and3A_224, %add3A_228, %add3A_232 : vector<16xi1>, vector<16xi32>
      %swap3A_234 = arith.index_cast %add3A_209 : i32 to index
      %swap3A_235 = tpu.vector_load %arg9[%swap3A_234] {strides = array<i32>} : memref<9088xi32, #tpu.memory_space<vmem>>, vector<16xi32>,
      %swap3A_236 = vector.shape_cast %swap3A_235 : vector<16xi32> to vector<16xi32>
      %swap3A_237 = vector.shape_cast %select_n3A_233 : vector<16xi32> to vector<16xi32>
      tpu.vector_store %arg9[%swap3A_234], %swap3A_237 {strides = array<i32>} : memref<9088xi32, #tpu.memory_space<vmem>>, vector<16xi32>,
      %mul3A_238 = arith.constant 128 : i32
      %mul3A_239 = arith.muli %scan3A_180, %mul3A_238 : i32
      %add3A_240 = arith.constant 32 : i32
      %add3A_241 = arith.addi %mul3A_239, %add3A_240 : i32
      %get3A_242 = arith.index_cast %add3A_241 : i32 to index
      %get3A_243 = tpu.vector_load %arg7[%get3A_242] {strides = array<i32>} : memref<9088xi32, #tpu.memory_space<vmem>>, vector<16xi32>,
      %get3A_244 = vector.shape_cast %get3A_243 : vector<16xi32> to vector<16xi32>
      %get3A_245 = arith.index_cast %add3A_241 : i32 to index
      %get3A_246 = tpu.vector_load %arg8[%get3A_245] {strides = array<i32>} : memref<9088xi32, #tpu.memory_space<vmem>>, vector<16xi32>,
      %get3A_247 = vector.shape_cast %get3A_246 : vector<16xi32> to vector<16xi32>
      %sub3A_248 = vector.broadcast %mul3A_129 : i32 to vector<16xi32>
      %sub3A_249 = arith.subi %get3A_247, %sub3A_248 : vector<16xi32>
      %ge3A_250 = arith.constant 0 : i32
      %ge3A_251 = vector.broadcast %ge3A_250 : i32 to vector<16xi32>
      %ge3A_252 = arith.cmpi sge, %sub3A_249, %ge3A_251 : vector<16xi32>
      %lt3A_253 = arith.constant 576 : i32
      %lt3A_254 = vector.broadcast %lt3A_253 : i32 to vector<16xi32>
      %lt3A_255 = arith.cmpi slt, %sub3A_249, %lt3A_254 : vector<16xi32>
      %and3A_256 = arith.andi %ge3A_252, %lt3A_255 : vector<16xi1>
      %mul3A_257 = arith.constant 2304 : i32
      %mul3A_258 = vector.broadcast %mul3A_257 : i32 to vector<16xi32>
      %mul3A_259 = arith.muli %sub3A_249, %mul3A_258 : vector<16xi32>
      %add3A_260 = arith.addi %mul3A_259, %get3A_244 : vector<16xi32>
      %add3A_261 = arith.constant 32 : i32
      %add3A_262 = arith.addi %add3A_3, %add3A_261 : i32
      %add3A_263 = vector.broadcast %add3A_262 : i32 to vector<16xi32>
      %add3A_264 = arith.addi %add3A_263, %iota3A : vector<16xi32>
      %select_n3A_265 = arith.select %and3A_256, %add3A_260, %add3A_264 : vector<16xi1>, vector<16xi32>
      %swap3A_266 = arith.index_cast %add3A_241 : i32 to index
      %swap3A_267 = tpu.vector_load %arg9[%swap3A_266] {strides = array<i32>} : memref<9088xi32, #tpu.memory_space<vmem>>, vector<16xi32>,
      %swap3A_268 = vector.shape_cast %swap3A_267 : vector<16xi32> to vector<16xi32>
      %swap3A_269 = vector.shape_cast %select_n3A_265 : vector<16xi32> to vector<16xi32>
      tpu.vector_store %arg9[%swap3A_266], %swap3A_269 {strides = array<i32>} : memref<9088xi32, #tpu.memory_space<vmem>>, vector<16xi32>,
      %mul3A_270 = arith.constant 128 : i32
      %mul3A_271 = arith.muli %scan3A_180, %mul3A_270 : i32
      %add3A_272 = arith.constant 48 : i32
      %add3A_273 = arith.addi %mul3A_271, %add3A_272 : i32
      %get3A_274 = arith.index_cast %add3A_273 : i32 to index
      %get3A_275 = tpu.vector_load %arg7[%get3A_274] {strides = array<i32>} : memref<9088xi32, #tpu.memory_space<vmem>>, vector<16xi32>,
      %get3A_276 = vector.shape_cast %get3A_275 : vector<16xi32> to vector<16xi32>
      %get3A_277 = arith.index_cast %add3A_273 : i32 to index
      %get3A_278 = tpu.vector_load %arg8[%get3A_277] {strides = array<i32>} : memref<9088xi32, #tpu.memory_space<vmem>>, vector<16xi32>,
      %get3A_279 = vector.shape_cast %get3A_278 : vector<16xi32> to vector<16xi32>
      %sub3A_280 = vector.broadcast %mul3A_129 : i32 to vector<16xi32>
      %sub3A_281 = arith.subi %get3A_279, %sub3A_280 : vector<16xi32>
      %ge3A_282 = arith.constant 0 : i32
      %ge3A_283 = vector.broadcast %ge3A_282 : i32 to vector<16xi32>
      %ge3A_284 = arith.cmpi sge, %sub3A_281, %ge3A_283 : vector<16xi32>
      %lt3A_285 = arith.constant 576 : i32
      %lt3A_286 = vector.broadcast %lt3A_285 : i32 to vector<16xi32>
      %lt3A_287 = arith.cmpi slt, %sub3A_281, %lt3A_286 : vector<16xi32>
      %and3A_288 = arith.andi %ge3A_284, %lt3A_287 : vector<16xi1>
      %mul3A_289 = arith.constant 2304 : i32
      %mul3A_290 = vector.broadcast %mul3A_289 : i32 to vector<16xi32>
      %mul3A_291 = arith.muli %sub3A_281, %mul3A_290 : vector<16xi32>
      %add3A_292 = arith.addi %mul3A_291, %get3A_276 : vector<16xi32>
      %add3A_293 = arith.constant 48 : i32
      %add3A_294 = arith.addi %add3A_3, %add3A_293 : i32
      %add3A_295 = vector.broadcast %add3A_294 : i32 to vector<16xi32>
      %add3A_296 = arith.addi %add3A_295, %iota3A : vector<16xi32>
      %select_n3A_297 = arith.select %and3A_288, %add3A_292, %add3A_296 : vector<16xi1>, vector<16xi32>
      %swap3A_298 = arith.index_cast %add3A_273 : i32 to index
      %swap3A_299 = tpu.vector_load %arg9[%swap3A_298] {strides = array<i32>} : memref<9088xi32, #tpu.memory_space<vmem>>, vector<16xi32>,
      %swap3A_300 = vector.shape_cast %swap3A_299 : vector<16xi32> to vector<16xi32>
      %swap3A_301 = vector.shape_cast %select_n3A_297 : vector<16xi32> to vector<16xi32>
      tpu.vector_store %arg9[%swap3A_298], %swap3A_301 {strides = array<i32>} : memref<9088xi32, #tpu.memory_space<vmem>>, vector<16xi32>,
      %mul3A_302 = arith.constant 128 : i32
      %mul3A_303 = arith.muli %scan3A_180, %mul3A_302 : i32
      %add3A_304 = arith.constant 64 : i32
      %add3A_305 = arith.addi %mul3A_303, %add3A_304 : i32
      %get3A_306 = arith.index_cast %add3A_305 : i32 to index
      %get3A_307 = tpu.vector_load %arg7[%get3A_306] {strides = array<i32>} : memref<9088xi32, #tpu.memory_space<vmem>>, vector<16xi32>,
      %get3A_308 = vector.shape_cast %get3A_307 : vector<16xi32> to vector<16xi32>
      %get3A_309 = arith.index_cast %add3A_305 : i32 to index
      %get3A_310 = tpu.vector_load %arg8[%get3A_309] {strides = array<i32>} : memref<9088xi32, #tpu.memory_space<vmem>>, vector<16xi32>,
      %get3A_311 = vector.shape_cast %get3A_310 : vector<16xi32> to vector<16xi32>
      %sub3A_312 = vector.broadcast %mul3A_129 : i32 to vector<16xi32>
      %sub3A_313 = arith.subi %get3A_311, %sub3A_312 : vector<16xi32>
      %ge3A_314 = arith.constant 0 : i32
      %ge3A_315 = vector.broadcast %ge3A_314 : i32 to vector<16xi32>
      %ge3A_316 = arith.cmpi sge, %sub3A_313, %ge3A_315 : vector<16xi32>
      %lt3A_317 = arith.constant 576 : i32
      %lt3A_318 = vector.broadcast %lt3A_317 : i32 to vector<16xi32>
      %lt3A_319 = arith.cmpi slt, %sub3A_313, %lt3A_318 : vector<16xi32>
      %and3A_320 = arith.andi %ge3A_316, %lt3A_319 : vector<16xi1>
      %mul3A_321 = arith.constant 2304 : i32
      %mul3A_322 = vector.broadcast %mul3A_321 : i32 to vector<16xi32>
      %mul3A_323 = arith.muli %sub3A_313, %mul3A_322 : vector<16xi32>
      %add3A_324 = arith.addi %mul3A_323, %get3A_308 : vector<16xi32>
      %add3A_325 = arith.constant 64 : i32
      %add3A_326 = arith.addi %add3A_3, %add3A_325 : i32
      %add3A_327 = vector.broadcast %add3A_326 : i32 to vector<16xi32>
      %add3A_328 = arith.addi %add3A_327, %iota3A : vector<16xi32>
      %select_n3A_329 = arith.select %and3A_320, %add3A_324, %add3A_328 : vector<16xi1>, vector<16xi32>
      %swap3A_330 = arith.index_cast %add3A_305 : i32 to index
      %swap3A_331 = tpu.vector_load %arg9[%swap3A_330] {strides = array<i32>} : memref<9088xi32, #tpu.memory_space<vmem>>, vector<16xi32>,
      %swap3A_332 = vector.shape_cast %swap3A_331 : vector<16xi32> to vector<16xi32>
      %swap3A_333 = vector.shape_cast %select_n3A_329 : vector<16xi32> to vector<16xi32>
      tpu.vector_store %arg9[%swap3A_330], %swap3A_333 {strides = array<i32>} : memref<9088xi32, #tpu.memory_space<vmem>>, vector<16xi32>,
      %mul3A_334 = arith.constant 128 : i32
      %mul3A_335 = arith.muli %scan3A_180, %mul3A_334 : i32
      %add3A_336 = arith.constant 80 : i32
      %add3A_337 = arith.addi %mul3A_335, %add3A_336 : i32
      %get3A_338 = arith.index_cast %add3A_337 : i32 to index
      %get3A_339 = tpu.vector_load %arg7[%get3A_338] {strides = array<i32>} : memref<9088xi32, #tpu.memory_space<vmem>>, vector<16xi32>,
      %get3A_340 = vector.shape_cast %get3A_339 : vector<16xi32> to vector<16xi32>
      %get3A_341 = arith.index_cast %add3A_337 : i32 to index
      %get3A_342 = tpu.vector_load %arg8[%get3A_341] {strides = array<i32>} : memref<9088xi32, #tpu.memory_space<vmem>>, vector<16xi32>,
      %get3A_343 = vector.shape_cast %get3A_342 : vector<16xi32> to vector<16xi32>
      %sub3A_344 = vector.broadcast %mul3A_129 : i32 to vector<16xi32>
      %sub3A_345 = arith.subi %get3A_343, %sub3A_344 : vector<16xi32>
      %ge3A_346 = arith.constant 0 : i32
      %ge3A_347 = vector.broadcast %ge3A_346 : i32 to vector<16xi32>
      %ge3A_348 = arith.cmpi sge, %sub3A_345, %ge3A_347 : vector<16xi32>
      %lt3A_349 = arith.constant 576 : i32
      %lt3A_350 = vector.broadcast %lt3A_349 : i32 to vector<16xi32>
      %lt3A_351 = arith.cmpi slt, %sub3A_345, %lt3A_350 : vector<16xi32>
      %and3A_352 = arith.andi %ge3A_348, %lt3A_351 : vector<16xi1>
      %mul3A_353 = arith.constant 2304 : i32
      %mul3A_354 = vector.broadcast %mul3A_353 : i32 to vector<16xi32>
      %mul3A_355 = arith.muli %sub3A_345, %mul3A_354 : vector<16xi32>
      %add3A_356 = arith.addi %mul3A_355, %get3A_340 : vector<16xi32>
      %add3A_357 = arith.constant 80 : i32
      %add3A_358 = arith.addi %add3A_3, %add3A_357 : i32
      %add3A_359 = vector.broadcast %add3A_358 : i32 to vector<16xi32>
      %add3A_360 = arith.addi %add3A_359, %iota3A : vector<16xi32>
      %select_n3A_361 = arith.select %and3A_352, %add3A_356, %add3A_360 : vector<16xi1>, vector<16xi32>
      %swap3A_362 = arith.index_cast %add3A_337 : i32 to index
      %swap3A_363 = tpu.vector_load %arg9[%swap3A_362] {strides = array<i32>} : memref<9088xi32, #tpu.memory_space<vmem>>, vector<16xi32>,
      %swap3A_364 = vector.shape_cast %swap3A_363 : vector<16xi32> to vector<16xi32>
      %swap3A_365 = vector.shape_cast %select_n3A_361 : vector<16xi32> to vector<16xi32>
      tpu.vector_store %arg9[%swap3A_362], %swap3A_365 {strides = array<i32>} : memref<9088xi32, #tpu.memory_space<vmem>>, vector<16xi32>,
      %mul3A_366 = arith.constant 128 : i32
      %mul3A_367 = arith.muli %scan3A_180, %mul3A_366 : i32
      %add3A_368 = arith.constant 96 : i32
      %add3A_369 = arith.addi %mul3A_367, %add3A_368 : i32
      %get3A_370 = arith.index_cast %add3A_369 : i32 to index
      %get3A_371 = tpu.vector_load %arg7[%get3A_370] {strides = array<i32>} : memref<9088xi32, #tpu.memory_space<vmem>>, vector<16xi32>,
      %get3A_372 = vector.shape_cast %get3A_371 : vector<16xi32> to vector<16xi32>
      %get3A_373 = arith.index_cast %add3A_369 : i32 to index
      %get3A_374 = tpu.vector_load %arg8[%get3A_373] {strides = array<i32>} : memref<9088xi32, #tpu.memory_space<vmem>>, vector<16xi32>,
      %get3A_375 = vector.shape_cast %get3A_374 : vector<16xi32> to vector<16xi32>
      %sub3A_376 = vector.broadcast %mul3A_129 : i32 to vector<16xi32>
      %sub3A_377 = arith.subi %get3A_375, %sub3A_376 : vector<16xi32>
      %ge3A_378 = arith.constant 0 : i32
      %ge3A_379 = vector.broadcast %ge3A_378 : i32 to vector<16xi32>
      %ge3A_380 = arith.cmpi sge, %sub3A_377, %ge3A_379 : vector<16xi32>
      %lt3A_381 = arith.constant 576 : i32
      %lt3A_382 = vector.broadcast %lt3A_381 : i32 to vector<16xi32>
      %lt3A_383 = arith.cmpi slt, %sub3A_377, %lt3A_382 : vector<16xi32>
      %and3A_384 = arith.andi %ge3A_380, %lt3A_383 : vector<16xi1>
      %mul3A_385 = arith.constant 2304 : i32
      %mul3A_386 = vector.broadcast %mul3A_385 : i32 to vector<16xi32>
      %mul3A_387 = arith.muli %sub3A_377, %mul3A_386 : vector<16xi32>
      %add3A_388 = arith.addi %mul3A_387, %get3A_372 : vector<16xi32>
      %add3A_389 = arith.constant 96 : i32
      %add3A_390 = arith.addi %add3A_3, %add3A_389 : i32
      %add3A_391 = vector.broadcast %add3A_390 : i32 to vector<16xi32>
      %add3A_392 = arith.addi %add3A_391, %iota3A : vector<16xi32>
      %select_n3A_393 = arith.select %and3A_384, %add3A_388, %add3A_392 : vector<16xi1>, vector<16xi32>
      %swap3A_394 = arith.index_cast %add3A_369 : i32 to index
      %swap3A_395 = tpu.vector_load %arg9[%swap3A_394] {strides = array<i32>} : memref<9088xi32, #tpu.memory_space<vmem>>, vector<16xi32>,
      %swap3A_396 = vector.shape_cast %swap3A_395 : vector<16xi32> to vector<16xi32>
      %swap3A_397 = vector.shape_cast %select_n3A_393 : vector<16xi32> to vector<16xi32>
      tpu.vector_store %arg9[%swap3A_394], %swap3A_397 {strides = array<i32>} : memref<9088xi32, #tpu.memory_space<vmem>>, vector<16xi32>,
      %mul3A_398 = arith.constant 128 : i32
      %mul3A_399 = arith.muli %scan3A_180, %mul3A_398 : i32
      %add3A_400 = arith.constant 112 : i32
      %add3A_401 = arith.addi %mul3A_399, %add3A_400 : i32
      %get3A_402 = arith.index_cast %add3A_401 : i32 to index
      %get3A_403 = tpu.vector_load %arg7[%get3A_402] {strides = array<i32>} : memref<9088xi32, #tpu.memory_space<vmem>>, vector<16xi32>,
      %get3A_404 = vector.shape_cast %get3A_403 : vector<16xi32> to vector<16xi32>
      %get3A_405 = arith.index_cast %add3A_401 : i32 to index
      %get3A_406 = tpu.vector_load %arg8[%get3A_405] {strides = array<i32>} : memref<9088xi32, #tpu.memory_space<vmem>>, vector<16xi32>,
      %get3A_407 = vector.shape_cast %get3A_406 : vector<16xi32> to vector<16xi32>
      %sub3A_408 = vector.broadcast %mul3A_129 : i32 to vector<16xi32>
      %sub3A_409 = arith.subi %get3A_407, %sub3A_408 : vector<16xi32>
      %ge3A_410 = arith.constant 0 : i32
      %ge3A_411 = vector.broadcast %ge3A_410 : i32 to vector<16xi32>
      %ge3A_412 = arith.cmpi sge, %sub3A_409, %ge3A_411 : vector<16xi32>
      %lt3A_413 = arith.constant 576 : i32
      %lt3A_414 = vector.broadcast %lt3A_413 : i32 to vector<16xi32>
      %lt3A_415 = arith.cmpi slt, %sub3A_409, %lt3A_414 : vector<16xi32>
      %and3A_416 = arith.andi %ge3A_412, %lt3A_415 : vector<16xi1>
      %mul3A_417 = arith.constant 2304 : i32
      %mul3A_418 = vector.broadcast %mul3A_417 : i32 to vector<16xi32>
      %mul3A_419 = arith.muli %sub3A_409, %mul3A_418 : vector<16xi32>
      %add3A_420 = arith.addi %mul3A_419, %get3A_404 : vector<16xi32>
      %add3A_421 = arith.constant 112 : i32
      %add3A_422 = arith.addi %add3A_3, %add3A_421 : i32
      %add3A_423 = vector.broadcast %add3A_422 : i32 to vector<16xi32>
      %add3A_424 = arith.addi %add3A_423, %iota3A : vector<16xi32>
      %select_n3A_425 = arith.select %and3A_416, %add3A_420, %add3A_424 : vector<16xi1>, vector<16xi32>
      %swap3A_426 = arith.index_cast %add3A_401 : i32 to index
      %swap3A_427 = tpu.vector_load %arg9[%swap3A_426] {strides = array<i32>} : memref<9088xi32, #tpu.memory_space<vmem>>, vector<16xi32>,
      %swap3A_428 = vector.shape_cast %swap3A_427 : vector<16xi32> to vector<16xi32>
      %swap3A_429 = vector.shape_cast %select_n3A_425 : vector<16xi32> to vector<16xi32>
      tpu.vector_store %arg9[%swap3A_426], %swap3A_429 {strides = array<i32>} : memref<9088xi32, #tpu.memory_space<vmem>>, vector<16xi32>,
    }
    %scan3A_138 = arith.constant 71 : i32
    %dma_wait3A_139 = tpu.memref_slice %arg11[%mul3A_131] : memref<1329152xf32, #tpu.memory_space<vmem_shared>> -> memref<82944xf32, #tpu.memory_space<vmem_shared>>
    tpu.wait_dma2 semaphore(%arg12 : memref<!tpu.dma_semaphore, #tpu.memory_space<semaphore_mem>>) src(%arg5 : memref<82944xf32, #tpu.memory_space<hbm>>) dst(%dma_wait3A_139 : memref<82944xf32, #tpu.memory_space<vmem_shared>>)
    %barrier3A_140 = arith.constant 0 : index
    tpu.barrier barrier_id(%barrier3A_140)
    "tpu.region"() ({
      %run_scoped3A = tpu.sem_alloc : memref<!tpu.dma_semaphore, #tpu.memory_space<semaphore_mem>>
      %dma_start3A_180 = arith.constant 0 : i32
      %dma_start3A_181 = tpu.memref_slice %arg11[%dma_start3A_180] : memref<1329152xf32, #tpu.memory_space<vmem_shared>> -> memref<1329152xf32, #tpu.memory_space<vmem_shared>>
      tpu.enqueue_indirect_dma source(%arg10 : memref<9088xf32, #tpu.memory_space<vmem>>) target(%dma_start3A_181 : memref<1329152xf32, #tpu.memory_space<vmem_shared>>) offsets(%arg9 : memref<9088xi32, #tpu.memory_space<vmem>>) semaphore(%run_scoped3A : memref<!tpu.dma_semaphore, #tpu.memory_space<semaphore_mem>>) {add = true}
      %dma_wait3A_182 = arith.constant 0 : i32
      %dma_wait3A_183 = tpu.memref_slice %arg11[%dma_wait3A_182] : memref<1329152xf32, #tpu.memory_space<vmem_shared>> -> memref<1329152xf32, #tpu.memory_space<vmem_shared>>
      tpu.wait_indirect_dma semaphore(%run_scoped3A : memref<!tpu.dma_semaphore, #tpu.memory_space<semaphore_mem>>) src(%arg10 : memref<9088xf32, #tpu.memory_space<vmem>>) dst(%dma_wait3A_183 : memref<1329152xf32, #tpu.memory_space<vmem_shared>>)
      tpu.yield
    }) : () -> ()
    %barrier3A_141 = arith.constant 0 : index
    tpu.barrier barrier_id(%barrier3A_141)
    %mul3A_142 = arith.constant 2304 : i32
    %mul3A_143 = arith.muli %mul3A_129, %mul3A_142 : i32
    %add3A_144 = arith.constant 10616832 : i32
    %add3A_145 = arith.addi %add3A_144, %mul3A_143 : i32
    %mul3A_146 = arith.constant 82944 : i32
    %mul3A_147 = arith.muli %arg1, %mul3A_146 : i32
    %add3A_148 = arith.addi %add3A_145, %mul3A_147 : i32
    %mul3A_149 = arith.constant 82944 : i32
    %mul3A_150 = arith.muli %arg1, %mul3A_149 : i32
    "tpu.region"() ({
      %run_scoped3A = tpu.sem_alloc : memref<!tpu.dma_semaphore, #tpu.memory_space<semaphore_mem>>
      %dma_start3A_180 = tpu.memref_slice %arg6[%add3A_148] : memref<15925248xf32, #tpu.memory_space<hbm>> -> memref<82944xf32, #tpu.memory_space<hbm>>
      %dma_start3A_181 = tpu.memref_slice %arg11[%mul3A_150] : memref<1329152xf32, #tpu.memory_space<vmem_shared>> -> memref<82944xf32, #tpu.memory_space<vmem_shared>>
      tpu.enqueue_dma source(%dma_start3A_181 : memref<82944xf32, #tpu.memory_space<vmem_shared>>) target(%dma_start3A_180 : memref<82944xf32, #tpu.memory_space<hbm>>) target_semaphore(%run_scoped3A : memref<!tpu.dma_semaphore, #tpu.memory_space<semaphore_mem>>)
      %dma_wait3A_182 = tpu.memref_slice %arg6[%add3A_148] : memref<15925248xf32, #tpu.memory_space<hbm>> -> memref<82944xf32, #tpu.memory_space<hbm>>
      %dma_wait3A_183 = tpu.memref_slice %arg11[%mul3A_150] : memref<1329152xf32, #tpu.memory_space<vmem_shared>> -> memref<82944xf32, #tpu.memory_space<vmem_shared>>
      tpu.wait_dma2 semaphore(%run_scoped3A : memref<!tpu.dma_semaphore, #tpu.memory_space<semaphore_mem>>) src(%dma_wait3A_183 : memref<82944xf32, #tpu.memory_space<vmem_shared>>) dst(%dma_wait3A_182 : memref<82944xf32, #tpu.memory_space<hbm>>)
      tpu.yield
    }) : () -> ()
    %barrier3A_151 = arith.constant 0 : index
    tpu.barrier barrier_id(%barrier3A_151)
    %mul3A_152 = arith.constant 2 : i32
    %mul3A_153 = arith.muli %arg0, %mul3A_152 : i32
    %add3A_154 = arith.constant 1 : i32
    %add3A_155 = arith.addi %mul3A_153, %add3A_154 : i32
    %mul3A_156 = arith.constant 576 : i32
    %mul3A_157 = arith.muli %add3A_155, %mul3A_156 : i32
    %mul3A_158 = arith.constant 82944 : i32
    %mul3A_159 = arith.muli %arg1, %mul3A_158 : i32
    %dma_start3A_160 = tpu.memref_slice %arg11[%mul3A_159] : memref<1329152xf32, #tpu.memory_space<vmem_shared>> -> memref<82944xf32, #tpu.memory_space<vmem_shared>>
    tpu.enqueue_dma source(%arg5 : memref<82944xf32, #tpu.memory_space<hbm>>) target(%dma_start3A_160 : memref<82944xf32, #tpu.memory_space<vmem_shared>>) target_semaphore(%arg12 : memref<!tpu.dma_semaphore, #tpu.memory_space<semaphore_mem>>)
    %scan3A_161 = arith.constant 0 : i32
    %scan3A_162 = arith.constant 0 : i32
    %scan3A_163 = arith.constant 71 : i32
    %scan3A_164 = arith.addi %scan3A_162, %scan3A_163 : i32
    %scan3A_165 = arith.constant 1 : i32
    scf.for %scan3A_180 = %scan3A_162 to %scan3A_164 step %scan3A_165  : i32 {
      %mul3A_181 = arith.constant 128 : i32
      %mul3A_182 = arith.muli %scan3A_180, %mul3A_181 : i32
      %add3A_183 = arith.constant 0 : i32
      %add3A_184 = arith.addi %mul3A_182, %add3A_183 : i32
      %get3A = arith.index_cast %add3A_184 : i32 to index
      %get3A_185 = tpu.vector_load %arg7[%get3A] {strides = array<i32>} : memref<9088xi32, #tpu.memory_space<vmem>>, vector<16xi32>,
      %get3A_186 = vector.shape_cast %get3A_185 : vector<16xi32> to vector<16xi32>
      %get3A_187 = arith.index_cast %add3A_184 : i32 to index
      %get3A_188 = tpu.vector_load %arg8[%get3A_187] {strides = array<i32>} : memref<9088xi32, #tpu.memory_space<vmem>>, vector<16xi32>,
      %get3A_189 = vector.shape_cast %get3A_188 : vector<16xi32> to vector<16xi32>
      %sub3A = vector.broadcast %mul3A_157 : i32 to vector<16xi32>
      %sub3A_190 = arith.subi %get3A_189, %sub3A : vector<16xi32>
      %ge3A = arith.constant 0 : i32
      %ge3A_191 = vector.broadcast %ge3A : i32 to vector<16xi32>
      %ge3A_192 = arith.cmpi sge, %sub3A_190, %ge3A_191 : vector<16xi32>
      %lt3A = arith.constant 576 : i32
      %lt3A_193 = vector.broadcast %lt3A : i32 to vector<16xi32>
      %lt3A_194 = arith.cmpi slt, %sub3A_190, %lt3A_193 : vector<16xi32>
      %and3A = arith.andi %ge3A_192, %lt3A_194 : vector<16xi1>
      %mul3A_195 = arith.constant 2304 : i32
      %mul3A_196 = vector.broadcast %mul3A_195 : i32 to vector<16xi32>
      %mul3A_197 = arith.muli %sub3A_190, %mul3A_196 : vector<16xi32>
      %add3A_198 = arith.addi %mul3A_197, %get3A_186 : vector<16xi32>
      %add3A_199 = arith.constant 0 : i32
      %add3A_200 = arith.addi %add3A_3, %add3A_199 : i32
      %add3A_201 = vector.broadcast %add3A_200 : i32 to vector<16xi32>
      %add3A_202 = arith.addi %add3A_201, %iota3A : vector<16xi32>
      %select_n3A = arith.select %and3A, %add3A_198, %add3A_202 : vector<16xi1>, vector<16xi32>
      %swap3A = arith.index_cast %add3A_184 : i32 to index
      %swap3A_203 = tpu.vector_load %arg9[%swap3A] {strides = array<i32>} : memref<9088xi32, #tpu.memory_space<vmem>>, vector<16xi32>,
      %swap3A_204 = vector.shape_cast %swap3A_203 : vector<16xi32> to vector<16xi32>
      %swap3A_205 = vector.shape_cast %select_n3A : vector<16xi32> to vector<16xi32>
      tpu.vector_store %arg9[%swap3A], %swap3A_205 {strides = array<i32>} : memref<9088xi32, #tpu.memory_space<vmem>>, vector<16xi32>,
      %mul3A_206 = arith.constant 128 : i32
      %mul3A_207 = arith.muli %scan3A_180, %mul3A_206 : i32
      %add3A_208 = arith.constant 16 : i32
      %add3A_209 = arith.addi %mul3A_207, %add3A_208 : i32
      %get3A_210 = arith.index_cast %add3A_209 : i32 to index
      %get3A_211 = tpu.vector_load %arg7[%get3A_210] {strides = array<i32>} : memref<9088xi32, #tpu.memory_space<vmem>>, vector<16xi32>,
      %get3A_212 = vector.shape_cast %get3A_211 : vector<16xi32> to vector<16xi32>
      %get3A_213 = arith.index_cast %add3A_209 : i32 to index
      %get3A_214 = tpu.vector_load %arg8[%get3A_213] {strides = array<i32>} : memref<9088xi32, #tpu.memory_space<vmem>>, vector<16xi32>,
      %get3A_215 = vector.shape_cast %get3A_214 : vector<16xi32> to vector<16xi32>
      %sub3A_216 = vector.broadcast %mul3A_157 : i32 to vector<16xi32>
      %sub3A_217 = arith.subi %get3A_215, %sub3A_216 : vector<16xi32>
      %ge3A_218 = arith.constant 0 : i32
      %ge3A_219 = vector.broadcast %ge3A_218 : i32 to vector<16xi32>
      %ge3A_220 = arith.cmpi sge, %sub3A_217, %ge3A_219 : vector<16xi32>
      %lt3A_221 = arith.constant 576 : i32
      %lt3A_222 = vector.broadcast %lt3A_221 : i32 to vector<16xi32>
      %lt3A_223 = arith.cmpi slt, %sub3A_217, %lt3A_222 : vector<16xi32>
      %and3A_224 = arith.andi %ge3A_220, %lt3A_223 : vector<16xi1>
      %mul3A_225 = arith.constant 2304 : i32
      %mul3A_226 = vector.broadcast %mul3A_225 : i32 to vector<16xi32>
      %mul3A_227 = arith.muli %sub3A_217, %mul3A_226 : vector<16xi32>
      %add3A_228 = arith.addi %mul3A_227, %get3A_212 : vector<16xi32>
      %add3A_229 = arith.constant 16 : i32
      %add3A_230 = arith.addi %add3A_3, %add3A_229 : i32
      %add3A_231 = vector.broadcast %add3A_230 : i32 to vector<16xi32>
      %add3A_232 = arith.addi %add3A_231, %iota3A : vector<16xi32>
      %select_n3A_233 = arith.select %and3A_224, %add3A_228, %add3A_232 : vector<16xi1>, vector<16xi32>
      %swap3A_234 = arith.index_cast %add3A_209 : i32 to index
      %swap3A_235 = tpu.vector_load %arg9[%swap3A_234] {strides = array<i32>} : memref<9088xi32, #tpu.memory_space<vmem>>, vector<16xi32>,
      %swap3A_236 = vector.shape_cast %swap3A_235 : vector<16xi32> to vector<16xi32>
      %swap3A_237 = vector.shape_cast %select_n3A_233 : vector<16xi32> to vector<16xi32>
      tpu.vector_store %arg9[%swap3A_234], %swap3A_237 {strides = array<i32>} : memref<9088xi32, #tpu.memory_space<vmem>>, vector<16xi32>,
      %mul3A_238 = arith.constant 128 : i32
      %mul3A_239 = arith.muli %scan3A_180, %mul3A_238 : i32
      %add3A_240 = arith.constant 32 : i32
      %add3A_241 = arith.addi %mul3A_239, %add3A_240 : i32
      %get3A_242 = arith.index_cast %add3A_241 : i32 to index
      %get3A_243 = tpu.vector_load %arg7[%get3A_242] {strides = array<i32>} : memref<9088xi32, #tpu.memory_space<vmem>>, vector<16xi32>,
      %get3A_244 = vector.shape_cast %get3A_243 : vector<16xi32> to vector<16xi32>
      %get3A_245 = arith.index_cast %add3A_241 : i32 to index
      %get3A_246 = tpu.vector_load %arg8[%get3A_245] {strides = array<i32>} : memref<9088xi32, #tpu.memory_space<vmem>>, vector<16xi32>,
      %get3A_247 = vector.shape_cast %get3A_246 : vector<16xi32> to vector<16xi32>
      %sub3A_248 = vector.broadcast %mul3A_157 : i32 to vector<16xi32>
      %sub3A_249 = arith.subi %get3A_247, %sub3A_248 : vector<16xi32>
      %ge3A_250 = arith.constant 0 : i32
      %ge3A_251 = vector.broadcast %ge3A_250 : i32 to vector<16xi32>
      %ge3A_252 = arith.cmpi sge, %sub3A_249, %ge3A_251 : vector<16xi32>
      %lt3A_253 = arith.constant 576 : i32
      %lt3A_254 = vector.broadcast %lt3A_253 : i32 to vector<16xi32>
      %lt3A_255 = arith.cmpi slt, %sub3A_249, %lt3A_254 : vector<16xi32>
      %and3A_256 = arith.andi %ge3A_252, %lt3A_255 : vector<16xi1>
      %mul3A_257 = arith.constant 2304 : i32
      %mul3A_258 = vector.broadcast %mul3A_257 : i32 to vector<16xi32>
      %mul3A_259 = arith.muli %sub3A_249, %mul3A_258 : vector<16xi32>
      %add3A_260 = arith.addi %mul3A_259, %get3A_244 : vector<16xi32>
      %add3A_261 = arith.constant 32 : i32
      %add3A_262 = arith.addi %add3A_3, %add3A_261 : i32
      %add3A_263 = vector.broadcast %add3A_262 : i32 to vector<16xi32>
      %add3A_264 = arith.addi %add3A_263, %iota3A : vector<16xi32>
      %select_n3A_265 = arith.select %and3A_256, %add3A_260, %add3A_264 : vector<16xi1>, vector<16xi32>
      %swap3A_266 = arith.index_cast %add3A_241 : i32 to index
      %swap3A_267 = tpu.vector_load %arg9[%swap3A_266] {strides = array<i32>} : memref<9088xi32, #tpu.memory_space<vmem>>, vector<16xi32>,
      %swap3A_268 = vector.shape_cast %swap3A_267 : vector<16xi32> to vector<16xi32>
      %swap3A_269 = vector.shape_cast %select_n3A_265 : vector<16xi32> to vector<16xi32>
      tpu.vector_store %arg9[%swap3A_266], %swap3A_269 {strides = array<i32>} : memref<9088xi32, #tpu.memory_space<vmem>>, vector<16xi32>,
      %mul3A_270 = arith.constant 128 : i32
      %mul3A_271 = arith.muli %scan3A_180, %mul3A_270 : i32
      %add3A_272 = arith.constant 48 : i32
      %add3A_273 = arith.addi %mul3A_271, %add3A_272 : i32
      %get3A_274 = arith.index_cast %add3A_273 : i32 to index
      %get3A_275 = tpu.vector_load %arg7[%get3A_274] {strides = array<i32>} : memref<9088xi32, #tpu.memory_space<vmem>>, vector<16xi32>,
      %get3A_276 = vector.shape_cast %get3A_275 : vector<16xi32> to vector<16xi32>
      %get3A_277 = arith.index_cast %add3A_273 : i32 to index
      %get3A_278 = tpu.vector_load %arg8[%get3A_277] {strides = array<i32>} : memref<9088xi32, #tpu.memory_space<vmem>>, vector<16xi32>,
      %get3A_279 = vector.shape_cast %get3A_278 : vector<16xi32> to vector<16xi32>
      %sub3A_280 = vector.broadcast %mul3A_157 : i32 to vector<16xi32>
      %sub3A_281 = arith.subi %get3A_279, %sub3A_280 : vector<16xi32>
      %ge3A_282 = arith.constant 0 : i32
      %ge3A_283 = vector.broadcast %ge3A_282 : i32 to vector<16xi32>
      %ge3A_284 = arith.cmpi sge, %sub3A_281, %ge3A_283 : vector<16xi32>
      %lt3A_285 = arith.constant 576 : i32
      %lt3A_286 = vector.broadcast %lt3A_285 : i32 to vector<16xi32>
      %lt3A_287 = arith.cmpi slt, %sub3A_281, %lt3A_286 : vector<16xi32>
      %and3A_288 = arith.andi %ge3A_284, %lt3A_287 : vector<16xi1>
      %mul3A_289 = arith.constant 2304 : i32
      %mul3A_290 = vector.broadcast %mul3A_289 : i32 to vector<16xi32>
      %mul3A_291 = arith.muli %sub3A_281, %mul3A_290 : vector<16xi32>
      %add3A_292 = arith.addi %mul3A_291, %get3A_276 : vector<16xi32>
      %add3A_293 = arith.constant 48 : i32
      %add3A_294 = arith.addi %add3A_3, %add3A_293 : i32
      %add3A_295 = vector.broadcast %add3A_294 : i32 to vector<16xi32>
      %add3A_296 = arith.addi %add3A_295, %iota3A : vector<16xi32>
      %select_n3A_297 = arith.select %and3A_288, %add3A_292, %add3A_296 : vector<16xi1>, vector<16xi32>
      %swap3A_298 = arith.index_cast %add3A_273 : i32 to index
      %swap3A_299 = tpu.vector_load %arg9[%swap3A_298] {strides = array<i32>} : memref<9088xi32, #tpu.memory_space<vmem>>, vector<16xi32>,
      %swap3A_300 = vector.shape_cast %swap3A_299 : vector<16xi32> to vector<16xi32>
      %swap3A_301 = vector.shape_cast %select_n3A_297 : vector<16xi32> to vector<16xi32>
      tpu.vector_store %arg9[%swap3A_298], %swap3A_301 {strides = array<i32>} : memref<9088xi32, #tpu.memory_space<vmem>>, vector<16xi32>,
      %mul3A_302 = arith.constant 128 : i32
      %mul3A_303 = arith.muli %scan3A_180, %mul3A_302 : i32
      %add3A_304 = arith.constant 64 : i32
      %add3A_305 = arith.addi %mul3A_303, %add3A_304 : i32
      %get3A_306 = arith.index_cast %add3A_305 : i32 to index
      %get3A_307 = tpu.vector_load %arg7[%get3A_306] {strides = array<i32>} : memref<9088xi32, #tpu.memory_space<vmem>>, vector<16xi32>,
      %get3A_308 = vector.shape_cast %get3A_307 : vector<16xi32> to vector<16xi32>
      %get3A_309 = arith.index_cast %add3A_305 : i32 to index
      %get3A_310 = tpu.vector_load %arg8[%get3A_309] {strides = array<i32>} : memref<9088xi32, #tpu.memory_space<vmem>>, vector<16xi32>,
      %get3A_311 = vector.shape_cast %get3A_310 : vector<16xi32> to vector<16xi32>
      %sub3A_312 = vector.broadcast %mul3A_157 : i32 to vector<16xi32>
      %sub3A_313 = arith.subi %get3A_311, %sub3A_312 : vector<16xi32>
      %ge3A_314 = arith.constant 0 : i32
      %ge3A_315 = vector.broadcast %ge3A_314 : i32 to vector<16xi32>
      %ge3A_316 = arith.cmpi sge, %sub3A_313, %ge3A_315 : vector<16xi32>
      %lt3A_317 = arith.constant 576 : i32
      %lt3A_318 = vector.broadcast %lt3A_317 : i32 to vector<16xi32>
      %lt3A_319 = arith.cmpi slt, %sub3A_313, %lt3A_318 : vector<16xi32>
      %and3A_320 = arith.andi %ge3A_316, %lt3A_319 : vector<16xi1>
      %mul3A_321 = arith.constant 2304 : i32
      %mul3A_322 = vector.broadcast %mul3A_321 : i32 to vector<16xi32>
      %mul3A_323 = arith.muli %sub3A_313, %mul3A_322 : vector<16xi32>
      %add3A_324 = arith.addi %mul3A_323, %get3A_308 : vector<16xi32>
      %add3A_325 = arith.constant 64 : i32
      %add3A_326 = arith.addi %add3A_3, %add3A_325 : i32
      %add3A_327 = vector.broadcast %add3A_326 : i32 to vector<16xi32>
      %add3A_328 = arith.addi %add3A_327, %iota3A : vector<16xi32>
      %select_n3A_329 = arith.select %and3A_320, %add3A_324, %add3A_328 : vector<16xi1>, vector<16xi32>
      %swap3A_330 = arith.index_cast %add3A_305 : i32 to index
      %swap3A_331 = tpu.vector_load %arg9[%swap3A_330] {strides = array<i32>} : memref<9088xi32, #tpu.memory_space<vmem>>, vector<16xi32>,
      %swap3A_332 = vector.shape_cast %swap3A_331 : vector<16xi32> to vector<16xi32>
      %swap3A_333 = vector.shape_cast %select_n3A_329 : vector<16xi32> to vector<16xi32>
      tpu.vector_store %arg9[%swap3A_330], %swap3A_333 {strides = array<i32>} : memref<9088xi32, #tpu.memory_space<vmem>>, vector<16xi32>,
      %mul3A_334 = arith.constant 128 : i32
      %mul3A_335 = arith.muli %scan3A_180, %mul3A_334 : i32
      %add3A_336 = arith.constant 80 : i32
      %add3A_337 = arith.addi %mul3A_335, %add3A_336 : i32
      %get3A_338 = arith.index_cast %add3A_337 : i32 to index
      %get3A_339 = tpu.vector_load %arg7[%get3A_338] {strides = array<i32>} : memref<9088xi32, #tpu.memory_space<vmem>>, vector<16xi32>,
      %get3A_340 = vector.shape_cast %get3A_339 : vector<16xi32> to vector<16xi32>
      %get3A_341 = arith.index_cast %add3A_337 : i32 to index
      %get3A_342 = tpu.vector_load %arg8[%get3A_341] {strides = array<i32>} : memref<9088xi32, #tpu.memory_space<vmem>>, vector<16xi32>,
      %get3A_343 = vector.shape_cast %get3A_342 : vector<16xi32> to vector<16xi32>
      %sub3A_344 = vector.broadcast %mul3A_157 : i32 to vector<16xi32>
      %sub3A_345 = arith.subi %get3A_343, %sub3A_344 : vector<16xi32>
      %ge3A_346 = arith.constant 0 : i32
      %ge3A_347 = vector.broadcast %ge3A_346 : i32 to vector<16xi32>
      %ge3A_348 = arith.cmpi sge, %sub3A_345, %ge3A_347 : vector<16xi32>
      %lt3A_349 = arith.constant 576 : i32
      %lt3A_350 = vector.broadcast %lt3A_349 : i32 to vector<16xi32>
      %lt3A_351 = arith.cmpi slt, %sub3A_345, %lt3A_350 : vector<16xi32>
      %and3A_352 = arith.andi %ge3A_348, %lt3A_351 : vector<16xi1>
      %mul3A_353 = arith.constant 2304 : i32
      %mul3A_354 = vector.broadcast %mul3A_353 : i32 to vector<16xi32>
      %mul3A_355 = arith.muli %sub3A_345, %mul3A_354 : vector<16xi32>
      %add3A_356 = arith.addi %mul3A_355, %get3A_340 : vector<16xi32>
      %add3A_357 = arith.constant 80 : i32
      %add3A_358 = arith.addi %add3A_3, %add3A_357 : i32
      %add3A_359 = vector.broadcast %add3A_358 : i32 to vector<16xi32>
      %add3A_360 = arith.addi %add3A_359, %iota3A : vector<16xi32>
      %select_n3A_361 = arith.select %and3A_352, %add3A_356, %add3A_360 : vector<16xi1>, vector<16xi32>
      %swap3A_362 = arith.index_cast %add3A_337 : i32 to index
      %swap3A_363 = tpu.vector_load %arg9[%swap3A_362] {strides = array<i32>} : memref<9088xi32, #tpu.memory_space<vmem>>, vector<16xi32>,
      %swap3A_364 = vector.shape_cast %swap3A_363 : vector<16xi32> to vector<16xi32>
      %swap3A_365 = vector.shape_cast %select_n3A_361 : vector<16xi32> to vector<16xi32>
      tpu.vector_store %arg9[%swap3A_362], %swap3A_365 {strides = array<i32>} : memref<9088xi32, #tpu.memory_space<vmem>>, vector<16xi32>,
      %mul3A_366 = arith.constant 128 : i32
      %mul3A_367 = arith.muli %scan3A_180, %mul3A_366 : i32
      %add3A_368 = arith.constant 96 : i32
      %add3A_369 = arith.addi %mul3A_367, %add3A_368 : i32
      %get3A_370 = arith.index_cast %add3A_369 : i32 to index
      %get3A_371 = tpu.vector_load %arg7[%get3A_370] {strides = array<i32>} : memref<9088xi32, #tpu.memory_space<vmem>>, vector<16xi32>,
      %get3A_372 = vector.shape_cast %get3A_371 : vector<16xi32> to vector<16xi32>
      %get3A_373 = arith.index_cast %add3A_369 : i32 to index
      %get3A_374 = tpu.vector_load %arg8[%get3A_373] {strides = array<i32>} : memref<9088xi32, #tpu.memory_space<vmem>>, vector<16xi32>,
      %get3A_375 = vector.shape_cast %get3A_374 : vector<16xi32> to vector<16xi32>
      %sub3A_376 = vector.broadcast %mul3A_157 : i32 to vector<16xi32>
      %sub3A_377 = arith.subi %get3A_375, %sub3A_376 : vector<16xi32>
      %ge3A_378 = arith.constant 0 : i32
      %ge3A_379 = vector.broadcast %ge3A_378 : i32 to vector<16xi32>
      %ge3A_380 = arith.cmpi sge, %sub3A_377, %ge3A_379 : vector<16xi32>
      %lt3A_381 = arith.constant 576 : i32
      %lt3A_382 = vector.broadcast %lt3A_381 : i32 to vector<16xi32>
      %lt3A_383 = arith.cmpi slt, %sub3A_377, %lt3A_382 : vector<16xi32>
      %and3A_384 = arith.andi %ge3A_380, %lt3A_383 : vector<16xi1>
      %mul3A_385 = arith.constant 2304 : i32
      %mul3A_386 = vector.broadcast %mul3A_385 : i32 to vector<16xi32>
      %mul3A_387 = arith.muli %sub3A_377, %mul3A_386 : vector<16xi32>
      %add3A_388 = arith.addi %mul3A_387, %get3A_372 : vector<16xi32>
      %add3A_389 = arith.constant 96 : i32
      %add3A_390 = arith.addi %add3A_3, %add3A_389 : i32
      %add3A_391 = vector.broadcast %add3A_390 : i32 to vector<16xi32>
      %add3A_392 = arith.addi %add3A_391, %iota3A : vector<16xi32>
      %select_n3A_393 = arith.select %and3A_384, %add3A_388, %add3A_392 : vector<16xi1>, vector<16xi32>
      %swap3A_394 = arith.index_cast %add3A_369 : i32 to index
      %swap3A_395 = tpu.vector_load %arg9[%swap3A_394] {strides = array<i32>} : memref<9088xi32, #tpu.memory_space<vmem>>, vector<16xi32>,
      %swap3A_396 = vector.shape_cast %swap3A_395 : vector<16xi32> to vector<16xi32>
      %swap3A_397 = vector.shape_cast %select_n3A_393 : vector<16xi32> to vector<16xi32>
      tpu.vector_store %arg9[%swap3A_394], %swap3A_397 {strides = array<i32>} : memref<9088xi32, #tpu.memory_space<vmem>>, vector<16xi32>,
      %mul3A_398 = arith.constant 128 : i32
      %mul3A_399 = arith.muli %scan3A_180, %mul3A_398 : i32
      %add3A_400 = arith.constant 112 : i32
      %add3A_401 = arith.addi %mul3A_399, %add3A_400 : i32
      %get3A_402 = arith.index_cast %add3A_401 : i32 to index
      %get3A_403 = tpu.vector_load %arg7[%get3A_402] {strides = array<i32>} : memref<9088xi32, #tpu.memory_space<vmem>>, vector<16xi32>,
      %get3A_404 = vector.shape_cast %get3A_403 : vector<16xi32> to vector<16xi32>
      %get3A_405 = arith.index_cast %add3A_401 : i32 to index
      %get3A_406 = tpu.vector_load %arg8[%get3A_405] {strides = array<i32>} : memref<9088xi32, #tpu.memory_space<vmem>>, vector<16xi32>,
      %get3A_407 = vector.shape_cast %get3A_406 : vector<16xi32> to vector<16xi32>
      %sub3A_408 = vector.broadcast %mul3A_157 : i32 to vector<16xi32>
      %sub3A_409 = arith.subi %get3A_407, %sub3A_408 : vector<16xi32>
      %ge3A_410 = arith.constant 0 : i32
      %ge3A_411 = vector.broadcast %ge3A_410 : i32 to vector<16xi32>
      %ge3A_412 = arith.cmpi sge, %sub3A_409, %ge3A_411 : vector<16xi32>
      %lt3A_413 = arith.constant 576 : i32
      %lt3A_414 = vector.broadcast %lt3A_413 : i32 to vector<16xi32>
      %lt3A_415 = arith.cmpi slt, %sub3A_409, %lt3A_414 : vector<16xi32>
      %and3A_416 = arith.andi %ge3A_412, %lt3A_415 : vector<16xi1>
      %mul3A_417 = arith.constant 2304 : i32
      %mul3A_418 = vector.broadcast %mul3A_417 : i32 to vector<16xi32>
      %mul3A_419 = arith.muli %sub3A_409, %mul3A_418 : vector<16xi32>
      %add3A_420 = arith.addi %mul3A_419, %get3A_404 : vector<16xi32>
      %add3A_421 = arith.constant 112 : i32
      %add3A_422 = arith.addi %add3A_3, %add3A_421 : i32
      %add3A_423 = vector.broadcast %add3A_422 : i32 to vector<16xi32>
      %add3A_424 = arith.addi %add3A_423, %iota3A : vector<16xi32>
      %select_n3A_425 = arith.select %and3A_416, %add3A_420, %add3A_424 : vector<16xi1>, vector<16xi32>
      %swap3A_426 = arith.index_cast %add3A_401 : i32 to index
      %swap3A_427 = tpu.vector_load %arg9[%swap3A_426] {strides = array<i32>} : memref<9088xi32, #tpu.memory_space<vmem>>, vector<16xi32>,
      %swap3A_428 = vector.shape_cast %swap3A_427 : vector<16xi32> to vector<16xi32>
      %swap3A_429 = vector.shape_cast %select_n3A_425 : vector<16xi32> to vector<16xi32>
      tpu.vector_store %arg9[%swap3A_426], %swap3A_429 {strides = array<i32>} : memref<9088xi32, #tpu.memory_space<vmem>>, vector<16xi32>,
    }
    %scan3A_166 = arith.constant 71 : i32
    %dma_wait3A_167 = tpu.memref_slice %arg11[%mul3A_159] : memref<1329152xf32, #tpu.memory_space<vmem_shared>> -> memref<82944xf32, #tpu.memory_space<vmem_shared>>
    tpu.wait_dma2 semaphore(%arg12 : memref<!tpu.dma_semaphore, #tpu.memory_space<semaphore_mem>>) src(%arg5 : memref<82944xf32, #tpu.memory_space<hbm>>) dst(%dma_wait3A_167 : memref<82944xf32, #tpu.memory_space<vmem_shared>>)
    %barrier3A_168 = arith.constant 0 : index
    tpu.barrier barrier_id(%barrier3A_168)
    "tpu.region"() ({
      %run_scoped3A = tpu.sem_alloc : memref<!tpu.dma_semaphore, #tpu.memory_space<semaphore_mem>>
      %dma_start3A_180 = arith.constant 0 : i32
      %dma_start3A_181 = tpu.memref_slice %arg11[%dma_start3A_180] : memref<1329152xf32, #tpu.memory_space<vmem_shared>> -> memref<1329152xf32, #tpu.memory_space<vmem_shared>>
      tpu.enqueue_indirect_dma source(%arg10 : memref<9088xf32, #tpu.memory_space<vmem>>) target(%dma_start3A_181 : memref<1329152xf32, #tpu.memory_space<vmem_shared>>) offsets(%arg9 : memref<9088xi32, #tpu.memory_space<vmem>>) semaphore(%run_scoped3A : memref<!tpu.dma_semaphore, #tpu.memory_space<semaphore_mem>>) {add = true}
      %dma_wait3A_182 = arith.constant 0 : i32
      %dma_wait3A_183 = tpu.memref_slice %arg11[%dma_wait3A_182] : memref<1329152xf32, #tpu.memory_space<vmem_shared>> -> memref<1329152xf32, #tpu.memory_space<vmem_shared>>
      tpu.wait_indirect_dma semaphore(%run_scoped3A : memref<!tpu.dma_semaphore, #tpu.memory_space<semaphore_mem>>) src(%arg10 : memref<9088xf32, #tpu.memory_space<vmem>>) dst(%dma_wait3A_183 : memref<1329152xf32, #tpu.memory_space<vmem_shared>>)
      tpu.yield
    }) : () -> ()
    %barrier3A_169 = arith.constant 0 : index
    tpu.barrier barrier_id(%barrier3A_169)
    %mul3A_170 = arith.constant 2304 : i32
    %mul3A_171 = arith.muli %mul3A_157, %mul3A_170 : i32
    %add3A_172 = arith.constant 10616832 : i32
    %add3A_173 = arith.addi %add3A_172, %mul3A_171 : i32
    %mul3A_174 = arith.constant 82944 : i32
    %mul3A_175 = arith.muli %arg1, %mul3A_174 : i32
    %add3A_176 = arith.addi %add3A_173, %mul3A_175 : i32
    %mul3A_177 = arith.constant 82944 : i32
    %mul3A_178 = arith.muli %arg1, %mul3A_177 : i32
    "tpu.region"() ({
      %run_scoped3A = tpu.sem_alloc : memref<!tpu.dma_semaphore, #tpu.memory_space<semaphore_mem>>
      %dma_start3A_180 = tpu.memref_slice %arg6[%add3A_176] : memref<15925248xf32, #tpu.memory_space<hbm>> -> memref<82944xf32, #tpu.memory_space<hbm>>
      %dma_start3A_181 = tpu.memref_slice %arg11[%mul3A_178] : memref<1329152xf32, #tpu.memory_space<vmem_shared>> -> memref<82944xf32, #tpu.memory_space<vmem_shared>>
      tpu.enqueue_dma source(%dma_start3A_181 : memref<82944xf32, #tpu.memory_space<vmem_shared>>) target(%dma_start3A_180 : memref<82944xf32, #tpu.memory_space<hbm>>) target_semaphore(%run_scoped3A : memref<!tpu.dma_semaphore, #tpu.memory_space<semaphore_mem>>)
      %dma_wait3A_182 = tpu.memref_slice %arg6[%add3A_176] : memref<15925248xf32, #tpu.memory_space<hbm>> -> memref<82944xf32, #tpu.memory_space<hbm>>
      %dma_wait3A_183 = tpu.memref_slice %arg11[%mul3A_178] : memref<1329152xf32, #tpu.memory_space<vmem_shared>> -> memref<82944xf32, #tpu.memory_space<vmem_shared>>
      tpu.wait_dma2 semaphore(%run_scoped3A : memref<!tpu.dma_semaphore, #tpu.memory_space<semaphore_mem>>) src(%dma_wait3A_183 : memref<82944xf32, #tpu.memory_space<vmem_shared>>) dst(%dma_wait3A_182 : memref<82944xf32, #tpu.memory_space<hbm>>)
      tpu.yield
    }) : () -> ()
    %barrier3A_179 = arith.constant 0 : index
    tpu.barrier barrier_id(%barrier3A_179)
    return
  }
}

#map = affine_map<(d0, d1) -> (0, 0)>
module attributes {stable_mosaic.version = 14 : i64} {
  func.func @_sc_gather_body(%arg0: i32, %arg1: i32, %arg2: memref<2304x128xf32, #tpu.memory_space<hbm>>, %arg3: memref<128x128xi32, #tpu.memory_space<hbm>>, %arg4: memref<128x128xi32, #tpu.memory_space<hbm>>, %arg5: memref<16384x128xf32, #tpu.memory_space<hbm>>, %arg6: memref<16384x128xf32, #tpu.memory_space<hbm>>, %arg7: memref<8x128xi32, #tpu.memory_space<vmem>>, %arg8: memref<128x128xf32, #tpu.memory_space<vmem>>, %arg9: memref<128x128xf32, #tpu.memory_space<vmem>>, %arg10: memref<!tpu.dma_semaphore, #tpu.memory_space<semaphore_mem>>, %arg11: memref<!tpu.dma_semaphore, #tpu.memory_space<semaphore_mem>>, %arg12: memref<!tpu.dma_semaphore, #tpu.memory_space<semaphore_mem>>, %arg13: memref<!tpu.dma_semaphore, #tpu.memory_space<semaphore_mem>>) attributes {dimension_semantics = [#tpu.dimension_semantics<core_parallel>, #tpu.dimension_semantics<subcore_parallel>], iteration_bounds = array<i64: 2, 16>, scalar_prefetch = 0 : i64, scratch_operands = 7 : i64, tpu.core_type = #tpu.core_type<sc_vector_subcore>, window_params = [{transform_indices = #map}, {transform_indices = #map}, {transform_indices = #map}, {transform_indices = #map}, {transform_indices = #map}]} {
    %mul3A = arith.constant 2 : i32
    %mul3A_0 = arith.muli %arg1, %mul3A : i32
    %add3A = arith.addi %mul3A_0, %arg0 : i32
    %mul3A_1 = arith.constant 4 : i32
    %mul3A_2 = arith.muli %add3A, %mul3A_1 : i32
    "tpu.region"() ({
      %run_scoped3A = tpu.sem_alloc : memref<!tpu.dma_semaphore, #tpu.memory_space<semaphore_mem>>
      %dma_start3A_216 = arith.constant 0 : i32
      %dma_start3A_217 = arith.constant 0 : i32
      %dma_start3A_218 = tpu.memref_slice %arg7[%dma_start3A_216, %dma_start3A_217] : memref<8x128xi32, #tpu.memory_space<vmem>> -> memref<4x128xi32, #tpu.memory_space<vmem>>
      %dma_start3A_219 = arith.constant 0 : i32
      %dma_start3A_220 = tpu.memref_slice %arg3[%mul3A_2, %dma_start3A_219] : memref<128x128xi32, #tpu.memory_space<hbm>> -> memref<4x128xi32, #tpu.memory_space<hbm>>
      %dma_start3A_221 = arith.constant 0 : i32
      %dma_start3A_222 = arith.constant 0 : i32
      %dma_start3A_223 = tpu.memref_slice %arg7[%dma_start3A_221, %dma_start3A_222] : memref<8x128xi32, #tpu.memory_space<vmem>> -> memref<4x128xi32, #tpu.memory_space<vmem>>
      %dma_start3A_224 = arith.constant 0 : i32
      %dma_start3A_225 = tpu.memref_slice %arg3[%mul3A_2, %dma_start3A_224] : memref<128x128xi32, #tpu.memory_space<hbm>> -> memref<4x128xi32, #tpu.memory_space<hbm>>
      tpu.enqueue_dma source(%dma_start3A_225 : memref<4x128xi32, #tpu.memory_space<hbm>>) target(%dma_start3A_223 : memref<4x128xi32, #tpu.memory_space<vmem>>) target_semaphore(%run_scoped3A : memref<!tpu.dma_semaphore, #tpu.memory_space<semaphore_mem>>)
      %dma_wait3A_226 = arith.constant 0 : i32
      %dma_wait3A_227 = arith.constant 0 : i32
      %dma_wait3A_228 = tpu.memref_slice %arg7[%dma_wait3A_226, %dma_wait3A_227] : memref<8x128xi32, #tpu.memory_space<vmem>> -> memref<4x128xi32, #tpu.memory_space<vmem>>
      %dma_wait3A_229 = arith.constant 0 : i32
      %dma_wait3A_230 = tpu.memref_slice %arg3[%mul3A_2, %dma_wait3A_229] : memref<128x128xi32, #tpu.memory_space<hbm>> -> memref<4x128xi32, #tpu.memory_space<hbm>>
      %dma_wait3A_231 = arith.constant 0 : i32
      %dma_wait3A_232 = arith.constant 0 : i32
      %dma_wait3A_233 = tpu.memref_slice %arg7[%dma_wait3A_231, %dma_wait3A_232] : memref<8x128xi32, #tpu.memory_space<vmem>> -> memref<4x128xi32, #tpu.memory_space<vmem>>
      %dma_wait3A_234 = arith.constant 0 : i32
      %dma_wait3A_235 = tpu.memref_slice %arg3[%mul3A_2, %dma_wait3A_234] : memref<128x128xi32, #tpu.memory_space<hbm>> -> memref<4x128xi32, #tpu.memory_space<hbm>>
      tpu.wait_dma2 semaphore(%run_scoped3A : memref<!tpu.dma_semaphore, #tpu.memory_space<semaphore_mem>>) src(%dma_wait3A_235 : memref<4x128xi32, #tpu.memory_space<hbm>>) dst(%dma_wait3A_233 : memref<4x128xi32, #tpu.memory_space<vmem>>)
      tpu.yield
    }) : () -> ()
    %mul3A_3 = arith.constant 4 : i32
    %mul3A_4 = arith.muli %add3A, %mul3A_3 : i32
    "tpu.region"() ({
      %run_scoped3A = tpu.sem_alloc : memref<!tpu.dma_semaphore, #tpu.memory_space<semaphore_mem>>
      %dma_start3A_216 = arith.constant 4 : i32
      %dma_start3A_217 = arith.constant 0 : i32
      %dma_start3A_218 = tpu.memref_slice %arg7[%dma_start3A_216, %dma_start3A_217] : memref<8x128xi32, #tpu.memory_space<vmem>> -> memref<4x128xi32, #tpu.memory_space<vmem>>
      %dma_start3A_219 = arith.constant 0 : i32
      %dma_start3A_220 = tpu.memref_slice %arg4[%mul3A_4, %dma_start3A_219] : memref<128x128xi32, #tpu.memory_space<hbm>> -> memref<4x128xi32, #tpu.memory_space<hbm>>
      %dma_start3A_221 = arith.constant 4 : i32
      %dma_start3A_222 = arith.constant 0 : i32
      %dma_start3A_223 = tpu.memref_slice %arg7[%dma_start3A_221, %dma_start3A_222] : memref<8x128xi32, #tpu.memory_space<vmem>> -> memref<4x128xi32, #tpu.memory_space<vmem>>
      %dma_start3A_224 = arith.constant 0 : i32
      %dma_start3A_225 = tpu.memref_slice %arg4[%mul3A_4, %dma_start3A_224] : memref<128x128xi32, #tpu.memory_space<hbm>> -> memref<4x128xi32, #tpu.memory_space<hbm>>
      tpu.enqueue_dma source(%dma_start3A_225 : memref<4x128xi32, #tpu.memory_space<hbm>>) target(%dma_start3A_223 : memref<4x128xi32, #tpu.memory_space<vmem>>) target_semaphore(%run_scoped3A : memref<!tpu.dma_semaphore, #tpu.memory_space<semaphore_mem>>)
      %dma_wait3A_226 = arith.constant 4 : i32
      %dma_wait3A_227 = arith.constant 0 : i32
      %dma_wait3A_228 = tpu.memref_slice %arg7[%dma_wait3A_226, %dma_wait3A_227] : memref<8x128xi32, #tpu.memory_space<vmem>> -> memref<4x128xi32, #tpu.memory_space<vmem>>
      %dma_wait3A_229 = arith.constant 0 : i32
      %dma_wait3A_230 = tpu.memref_slice %arg4[%mul3A_4, %dma_wait3A_229] : memref<128x128xi32, #tpu.memory_space<hbm>> -> memref<4x128xi32, #tpu.memory_space<hbm>>
      %dma_wait3A_231 = arith.constant 4 : i32
      %dma_wait3A_232 = arith.constant 0 : i32
      %dma_wait3A_233 = tpu.memref_slice %arg7[%dma_wait3A_231, %dma_wait3A_232] : memref<8x128xi32, #tpu.memory_space<vmem>> -> memref<4x128xi32, #tpu.memory_space<vmem>>
      %dma_wait3A_234 = arith.constant 0 : i32
      %dma_wait3A_235 = tpu.memref_slice %arg4[%mul3A_4, %dma_wait3A_234] : memref<128x128xi32, #tpu.memory_space<hbm>> -> memref<4x128xi32, #tpu.memory_space<hbm>>
      tpu.wait_dma2 semaphore(%run_scoped3A : memref<!tpu.dma_semaphore, #tpu.memory_space<semaphore_mem>>) src(%dma_wait3A_235 : memref<4x128xi32, #tpu.memory_space<hbm>>) dst(%dma_wait3A_233 : memref<4x128xi32, #tpu.memory_space<vmem>>)
      tpu.yield
    }) : () -> ()
    %scan3A = arith.constant 0 : i32
    %scan3A_5 = arith.constant 0 : i32
    %scan3A_6 = arith.constant 32 : i32
    %scan3A_7 = arith.addi %scan3A_5, %scan3A_6 : i32
    %scan3A_8 = arith.constant 1 : i32
    scf.for %scan3A_216 = %scan3A_5 to %scan3A_7 step %scan3A_8  : i32 {
      %jit3A = arith.constant 8 : i32
      %div3A = arith.divsi %scan3A_216, %jit3A : i32
      %sign3A = arith.constant 0 : i32
      %sign3A_217 = arith.cmpi sgt, %scan3A_216, %sign3A : i32
      %sign3A_218 = arith.extui %sign3A_217 : i1 to i32
      %sign3A_219 = arith.constant 0 : i32
      %sign3A_220 = arith.cmpi slt, %scan3A_216, %sign3A_219 : i32
      %sign3A_221 = arith.extui %sign3A_220 : i1 to i32
      %sign3A_222 = arith.subi %sign3A_218, %sign3A_221 : i32
      %sign3A_223 = arith.constant 0 : i32
      %sign3A_224 = arith.cmpi sgt, %jit3A, %sign3A_223 : i32
      %sign3A_225 = arith.extui %sign3A_224 : i1 to i32
      %sign3A_226 = arith.constant 0 : i32
      %sign3A_227 = arith.cmpi slt, %jit3A, %sign3A_226 : i32
      %sign3A_228 = arith.extui %sign3A_227 : i1 to i32
      %sign3A_229 = arith.subi %sign3A_225, %sign3A_228 : i32
      %ne3A = arith.cmpi ne, %sign3A_222, %sign3A_229 : i32
      %rem3A = arith.remsi %scan3A_216, %jit3A : i32
      %ne3A_230 = arith.constant 0 : i32
      %ne3A_231 = arith.cmpi ne, %rem3A, %ne3A_230 : i32
      %and3A = arith.andi %ne3A, %ne3A_231 : i1
      %sub3A = arith.constant 1 : i32
      %sub3A_232 = arith.subi %div3A, %sub3A : i32
      %select_n3A = arith.select %and3A, %sub3A_232, %div3A : i32
      %add3A_233 = arith.constant 4 : i32
      %add3A_234 = arith.addi %add3A_233, %select_n3A : i32
      %jit3A_235 = arith.constant 8 : i32
      %eq3A = arith.constant 0 : i32
      %eq3A_236 = arith.cmpi eq, %jit3A_235, %eq3A : i32
      %jit3A_237 = arith.constant 1 : i32
      %select_n3A_238 = arith.select %eq3A_236, %jit3A_237, %jit3A_235 : i32
      %rem3A_239 = arith.remsi %scan3A_216, %select_n3A_238 : i32
      %ne3A_240 = arith.constant 0 : i32
      %ne3A_241 = arith.cmpi ne, %rem3A_239, %ne3A_240 : i32
      %lt3A = arith.constant 0 : i32
      %lt3A_242 = arith.cmpi slt, %rem3A_239, %lt3A : i32
      %lt3A_243 = arith.constant 0 : i32
      %lt3A_244 = arith.cmpi slt, %select_n3A_238, %lt3A_243 : i32
      %ne3A_245 = arith.xori %lt3A_242, %lt3A_244 : i1
      %and3A_246 = arith.andi %ne3A_245, %ne3A_241 : i1
      %add3A_247 = arith.addi %rem3A_239, %select_n3A_238 : i32
      %select_n3A_248 = arith.select %and3A_246, %add3A_247, %rem3A_239 : i32
      %mul3A_249 = arith.constant 16 : i32
      %mul3A_250 = arith.muli %select_n3A_248, %mul3A_249 : i32
      %get3A = arith.index_cast %add3A_234 : i32 to index
      %get3A_251 = arith.index_cast %mul3A_250 : i32 to index
      %get3A_252 = tpu.vector_load %arg7[%get3A, %get3A_251] {strides = array<i32>} : memref<8x128xi32, #tpu.memory_space<vmem>>, vector<1x16xi32>,
      %get3A_253 = vector.shape_cast %get3A_252 : vector<1x16xi32> to vector<16xi32>
      %add3A_254 = arith.constant 2033 : i32
      %add3A_255 = vector.broadcast %add3A_254 : i32 to vector<16xi32>
      %add3A_256 = arith.addi %get3A_253, %add3A_255 : vector<16xi32>
      %swap3A = arith.index_cast %add3A_234 : i32 to index
      %swap3A_257 = arith.index_cast %mul3A_250 : i32 to index
      %swap3A_258 = tpu.vector_load %arg7[%swap3A, %swap3A_257] {strides = array<i32>} : memref<8x128xi32, #tpu.memory_space<vmem>>, vector<1x16xi32>,
      %swap3A_259 = vector.shape_cast %swap3A_258 : vector<1x16xi32> to vector<16xi32>
      %swap3A_260 = vector.shape_cast %add3A_256 : vector<16xi32> to vector<1x16xi32>
      tpu.vector_store %arg7[%swap3A, %swap3A_257], %swap3A_260 {strides = array<i32>} : memref<8x128xi32, #tpu.memory_space<vmem>>, vector<1x16xi32>,
    }
    %scan3A_9 = arith.constant 32 : i32
    %dma_start3A = arith.constant 0 : i32
    %dma_start3A_10 = arith.constant 0 : i32
    %dma_start3A_11 = tpu.memref_slice %arg7[%dma_start3A, %dma_start3A_10] : memref<8x128xi32, #tpu.memory_space<vmem>> -> memref<1x128xi32, #tpu.memory_space<vmem>>
    %dma_start3A_12 = tpu.memref_squeeze %dma_start3A_11 : memref<1x128xi32, #tpu.memory_space<vmem>> -> memref<128xi32, #tpu.memory_space<vmem>>
    %dma_start3A_13 = arith.constant 0 : i32
    %dma_start3A_14 = arith.constant 0 : i32
    %dma_start3A_15 = tpu.memref_slice %arg2[%dma_start3A_13, %dma_start3A_14] : memref<2304x128xf32, #tpu.memory_space<hbm>> -> memref<2304x128xf32, #tpu.memory_space<hbm>>
    tpu.enqueue_indirect_dma source(%dma_start3A_15 : memref<2304x128xf32, #tpu.memory_space<hbm>>) target(%arg8 : memref<128x128xf32, #tpu.memory_space<vmem>>) offsets(%dma_start3A_12 : memref<128xi32, #tpu.memory_space<vmem>>) semaphore(%arg10 : memref<!tpu.dma_semaphore, #tpu.memory_space<semaphore_mem>>)
    %dma_start3A_16 = arith.constant 1 : i32
    %dma_start3A_17 = arith.constant 0 : i32
    %dma_start3A_18 = tpu.memref_slice %arg7[%dma_start3A_16, %dma_start3A_17] : memref<8x128xi32, #tpu.memory_space<vmem>> -> memref<1x128xi32, #tpu.memory_space<vmem>>
    %dma_start3A_19 = tpu.memref_squeeze %dma_start3A_18 : memref<1x128xi32, #tpu.memory_space<vmem>> -> memref<128xi32, #tpu.memory_space<vmem>>
    %dma_start3A_20 = arith.constant 0 : i32
    %dma_start3A_21 = arith.constant 0 : i32
    %dma_start3A_22 = tpu.memref_slice %arg2[%dma_start3A_20, %dma_start3A_21] : memref<2304x128xf32, #tpu.memory_space<hbm>> -> memref<2304x128xf32, #tpu.memory_space<hbm>>
    tpu.enqueue_indirect_dma source(%dma_start3A_22 : memref<2304x128xf32, #tpu.memory_space<hbm>>) target(%arg9 : memref<128x128xf32, #tpu.memory_space<vmem>>) offsets(%dma_start3A_19 : memref<128xi32, #tpu.memory_space<vmem>>) semaphore(%arg11 : memref<!tpu.dma_semaphore, #tpu.memory_space<semaphore_mem>>)
    %dma_wait3A = arith.constant 0 : i32
    %dma_wait3A_23 = arith.constant 0 : i32
    %dma_wait3A_24 = tpu.memref_slice %arg7[%dma_wait3A, %dma_wait3A_23] : memref<8x128xi32, #tpu.memory_space<vmem>> -> memref<1x128xi32, #tpu.memory_space<vmem>>
    %dma_wait3A_25 = tpu.memref_squeeze %dma_wait3A_24 : memref<1x128xi32, #tpu.memory_space<vmem>> -> memref<128xi32, #tpu.memory_space<vmem>>
    %dma_wait3A_26 = arith.constant 0 : i32
    %dma_wait3A_27 = arith.constant 0 : i32
    %dma_wait3A_28 = tpu.memref_slice %arg2[%dma_wait3A_26, %dma_wait3A_27] : memref<2304x128xf32, #tpu.memory_space<hbm>> -> memref<2304x128xf32, #tpu.memory_space<hbm>>
    tpu.wait_indirect_dma semaphore(%arg10 : memref<!tpu.dma_semaphore, #tpu.memory_space<semaphore_mem>>) src(%dma_wait3A_28 : memref<2304x128xf32, #tpu.memory_space<hbm>>) dst(%arg8 : memref<128x128xf32, #tpu.memory_space<vmem>>)
    %mul3A_29 = arith.constant 512 : i32
    %mul3A_30 = arith.muli %add3A, %mul3A_29 : i32
    %add3A_31 = arith.constant 0 : i32
    %add3A_32 = arith.addi %mul3A_30, %add3A_31 : i32
    %dma_start3A_33 = arith.constant 0 : i32
    %dma_start3A_34 = tpu.memref_slice %arg5[%add3A_32, %dma_start3A_33] : memref<16384x128xf32, #tpu.memory_space<hbm>> -> memref<128x128xf32, #tpu.memory_space<hbm>>
    %dma_start3A_35 = arith.constant 0 : i32
    %dma_start3A_36 = tpu.memref_slice %arg5[%add3A_32, %dma_start3A_35] : memref<16384x128xf32, #tpu.memory_space<hbm>> -> memref<128x128xf32, #tpu.memory_space<hbm>>
    tpu.enqueue_dma source(%arg8 : memref<128x128xf32, #tpu.memory_space<vmem>>) target(%dma_start3A_36 : memref<128x128xf32, #tpu.memory_space<hbm>>) target_semaphore(%arg12 : memref<!tpu.dma_semaphore, #tpu.memory_space<semaphore_mem>>)
    %dma_wait3A_37 = arith.constant 0 : i32
    %dma_wait3A_38 = tpu.memref_slice %arg5[%add3A_32, %dma_wait3A_37] : memref<16384x128xf32, #tpu.memory_space<hbm>> -> memref<128x128xf32, #tpu.memory_space<hbm>>
    %dma_wait3A_39 = arith.constant 0 : i32
    %dma_wait3A_40 = tpu.memref_slice %arg5[%add3A_32, %dma_wait3A_39] : memref<16384x128xf32, #tpu.memory_space<hbm>> -> memref<128x128xf32, #tpu.memory_space<hbm>>
    tpu.wait_dma2 semaphore(%arg12 : memref<!tpu.dma_semaphore, #tpu.memory_space<semaphore_mem>>) src(%arg8 : memref<128x128xf32, #tpu.memory_space<vmem>>) dst(%dma_wait3A_40 : memref<128x128xf32, #tpu.memory_space<hbm>>)
    %dma_start3A_41 = arith.constant 2 : i32
    %dma_start3A_42 = arith.constant 0 : i32
    %dma_start3A_43 = tpu.memref_slice %arg7[%dma_start3A_41, %dma_start3A_42] : memref<8x128xi32, #tpu.memory_space<vmem>> -> memref<1x128xi32, #tpu.memory_space<vmem>>
    %dma_start3A_44 = tpu.memref_squeeze %dma_start3A_43 : memref<1x128xi32, #tpu.memory_space<vmem>> -> memref<128xi32, #tpu.memory_space<vmem>>
    %dma_start3A_45 = arith.constant 0 : i32
    %dma_start3A_46 = arith.constant 0 : i32
    %dma_start3A_47 = tpu.memref_slice %arg2[%dma_start3A_45, %dma_start3A_46] : memref<2304x128xf32, #tpu.memory_space<hbm>> -> memref<2304x128xf32, #tpu.memory_space<hbm>>
    tpu.enqueue_indirect_dma source(%dma_start3A_47 : memref<2304x128xf32, #tpu.memory_space<hbm>>) target(%arg8 : memref<128x128xf32, #tpu.memory_space<vmem>>) offsets(%dma_start3A_44 : memref<128xi32, #tpu.memory_space<vmem>>) semaphore(%arg10 : memref<!tpu.dma_semaphore, #tpu.memory_space<semaphore_mem>>)
    %dma_wait3A_48 = arith.constant 1 : i32
    %dma_wait3A_49 = arith.constant 0 : i32
    %dma_wait3A_50 = tpu.memref_slice %arg7[%dma_wait3A_48, %dma_wait3A_49] : memref<8x128xi32, #tpu.memory_space<vmem>> -> memref<1x128xi32, #tpu.memory_space<vmem>>
    %dma_wait3A_51 = tpu.memref_squeeze %dma_wait3A_50 : memref<1x128xi32, #tpu.memory_space<vmem>> -> memref<128xi32, #tpu.memory_space<vmem>>
    %dma_wait3A_52 = arith.constant 0 : i32
    %dma_wait3A_53 = arith.constant 0 : i32
    %dma_wait3A_54 = tpu.memref_slice %arg2[%dma_wait3A_52, %dma_wait3A_53] : memref<2304x128xf32, #tpu.memory_space<hbm>> -> memref<2304x128xf32, #tpu.memory_space<hbm>>
    tpu.wait_indirect_dma semaphore(%arg11 : memref<!tpu.dma_semaphore, #tpu.memory_space<semaphore_mem>>) src(%dma_wait3A_54 : memref<2304x128xf32, #tpu.memory_space<hbm>>) dst(%arg9 : memref<128x128xf32, #tpu.memory_space<vmem>>)
    %mul3A_55 = arith.constant 512 : i32
    %mul3A_56 = arith.muli %add3A, %mul3A_55 : i32
    %add3A_57 = arith.constant 128 : i32
    %add3A_58 = arith.addi %mul3A_56, %add3A_57 : i32
    %dma_start3A_59 = arith.constant 0 : i32
    %dma_start3A_60 = tpu.memref_slice %arg5[%add3A_58, %dma_start3A_59] : memref<16384x128xf32, #tpu.memory_space<hbm>> -> memref<128x128xf32, #tpu.memory_space<hbm>>
    %dma_start3A_61 = arith.constant 0 : i32
    %dma_start3A_62 = tpu.memref_slice %arg5[%add3A_58, %dma_start3A_61] : memref<16384x128xf32, #tpu.memory_space<hbm>> -> memref<128x128xf32, #tpu.memory_space<hbm>>
    tpu.enqueue_dma source(%arg9 : memref<128x128xf32, #tpu.memory_space<vmem>>) target(%dma_start3A_62 : memref<128x128xf32, #tpu.memory_space<hbm>>) target_semaphore(%arg13 : memref<!tpu.dma_semaphore, #tpu.memory_space<semaphore_mem>>)
    %dma_wait3A_63 = arith.constant 0 : i32
    %dma_wait3A_64 = tpu.memref_slice %arg5[%add3A_58, %dma_wait3A_63] : memref<16384x128xf32, #tpu.memory_space<hbm>> -> memref<128x128xf32, #tpu.memory_space<hbm>>
    %dma_wait3A_65 = arith.constant 0 : i32
    %dma_wait3A_66 = tpu.memref_slice %arg5[%add3A_58, %dma_wait3A_65] : memref<16384x128xf32, #tpu.memory_space<hbm>> -> memref<128x128xf32, #tpu.memory_space<hbm>>
    tpu.wait_dma2 semaphore(%arg13 : memref<!tpu.dma_semaphore, #tpu.memory_space<semaphore_mem>>) src(%arg9 : memref<128x128xf32, #tpu.memory_space<vmem>>) dst(%dma_wait3A_66 : memref<128x128xf32, #tpu.memory_space<hbm>>)
    %dma_start3A_67 = arith.constant 3 : i32
    %dma_start3A_68 = arith.constant 0 : i32
    %dma_start3A_69 = tpu.memref_slice %arg7[%dma_start3A_67, %dma_start3A_68] : memref<8x128xi32, #tpu.memory_space<vmem>> -> memref<1x128xi32, #tpu.memory_space<vmem>>
    %dma_start3A_70 = tpu.memref_squeeze %dma_start3A_69 : memref<1x128xi32, #tpu.memory_space<vmem>> -> memref<128xi32, #tpu.memory_space<vmem>>
    %dma_start3A_71 = arith.constant 0 : i32
    %dma_start3A_72 = arith.constant 0 : i32
    %dma_start3A_73 = tpu.memref_slice %arg2[%dma_start3A_71, %dma_start3A_72] : memref<2304x128xf32, #tpu.memory_space<hbm>> -> memref<2304x128xf32, #tpu.memory_space<hbm>>
    tpu.enqueue_indirect_dma source(%dma_start3A_73 : memref<2304x128xf32, #tpu.memory_space<hbm>>) target(%arg9 : memref<128x128xf32, #tpu.memory_space<vmem>>) offsets(%dma_start3A_70 : memref<128xi32, #tpu.memory_space<vmem>>) semaphore(%arg11 : memref<!tpu.dma_semaphore, #tpu.memory_space<semaphore_mem>>)
    %dma_wait3A_74 = arith.constant 2 : i32
    %dma_wait3A_75 = arith.constant 0 : i32
    %dma_wait3A_76 = tpu.memref_slice %arg7[%dma_wait3A_74, %dma_wait3A_75] : memref<8x128xi32, #tpu.memory_space<vmem>> -> memref<1x128xi32, #tpu.memory_space<vmem>>
    %dma_wait3A_77 = tpu.memref_squeeze %dma_wait3A_76 : memref<1x128xi32, #tpu.memory_space<vmem>> -> memref<128xi32, #tpu.memory_space<vmem>>
    %dma_wait3A_78 = arith.constant 0 : i32
    %dma_wait3A_79 = arith.constant 0 : i32
    %dma_wait3A_80 = tpu.memref_slice %arg2[%dma_wait3A_78, %dma_wait3A_79] : memref<2304x128xf32, #tpu.memory_space<hbm>> -> memref<2304x128xf32, #tpu.memory_space<hbm>>
    tpu.wait_indirect_dma semaphore(%arg10 : memref<!tpu.dma_semaphore, #tpu.memory_space<semaphore_mem>>) src(%dma_wait3A_80 : memref<2304x128xf32, #tpu.memory_space<hbm>>) dst(%arg8 : memref<128x128xf32, #tpu.memory_space<vmem>>)
    %mul3A_81 = arith.constant 512 : i32
    %mul3A_82 = arith.muli %add3A, %mul3A_81 : i32
    %add3A_83 = arith.constant 256 : i32
    %add3A_84 = arith.addi %mul3A_82, %add3A_83 : i32
    %dma_start3A_85 = arith.constant 0 : i32
    %dma_start3A_86 = tpu.memref_slice %arg5[%add3A_84, %dma_start3A_85] : memref<16384x128xf32, #tpu.memory_space<hbm>> -> memref<128x128xf32, #tpu.memory_space<hbm>>
    %dma_start3A_87 = arith.constant 0 : i32
    %dma_start3A_88 = tpu.memref_slice %arg5[%add3A_84, %dma_start3A_87] : memref<16384x128xf32, #tpu.memory_space<hbm>> -> memref<128x128xf32, #tpu.memory_space<hbm>>
    tpu.enqueue_dma source(%arg8 : memref<128x128xf32, #tpu.memory_space<vmem>>) target(%dma_start3A_88 : memref<128x128xf32, #tpu.memory_space<hbm>>) target_semaphore(%arg12 : memref<!tpu.dma_semaphore, #tpu.memory_space<semaphore_mem>>)
    %dma_wait3A_89 = arith.constant 0 : i32
    %dma_wait3A_90 = tpu.memref_slice %arg5[%add3A_84, %dma_wait3A_89] : memref<16384x128xf32, #tpu.memory_space<hbm>> -> memref<128x128xf32, #tpu.memory_space<hbm>>
    %dma_wait3A_91 = arith.constant 0 : i32
    %dma_wait3A_92 = tpu.memref_slice %arg5[%add3A_84, %dma_wait3A_91] : memref<16384x128xf32, #tpu.memory_space<hbm>> -> memref<128x128xf32, #tpu.memory_space<hbm>>
    tpu.wait_dma2 semaphore(%arg12 : memref<!tpu.dma_semaphore, #tpu.memory_space<semaphore_mem>>) src(%arg8 : memref<128x128xf32, #tpu.memory_space<vmem>>) dst(%dma_wait3A_92 : memref<128x128xf32, #tpu.memory_space<hbm>>)
    %dma_start3A_93 = arith.constant 4 : i32
    %dma_start3A_94 = arith.constant 0 : i32
    %dma_start3A_95 = tpu.memref_slice %arg7[%dma_start3A_93, %dma_start3A_94] : memref<8x128xi32, #tpu.memory_space<vmem>> -> memref<1x128xi32, #tpu.memory_space<vmem>>
    %dma_start3A_96 = tpu.memref_squeeze %dma_start3A_95 : memref<1x128xi32, #tpu.memory_space<vmem>> -> memref<128xi32, #tpu.memory_space<vmem>>
    %dma_start3A_97 = arith.constant 0 : i32
    %dma_start3A_98 = arith.constant 0 : i32
    %dma_start3A_99 = tpu.memref_slice %arg2[%dma_start3A_97, %dma_start3A_98] : memref<2304x128xf32, #tpu.memory_space<hbm>> -> memref<2304x128xf32, #tpu.memory_space<hbm>>
    tpu.enqueue_indirect_dma source(%dma_start3A_99 : memref<2304x128xf32, #tpu.memory_space<hbm>>) target(%arg8 : memref<128x128xf32, #tpu.memory_space<vmem>>) offsets(%dma_start3A_96 : memref<128xi32, #tpu.memory_space<vmem>>) semaphore(%arg10 : memref<!tpu.dma_semaphore, #tpu.memory_space<semaphore_mem>>)
    %dma_wait3A_100 = arith.constant 3 : i32
    %dma_wait3A_101 = arith.constant 0 : i32
    %dma_wait3A_102 = tpu.memref_slice %arg7[%dma_wait3A_100, %dma_wait3A_101] : memref<8x128xi32, #tpu.memory_space<vmem>> -> memref<1x128xi32, #tpu.memory_space<vmem>>
    %dma_wait3A_103 = tpu.memref_squeeze %dma_wait3A_102 : memref<1x128xi32, #tpu.memory_space<vmem>> -> memref<128xi32, #tpu.memory_space<vmem>>
    %dma_wait3A_104 = arith.constant 0 : i32
    %dma_wait3A_105 = arith.constant 0 : i32
    %dma_wait3A_106 = tpu.memref_slice %arg2[%dma_wait3A_104, %dma_wait3A_105] : memref<2304x128xf32, #tpu.memory_space<hbm>> -> memref<2304x128xf32, #tpu.memory_space<hbm>>
    tpu.wait_indirect_dma semaphore(%arg11 : memref<!tpu.dma_semaphore, #tpu.memory_space<semaphore_mem>>) src(%dma_wait3A_106 : memref<2304x128xf32, #tpu.memory_space<hbm>>) dst(%arg9 : memref<128x128xf32, #tpu.memory_space<vmem>>)
    %mul3A_107 = arith.constant 512 : i32
    %mul3A_108 = arith.muli %add3A, %mul3A_107 : i32
    %add3A_109 = arith.constant 384 : i32
    %add3A_110 = arith.addi %mul3A_108, %add3A_109 : i32
    %dma_start3A_111 = arith.constant 0 : i32
    %dma_start3A_112 = tpu.memref_slice %arg5[%add3A_110, %dma_start3A_111] : memref<16384x128xf32, #tpu.memory_space<hbm>> -> memref<128x128xf32, #tpu.memory_space<hbm>>
    %dma_start3A_113 = arith.constant 0 : i32
    %dma_start3A_114 = tpu.memref_slice %arg5[%add3A_110, %dma_start3A_113] : memref<16384x128xf32, #tpu.memory_space<hbm>> -> memref<128x128xf32, #tpu.memory_space<hbm>>
    tpu.enqueue_dma source(%arg9 : memref<128x128xf32, #tpu.memory_space<vmem>>) target(%dma_start3A_114 : memref<128x128xf32, #tpu.memory_space<hbm>>) target_semaphore(%arg13 : memref<!tpu.dma_semaphore, #tpu.memory_space<semaphore_mem>>)
    %dma_wait3A_115 = arith.constant 0 : i32
    %dma_wait3A_116 = tpu.memref_slice %arg5[%add3A_110, %dma_wait3A_115] : memref<16384x128xf32, #tpu.memory_space<hbm>> -> memref<128x128xf32, #tpu.memory_space<hbm>>
    %dma_wait3A_117 = arith.constant 0 : i32
    %dma_wait3A_118 = tpu.memref_slice %arg5[%add3A_110, %dma_wait3A_117] : memref<16384x128xf32, #tpu.memory_space<hbm>> -> memref<128x128xf32, #tpu.memory_space<hbm>>
    tpu.wait_dma2 semaphore(%arg13 : memref<!tpu.dma_semaphore, #tpu.memory_space<semaphore_mem>>) src(%arg9 : memref<128x128xf32, #tpu.memory_space<vmem>>) dst(%dma_wait3A_118 : memref<128x128xf32, #tpu.memory_space<hbm>>)
    %dma_start3A_119 = arith.constant 5 : i32
    %dma_start3A_120 = arith.constant 0 : i32
    %dma_start3A_121 = tpu.memref_slice %arg7[%dma_start3A_119, %dma_start3A_120] : memref<8x128xi32, #tpu.memory_space<vmem>> -> memref<1x128xi32, #tpu.memory_space<vmem>>
    %dma_start3A_122 = tpu.memref_squeeze %dma_start3A_121 : memref<1x128xi32, #tpu.memory_space<vmem>> -> memref<128xi32, #tpu.memory_space<vmem>>
    %dma_start3A_123 = arith.constant 0 : i32
    %dma_start3A_124 = arith.constant 0 : i32
    %dma_start3A_125 = tpu.memref_slice %arg2[%dma_start3A_123, %dma_start3A_124] : memref<2304x128xf32, #tpu.memory_space<hbm>> -> memref<2304x128xf32, #tpu.memory_space<hbm>>
    tpu.enqueue_indirect_dma source(%dma_start3A_125 : memref<2304x128xf32, #tpu.memory_space<hbm>>) target(%arg9 : memref<128x128xf32, #tpu.memory_space<vmem>>) offsets(%dma_start3A_122 : memref<128xi32, #tpu.memory_space<vmem>>) semaphore(%arg11 : memref<!tpu.dma_semaphore, #tpu.memory_space<semaphore_mem>>)
    %dma_wait3A_126 = arith.constant 4 : i32
    %dma_wait3A_127 = arith.constant 0 : i32
    %dma_wait3A_128 = tpu.memref_slice %arg7[%dma_wait3A_126, %dma_wait3A_127] : memref<8x128xi32, #tpu.memory_space<vmem>> -> memref<1x128xi32, #tpu.memory_space<vmem>>
    %dma_wait3A_129 = tpu.memref_squeeze %dma_wait3A_128 : memref<1x128xi32, #tpu.memory_space<vmem>> -> memref<128xi32, #tpu.memory_space<vmem>>
    %dma_wait3A_130 = arith.constant 0 : i32
    %dma_wait3A_131 = arith.constant 0 : i32
    %dma_wait3A_132 = tpu.memref_slice %arg2[%dma_wait3A_130, %dma_wait3A_131] : memref<2304x128xf32, #tpu.memory_space<hbm>> -> memref<2304x128xf32, #tpu.memory_space<hbm>>
    tpu.wait_indirect_dma semaphore(%arg10 : memref<!tpu.dma_semaphore, #tpu.memory_space<semaphore_mem>>) src(%dma_wait3A_132 : memref<2304x128xf32, #tpu.memory_space<hbm>>) dst(%arg8 : memref<128x128xf32, #tpu.memory_space<vmem>>)
    %mul3A_133 = arith.constant 512 : i32
    %mul3A_134 = arith.muli %add3A, %mul3A_133 : i32
    %add3A_135 = arith.constant 0 : i32
    %add3A_136 = arith.addi %mul3A_134, %add3A_135 : i32
    %dma_start3A_137 = arith.constant 0 : i32
    %dma_start3A_138 = tpu.memref_slice %arg6[%add3A_136, %dma_start3A_137] : memref<16384x128xf32, #tpu.memory_space<hbm>> -> memref<128x128xf32, #tpu.memory_space<hbm>>
    %dma_start3A_139 = arith.constant 0 : i32
    %dma_start3A_140 = tpu.memref_slice %arg6[%add3A_136, %dma_start3A_139] : memref<16384x128xf32, #tpu.memory_space<hbm>> -> memref<128x128xf32, #tpu.memory_space<hbm>>
    tpu.enqueue_dma source(%arg8 : memref<128x128xf32, #tpu.memory_space<vmem>>) target(%dma_start3A_140 : memref<128x128xf32, #tpu.memory_space<hbm>>) target_semaphore(%arg12 : memref<!tpu.dma_semaphore, #tpu.memory_space<semaphore_mem>>)
    %dma_wait3A_141 = arith.constant 0 : i32
    %dma_wait3A_142 = tpu.memref_slice %arg6[%add3A_136, %dma_wait3A_141] : memref<16384x128xf32, #tpu.memory_space<hbm>> -> memref<128x128xf32, #tpu.memory_space<hbm>>
    %dma_wait3A_143 = arith.constant 0 : i32
    %dma_wait3A_144 = tpu.memref_slice %arg6[%add3A_136, %dma_wait3A_143] : memref<16384x128xf32, #tpu.memory_space<hbm>> -> memref<128x128xf32, #tpu.memory_space<hbm>>
    tpu.wait_dma2 semaphore(%arg12 : memref<!tpu.dma_semaphore, #tpu.memory_space<semaphore_mem>>) src(%arg8 : memref<128x128xf32, #tpu.memory_space<vmem>>) dst(%dma_wait3A_144 : memref<128x128xf32, #tpu.memory_space<hbm>>)
    %dma_start3A_145 = arith.constant 6 : i32
    %dma_start3A_146 = arith.constant 0 : i32
    %dma_start3A_147 = tpu.memref_slice %arg7[%dma_start3A_145, %dma_start3A_146] : memref<8x128xi32, #tpu.memory_space<vmem>> -> memref<1x128xi32, #tpu.memory_space<vmem>>
    %dma_start3A_148 = tpu.memref_squeeze %dma_start3A_147 : memref<1x128xi32, #tpu.memory_space<vmem>> -> memref<128xi32, #tpu.memory_space<vmem>>
    %dma_start3A_149 = arith.constant 0 : i32
    %dma_start3A_150 = arith.constant 0 : i32
    %dma_start3A_151 = tpu.memref_slice %arg2[%dma_start3A_149, %dma_start3A_150] : memref<2304x128xf32, #tpu.memory_space<hbm>> -> memref<2304x128xf32, #tpu.memory_space<hbm>>
    tpu.enqueue_indirect_dma source(%dma_start3A_151 : memref<2304x128xf32, #tpu.memory_space<hbm>>) target(%arg8 : memref<128x128xf32, #tpu.memory_space<vmem>>) offsets(%dma_start3A_148 : memref<128xi32, #tpu.memory_space<vmem>>) semaphore(%arg10 : memref<!tpu.dma_semaphore, #tpu.memory_space<semaphore_mem>>)
    %dma_wait3A_152 = arith.constant 5 : i32
    %dma_wait3A_153 = arith.constant 0 : i32
    %dma_wait3A_154 = tpu.memref_slice %arg7[%dma_wait3A_152, %dma_wait3A_153] : memref<8x128xi32, #tpu.memory_space<vmem>> -> memref<1x128xi32, #tpu.memory_space<vmem>>
    %dma_wait3A_155 = tpu.memref_squeeze %dma_wait3A_154 : memref<1x128xi32, #tpu.memory_space<vmem>> -> memref<128xi32, #tpu.memory_space<vmem>>
    %dma_wait3A_156 = arith.constant 0 : i32
    %dma_wait3A_157 = arith.constant 0 : i32
    %dma_wait3A_158 = tpu.memref_slice %arg2[%dma_wait3A_156, %dma_wait3A_157] : memref<2304x128xf32, #tpu.memory_space<hbm>> -> memref<2304x128xf32, #tpu.memory_space<hbm>>
    tpu.wait_indirect_dma semaphore(%arg11 : memref<!tpu.dma_semaphore, #tpu.memory_space<semaphore_mem>>) src(%dma_wait3A_158 : memref<2304x128xf32, #tpu.memory_space<hbm>>) dst(%arg9 : memref<128x128xf32, #tpu.memory_space<vmem>>)
    %mul3A_159 = arith.constant 512 : i32
    %mul3A_160 = arith.muli %add3A, %mul3A_159 : i32
    %add3A_161 = arith.constant 128 : i32
    %add3A_162 = arith.addi %mul3A_160, %add3A_161 : i32
    %dma_start3A_163 = arith.constant 0 : i32
    %dma_start3A_164 = tpu.memref_slice %arg6[%add3A_162, %dma_start3A_163] : memref<16384x128xf32, #tpu.memory_space<hbm>> -> memref<128x128xf32, #tpu.memory_space<hbm>>
    %dma_start3A_165 = arith.constant 0 : i32
    %dma_start3A_166 = tpu.memref_slice %arg6[%add3A_162, %dma_start3A_165] : memref<16384x128xf32, #tpu.memory_space<hbm>> -> memref<128x128xf32, #tpu.memory_space<hbm>>
    tpu.enqueue_dma source(%arg9 : memref<128x128xf32, #tpu.memory_space<vmem>>) target(%dma_start3A_166 : memref<128x128xf32, #tpu.memory_space<hbm>>) target_semaphore(%arg13 : memref<!tpu.dma_semaphore, #tpu.memory_space<semaphore_mem>>)
    %dma_wait3A_167 = arith.constant 0 : i32
    %dma_wait3A_168 = tpu.memref_slice %arg6[%add3A_162, %dma_wait3A_167] : memref<16384x128xf32, #tpu.memory_space<hbm>> -> memref<128x128xf32, #tpu.memory_space<hbm>>
    %dma_wait3A_169 = arith.constant 0 : i32
    %dma_wait3A_170 = tpu.memref_slice %arg6[%add3A_162, %dma_wait3A_169] : memref<16384x128xf32, #tpu.memory_space<hbm>> -> memref<128x128xf32, #tpu.memory_space<hbm>>
    tpu.wait_dma2 semaphore(%arg13 : memref<!tpu.dma_semaphore, #tpu.memory_space<semaphore_mem>>) src(%arg9 : memref<128x128xf32, #tpu.memory_space<vmem>>) dst(%dma_wait3A_170 : memref<128x128xf32, #tpu.memory_space<hbm>>)
    %dma_start3A_171 = arith.constant 7 : i32
    %dma_start3A_172 = arith.constant 0 : i32
    %dma_start3A_173 = tpu.memref_slice %arg7[%dma_start3A_171, %dma_start3A_172] : memref<8x128xi32, #tpu.memory_space<vmem>> -> memref<1x128xi32, #tpu.memory_space<vmem>>
    %dma_start3A_174 = tpu.memref_squeeze %dma_start3A_173 : memref<1x128xi32, #tpu.memory_space<vmem>> -> memref<128xi32, #tpu.memory_space<vmem>>
    %dma_start3A_175 = arith.constant 0 : i32
    %dma_start3A_176 = arith.constant 0 : i32
    %dma_start3A_177 = tpu.memref_slice %arg2[%dma_start3A_175, %dma_start3A_176] : memref<2304x128xf32, #tpu.memory_space<hbm>> -> memref<2304x128xf32, #tpu.memory_space<hbm>>
    tpu.enqueue_indirect_dma source(%dma_start3A_177 : memref<2304x128xf32, #tpu.memory_space<hbm>>) target(%arg9 : memref<128x128xf32, #tpu.memory_space<vmem>>) offsets(%dma_start3A_174 : memref<128xi32, #tpu.memory_space<vmem>>) semaphore(%arg11 : memref<!tpu.dma_semaphore, #tpu.memory_space<semaphore_mem>>)
    %dma_wait3A_178 = arith.constant 6 : i32
    %dma_wait3A_179 = arith.constant 0 : i32
    %dma_wait3A_180 = tpu.memref_slice %arg7[%dma_wait3A_178, %dma_wait3A_179] : memref<8x128xi32, #tpu.memory_space<vmem>> -> memref<1x128xi32, #tpu.memory_space<vmem>>
    %dma_wait3A_181 = tpu.memref_squeeze %dma_wait3A_180 : memref<1x128xi32, #tpu.memory_space<vmem>> -> memref<128xi32, #tpu.memory_space<vmem>>
    %dma_wait3A_182 = arith.constant 0 : i32
    %dma_wait3A_183 = arith.constant 0 : i32
    %dma_wait3A_184 = tpu.memref_slice %arg2[%dma_wait3A_182, %dma_wait3A_183] : memref<2304x128xf32, #tpu.memory_space<hbm>> -> memref<2304x128xf32, #tpu.memory_space<hbm>>
    tpu.wait_indirect_dma semaphore(%arg10 : memref<!tpu.dma_semaphore, #tpu.memory_space<semaphore_mem>>) src(%dma_wait3A_184 : memref<2304x128xf32, #tpu.memory_space<hbm>>) dst(%arg8 : memref<128x128xf32, #tpu.memory_space<vmem>>)
    %mul3A_185 = arith.constant 512 : i32
    %mul3A_186 = arith.muli %add3A, %mul3A_185 : i32
    %add3A_187 = arith.constant 256 : i32
    %add3A_188 = arith.addi %mul3A_186, %add3A_187 : i32
    %dma_start3A_189 = arith.constant 0 : i32
    %dma_start3A_190 = tpu.memref_slice %arg6[%add3A_188, %dma_start3A_189] : memref<16384x128xf32, #tpu.memory_space<hbm>> -> memref<128x128xf32, #tpu.memory_space<hbm>>
    %dma_start3A_191 = arith.constant 0 : i32
    %dma_start3A_192 = tpu.memref_slice %arg6[%add3A_188, %dma_start3A_191] : memref<16384x128xf32, #tpu.memory_space<hbm>> -> memref<128x128xf32, #tpu.memory_space<hbm>>
    tpu.enqueue_dma source(%arg8 : memref<128x128xf32, #tpu.memory_space<vmem>>) target(%dma_start3A_192 : memref<128x128xf32, #tpu.memory_space<hbm>>) target_semaphore(%arg12 : memref<!tpu.dma_semaphore, #tpu.memory_space<semaphore_mem>>)
    %dma_wait3A_193 = arith.constant 7 : i32
    %dma_wait3A_194 = arith.constant 0 : i32
    %dma_wait3A_195 = tpu.memref_slice %arg7[%dma_wait3A_193, %dma_wait3A_194] : memref<8x128xi32, #tpu.memory_space<vmem>> -> memref<1x128xi32, #tpu.memory_space<vmem>>
    %dma_wait3A_196 = tpu.memref_squeeze %dma_wait3A_195 : memref<1x128xi32, #tpu.memory_space<vmem>> -> memref<128xi32, #tpu.memory_space<vmem>>
    %dma_wait3A_197 = arith.constant 0 : i32
    %dma_wait3A_198 = arith.constant 0 : i32
    %dma_wait3A_199 = tpu.memref_slice %arg2[%dma_wait3A_197, %dma_wait3A_198] : memref<2304x128xf32, #tpu.memory_space<hbm>> -> memref<2304x128xf32, #tpu.memory_space<hbm>>
    tpu.wait_indirect_dma semaphore(%arg11 : memref<!tpu.dma_semaphore, #tpu.memory_space<semaphore_mem>>) src(%dma_wait3A_199 : memref<2304x128xf32, #tpu.memory_space<hbm>>) dst(%arg9 : memref<128x128xf32, #tpu.memory_space<vmem>>)
    %mul3A_200 = arith.constant 512 : i32
    %mul3A_201 = arith.muli %add3A, %mul3A_200 : i32
    %add3A_202 = arith.constant 384 : i32
    %add3A_203 = arith.addi %mul3A_201, %add3A_202 : i32
    %dma_start3A_204 = arith.constant 0 : i32
    %dma_start3A_205 = tpu.memref_slice %arg6[%add3A_203, %dma_start3A_204] : memref<16384x128xf32, #tpu.memory_space<hbm>> -> memref<128x128xf32, #tpu.memory_space<hbm>>
    %dma_start3A_206 = arith.constant 0 : i32
    %dma_start3A_207 = tpu.memref_slice %arg6[%add3A_203, %dma_start3A_206] : memref<16384x128xf32, #tpu.memory_space<hbm>> -> memref<128x128xf32, #tpu.memory_space<hbm>>
    tpu.enqueue_dma source(%arg9 : memref<128x128xf32, #tpu.memory_space<vmem>>) target(%dma_start3A_207 : memref<128x128xf32, #tpu.memory_space<hbm>>) target_semaphore(%arg13 : memref<!tpu.dma_semaphore, #tpu.memory_space<semaphore_mem>>)
    %dma_wait3A_208 = arith.constant 0 : i32
    %dma_wait3A_209 = tpu.memref_slice %arg6[%add3A_188, %dma_wait3A_208] : memref<16384x128xf32, #tpu.memory_space<hbm>> -> memref<128x128xf32, #tpu.memory_space<hbm>>
    %dma_wait3A_210 = arith.constant 0 : i32
    %dma_wait3A_211 = tpu.memref_slice %arg6[%add3A_188, %dma_wait3A_210] : memref<16384x128xf32, #tpu.memory_space<hbm>> -> memref<128x128xf32, #tpu.memory_space<hbm>>
    tpu.wait_dma2 semaphore(%arg12 : memref<!tpu.dma_semaphore, #tpu.memory_space<semaphore_mem>>) src(%arg8 : memref<128x128xf32, #tpu.memory_space<vmem>>) dst(%dma_wait3A_211 : memref<128x128xf32, #tpu.memory_space<hbm>>)
    %dma_wait3A_212 = arith.constant 0 : i32
    %dma_wait3A_213 = tpu.memref_slice %arg6[%add3A_203, %dma_wait3A_212] : memref<16384x128xf32, #tpu.memory_space<hbm>> -> memref<128x128xf32, #tpu.memory_space<hbm>>
    %dma_wait3A_214 = arith.constant 0 : i32
    %dma_wait3A_215 = tpu.memref_slice %arg6[%add3A_203, %dma_wait3A_214] : memref<16384x128xf32, #tpu.memory_space<hbm>> -> memref<128x128xf32, #tpu.memory_space<hbm>>
    tpu.wait_dma2 semaphore(%arg13 : memref<!tpu.dma_semaphore, #tpu.memory_space<semaphore_mem>>) src(%arg9 : memref<128x128xf32, #tpu.memory_space<vmem>>) dst(%dma_wait3A_215 : memref<128x128xf32, #tpu.memory_space<hbm>>)
    return
  }
}

module attributes {stable_mosaic.version = 14 : i64} {
  func.func @_h1_body(%arg0: i32, %arg1: memref<256x2249xf32, #tpu.memory_space<vmem>>, %arg2: memref<2x2249x128xf32, #tpu.memory_space<vmem>>, %arg3: memref<2x1x128xf32, #tpu.memory_space<vmem>>, %arg4: memref<256x128xf32, #tpu.memory_space<vmem>>) attributes {dimension_semantics = [#tpu.dimension_semantics<arbitrary>], iteration_bounds = array<i64: 9>, scalar_prefetch = 0 : i64, scratch_operands = 0 : i64, tpu.core_type = #tpu.core_type<tc>, window_params = [{transform_indices = @transform_0, window_bounds = array<i64: 256, 2249>}, {pipeline_mode = #tpu.pipeline_mode<synchronous>, transform_indices = @transform_1, window_bounds = array<i64: 2, 2249, 128>}, {pipeline_mode = #tpu.pipeline_mode<synchronous>, transform_indices = @transform_2, window_bounds = array<i64: 2, 1, 128>}, {transform_indices = @transform_3, window_bounds = array<i64: 256, 128>}]} {
    %get3A = arith.constant 0 : index
    %get3A_0 = arith.constant 0 : index
    %get3A_1 = arith.constant 0 : index
    %get3A_2 = vector.load %arg2[%get3A, %get3A_0, %get3A_1] : memref<2x2249x128xf32, #tpu.memory_space<vmem>>, vector<1x2249x128xf32>
    %get3A_3 = vector.shape_cast %get3A_2 : vector<1x2249x128xf32> to vector<2249x128xf32>
    %get3A_4 = arith.constant 1 : index
    %get3A_5 = arith.constant 0 : index
    %get3A_6 = arith.constant 0 : index
    %get3A_7 = vector.load %arg2[%get3A_4, %get3A_5, %get3A_6] : memref<2x2249x128xf32, #tpu.memory_space<vmem>>, vector<1x2249x128xf32>
    %get3A_8 = vector.shape_cast %get3A_7 : vector<1x2249x128xf32> to vector<2249x128xf32>
    %add3A = arith.addf %get3A_3, %get3A_8 : vector<2249x128xf32>
    %get3A_9 = arith.constant 0 : index
    %get3A_10 = arith.constant 0 : index
    %get3A_11 = arith.constant 0 : index
    %get3A_12 = vector.load %arg3[%get3A_9, %get3A_10, %get3A_11] : memref<2x1x128xf32, #tpu.memory_space<vmem>>, vector<1x1x128xf32>
    %get3A_13 = vector.shape_cast %get3A_12 : vector<1x1x128xf32> to vector<1x128xf32>
    %get3A_14 = arith.constant 1 : index
    %get3A_15 = arith.constant 0 : index
    %get3A_16 = arith.constant 0 : index
    %get3A_17 = vector.load %arg3[%get3A_14, %get3A_15, %get3A_16] : memref<2x1x128xf32, #tpu.memory_space<vmem>>, vector<1x1x128xf32>
    %get3A_18 = vector.shape_cast %get3A_17 : vector<1x1x128xf32> to vector<1x128xf32>
    %add3A_19 = arith.addf %get3A_13, %get3A_18 : vector<1x128xf32>
    %get3A_20 = arith.constant 0 : index
    %get3A_21 = arith.constant 0 : index
    %get3A_22 = vector.load %arg1[%get3A_20, %get3A_21] : memref<256x2249xf32, #tpu.memory_space<vmem>>, vector<256x2249xf32>
    %convert_element_type3A = arith.truncf %get3A_22 : vector<256x2249xf32> to vector<256x2249xbf16>
    %convert_element_type3A_23 = arith.extf %convert_element_type3A : vector<256x2249xbf16> to vector<256x2249xf32>
    %sub3A = arith.subf %get3A_22, %convert_element_type3A_23 : vector<256x2249xf32>
    %convert_element_type3A_24 = arith.truncf %sub3A : vector<256x2249xf32> to vector<256x2249xbf16>
    %convert_element_type3A_25 = arith.truncf %add3A : vector<2249x128xf32> to vector<2249x128xbf16>
    %convert_element_type3A_26 = arith.extf %convert_element_type3A_25 : vector<2249x128xbf16> to vector<2249x128xf32>
    %sub3A_27 = arith.subf %add3A, %convert_element_type3A_26 : vector<2249x128xf32>
    %convert_element_type3A_28 = arith.truncf %sub3A_27 : vector<2249x128xf32> to vector<2249x128xbf16>
    %dot_general3A = arith.constant dense<0.000000e+00> : vector<256x128xf32>
    %dot_general3A_29 = tpu.matmul %convert_element_type3A, %convert_element_type3A_28, %dot_general3A {dimension_numbers = #tpu.dot_dimension_numbers<[1], [0], [0], [1], [0, 0, 1, 1], [], []>, transpose_lhs_hint = false} : vector<256x2249xbf16>, vector<2249x128xbf16>, vector<256x128xf32> -> vector<256x128xf32>
    %dot_general3A_30 = arith.constant dense<0.000000e+00> : vector<256x128xf32>
    %dot_general3A_31 = tpu.matmul %convert_element_type3A_24, %convert_element_type3A_25, %dot_general3A_30 {dimension_numbers = #tpu.dot_dimension_numbers<[1], [0], [0], [1], [0, 0, 1, 1], [], []>, transpose_lhs_hint = false} : vector<256x2249xbf16>, vector<2249x128xbf16>, vector<256x128xf32> -> vector<256x128xf32>
    %add3A_32 = arith.addf %dot_general3A_29, %dot_general3A_31 : vector<256x128xf32>
    %dot_general3A_33 = arith.constant dense<0.000000e+00> : vector<256x128xf32>
    %dot_general3A_34 = tpu.matmul %convert_element_type3A, %convert_element_type3A_25, %dot_general3A_33 {dimension_numbers = #tpu.dot_dimension_numbers<[1], [0], [0], [1], [0, 0, 1, 1], [], []>, transpose_lhs_hint = false} : vector<256x2249xbf16>, vector<2249x128xbf16>, vector<256x128xf32> -> vector<256x128xf32>
    %add3A_35 = arith.addf %add3A_32, %dot_general3A_34 : vector<256x128xf32>
    %add3A_36 = vector.broadcast %add3A_19 : vector<1x128xf32> to vector<256x128xf32>
    %add3A_37 = arith.addf %add3A_35, %add3A_36 : vector<256x128xf32>
    %swap3A = arith.constant 0 : index
    %swap3A_38 = arith.constant 0 : index
    %swap3A_39 = vector.load %arg4[%swap3A, %swap3A_38] : memref<256x128xf32, #tpu.memory_space<vmem>>, vector<256x128xf32>
    tpu.vector_store %arg4[%swap3A, %swap3A_38], %add3A_37 {strides = array<i32>} : memref<256x128xf32, #tpu.memory_space<vmem>>, vector<256x128xf32>,
    return
  }
  func.func @transform_0(%arg0: i32) -> (i32, i32) {
    %c0_i32 = arith.constant 0 : i32
    %c0_i32_0 = arith.constant 0 : i32
    return %arg0, %c0_i32 : i32, i32
  }
  func.func @transform_1(%arg0: i32) -> (i32, i32, i32) {
    %c0_i32 = arith.constant 0 : i32
    %c0_i32_0 = arith.constant 0 : i32
    %c0_i32_1 = arith.constant 0 : i32
    %c0_i32_2 = arith.constant 0 : i32
    return %c0_i32, %c0_i32_0, %c0_i32_1 : i32, i32, i32
  }
  func.func @transform_2(%arg0: i32) -> (i32, i32, i32) {
    %c0_i32 = arith.constant 0 : i32
    %c0_i32_0 = arith.constant 0 : i32
    %c0_i32_1 = arith.constant 0 : i32
    %c0_i32_2 = arith.constant 0 : i32
    return %c0_i32, %c0_i32_0, %c0_i32_1 : i32, i32, i32
  }
  func.func @transform_3(%arg0: i32) -> (i32, i32) {
    %c0_i32 = arith.constant 0 : i32
    %c0_i32_0 = arith.constant 0 : i32
    return %arg0, %c0_i32 : i32, i32
  }
}

module attributes {stable_mosaic.version = 14 : i64} {
  func.func @_agg_round_body(%arg0: i32, %arg1: i32, %arg2: memref<1x256x2304xf32, #tpu.memory_space<vmem>>, %arg3: memref<1x2304x128xf32, #tpu.memory_space<vmem>>, %arg4: memref<2x128x128xf32, #tpu.memory_space<vmem>>, %arg5: memref<2x1x128xf32, #tpu.memory_space<vmem>>, %arg6: memref<1x128xf32, #tpu.memory_space<vmem>>, %arg7: memref<1x1xf32, #tpu.memory_space<vmem>>, %arg8: memref<1x256x128xf32, #tpu.memory_space<vmem>>, %arg9: memref<1x256x128xf32, #tpu.memory_space<vmem>>, %arg10: memref<1x256x8xf32, #tpu.memory_space<vmem>>) attributes {dimension_semantics = [#tpu.dimension_semantics<arbitrary>, #tpu.dimension_semantics<arbitrary>], iteration_bounds = array<i64: 3, 9>, scalar_prefetch = 0 : i64, scratch_operands = 0 : i64, tpu.core_type = #tpu.core_type<tc>, window_params = [{transform_indices = @transform_0, window_bounds = array<i64: 1, 256, 2304>}, {pipeline_mode = #tpu.pipeline_mode<synchronous>, transform_indices = @transform_1, window_bounds = array<i64: 1, 2304, 128>}, {pipeline_mode = #tpu.pipeline_mode<synchronous>, transform_indices = @transform_2, window_bounds = array<i64: 2, 128, 128>}, {pipeline_mode = #tpu.pipeline_mode<synchronous>, transform_indices = @transform_3, window_bounds = array<i64: 2, 1, 128>}, {pipeline_mode = #tpu.pipeline_mode<synchronous>, transform_indices = @transform_4, window_bounds = array<i64: 1, 128>}, {pipeline_mode = #tpu.pipeline_mode<synchronous>, transform_indices = @transform_5, window_bounds = array<i64: 1, 1>}, {transform_indices = @transform_6, window_bounds = array<i64: 1, 256, 128>}, {transform_indices = @transform_7, window_bounds = array<i64: 1, 256, 128>}, {transform_indices = @transform_8, window_bounds = array<i64: 1, 256, 8>}]} {
    %get3A = arith.constant 0 : index
    %get3A_0 = arith.constant 0 : index
    %get3A_1 = arith.constant 0 : index
    %get3A_2 = vector.load %arg3[%get3A, %get3A_0, %get3A_1] : memref<1x2304x128xf32, #tpu.memory_space<vmem>>, vector<1x2304x128xf32>
    %get3A_3 = vector.shape_cast %get3A_2 : vector<1x2304x128xf32> to vector<2304x128xf32>
    %get3A_4 = arith.constant 0 : index
    %get3A_5 = arith.constant 0 : index
    %get3A_6 = arith.constant 0 : index
    %get3A_7 = vector.load %arg2[%get3A_4, %get3A_5, %get3A_6] : memref<1x256x2304xf32, #tpu.memory_space<vmem>>, vector<1x256x2304xf32>
    %get3A_8 = vector.shape_cast %get3A_7 : vector<1x256x2304xf32> to vector<256x2304xf32>
    %reduce_sum3A = arith.constant dense<0.000000e+00> : vector<256xf32>
    %reduce_sum3A_9 = vector.multi_reduction <add>, %get3A_8, %reduce_sum3A [1] : vector<256x2304xf32> to vector<256xf32>
    %broadcast_in_dim3A = vector.shape_cast %reduce_sum3A_9 : vector<256xf32> to vector<256x1xf32>
    %max3A = arith.constant 1.000000e+00 : f32
    %max3A_10 = vector.broadcast %max3A : f32 to vector<256x1xf32>
    %max3A_11 = arith.maximumf %broadcast_in_dim3A, %max3A_10 : vector<256x1xf32>
    %div3A = arith.constant 5.000000e-01 : f32
    %div3A_12 = vector.broadcast %div3A : f32 to vector<256x1xf32>
    %div3A_13 = arith.divf %div3A_12, %max3A_11 : vector<256x1xf32>
    %convert_element_type3A = arith.truncf %get3A_8 : vector<256x2304xf32> to vector<256x2304xbf16>
    %convert_element_type3A_14 = arith.truncf %get3A_3 : vector<2304x128xf32> to vector<2304x128xbf16>
    %convert_element_type3A_15 = arith.extf %convert_element_type3A_14 : vector<2304x128xbf16> to vector<2304x128xf32>
    %sub3A = arith.subf %get3A_3, %convert_element_type3A_15 : vector<2304x128xf32>
    %convert_element_type3A_16 = arith.truncf %sub3A : vector<2304x128xf32> to vector<2304x128xbf16>
    %dot_general3A = arith.constant dense<0.000000e+00> : vector<256x128xf32>
    %dot_general3A_17 = tpu.matmul %convert_element_type3A, %convert_element_type3A_16, %dot_general3A {dimension_numbers = #tpu.dot_dimension_numbers<[1], [0], [0], [1], [0, 0, 1, 1], [], []>, transpose_lhs_hint = false} : vector<256x2304xbf16>, vector<2304x128xbf16>, vector<256x128xf32> -> vector<256x128xf32>
    %dot_general3A_18 = arith.constant dense<0.000000e+00> : vector<256x128xf32>
    %dot_general3A_19 = tpu.matmul %convert_element_type3A, %convert_element_type3A_14, %dot_general3A_18 {dimension_numbers = #tpu.dot_dimension_numbers<[1], [0], [0], [1], [0, 0, 1, 1], [], []>, transpose_lhs_hint = false} : vector<256x2304xbf16>, vector<2304x128xbf16>, vector<256x128xf32> -> vector<256x128xf32>
    %add3A = arith.addf %dot_general3A_17, %dot_general3A_19 : vector<256x128xf32>
    %mul3A = vector.broadcast %div3A_13 : vector<256x1xf32> to vector<256x128xf32>
    %mul3A_20 = arith.mulf %add3A, %mul3A : vector<256x128xf32>
    %max3A_21 = arith.constant 0.000000e+00 : f32
    %max3A_22 = vector.broadcast %max3A_21 : f32 to vector<256x128xf32>
    %max3A_23 = arith.maximumf %mul3A_20, %max3A_22 : vector<256x128xf32>
    %swap3A = arith.constant 0 : index
    %swap3A_24 = arith.constant 0 : index
    %swap3A_25 = arith.constant 0 : index
    %swap3A_26 = vector.load %arg8[%swap3A, %swap3A_24, %swap3A_25] : memref<1x256x128xf32, #tpu.memory_space<vmem>>, vector<1x256x128xf32>
    %swap3A_27 = vector.shape_cast %swap3A_26 : vector<1x256x128xf32> to vector<256x128xf32>
    %swap3A_28 = vector.shape_cast %max3A_23 : vector<256x128xf32> to vector<1x256x128xf32>
    tpu.vector_store %arg8[%swap3A, %swap3A_24, %swap3A_25], %swap3A_28 {strides = array<i32>} : memref<1x256x128xf32, #tpu.memory_space<vmem>>, vector<1x256x128xf32>,
    %get3A_29 = arith.constant 0 : index
    %get3A_30 = arith.constant 0 : index
    %get3A_31 = arith.constant 0 : index
    %get3A_32 = vector.load %arg4[%get3A_29, %get3A_30, %get3A_31] : memref<2x128x128xf32, #tpu.memory_space<vmem>>, vector<1x128x128xf32>
    %get3A_33 = vector.shape_cast %get3A_32 : vector<1x128x128xf32> to vector<128x128xf32>
    %get3A_34 = arith.constant 1 : index
    %get3A_35 = arith.constant 0 : index
    %get3A_36 = arith.constant 0 : index
    %get3A_37 = vector.load %arg4[%get3A_34, %get3A_35, %get3A_36] : memref<2x128x128xf32, #tpu.memory_space<vmem>>, vector<1x128x128xf32>
    %get3A_38 = vector.shape_cast %get3A_37 : vector<1x128x128xf32> to vector<128x128xf32>
    %add3A_39 = arith.addf %get3A_33, %get3A_38 : vector<128x128xf32>
    %convert_element_type3A_40 = arith.truncf %max3A_23 : vector<256x128xf32> to vector<256x128xbf16>
    %convert_element_type3A_41 = arith.extf %convert_element_type3A_40 : vector<256x128xbf16> to vector<256x128xf32>
    %sub3A_42 = arith.subf %max3A_23, %convert_element_type3A_41 : vector<256x128xf32>
    %convert_element_type3A_43 = arith.truncf %sub3A_42 : vector<256x128xf32> to vector<256x128xbf16>
    %convert_element_type3A_44 = arith.truncf %add3A_39 : vector<128x128xf32> to vector<128x128xbf16>
    %convert_element_type3A_45 = arith.extf %convert_element_type3A_44 : vector<128x128xbf16> to vector<128x128xf32>
    %sub3A_46 = arith.subf %add3A_39, %convert_element_type3A_45 : vector<128x128xf32>
    %convert_element_type3A_47 = arith.truncf %sub3A_46 : vector<128x128xf32> to vector<128x128xbf16>
    %dot_general3A_48 = arith.constant dense<0.000000e+00> : vector<256x128xf32>
    %dot_general3A_49 = tpu.matmul %convert_element_type3A_40, %convert_element_type3A_47, %dot_general3A_48 {dimension_numbers = #tpu.dot_dimension_numbers<[1], [0], [0], [1], [0, 0, 1, 1], [], []>, transpose_lhs_hint = false} : vector<256x128xbf16>, vector<128x128xbf16>, vector<256x128xf32> -> vector<256x128xf32>
    %dot_general3A_50 = arith.constant dense<0.000000e+00> : vector<256x128xf32>
    %dot_general3A_51 = tpu.matmul %convert_element_type3A_43, %convert_element_type3A_44, %dot_general3A_50 {dimension_numbers = #tpu.dot_dimension_numbers<[1], [0], [0], [1], [0, 0, 1, 1], [], []>, transpose_lhs_hint = false} : vector<256x128xbf16>, vector<128x128xbf16>, vector<256x128xf32> -> vector<256x128xf32>
    %add3A_52 = arith.addf %dot_general3A_49, %dot_general3A_51 : vector<256x128xf32>
    %dot_general3A_53 = arith.constant dense<0.000000e+00> : vector<256x128xf32>
    %dot_general3A_54 = tpu.matmul %convert_element_type3A_40, %convert_element_type3A_44, %dot_general3A_53 {dimension_numbers = #tpu.dot_dimension_numbers<[1], [0], [0], [1], [0, 0, 1, 1], [], []>, transpose_lhs_hint = false} : vector<256x128xbf16>, vector<128x128xbf16>, vector<256x128xf32> -> vector<256x128xf32>
    %add3A_55 = arith.addf %add3A_52, %dot_general3A_54 : vector<256x128xf32>
    %get3A_56 = arith.constant 0 : index
    %get3A_57 = arith.constant 0 : index
    %get3A_58 = arith.constant 0 : index
    %get3A_59 = vector.load %arg5[%get3A_56, %get3A_57, %get3A_58] : memref<2x1x128xf32, #tpu.memory_space<vmem>>, vector<1x1x128xf32>
    %get3A_60 = vector.shape_cast %get3A_59 : vector<1x1x128xf32> to vector<1x128xf32>
    %get3A_61 = arith.constant 1 : index
    %get3A_62 = arith.constant 0 : index
    %get3A_63 = arith.constant 0 : index
    %get3A_64 = vector.load %arg5[%get3A_61, %get3A_62, %get3A_63] : memref<2x1x128xf32, #tpu.memory_space<vmem>>, vector<1x1x128xf32>
    %get3A_65 = vector.shape_cast %get3A_64 : vector<1x1x128xf32> to vector<1x128xf32>
    %add3A_66 = arith.addf %get3A_60, %get3A_65 : vector<1x128xf32>
    %add3A_67 = vector.broadcast %add3A_66 : vector<1x128xf32> to vector<256x128xf32>
    %add3A_68 = arith.addf %add3A_55, %add3A_67 : vector<256x128xf32>
    %swap3A_69 = arith.constant 0 : index
    %swap3A_70 = arith.constant 0 : index
    %swap3A_71 = arith.constant 0 : index
    %swap3A_72 = vector.load %arg9[%swap3A_69, %swap3A_70, %swap3A_71] : memref<1x256x128xf32, #tpu.memory_space<vmem>>, vector<1x256x128xf32>
    %swap3A_73 = vector.shape_cast %swap3A_72 : vector<1x256x128xf32> to vector<256x128xf32>
    %swap3A_74 = vector.shape_cast %add3A_68 : vector<256x128xf32> to vector<1x256x128xf32>
    tpu.vector_store %arg9[%swap3A_69, %swap3A_70, %swap3A_71], %swap3A_74 {strides = array<i32>} : memref<1x256x128xf32, #tpu.memory_space<vmem>>, vector<1x256x128xf32>,
    %get3A_75 = arith.constant 0 : index
    %get3A_76 = arith.constant 0 : index
    %get3A_77 = vector.load %arg6[%get3A_75, %get3A_76] : memref<1x128xf32, #tpu.memory_space<vmem>>, vector<1x128xf32>
    %get3A_78 = arith.constant 0 : index
    %get3A_79 = arith.constant 0 : index
    %get3A_80 = vector.load %arg7[%get3A_78, %get3A_79] : memref<1x1xf32, #tpu.memory_space<vmem>>, vector<1x1xf32>
    %get3A_81 = vector.extract %get3A_80[0, 0] : f32 from vector<1x1xf32>
    %mul3A_82 = vector.broadcast %get3A_77 : vector<1x128xf32> to vector<256x128xf32>
    %mul3A_83 = arith.mulf %max3A_23, %mul3A_82 : vector<256x128xf32>
    %reduce_sum3A_84 = arith.constant dense<0.000000e+00> : vector<256xf32>
    %reduce_sum3A_85 = vector.multi_reduction <add>, %mul3A_83, %reduce_sum3A_84 [1] : vector<256x128xf32> to vector<256xf32>
    %broadcast_in_dim3A_86 = vector.shape_cast %reduce_sum3A_85 : vector<256xf32> to vector<256x1xf32>
    %add3A_87 = vector.broadcast %get3A_81 : f32 to vector<256x1xf32>
    %add3A_88 = arith.addf %broadcast_in_dim3A_86, %add3A_87 : vector<256x1xf32>
    %broadcast_in_dim3A_89 = arith.constant 0.000000e+00 : f32
    %broadcast_in_dim3A_90 = vector.broadcast %broadcast_in_dim3A_89 : f32 to vector<256x1xf32>
    %concatenate3A = tpu.concatenate %add3A_88, %broadcast_in_dim3A_90, %broadcast_in_dim3A_90, %broadcast_in_dim3A_90, %broadcast_in_dim3A_90, %broadcast_in_dim3A_90, %broadcast_in_dim3A_90, %broadcast_in_dim3A_90 in 1 : vector<256x1xf32>, vector<256x1xf32>, vector<256x1xf32>, vector<256x1xf32>, vector<256x1xf32>, vector<256x1xf32>, vector<256x1xf32>, vector<256x1xf32> -> vector<256x8xf32>
    %swap3A_91 = arith.constant 0 : index
    %swap3A_92 = arith.constant 0 : index
    %swap3A_93 = arith.constant 0 : index
    %swap3A_94 = vector.load %arg10[%swap3A_91, %swap3A_92, %swap3A_93] : memref<1x256x8xf32, #tpu.memory_space<vmem>>, vector<1x256x8xf32>
    %swap3A_95 = vector.shape_cast %swap3A_94 : vector<1x256x8xf32> to vector<256x8xf32>
    %swap3A_96 = vector.shape_cast %concatenate3A : vector<256x8xf32> to vector<1x256x8xf32>
    tpu.vector_store %arg10[%swap3A_91, %swap3A_92, %swap3A_93], %swap3A_96 {strides = array<i32>} : memref<1x256x8xf32, #tpu.memory_space<vmem>>, vector<1x256x8xf32>,
    return
  }
  func.func @transform_0(%arg0: i32, %arg1: i32) -> (i32, i32, i32) {
    %c0_i32 = arith.constant 0 : i32
    %c0_i32_0 = arith.constant 0 : i32
    return %arg0, %arg1, %c0_i32 : i32, i32, i32
  }
  func.func @transform_1(%arg0: i32, %arg1: i32) -> (i32, i32, i32) {
    %c0_i32 = arith.constant 0 : i32
    %c0_i32_0 = arith.constant 0 : i32
    %c0_i32_1 = arith.constant 0 : i32
    %c0_i32_2 = arith.constant 0 : i32
    return %c0_i32, %c0_i32_0, %c0_i32_1 : i32, i32, i32
  }
  func.func @transform_2(%arg0: i32, %arg1: i32) -> (i32, i32, i32) {
    %c0_i32 = arith.constant 0 : i32
    %c0_i32_0 = arith.constant 0 : i32
    %c0_i32_1 = arith.constant 0 : i32
    %c0_i32_2 = arith.constant 0 : i32
    return %c0_i32, %c0_i32_0, %c0_i32_1 : i32, i32, i32
  }
  func.func @transform_3(%arg0: i32, %arg1: i32) -> (i32, i32, i32) {
    %c0_i32 = arith.constant 0 : i32
    %c0_i32_0 = arith.constant 0 : i32
    %c0_i32_1 = arith.constant 0 : i32
    %c0_i32_2 = arith.constant 0 : i32
    return %c0_i32, %c0_i32_0, %c0_i32_1 : i32, i32, i32
  }
  func.func @transform_4(%arg0: i32, %arg1: i32) -> (i32, i32) {
    %c0_i32 = arith.constant 0 : i32
    %c0_i32_0 = arith.constant 0 : i32
    %c0_i32_1 = arith.constant 0 : i32
    return %c0_i32, %c0_i32_0 : i32, i32
  }
  func.func @transform_5(%arg0: i32, %arg1: i32) -> (i32, i32) {
    %c0_i32 = arith.constant 0 : i32
    %c0_i32_0 = arith.constant 0 : i32
    %c0_i32_1 = arith.constant 0 : i32
    return %c0_i32, %c0_i32_0 : i32, i32
  }
  func.func @transform_6(%arg0: i32, %arg1: i32) -> (i32, i32, i32) {
    %c0_i32 = arith.constant 0 : i32
    %c0_i32_0 = arith.constant 0 : i32
    return %arg0, %arg1, %c0_i32 : i32, i32, i32
  }
  func.func @transform_7(%arg0: i32, %arg1: i32) -> (i32, i32, i32) {
    %c0_i32 = arith.constant 0 : i32
    %c0_i32_0 = arith.constant 0 : i32
    return %arg0, %arg1, %c0_i32 : i32, i32, i32
  }
  func.func @transform_8(%arg0: i32, %arg1: i32) -> (i32, i32, i32) {
    %c0_i32 = arith.constant 0 : i32
    %c0_i32_0 = arith.constant 0 : i32
    return %arg0, %arg1, %c0_i32 : i32, i32, i32
  }
}

module attributes {stable_mosaic.version = 14 : i64} {
  func.func @_agg_round_body(%arg0: i32, %arg1: i32, %arg2: memref<1x256x2304xf32, #tpu.memory_space<vmem>>, %arg3: memref<1x2304x128xf32, #tpu.memory_space<vmem>>, %arg4: memref<2x128x128xf32, #tpu.memory_space<vmem>>, %arg5: memref<2x1x128xf32, #tpu.memory_space<vmem>>, %arg6: memref<1x128xf32, #tpu.memory_space<vmem>>, %arg7: memref<1x1xf32, #tpu.memory_space<vmem>>, %arg8: memref<1x256x128xf32, #tpu.memory_space<vmem>>, %arg9: memref<1x256x128xf32, #tpu.memory_space<vmem>>, %arg10: memref<1x256x8xf32, #tpu.memory_space<vmem>>) attributes {dimension_semantics = [#tpu.dimension_semantics<arbitrary>, #tpu.dimension_semantics<arbitrary>], iteration_bounds = array<i64: 3, 9>, scalar_prefetch = 0 : i64, scratch_operands = 0 : i64, tpu.core_type = #tpu.core_type<tc>, window_params = [{transform_indices = @transform_0, window_bounds = array<i64: 1, 256, 2304>}, {transform_indices = @transform_1, window_bounds = array<i64: 1, 2304, 128>}, {pipeline_mode = #tpu.pipeline_mode<synchronous>, transform_indices = @transform_2, window_bounds = array<i64: 2, 128, 128>}, {pipeline_mode = #tpu.pipeline_mode<synchronous>, transform_indices = @transform_3, window_bounds = array<i64: 2, 1, 128>}, {pipeline_mode = #tpu.pipeline_mode<synchronous>, transform_indices = @transform_4, window_bounds = array<i64: 1, 128>}, {pipeline_mode = #tpu.pipeline_mode<synchronous>, transform_indices = @transform_5, window_bounds = array<i64: 1, 1>}, {transform_indices = @transform_6, window_bounds = array<i64: 1, 256, 128>}, {transform_indices = @transform_7, window_bounds = array<i64: 1, 256, 128>}, {transform_indices = @transform_8, window_bounds = array<i64: 1, 256, 8>}]} {
    %get3A = arith.constant 0 : index
    %get3A_0 = arith.constant 0 : index
    %get3A_1 = arith.constant 0 : index
    %get3A_2 = vector.load %arg3[%get3A, %get3A_0, %get3A_1] : memref<1x2304x128xf32, #tpu.memory_space<vmem>>, vector<1x2304x128xf32>
    %get3A_3 = vector.shape_cast %get3A_2 : vector<1x2304x128xf32> to vector<2304x128xf32>
    %get3A_4 = arith.constant 0 : index
    %get3A_5 = arith.constant 0 : index
    %get3A_6 = arith.constant 0 : index
    %get3A_7 = vector.load %arg2[%get3A_4, %get3A_5, %get3A_6] : memref<1x256x2304xf32, #tpu.memory_space<vmem>>, vector<1x256x2304xf32>
    %get3A_8 = vector.shape_cast %get3A_7 : vector<1x256x2304xf32> to vector<256x2304xf32>
    %reduce_sum3A = arith.constant dense<0.000000e+00> : vector<256xf32>
    %reduce_sum3A_9 = vector.multi_reduction <add>, %get3A_8, %reduce_sum3A [1] : vector<256x2304xf32> to vector<256xf32>
    %broadcast_in_dim3A = vector.shape_cast %reduce_sum3A_9 : vector<256xf32> to vector<256x1xf32>
    %max3A = arith.constant 1.000000e+00 : f32
    %max3A_10 = vector.broadcast %max3A : f32 to vector<256x1xf32>
    %max3A_11 = arith.maximumf %broadcast_in_dim3A, %max3A_10 : vector<256x1xf32>
    %div3A = arith.constant 5.000000e-01 : f32
    %div3A_12 = vector.broadcast %div3A : f32 to vector<256x1xf32>
    %div3A_13 = arith.divf %div3A_12, %max3A_11 : vector<256x1xf32>
    %convert_element_type3A = arith.truncf %get3A_8 : vector<256x2304xf32> to vector<256x2304xbf16>
    %convert_element_type3A_14 = arith.truncf %get3A_3 : vector<2304x128xf32> to vector<2304x128xbf16>
    %convert_element_type3A_15 = arith.extf %convert_element_type3A_14 : vector<2304x128xbf16> to vector<2304x128xf32>
    %sub3A = arith.subf %get3A_3, %convert_element_type3A_15 : vector<2304x128xf32>
    %convert_element_type3A_16 = arith.truncf %sub3A : vector<2304x128xf32> to vector<2304x128xbf16>
    %dot_general3A = arith.constant dense<0.000000e+00> : vector<256x128xf32>
    %dot_general3A_17 = tpu.matmul %convert_element_type3A, %convert_element_type3A_16, %dot_general3A {dimension_numbers = #tpu.dot_dimension_numbers<[1], [0], [0], [1], [0, 0, 1, 1], [], []>, transpose_lhs_hint = false} : vector<256x2304xbf16>, vector<2304x128xbf16>, vector<256x128xf32> -> vector<256x128xf32>
    %dot_general3A_18 = arith.constant dense<0.000000e+00> : vector<256x128xf32>
    %dot_general3A_19 = tpu.matmul %convert_element_type3A, %convert_element_type3A_14, %dot_general3A_18 {dimension_numbers = #tpu.dot_dimension_numbers<[1], [0], [0], [1], [0, 0, 1, 1], [], []>, transpose_lhs_hint = false} : vector<256x2304xbf16>, vector<2304x128xbf16>, vector<256x128xf32> -> vector<256x128xf32>
    %add3A = arith.addf %dot_general3A_17, %dot_general3A_19 : vector<256x128xf32>
    %mul3A = vector.broadcast %div3A_13 : vector<256x1xf32> to vector<256x128xf32>
    %mul3A_20 = arith.mulf %add3A, %mul3A : vector<256x128xf32>
    %max3A_21 = arith.constant 0.000000e+00 : f32
    %max3A_22 = vector.broadcast %max3A_21 : f32 to vector<256x128xf32>
    %max3A_23 = arith.maximumf %mul3A_20, %max3A_22 : vector<256x128xf32>
    %swap3A = arith.constant 0 : index
    %swap3A_24 = arith.constant 0 : index
    %swap3A_25 = arith.constant 0 : index
    %swap3A_26 = vector.load %arg8[%swap3A, %swap3A_24, %swap3A_25] : memref<1x256x128xf32, #tpu.memory_space<vmem>>, vector<1x256x128xf32>
    %swap3A_27 = vector.shape_cast %swap3A_26 : vector<1x256x128xf32> to vector<256x128xf32>
    %swap3A_28 = vector.shape_cast %max3A_23 : vector<256x128xf32> to vector<1x256x128xf32>
    tpu.vector_store %arg8[%swap3A, %swap3A_24, %swap3A_25], %swap3A_28 {strides = array<i32>} : memref<1x256x128xf32, #tpu.memory_space<vmem>>, vector<1x256x128xf32>,
    %get3A_29 = arith.constant 0 : index
    %get3A_30 = arith.constant 0 : index
    %get3A_31 = arith.constant 0 : index
    %get3A_32 = vector.load %arg4[%get3A_29, %get3A_30, %get3A_31] : memref<2x128x128xf32, #tpu.memory_space<vmem>>, vector<1x128x128xf32>
    %get3A_33 = vector.shape_cast %get3A_32 : vector<1x128x128xf32> to vector<128x128xf32>
    %get3A_34 = arith.constant 1 : index
    %get3A_35 = arith.constant 0 : index
    %get3A_36 = arith.constant 0 : index
    %get3A_37 = vector.load %arg4[%get3A_34, %get3A_35, %get3A_36] : memref<2x128x128xf32, #tpu.memory_space<vmem>>, vector<1x128x128xf32>
    %get3A_38 = vector.shape_cast %get3A_37 : vector<1x128x128xf32> to vector<128x128xf32>
    %add3A_39 = arith.addf %get3A_33, %get3A_38 : vector<128x128xf32>
    %convert_element_type3A_40 = arith.truncf %max3A_23 : vector<256x128xf32> to vector<256x128xbf16>
    %convert_element_type3A_41 = arith.extf %convert_element_type3A_40 : vector<256x128xbf16> to vector<256x128xf32>
    %sub3A_42 = arith.subf %max3A_23, %convert_element_type3A_41 : vector<256x128xf32>
    %convert_element_type3A_43 = arith.truncf %sub3A_42 : vector<256x128xf32> to vector<256x128xbf16>
    %convert_element_type3A_44 = arith.truncf %add3A_39 : vector<128x128xf32> to vector<128x128xbf16>
    %convert_element_type3A_45 = arith.extf %convert_element_type3A_44 : vector<128x128xbf16> to vector<128x128xf32>
    %sub3A_46 = arith.subf %add3A_39, %convert_element_type3A_45 : vector<128x128xf32>
    %convert_element_type3A_47 = arith.truncf %sub3A_46 : vector<128x128xf32> to vector<128x128xbf16>
    %dot_general3A_48 = arith.constant dense<0.000000e+00> : vector<256x128xf32>
    %dot_general3A_49 = tpu.matmul %convert_element_type3A_40, %convert_element_type3A_47, %dot_general3A_48 {dimension_numbers = #tpu.dot_dimension_numbers<[1], [0], [0], [1], [0, 0, 1, 1], [], []>, transpose_lhs_hint = false} : vector<256x128xbf16>, vector<128x128xbf16>, vector<256x128xf32> -> vector<256x128xf32>
    %dot_general3A_50 = arith.constant dense<0.000000e+00> : vector<256x128xf32>
    %dot_general3A_51 = tpu.matmul %convert_element_type3A_43, %convert_element_type3A_44, %dot_general3A_50 {dimension_numbers = #tpu.dot_dimension_numbers<[1], [0], [0], [1], [0, 0, 1, 1], [], []>, transpose_lhs_hint = false} : vector<256x128xbf16>, vector<128x128xbf16>, vector<256x128xf32> -> vector<256x128xf32>
    %add3A_52 = arith.addf %dot_general3A_49, %dot_general3A_51 : vector<256x128xf32>
    %dot_general3A_53 = arith.constant dense<0.000000e+00> : vector<256x128xf32>
    %dot_general3A_54 = tpu.matmul %convert_element_type3A_40, %convert_element_type3A_44, %dot_general3A_53 {dimension_numbers = #tpu.dot_dimension_numbers<[1], [0], [0], [1], [0, 0, 1, 1], [], []>, transpose_lhs_hint = false} : vector<256x128xbf16>, vector<128x128xbf16>, vector<256x128xf32> -> vector<256x128xf32>
    %add3A_55 = arith.addf %add3A_52, %dot_general3A_54 : vector<256x128xf32>
    %get3A_56 = arith.constant 0 : index
    %get3A_57 = arith.constant 0 : index
    %get3A_58 = arith.constant 0 : index
    %get3A_59 = vector.load %arg5[%get3A_56, %get3A_57, %get3A_58] : memref<2x1x128xf32, #tpu.memory_space<vmem>>, vector<1x1x128xf32>
    %get3A_60 = vector.shape_cast %get3A_59 : vector<1x1x128xf32> to vector<1x128xf32>
    %get3A_61 = arith.constant 1 : index
    %get3A_62 = arith.constant 0 : index
    %get3A_63 = arith.constant 0 : index
    %get3A_64 = vector.load %arg5[%get3A_61, %get3A_62, %get3A_63] : memref<2x1x128xf32, #tpu.memory_space<vmem>>, vector<1x1x128xf32>
    %get3A_65 = vector.shape_cast %get3A_64 : vector<1x1x128xf32> to vector<1x128xf32>
    %add3A_66 = arith.addf %get3A_60, %get3A_65 : vector<1x128xf32>
    %add3A_67 = vector.broadcast %add3A_66 : vector<1x128xf32> to vector<256x128xf32>
    %add3A_68 = arith.addf %add3A_55, %add3A_67 : vector<256x128xf32>
    %swap3A_69 = arith.constant 0 : index
    %swap3A_70 = arith.constant 0 : index
    %swap3A_71 = arith.constant 0 : index
    %swap3A_72 = vector.load %arg9[%swap3A_69, %swap3A_70, %swap3A_71] : memref<1x256x128xf32, #tpu.memory_space<vmem>>, vector<1x256x128xf32>
    %swap3A_73 = vector.shape_cast %swap3A_72 : vector<1x256x128xf32> to vector<256x128xf32>
    %swap3A_74 = vector.shape_cast %add3A_68 : vector<256x128xf32> to vector<1x256x128xf32>
    tpu.vector_store %arg9[%swap3A_69, %swap3A_70, %swap3A_71], %swap3A_74 {strides = array<i32>} : memref<1x256x128xf32, #tpu.memory_space<vmem>>, vector<1x256x128xf32>,
    %get3A_75 = arith.constant 0 : index
    %get3A_76 = arith.constant 0 : index
    %get3A_77 = vector.load %arg6[%get3A_75, %get3A_76] : memref<1x128xf32, #tpu.memory_space<vmem>>, vector<1x128xf32>
    %get3A_78 = arith.constant 0 : index
    %get3A_79 = arith.constant 0 : index
    %get3A_80 = vector.load %arg7[%get3A_78, %get3A_79] : memref<1x1xf32, #tpu.memory_space<vmem>>, vector<1x1xf32>
    %get3A_81 = vector.extract %get3A_80[0, 0] : f32 from vector<1x1xf32>
    %mul3A_82 = vector.broadcast %get3A_77 : vector<1x128xf32> to vector<256x128xf32>
    %mul3A_83 = arith.mulf %max3A_23, %mul3A_82 : vector<256x128xf32>
    %reduce_sum3A_84 = arith.constant dense<0.000000e+00> : vector<256xf32>
    %reduce_sum3A_85 = vector.multi_reduction <add>, %mul3A_83, %reduce_sum3A_84 [1] : vector<256x128xf32> to vector<256xf32>
    %broadcast_in_dim3A_86 = vector.shape_cast %reduce_sum3A_85 : vector<256xf32> to vector<256x1xf32>
    %add3A_87 = vector.broadcast %get3A_81 : f32 to vector<256x1xf32>
    %add3A_88 = arith.addf %broadcast_in_dim3A_86, %add3A_87 : vector<256x1xf32>
    %broadcast_in_dim3A_89 = arith.constant 0.000000e+00 : f32
    %broadcast_in_dim3A_90 = vector.broadcast %broadcast_in_dim3A_89 : f32 to vector<256x1xf32>
    %concatenate3A = tpu.concatenate %broadcast_in_dim3A_90, %add3A_88, %broadcast_in_dim3A_90, %broadcast_in_dim3A_90, %broadcast_in_dim3A_90, %broadcast_in_dim3A_90, %broadcast_in_dim3A_90, %broadcast_in_dim3A_90 in 1 : vector<256x1xf32>, vector<256x1xf32>, vector<256x1xf32>, vector<256x1xf32>, vector<256x1xf32>, vector<256x1xf32>, vector<256x1xf32>, vector<256x1xf32> -> vector<256x8xf32>
    %swap3A_91 = arith.constant 0 : index
    %swap3A_92 = arith.constant 0 : index
    %swap3A_93 = arith.constant 0 : index
    %swap3A_94 = vector.load %arg10[%swap3A_91, %swap3A_92, %swap3A_93] : memref<1x256x8xf32, #tpu.memory_space<vmem>>, vector<1x256x8xf32>
    %swap3A_95 = vector.shape_cast %swap3A_94 : vector<1x256x8xf32> to vector<256x8xf32>
    %swap3A_96 = vector.shape_cast %concatenate3A : vector<256x8xf32> to vector<1x256x8xf32>
    tpu.vector_store %arg10[%swap3A_91, %swap3A_92, %swap3A_93], %swap3A_96 {strides = array<i32>} : memref<1x256x8xf32, #tpu.memory_space<vmem>>, vector<1x256x8xf32>,
    return
  }
  func.func @transform_0(%arg0: i32, %arg1: i32) -> (i32, i32, i32) {
    %c0_i32 = arith.constant 0 : i32
    %c0_i32_0 = arith.constant 0 : i32
    return %arg0, %arg1, %c0_i32 : i32, i32, i32
  }
  func.func @transform_1(%arg0: i32, %arg1: i32) -> (i32, i32, i32) {
    %c0_i32 = arith.constant 0 : i32
    %c0_i32_0 = arith.constant 0 : i32
    %c0_i32_1 = arith.constant 0 : i32
    return %arg0, %c0_i32, %c0_i32_0 : i32, i32, i32
  }
  func.func @transform_2(%arg0: i32, %arg1: i32) -> (i32, i32, i32) {
    %c0_i32 = arith.constant 0 : i32
    %c0_i32_0 = arith.constant 0 : i32
    %c0_i32_1 = arith.constant 0 : i32
    %c0_i32_2 = arith.constant 0 : i32
    return %c0_i32, %c0_i32_0, %c0_i32_1 : i32, i32, i32
  }
  func.func @transform_3(%arg0: i32, %arg1: i32) -> (i32, i32, i32) {
    %c0_i32 = arith.constant 0 : i32
    %c0_i32_0 = arith.constant 0 : i32
    %c0_i32_1 = arith.constant 0 : i32
    %c0_i32_2 = arith.constant 0 : i32
    return %c0_i32, %c0_i32_0, %c0_i32_1 : i32, i32, i32
  }
  func.func @transform_4(%arg0: i32, %arg1: i32) -> (i32, i32) {
    %c0_i32 = arith.constant 0 : i32
    %c0_i32_0 = arith.constant 0 : i32
    %c0_i32_1 = arith.constant 0 : i32
    return %c0_i32, %c0_i32_0 : i32, i32
  }
  func.func @transform_5(%arg0: i32, %arg1: i32) -> (i32, i32) {
    %c0_i32 = arith.constant 0 : i32
    %c0_i32_0 = arith.constant 0 : i32
    %c0_i32_1 = arith.constant 0 : i32
    return %c0_i32, %c0_i32_0 : i32, i32
  }
  func.func @transform_6(%arg0: i32, %arg1: i32) -> (i32, i32, i32) {
    %c0_i32 = arith.constant 0 : i32
    %c0_i32_0 = arith.constant 0 : i32
    return %arg0, %arg1, %c0_i32 : i32, i32, i32
  }
  func.func @transform_7(%arg0: i32, %arg1: i32) -> (i32, i32, i32) {
    %c0_i32 = arith.constant 0 : i32
    %c0_i32_0 = arith.constant 0 : i32
    return %arg0, %arg1, %c0_i32 : i32, i32, i32
  }
  func.func @transform_8(%arg0: i32, %arg1: i32) -> (i32, i32, i32) {
    %c0_i32 = arith.constant 0 : i32
    %c0_i32_0 = arith.constant 0 : i32
    return %arg0, %arg1, %c0_i32 : i32, i32, i32
  }
}

module attributes {stable_mosaic.version = 14 : i64} {
  func.func @_agg_last_body(%arg0: i32, %arg1: i32, %arg2: memref<1x256x2304xf32, #tpu.memory_space<vmem>>, %arg3: memref<1x2304x128xf32, #tpu.memory_space<vmem>>, %arg4: memref<1x128xf32, #tpu.memory_space<vmem>>, %arg5: memref<1x1xf32, #tpu.memory_space<vmem>>, %arg6: memref<1x256x128xf32, #tpu.memory_space<vmem>>, %arg7: memref<1x256x8xf32, #tpu.memory_space<vmem>>) attributes {dimension_semantics = [#tpu.dimension_semantics<arbitrary>, #tpu.dimension_semantics<arbitrary>], iteration_bounds = array<i64: 3, 9>, scalar_prefetch = 0 : i64, scratch_operands = 0 : i64, tpu.core_type = #tpu.core_type<tc>, window_params = [{transform_indices = @transform_0, window_bounds = array<i64: 1, 256, 2304>}, {transform_indices = @transform_1, window_bounds = array<i64: 1, 2304, 128>}, {pipeline_mode = #tpu.pipeline_mode<synchronous>, transform_indices = @transform_2, window_bounds = array<i64: 1, 128>}, {pipeline_mode = #tpu.pipeline_mode<synchronous>, transform_indices = @transform_3, window_bounds = array<i64: 1, 1>}, {transform_indices = @transform_4, window_bounds = array<i64: 1, 256, 128>}, {transform_indices = @transform_5, window_bounds = array<i64: 1, 256, 8>}]} {
    %get3A = arith.constant 0 : index
    %get3A_0 = arith.constant 0 : index
    %get3A_1 = arith.constant 0 : index
    %get3A_2 = vector.load %arg3[%get3A, %get3A_0, %get3A_1] : memref<1x2304x128xf32, #tpu.memory_space<vmem>>, vector<1x2304x128xf32>
    %get3A_3 = vector.shape_cast %get3A_2 : vector<1x2304x128xf32> to vector<2304x128xf32>
    %get3A_4 = arith.constant 0 : index
    %get3A_5 = arith.constant 0 : index
    %get3A_6 = arith.constant 0 : index
    %get3A_7 = vector.load %arg2[%get3A_4, %get3A_5, %get3A_6] : memref<1x256x2304xf32, #tpu.memory_space<vmem>>, vector<1x256x2304xf32>
    %get3A_8 = vector.shape_cast %get3A_7 : vector<1x256x2304xf32> to vector<256x2304xf32>
    %reduce_sum3A = arith.constant dense<0.000000e+00> : vector<256xf32>
    %reduce_sum3A_9 = vector.multi_reduction <add>, %get3A_8, %reduce_sum3A [1] : vector<256x2304xf32> to vector<256xf32>
    %broadcast_in_dim3A = vector.shape_cast %reduce_sum3A_9 : vector<256xf32> to vector<256x1xf32>
    %max3A = arith.constant 1.000000e+00 : f32
    %max3A_10 = vector.broadcast %max3A : f32 to vector<256x1xf32>
    %max3A_11 = arith.maximumf %broadcast_in_dim3A, %max3A_10 : vector<256x1xf32>
    %div3A = arith.constant 5.000000e-01 : f32
    %div3A_12 = vector.broadcast %div3A : f32 to vector<256x1xf32>
    %div3A_13 = arith.divf %div3A_12, %max3A_11 : vector<256x1xf32>
    %convert_element_type3A = arith.truncf %get3A_8 : vector<256x2304xf32> to vector<256x2304xbf16>
    %convert_element_type3A_14 = arith.truncf %get3A_3 : vector<2304x128xf32> to vector<2304x128xbf16>
    %convert_element_type3A_15 = arith.extf %convert_element_type3A_14 : vector<2304x128xbf16> to vector<2304x128xf32>
    %sub3A = arith.subf %get3A_3, %convert_element_type3A_15 : vector<2304x128xf32>
    %convert_element_type3A_16 = arith.truncf %sub3A : vector<2304x128xf32> to vector<2304x128xbf16>
    %dot_general3A = arith.constant dense<0.000000e+00> : vector<256x128xf32>
    %dot_general3A_17 = tpu.matmul %convert_element_type3A, %convert_element_type3A_16, %dot_general3A {dimension_numbers = #tpu.dot_dimension_numbers<[1], [0], [0], [1], [0, 0, 1, 1], [], []>, transpose_lhs_hint = false} : vector<256x2304xbf16>, vector<2304x128xbf16>, vector<256x128xf32> -> vector<256x128xf32>
    %dot_general3A_18 = arith.constant dense<0.000000e+00> : vector<256x128xf32>
    %dot_general3A_19 = tpu.matmul %convert_element_type3A, %convert_element_type3A_14, %dot_general3A_18 {dimension_numbers = #tpu.dot_dimension_numbers<[1], [0], [0], [1], [0, 0, 1, 1], [], []>, transpose_lhs_hint = false} : vector<256x2304xbf16>, vector<2304x128xbf16>, vector<256x128xf32> -> vector<256x128xf32>
    %add3A = arith.addf %dot_general3A_17, %dot_general3A_19 : vector<256x128xf32>
    %mul3A = vector.broadcast %div3A_13 : vector<256x1xf32> to vector<256x128xf32>
    %mul3A_20 = arith.mulf %add3A, %mul3A : vector<256x128xf32>
    %max3A_21 = arith.constant 0.000000e+00 : f32
    %max3A_22 = vector.broadcast %max3A_21 : f32 to vector<256x128xf32>
    %max3A_23 = arith.maximumf %mul3A_20, %max3A_22 : vector<256x128xf32>
    %swap3A = arith.constant 0 : index
    %swap3A_24 = arith.constant 0 : index
    %swap3A_25 = arith.constant 0 : index
    %swap3A_26 = vector.load %arg6[%swap3A, %swap3A_24, %swap3A_25] : memref<1x256x128xf32, #tpu.memory_space<vmem>>, vector<1x256x128xf32>
    %swap3A_27 = vector.shape_cast %swap3A_26 : vector<1x256x128xf32> to vector<256x128xf32>
    %swap3A_28 = vector.shape_cast %max3A_23 : vector<256x128xf32> to vector<1x256x128xf32>
    tpu.vector_store %arg6[%swap3A, %swap3A_24, %swap3A_25], %swap3A_28 {strides = array<i32>} : memref<1x256x128xf32, #tpu.memory_space<vmem>>, vector<1x256x128xf32>,
    %get3A_29 = arith.constant 0 : index
    %get3A_30 = arith.constant 0 : index
    %get3A_31 = vector.load %arg4[%get3A_29, %get3A_30] : memref<1x128xf32, #tpu.memory_space<vmem>>, vector<1x128xf32>
    %get3A_32 = arith.constant 0 : index
    %get3A_33 = arith.constant 0 : index
    %get3A_34 = vector.load %arg5[%get3A_32, %get3A_33] : memref<1x1xf32, #tpu.memory_space<vmem>>, vector<1x1xf32>
    %get3A_35 = vector.extract %get3A_34[0, 0] : f32 from vector<1x1xf32>
    %mul3A_36 = vector.broadcast %get3A_31 : vector<1x128xf32> to vector<256x128xf32>
    %mul3A_37 = arith.mulf %max3A_23, %mul3A_36 : vector<256x128xf32>
    %reduce_sum3A_38 = arith.constant dense<0.000000e+00> : vector<256xf32>
    %reduce_sum3A_39 = vector.multi_reduction <add>, %mul3A_37, %reduce_sum3A_38 [1] : vector<256x128xf32> to vector<256xf32>
    %broadcast_in_dim3A_40 = vector.shape_cast %reduce_sum3A_39 : vector<256xf32> to vector<256x1xf32>
    %add3A_41 = vector.broadcast %get3A_35 : f32 to vector<256x1xf32>
    %add3A_42 = arith.addf %broadcast_in_dim3A_40, %add3A_41 : vector<256x1xf32>
    %broadcast_in_dim3A_43 = arith.constant 0.000000e+00 : f32
    %broadcast_in_dim3A_44 = vector.broadcast %broadcast_in_dim3A_43 : f32 to vector<256x1xf32>
    %concatenate3A = tpu.concatenate %broadcast_in_dim3A_44, %broadcast_in_dim3A_44, %add3A_42, %broadcast_in_dim3A_44, %broadcast_in_dim3A_44, %broadcast_in_dim3A_44, %broadcast_in_dim3A_44, %broadcast_in_dim3A_44 in 1 : vector<256x1xf32>, vector<256x1xf32>, vector<256x1xf32>, vector<256x1xf32>, vector<256x1xf32>, vector<256x1xf32>, vector<256x1xf32>, vector<256x1xf32> -> vector<256x8xf32>
    %swap3A_45 = arith.constant 0 : index
    %swap3A_46 = arith.constant 0 : index
    %swap3A_47 = arith.constant 0 : index
    %swap3A_48 = vector.load %arg7[%swap3A_45, %swap3A_46, %swap3A_47] : memref<1x256x8xf32, #tpu.memory_space<vmem>>, vector<1x256x8xf32>
    %swap3A_49 = vector.shape_cast %swap3A_48 : vector<1x256x8xf32> to vector<256x8xf32>
    %swap3A_50 = vector.shape_cast %concatenate3A : vector<256x8xf32> to vector<1x256x8xf32>
    tpu.vector_store %arg7[%swap3A_45, %swap3A_46, %swap3A_47], %swap3A_50 {strides = array<i32>} : memref<1x256x8xf32, #tpu.memory_space<vmem>>, vector<1x256x8xf32>,
    return
  }
  func.func @transform_0(%arg0: i32, %arg1: i32) -> (i32, i32, i32) {
    %c0_i32 = arith.constant 0 : i32
    %c0_i32_0 = arith.constant 0 : i32
    return %arg0, %arg1, %c0_i32 : i32, i32, i32
  }
  func.func @transform_1(%arg0: i32, %arg1: i32) -> (i32, i32, i32) {
    %c0_i32 = arith.constant 0 : i32
    %c0_i32_0 = arith.constant 0 : i32
    %c0_i32_1 = arith.constant 0 : i32
    return %arg0, %c0_i32, %c0_i32_0 : i32, i32, i32
  }
  func.func @transform_2(%arg0: i32, %arg1: i32) -> (i32, i32) {
    %c0_i32 = arith.constant 0 : i32
    %c0_i32_0 = arith.constant 0 : i32
    %c0_i32_1 = arith.constant 0 : i32
    return %c0_i32, %c0_i32_0 : i32, i32
  }
  func.func @transform_3(%arg0: i32, %arg1: i32) -> (i32, i32) {
    %c0_i32 = arith.constant 0 : i32
    %c0_i32_0 = arith.constant 0 : i32
    %c0_i32_1 = arith.constant 0 : i32
    return %c0_i32, %c0_i32_0 : i32, i32
  }
  func.func @transform_4(%arg0: i32, %arg1: i32) -> (i32, i32, i32) {
    %c0_i32 = arith.constant 0 : i32
    %c0_i32_0 = arith.constant 0 : i32
    return %arg0, %arg1, %c0_i32 : i32, i32, i32
  }
  func.func @transform_5(%arg0: i32, %arg1: i32) -> (i32, i32, i32) {
    %c0_i32 = arith.constant 0 : i32
    %c0_i32_0 = arith.constant 0 : i32
    return %arg0, %arg1, %c0_i32 : i32, i32, i32
  }
}

module attributes {stable_mosaic.version = 14 : i64} {
  func.func @_finalize_body(%arg0: i32, %arg1: i32, %arg2: memref<1x256x2304xf32, #tpu.memory_space<vmem>>, %arg3: memref<1x2304x8xf32, #tpu.memory_space<vmem>>, %arg4: memref<1x2304x8xf32, #tpu.memory_space<vmem>>, %arg5: memref<1x2304x8xf32, #tpu.memory_space<vmem>>, %arg6: memref<1x256x128xf32, #tpu.memory_space<vmem>>, %arg7: memref<1x256x128xf32, #tpu.memory_space<vmem>>, %arg8: memref<1x256x128xf32, #tpu.memory_space<vmem>>, %arg9: memref<1x128xf32, #tpu.memory_space<vmem>>, %arg10: memref<1x1xf32, #tpu.memory_space<vmem>>, %arg11: memref<256x128xf32, #tpu.memory_space<vmem>>) attributes {dimension_semantics = [#tpu.dimension_semantics<arbitrary>, #tpu.dimension_semantics<arbitrary>], iteration_bounds = array<i64: 9, 3>, scalar_prefetch = 0 : i64, scratch_operands = 0 : i64, tpu.core_type = #tpu.core_type<tc>, window_params = [{transform_indices = @transform_0, window_bounds = array<i64: 1, 256, 2304>}, {transform_indices = @transform_1, window_bounds = array<i64: 1, 2304, 8>}, {transform_indices = @transform_2, window_bounds = array<i64: 1, 2304, 8>}, {transform_indices = @transform_3, window_bounds = array<i64: 1, 2304, 8>}, {transform_indices = @transform_4, window_bounds = array<i64: 1, 256, 128>}, {transform_indices = @transform_5, window_bounds = array<i64: 1, 256, 128>}, {transform_indices = @transform_6, window_bounds = array<i64: 1, 256, 128>}, {pipeline_mode = #tpu.pipeline_mode<synchronous>, transform_indices = @transform_7, window_bounds = array<i64: 1, 128>}, {pipeline_mode = #tpu.pipeline_mode<synchronous>, transform_indices = @transform_8, window_bounds = array<i64: 1, 1>}, {transform_indices = @transform_9, window_bounds = array<i64: 256, 128>}]} {
    %eq3A = arith.constant 0 : i32
    %eq3A_0 = arith.cmpi eq, %arg1, %eq3A : i32
    %jit3A = arith.constant 3.000000e-01 : f32
    %jit3A_1 = arith.constant 3.500000e-01 : f32
    %select_n3A = arith.select %eq3A_0, %jit3A, %jit3A_1 : f32
    %get3A = arith.constant 0 : index
    %get3A_2 = arith.constant 0 : index
    %get3A_3 = arith.constant 0 : index
    %get3A_4 = vector.load %arg2[%get3A, %get3A_2, %get3A_3] : memref<1x256x2304xf32, #tpu.memory_space<vmem>>, vector<1x256x2304xf32>
    %get3A_5 = vector.shape_cast %get3A_4 : vector<1x256x2304xf32> to vector<256x2304xf32>
    %reduce_sum3A = arith.constant dense<0.000000e+00> : vector<256xf32>
    %reduce_sum3A_6 = vector.multi_reduction <add>, %get3A_5, %reduce_sum3A [1] : vector<256x2304xf32> to vector<256xf32>
    %broadcast_in_dim3A = vector.shape_cast %reduce_sum3A_6 : vector<256xf32> to vector<256x1xf32>
    %max3A = arith.constant 1.000000e+00 : f32
    %max3A_7 = vector.broadcast %max3A : f32 to vector<256x1xf32>
    %max3A_8 = arith.maximumf %broadcast_in_dim3A, %max3A_7 : vector<256x1xf32>
    %div3A = arith.constant 1.000000e+00 : f32
    %div3A_9 = vector.broadcast %div3A : f32 to vector<256x1xf32>
    %div3A_10 = arith.divf %div3A_9, %max3A_8 : vector<256x1xf32>
    %get3A_11 = arith.constant 0 : index
    %get3A_12 = arith.constant 0 : index
    %get3A_13 = vector.load %arg9[%get3A_11, %get3A_12] : memref<1x128xf32, #tpu.memory_space<vmem>>, vector<1x128xf32>
    %get3A_14 = arith.constant 0 : index
    %get3A_15 = arith.constant 0 : index
    %get3A_16 = vector.load %arg10[%get3A_14, %get3A_15] : memref<1x1xf32, #tpu.memory_space<vmem>>, vector<1x1xf32>
    %get3A_17 = vector.extract %get3A_16[0, 0] : f32 from vector<1x1xf32>
    %get3A_18 = arith.constant 0 : index
    %get3A_19 = arith.constant 0 : index
    %get3A_20 = arith.constant 0 : index
    %get3A_21 = vector.load %arg6[%get3A_18, %get3A_19, %get3A_20] : memref<1x256x128xf32, #tpu.memory_space<vmem>>, vector<1x256x128xf32>
    %get3A_22 = vector.shape_cast %get3A_21 : vector<1x256x128xf32> to vector<256x128xf32>
    %mul3A = vector.broadcast %get3A_13 : vector<1x128xf32> to vector<256x128xf32>
    %mul3A_23 = arith.mulf %get3A_22, %mul3A : vector<256x128xf32>
    %reduce_sum3A_24 = arith.constant dense<0.000000e+00> : vector<256xf32>
    %reduce_sum3A_25 = vector.multi_reduction <add>, %mul3A_23, %reduce_sum3A_24 [1] : vector<256x128xf32> to vector<256xf32>
    %broadcast_in_dim3A_26 = vector.shape_cast %reduce_sum3A_25 : vector<256xf32> to vector<256x1xf32>
    %add3A = vector.broadcast %get3A_17 : f32 to vector<256x1xf32>
    %add3A_27 = arith.addf %broadcast_in_dim3A_26, %add3A : vector<256x1xf32>
    %get3A_28 = arith.constant 0 : index
    %get3A_29 = arith.constant 0 : index
    %get3A_30 = arith.constant 0 : index
    %get3A_31 = vector.load %arg7[%get3A_28, %get3A_29, %get3A_30] : memref<1x256x128xf32, #tpu.memory_space<vmem>>, vector<1x256x128xf32>
    %get3A_32 = vector.shape_cast %get3A_31 : vector<1x256x128xf32> to vector<256x128xf32>
    %mul3A_33 = vector.broadcast %get3A_13 : vector<1x128xf32> to vector<256x128xf32>
    %mul3A_34 = arith.mulf %get3A_32, %mul3A_33 : vector<256x128xf32>
    %reduce_sum3A_35 = arith.constant dense<0.000000e+00> : vector<256xf32>
    %reduce_sum3A_36 = vector.multi_reduction <add>, %mul3A_34, %reduce_sum3A_35 [1] : vector<256x128xf32> to vector<256xf32>
    %broadcast_in_dim3A_37 = vector.shape_cast %reduce_sum3A_36 : vector<256xf32> to vector<256x1xf32>
    %add3A_38 = vector.broadcast %get3A_17 : f32 to vector<256x1xf32>
    %add3A_39 = arith.addf %broadcast_in_dim3A_37, %add3A_38 : vector<256x1xf32>
    %get3A_40 = arith.constant 0 : index
    %get3A_41 = arith.constant 0 : index
    %get3A_42 = arith.constant 0 : index
    %get3A_43 = vector.load %arg8[%get3A_40, %get3A_41, %get3A_42] : memref<1x256x128xf32, #tpu.memory_space<vmem>>, vector<1x256x128xf32>
    %get3A_44 = vector.shape_cast %get3A_43 : vector<1x256x128xf32> to vector<256x128xf32>
    %mul3A_45 = vector.broadcast %get3A_13 : vector<1x128xf32> to vector<256x128xf32>
    %mul3A_46 = arith.mulf %get3A_44, %mul3A_45 : vector<256x128xf32>
    %reduce_sum3A_47 = arith.constant dense<0.000000e+00> : vector<256xf32>
    %reduce_sum3A_48 = vector.multi_reduction <add>, %mul3A_46, %reduce_sum3A_47 [1] : vector<256x128xf32> to vector<256xf32>
    %broadcast_in_dim3A_49 = vector.shape_cast %reduce_sum3A_48 : vector<256xf32> to vector<256x1xf32>
    %add3A_50 = vector.broadcast %get3A_17 : f32 to vector<256x1xf32>
    %add3A_51 = arith.addf %broadcast_in_dim3A_49, %add3A_50 : vector<256x1xf32>
    %get3A_52 = arith.constant 0 : index
    %get3A_53 = arith.constant 0 : index
    %get3A_54 = arith.constant 0 : index
    %get3A_55 = vector.load %arg3[%get3A_52, %get3A_53, %get3A_54] : memref<1x2304x8xf32, #tpu.memory_space<vmem>>, vector<1x2304x8xf32>
    %get3A_56 = vector.shape_cast %get3A_55 : vector<1x2304x8xf32> to vector<2304x8xf32>
    %get3A_57 = arith.constant 0 : index
    %get3A_58 = arith.constant 0 : index
    %get3A_59 = arith.constant 0 : index
    %get3A_60 = vector.load %arg4[%get3A_57, %get3A_58, %get3A_59] : memref<1x2304x8xf32, #tpu.memory_space<vmem>>, vector<1x2304x8xf32>
    %get3A_61 = vector.shape_cast %get3A_60 : vector<1x2304x8xf32> to vector<2304x8xf32>
    %add3A_62 = arith.addf %get3A_56, %get3A_61 : vector<2304x8xf32>
    %get3A_63 = arith.constant 0 : index
    %get3A_64 = arith.constant 0 : index
    %get3A_65 = arith.constant 0 : index
    %get3A_66 = vector.load %arg5[%get3A_63, %get3A_64, %get3A_65] : memref<1x2304x8xf32, #tpu.memory_space<vmem>>, vector<1x2304x8xf32>
    %get3A_67 = vector.shape_cast %get3A_66 : vector<1x2304x8xf32> to vector<2304x8xf32>
    %add3A_68 = arith.addf %add3A_62, %get3A_67 : vector<2304x8xf32>
    %convert_element_type3A = arith.truncf %get3A_5 : vector<256x2304xf32> to vector<256x2304xbf16>
    %convert_element_type3A_69 = arith.truncf %add3A_68 : vector<2304x8xf32> to vector<2304x8xbf16>
    %convert_element_type3A_70 = arith.extf %convert_element_type3A_69 : vector<2304x8xbf16> to vector<2304x8xf32>
    %sub3A = arith.subf %add3A_68, %convert_element_type3A_70 : vector<2304x8xf32>
    %convert_element_type3A_71 = arith.truncf %sub3A : vector<2304x8xf32> to vector<2304x8xbf16>
    %dot_general3A = arith.constant dense<0.000000e+00> : vector<256x8xf32>
    %dot_general3A_72 = tpu.matmul %convert_element_type3A, %convert_element_type3A_71, %dot_general3A {dimension_numbers = #tpu.dot_dimension_numbers<[1], [0], [0], [1], [0, 0, 1, 1], [], []>, transpose_lhs_hint = false} : vector<256x2304xbf16>, vector<2304x8xbf16>, vector<256x8xf32> -> vector<256x8xf32>
    %dot_general3A_73 = arith.constant dense<0.000000e+00> : vector<256x8xf32>
    %dot_general3A_74 = tpu.matmul %convert_element_type3A, %convert_element_type3A_69, %dot_general3A_73 {dimension_numbers = #tpu.dot_dimension_numbers<[1], [0], [0], [1], [0, 0, 1, 1], [], []>, transpose_lhs_hint = false} : vector<256x2304xbf16>, vector<2304x8xbf16>, vector<256x8xf32> -> vector<256x8xf32>
    %add3A_75 = arith.addf %dot_general3A_72, %dot_general3A_74 : vector<256x8xf32>
    %mul3A_76 = vector.broadcast %div3A_10 : vector<256x1xf32> to vector<256x8xf32>
    %mul3A_77 = arith.mulf %add3A_75, %mul3A_76 : vector<256x8xf32>
    %slice3A = vector.extract_strided_slice %mul3A_77 {offsets = [0, 0], sizes = [256, 3], strides = [1, 1]} : vector<256x8xf32> to vector<256x3xf32>
    %concatenate3A = tpu.concatenate %add3A_27, %add3A_39, %add3A_51 in 1 : vector<256x1xf32>, vector<256x1xf32>, vector<256x1xf32> -> vector<256x3xf32>
    %mul3A_78 = arith.constant 0.899999976 : f32
    %mul3A_79 = vector.broadcast %mul3A_78 : f32 to vector<256x3xf32>
    %mul3A_80 = arith.mulf %mul3A_79, %concatenate3A : vector<256x3xf32>
    %mul3A_81 = arith.constant 1.000000e-01 : f32
    %mul3A_82 = vector.broadcast %mul3A_81 : f32 to vector<256x3xf32>
    %mul3A_83 = arith.mulf %mul3A_82, %slice3A : vector<256x3xf32>
    %add3A_84 = arith.addf %mul3A_80, %mul3A_83 : vector<256x3xf32>
    %reduce_max3A = arith.constant dense<0xFF800000> : vector<256xf32>
    %reduce_max3A_85 = vector.multi_reduction <maximumf>, %add3A_84, %reduce_max3A [1] : vector<256x3xf32> to vector<256xf32>
    %broadcast_in_dim3A_86 = vector.shape_cast %reduce_max3A_85 : vector<256xf32> to vector<256x1xf32>
    %sub3A_87 = vector.broadcast %broadcast_in_dim3A_86 : vector<256x1xf32> to vector<256x3xf32>
    %sub3A_88 = arith.subf %add3A_84, %sub3A_87 : vector<256x3xf32>
    %exp3A = math.exp %sub3A_88 : vector<256x3xf32>
    %reduce_sum3A_89 = arith.constant dense<0.000000e+00> : vector<256xf32>
    %reduce_sum3A_90 = vector.multi_reduction <add>, %exp3A, %reduce_sum3A_89 [1] : vector<256x3xf32> to vector<256xf32>
    %broadcast_in_dim3A_91 = vector.shape_cast %reduce_sum3A_90 : vector<256xf32> to vector<256x1xf32>
    %div3A_92 = vector.broadcast %broadcast_in_dim3A_91 : vector<256x1xf32> to vector<256x3xf32>
    %div3A_93 = arith.divf %exp3A, %div3A_92 : vector<256x3xf32>
    %slice3A_94 = vector.extract_strided_slice %div3A_93 {offsets = [0, 0], sizes = [256, 1], strides = [1, 1]} : vector<256x3xf32> to vector<256x1xf32>
    %mul3A_95 = vector.broadcast %slice3A_94 : vector<256x1xf32> to vector<256x128xf32>
    %mul3A_96 = arith.mulf %mul3A_95, %get3A_22 : vector<256x128xf32>
    %slice3A_97 = vector.extract_strided_slice %div3A_93 {offsets = [0, 1], sizes = [256, 1], strides = [1, 1]} : vector<256x3xf32> to vector<256x1xf32>
    %mul3A_98 = vector.broadcast %slice3A_97 : vector<256x1xf32> to vector<256x128xf32>
    %mul3A_99 = arith.mulf %mul3A_98, %get3A_32 : vector<256x128xf32>
    %add3A_100 = arith.addf %mul3A_96, %mul3A_99 : vector<256x128xf32>
    %slice3A_101 = vector.extract_strided_slice %div3A_93 {offsets = [0, 2], sizes = [256, 1], strides = [1, 1]} : vector<256x3xf32> to vector<256x1xf32>
    %mul3A_102 = vector.broadcast %slice3A_101 : vector<256x1xf32> to vector<256x128xf32>
    %mul3A_103 = arith.mulf %mul3A_102, %get3A_44 : vector<256x128xf32>
    %add3A_104 = arith.addf %add3A_100, %mul3A_103 : vector<256x128xf32>
    %mul3A_105 = vector.broadcast %select_n3A : f32 to vector<256x128xf32>
    %mul3A_106 = arith.mulf %mul3A_105, %add3A_104 : vector<256x128xf32>
    %eq3A_107 = arith.constant 0 : i32
    %eq3A_108 = arith.cmpi eq, %arg1, %eq3A_107 : i32
    %convert_element_type3A_109 = arith.extui %eq3A_108 : i1 to i32
    %cond3A = arith.constant 0 : i32
    %cond3A_110 = arith.cmpi ne, %convert_element_type3A_109, %cond3A : i32
    scf.if %cond3A_110 {
      %swap3A = arith.constant 0 : index
      %swap3A_115 = arith.constant 0 : index
      %swap3A_116 = vector.load %arg11[%swap3A, %swap3A_115] : memref<256x128xf32, #tpu.memory_space<vmem>>, vector<256x128xf32>
      tpu.vector_store %arg11[%swap3A, %swap3A_115], %mul3A_106 {strides = array<i32>} : memref<256x128xf32, #tpu.memory_space<vmem>>, vector<256x128xf32>,
    } else {
    }
    %gt3A = arith.constant 0 : i32
    %gt3A_111 = arith.cmpi sgt, %arg1, %gt3A : i32
    %convert_element_type3A_112 = arith.extui %gt3A_111 : i1 to i32
    %cond3A_113 = arith.constant 0 : i32
    %cond3A_114 = arith.cmpi ne, %convert_element_type3A_112, %cond3A_113 : i32
    scf.if %cond3A_114 {
      %get3A_115 = arith.constant 0 : index
      %get3A_116 = arith.constant 0 : index
      %get3A_117 = vector.load %arg11[%get3A_115, %get3A_116] : memref<256x128xf32, #tpu.memory_space<vmem>>, vector<256x128xf32>
      %add3A_118 = arith.addf %get3A_117, %mul3A_106 : vector<256x128xf32>
      %swap3A = arith.constant 0 : index
      %swap3A_119 = arith.constant 0 : index
      %swap3A_120 = vector.load %arg11[%swap3A, %swap3A_119] : memref<256x128xf32, #tpu.memory_space<vmem>>, vector<256x128xf32>
      tpu.vector_store %arg11[%swap3A, %swap3A_119], %add3A_118 {strides = array<i32>} : memref<256x128xf32, #tpu.memory_space<vmem>>, vector<256x128xf32>,
    } else {
    }
    return
  }
  func.func @transform_0(%arg0: i32, %arg1: i32) -> (i32, i32, i32) {
    %c0_i32 = arith.constant 0 : i32
    %c0_i32_0 = arith.constant 0 : i32
    return %arg1, %arg0, %c0_i32 : i32, i32, i32
  }
  func.func @transform_1(%arg0: i32, %arg1: i32) -> (i32, i32, i32) {
    %c0_i32 = arith.constant 0 : i32
    %c0_i32_0 = arith.constant 0 : i32
    %c0_i32_1 = arith.constant 0 : i32
    return %arg1, %c0_i32, %c0_i32_0 : i32, i32, i32
  }
  func.func @transform_2(%arg0: i32, %arg1: i32) -> (i32, i32, i32) {
    %c0_i32 = arith.constant 0 : i32
    %c0_i32_0 = arith.constant 0 : i32
    %c0_i32_1 = arith.constant 0 : i32
    return %arg1, %c0_i32, %c0_i32_0 : i32, i32, i32
  }
  func.func @transform_3(%arg0: i32, %arg1: i32) -> (i32, i32, i32) {
    %c0_i32 = arith.constant 0 : i32
    %c0_i32_0 = arith.constant 0 : i32
    %c0_i32_1 = arith.constant 0 : i32
    return %arg1, %c0_i32, %c0_i32_0 : i32, i32, i32
  }
  func.func @transform_4(%arg0: i32, %arg1: i32) -> (i32, i32, i32) {
    %c0_i32 = arith.constant 0 : i32
    %c0_i32_0 = arith.constant 0 : i32
    return %arg1, %arg0, %c0_i32 : i32, i32, i32
  }
  func.func @transform_5(%arg0: i32, %arg1: i32) -> (i32, i32, i32) {
    %c0_i32 = arith.constant 0 : i32
    %c0_i32_0 = arith.constant 0 : i32
    return %arg1, %arg0, %c0_i32 : i32, i32, i32
  }
  func.func @transform_6(%arg0: i32, %arg1: i32) -> (i32, i32, i32) {
    %c0_i32 = arith.constant 0 : i32
    %c0_i32_0 = arith.constant 0 : i32
    return %arg1, %arg0, %c0_i32 : i32, i32, i32
  }
  func.func @transform_7(%arg0: i32, %arg1: i32) -> (i32, i32) {
    %c0_i32 = arith.constant 0 : i32
    %c0_i32_0 = arith.constant 0 : i32
    %c0_i32_1 = arith.constant 0 : i32
    return %c0_i32, %c0_i32_0 : i32, i32
  }
  func.func @transform_8(%arg0: i32, %arg1: i32) -> (i32, i32) {
    %c0_i32 = arith.constant 0 : i32
    %c0_i32_0 = arith.constant 0 : i32
    %c0_i32_1 = arith.constant 0 : i32
    return %c0_i32, %c0_i32_0 : i32, i32
  }
  func.func @transform_9(%arg0: i32, %arg1: i32) -> (i32, i32) {
    %c0_i32 = arith.constant 0 : i32
    %c0_i32_0 = arith.constant 0 : i32
    return %arg0, %c0_i32 : i32, i32
  }
}

module attributes {stable_mosaic.version = 14 : i64} {
  func.func @_mlp_body(%arg0: i32, %arg1: memref<512x128xf32, #tpu.memory_space<vmem>>, %arg2: memref<512x128xf32, #tpu.memory_space<vmem>>, %arg3: memref<128x1024xf32, #tpu.memory_space<vmem>>, %arg4: memref<1x1024xf32, #tpu.memory_space<vmem>>, %arg5: memref<1024x512xf32, #tpu.memory_space<vmem>>, %arg6: memref<1x512xf32, #tpu.memory_space<vmem>>, %arg7: memref<512x256xf32, #tpu.memory_space<vmem>>, %arg8: memref<1x256xf32, #tpu.memory_space<vmem>>, %arg9: memref<256x128xf32, #tpu.memory_space<vmem>>, %arg10: memref<1x128xf32, #tpu.memory_space<vmem>>, %arg11: memref<512x128xf32, #tpu.memory_space<vmem>>, %arg12: memref<512x128xf32, #tpu.memory_space<vmem>>) attributes {dimension_semantics = [#tpu.dimension_semantics<arbitrary>], iteration_bounds = array<i64: 32>, scalar_prefetch = 0 : i64, scratch_operands = 0 : i64, tpu.core_type = #tpu.core_type<tc>, window_params = [{transform_indices = @transform_0, window_bounds = array<i64: 512, 128>}, {transform_indices = @transform_1, window_bounds = array<i64: 512, 128>}, {pipeline_mode = #tpu.pipeline_mode<synchronous>, transform_indices = @transform_2, window_bounds = array<i64: 128, 1024>}, {pipeline_mode = #tpu.pipeline_mode<synchronous>, transform_indices = @transform_3, window_bounds = array<i64: 1, 1024>}, {pipeline_mode = #tpu.pipeline_mode<synchronous>, transform_indices = @transform_4, window_bounds = array<i64: 1024, 512>}, {pipeline_mode = #tpu.pipeline_mode<synchronous>, transform_indices = @transform_5, window_bounds = array<i64: 1, 512>}, {pipeline_mode = #tpu.pipeline_mode<synchronous>, transform_indices = @transform_6, window_bounds = array<i64: 512, 256>}, {pipeline_mode = #tpu.pipeline_mode<synchronous>, transform_indices = @transform_7, window_bounds = array<i64: 1, 256>}, {pipeline_mode = #tpu.pipeline_mode<synchronous>, transform_indices = @transform_8, window_bounds = array<i64: 256, 128>}, {pipeline_mode = #tpu.pipeline_mode<synchronous>, transform_indices = @transform_9, window_bounds = array<i64: 1, 128>}, {transform_indices = @transform_10, window_bounds = array<i64: 512, 128>}, {transform_indices = @transform_11, window_bounds = array<i64: 512, 128>}]} {
    %get3A = arith.constant 0 : index
    %get3A_0 = arith.constant 0 : index
    %get3A_1 = vector.load %arg1[%get3A, %get3A_0] : memref<512x128xf32, #tpu.memory_space<vmem>>, vector<512x128xf32>
    %get3A_2 = arith.constant 0 : index
    %get3A_3 = arith.constant 0 : index
    %get3A_4 = vector.load %arg2[%get3A_2, %get3A_3] : memref<512x128xf32, #tpu.memory_space<vmem>>, vector<512x128xf32>
    %mul3A = arith.mulf %get3A_1, %get3A_4 : vector<512x128xf32>
    %swap3A = arith.constant 0 : index
    %swap3A_5 = arith.constant 0 : index
    %swap3A_6 = vector.load %arg11[%swap3A, %swap3A_5] : memref<512x128xf32, #tpu.memory_space<vmem>>, vector<512x128xf32>
    tpu.vector_store %arg11[%swap3A, %swap3A_5], %mul3A {strides = array<i32>} : memref<512x128xf32, #tpu.memory_space<vmem>>, vector<512x128xf32>,
    %get3A_7 = arith.constant 0 : index
    %get3A_8 = arith.constant 0 : index
    %get3A_9 = vector.load %arg3[%get3A_7, %get3A_8] : memref<128x1024xf32, #tpu.memory_space<vmem>>, vector<128x1024xf32>
    %convert_element_type3A = arith.truncf %mul3A : vector<512x128xf32> to vector<512x128xbf16>
    %convert_element_type3A_10 = arith.extf %convert_element_type3A : vector<512x128xbf16> to vector<512x128xf32>
    %sub3A = arith.subf %mul3A, %convert_element_type3A_10 : vector<512x128xf32>
    %convert_element_type3A_11 = arith.truncf %sub3A : vector<512x128xf32> to vector<512x128xbf16>
    %convert_element_type3A_12 = arith.truncf %get3A_9 : vector<128x1024xf32> to vector<128x1024xbf16>
    %dot_general3A = arith.constant dense<0.000000e+00> : vector<512x1024xf32>
    %dot_general3A_13 = tpu.matmul %convert_element_type3A_11, %convert_element_type3A_12, %dot_general3A {dimension_numbers = #tpu.dot_dimension_numbers<[1], [0], [0], [1], [0, 0, 1, 1], [], []>, transpose_lhs_hint = false} : vector<512x128xbf16>, vector<128x1024xbf16>, vector<512x1024xf32> -> vector<512x1024xf32>
    %dot_general3A_14 = arith.constant dense<0.000000e+00> : vector<512x1024xf32>
    %dot_general3A_15 = tpu.matmul %convert_element_type3A, %convert_element_type3A_12, %dot_general3A_14 {dimension_numbers = #tpu.dot_dimension_numbers<[1], [0], [0], [1], [0, 0, 1, 1], [], []>, transpose_lhs_hint = false} : vector<512x128xbf16>, vector<128x1024xbf16>, vector<512x1024xf32> -> vector<512x1024xf32>
    %add3A = arith.addf %dot_general3A_13, %dot_general3A_15 : vector<512x1024xf32>
    %get3A_16 = arith.constant 0 : index
    %get3A_17 = arith.constant 0 : index
    %get3A_18 = vector.load %arg4[%get3A_16, %get3A_17] : memref<1x1024xf32, #tpu.memory_space<vmem>>, vector<1x1024xf32>
    %add3A_19 = vector.broadcast %get3A_18 : vector<1x1024xf32> to vector<512x1024xf32>
    %add3A_20 = arith.addf %add3A, %add3A_19 : vector<512x1024xf32>
    %max3A = arith.constant 0.000000e+00 : f32
    %max3A_21 = vector.broadcast %max3A : f32 to vector<512x1024xf32>
    %max3A_22 = arith.maximumf %add3A_20, %max3A_21 : vector<512x1024xf32>
    %get3A_23 = arith.constant 0 : index
    %get3A_24 = arith.constant 0 : index
    %get3A_25 = vector.load %arg5[%get3A_23, %get3A_24] : memref<1024x512xf32, #tpu.memory_space<vmem>>, vector<1024x512xf32>
    %convert_element_type3A_26 = arith.truncf %max3A_22 : vector<512x1024xf32> to vector<512x1024xbf16>
    %convert_element_type3A_27 = arith.extf %convert_element_type3A_26 : vector<512x1024xbf16> to vector<512x1024xf32>
    %sub3A_28 = arith.subf %max3A_22, %convert_element_type3A_27 : vector<512x1024xf32>
    %convert_element_type3A_29 = arith.truncf %sub3A_28 : vector<512x1024xf32> to vector<512x1024xbf16>
    %convert_element_type3A_30 = arith.truncf %get3A_25 : vector<1024x512xf32> to vector<1024x512xbf16>
    %dot_general3A_31 = arith.constant dense<0.000000e+00> : vector<512x512xf32>
    %dot_general3A_32 = tpu.matmul %convert_element_type3A_29, %convert_element_type3A_30, %dot_general3A_31 {dimension_numbers = #tpu.dot_dimension_numbers<[1], [0], [0], [1], [0, 0, 1, 1], [], []>, transpose_lhs_hint = false} : vector<512x1024xbf16>, vector<1024x512xbf16>, vector<512x512xf32> -> vector<512x512xf32>
    %dot_general3A_33 = arith.constant dense<0.000000e+00> : vector<512x512xf32>
    %dot_general3A_34 = tpu.matmul %convert_element_type3A_26, %convert_element_type3A_30, %dot_general3A_33 {dimension_numbers = #tpu.dot_dimension_numbers<[1], [0], [0], [1], [0, 0, 1, 1], [], []>, transpose_lhs_hint = false} : vector<512x1024xbf16>, vector<1024x512xbf16>, vector<512x512xf32> -> vector<512x512xf32>
    %add3A_35 = arith.addf %dot_general3A_32, %dot_general3A_34 : vector<512x512xf32>
    %get3A_36 = arith.constant 0 : index
    %get3A_37 = arith.constant 0 : index
    %get3A_38 = vector.load %arg6[%get3A_36, %get3A_37] : memref<1x512xf32, #tpu.memory_space<vmem>>, vector<1x512xf32>
    %add3A_39 = vector.broadcast %get3A_38 : vector<1x512xf32> to vector<512x512xf32>
    %add3A_40 = arith.addf %add3A_35, %add3A_39 : vector<512x512xf32>
    %max3A_41 = arith.constant 0.000000e+00 : f32
    %max3A_42 = vector.broadcast %max3A_41 : f32 to vector<512x512xf32>
    %max3A_43 = arith.maximumf %add3A_40, %max3A_42 : vector<512x512xf32>
    %get3A_44 = arith.constant 0 : index
    %get3A_45 = arith.constant 0 : index
    %get3A_46 = vector.load %arg7[%get3A_44, %get3A_45] : memref<512x256xf32, #tpu.memory_space<vmem>>, vector<512x256xf32>
    %convert_element_type3A_47 = arith.truncf %max3A_43 : vector<512x512xf32> to vector<512x512xbf16>
    %convert_element_type3A_48 = arith.extf %convert_element_type3A_47 : vector<512x512xbf16> to vector<512x512xf32>
    %sub3A_49 = arith.subf %max3A_43, %convert_element_type3A_48 : vector<512x512xf32>
    %convert_element_type3A_50 = arith.truncf %sub3A_49 : vector<512x512xf32> to vector<512x512xbf16>
    %convert_element_type3A_51 = arith.truncf %get3A_46 : vector<512x256xf32> to vector<512x256xbf16>
    %dot_general3A_52 = arith.constant dense<0.000000e+00> : vector<512x256xf32>
    %dot_general3A_53 = tpu.matmul %convert_element_type3A_50, %convert_element_type3A_51, %dot_general3A_52 {dimension_numbers = #tpu.dot_dimension_numbers<[1], [0], [0], [1], [0, 0, 1, 1], [], []>, transpose_lhs_hint = false} : vector<512x512xbf16>, vector<512x256xbf16>, vector<512x256xf32> -> vector<512x256xf32>
    %dot_general3A_54 = arith.constant dense<0.000000e+00> : vector<512x256xf32>
    %dot_general3A_55 = tpu.matmul %convert_element_type3A_47, %convert_element_type3A_51, %dot_general3A_54 {dimension_numbers = #tpu.dot_dimension_numbers<[1], [0], [0], [1], [0, 0, 1, 1], [], []>, transpose_lhs_hint = false} : vector<512x512xbf16>, vector<512x256xbf16>, vector<512x256xf32> -> vector<512x256xf32>
    %add3A_56 = arith.addf %dot_general3A_53, %dot_general3A_55 : vector<512x256xf32>
    %get3A_57 = arith.constant 0 : index
    %get3A_58 = arith.constant 0 : index
    %get3A_59 = vector.load %arg8[%get3A_57, %get3A_58] : memref<1x256xf32, #tpu.memory_space<vmem>>, vector<1x256xf32>
    %add3A_60 = vector.broadcast %get3A_59 : vector<1x256xf32> to vector<512x256xf32>
    %add3A_61 = arith.addf %add3A_56, %add3A_60 : vector<512x256xf32>
    %max3A_62 = arith.constant 0.000000e+00 : f32
    %max3A_63 = vector.broadcast %max3A_62 : f32 to vector<512x256xf32>
    %max3A_64 = arith.maximumf %add3A_61, %max3A_63 : vector<512x256xf32>
    %get3A_65 = arith.constant 0 : index
    %get3A_66 = arith.constant 0 : index
    %get3A_67 = vector.load %arg9[%get3A_65, %get3A_66] : memref<256x128xf32, #tpu.memory_space<vmem>>, vector<256x128xf32>
    %convert_element_type3A_68 = arith.truncf %max3A_64 : vector<512x256xf32> to vector<512x256xbf16>
    %convert_element_type3A_69 = arith.extf %convert_element_type3A_68 : vector<512x256xbf16> to vector<512x256xf32>
    %sub3A_70 = arith.subf %max3A_64, %convert_element_type3A_69 : vector<512x256xf32>
    %convert_element_type3A_71 = arith.truncf %sub3A_70 : vector<512x256xf32> to vector<512x256xbf16>
    %convert_element_type3A_72 = arith.truncf %get3A_67 : vector<256x128xf32> to vector<256x128xbf16>
    %dot_general3A_73 = arith.constant dense<0.000000e+00> : vector<512x128xf32>
    %dot_general3A_74 = tpu.matmul %convert_element_type3A_71, %convert_element_type3A_72, %dot_general3A_73 {dimension_numbers = #tpu.dot_dimension_numbers<[1], [0], [0], [1], [0, 0, 1, 1], [], []>, transpose_lhs_hint = false} : vector<512x256xbf16>, vector<256x128xbf16>, vector<512x128xf32> -> vector<512x128xf32>
    %dot_general3A_75 = arith.constant dense<0.000000e+00> : vector<512x128xf32>
    %dot_general3A_76 = tpu.matmul %convert_element_type3A_68, %convert_element_type3A_72, %dot_general3A_75 {dimension_numbers = #tpu.dot_dimension_numbers<[1], [0], [0], [1], [0, 0, 1, 1], [], []>, transpose_lhs_hint = false} : vector<512x256xbf16>, vector<256x128xbf16>, vector<512x128xf32> -> vector<512x128xf32>
    %add3A_77 = arith.addf %dot_general3A_74, %dot_general3A_76 : vector<512x128xf32>
    %get3A_78 = arith.constant 0 : index
    %get3A_79 = arith.constant 0 : index
    %get3A_80 = vector.load %arg10[%get3A_78, %get3A_79] : memref<1x128xf32, #tpu.memory_space<vmem>>, vector<1x128xf32>
    %add3A_81 = vector.broadcast %get3A_80 : vector<1x128xf32> to vector<512x128xf32>
    %add3A_82 = arith.addf %add3A_77, %add3A_81 : vector<512x128xf32>
    %swap3A_83 = arith.constant 0 : index
    %swap3A_84 = arith.constant 0 : index
    %swap3A_85 = vector.load %arg12[%swap3A_83, %swap3A_84] : memref<512x128xf32, #tpu.memory_space<vmem>>, vector<512x128xf32>
    tpu.vector_store %arg12[%swap3A_83, %swap3A_84], %add3A_82 {strides = array<i32>} : memref<512x128xf32, #tpu.memory_space<vmem>>, vector<512x128xf32>,
    return
  }
  func.func @transform_0(%arg0: i32) -> (i32, i32) {
    %c0_i32 = arith.constant 0 : i32
    %c0_i32_0 = arith.constant 0 : i32
    return %arg0, %c0_i32 : i32, i32
  }
  func.func @transform_1(%arg0: i32) -> (i32, i32) {
    %c0_i32 = arith.constant 0 : i32
    %c0_i32_0 = arith.constant 0 : i32
    return %arg0, %c0_i32 : i32, i32
  }
  func.func @transform_2(%arg0: i32) -> (i32, i32) {
    %c0_i32 = arith.constant 0 : i32
    %c0_i32_0 = arith.constant 0 : i32
    %c0_i32_1 = arith.constant 0 : i32
    return %c0_i32, %c0_i32_0 : i32, i32
  }
  func.func @transform_3(%arg0: i32) -> (i32, i32) {
    %c0_i32 = arith.constant 0 : i32
    %c0_i32_0 = arith.constant 0 : i32
    %c0_i32_1 = arith.constant 0 : i32
    return %c0_i32, %c0_i32_0 : i32, i32
  }
  func.func @transform_4(%arg0: i32) -> (i32, i32) {
    %c0_i32 = arith.constant 0 : i32
    %c0_i32_0 = arith.constant 0 : i32
    %c0_i32_1 = arith.constant 0 : i32
    return %c0_i32, %c0_i32_0 : i32, i32
  }
  func.func @transform_5(%arg0: i32) -> (i32, i32) {
    %c0_i32 = arith.constant 0 : i32
    %c0_i32_0 = arith.constant 0 : i32
    %c0_i32_1 = arith.constant 0 : i32
    return %c0_i32, %c0_i32_0 : i32, i32
  }
  func.func @transform_6(%arg0: i32) -> (i32, i32) {
    %c0_i32 = arith.constant 0 : i32
    %c0_i32_0 = arith.constant 0 : i32
    %c0_i32_1 = arith.constant 0 : i32
    return %c0_i32, %c0_i32_0 : i32, i32
  }
  func.func @transform_7(%arg0: i32) -> (i32, i32) {
    %c0_i32 = arith.constant 0 : i32
    %c0_i32_0 = arith.constant 0 : i32
    %c0_i32_1 = arith.constant 0 : i32
    return %c0_i32, %c0_i32_0 : i32, i32
  }
  func.func @transform_8(%arg0: i32) -> (i32, i32) {
    %c0_i32 = arith.constant 0 : i32
    %c0_i32_0 = arith.constant 0 : i32
    %c0_i32_1 = arith.constant 0 : i32
    return %c0_i32, %c0_i32_0 : i32, i32
  }
  func.func @transform_9(%arg0: i32) -> (i32, i32) {
    %c0_i32 = arith.constant 0 : i32
    %c0_i32_0 = arith.constant 0 : i32
    %c0_i32_1 = arith.constant 0 : i32
    return %c0_i32, %c0_i32_0 : i32, i32
  }
  func.func @transform_10(%arg0: i32) -> (i32, i32) {
    %c0_i32 = arith.constant 0 : i32
    %c0_i32_0 = arith.constant 0 : i32
    return %arg0, %c0_i32 : i32, i32
  }
  func.func @transform_11(%arg0: i32) -> (i32, i32) {
    %c0_i32 = arith.constant 0 : i32
    %c0_i32_0 = arith.constant 0 : i32
    return %arg0, %c0_i32 : i32, i32
  }
}

</mosaic_0001>

<sc_bundles>
// kernel: kernel.10.cloned.1.call-start
scs
__scs_entry_jumppad:
0x0: {  	(pc) =	sbr.rel $0x88, $3  }
0x1: {  	(tag) =	ssettag $0x0;
	lr =	simm.s32 $0x1  }
0x2: {  	[smem:$0x3F8A] =	sst lr;
	_ =	strace $0xD0000000  }
0x3: {  	_ = 	snop  }
0x4: {  	_ = 	snop  }
0x5: {  	_ = 	snop  }
0x6: {  	_ = 	snop  }
0x7: {  	_ = 	snop  }
__scs_overlays_trampoline_lowered:
0x8: {  	[smem:$0x3F99] =	sst s0  }
0x9: {  	[smem:$0x3F9A] =	sst s1  }
0xa: {  	[smem:$0x3F9B] =	sst s2  }
0xb: {  	[smem:$0x3F9C] =	sst s3  }
0xc: {  	[smem:$0x3F9D] =	sst s4  }
0xd: {  	[smem:$0x3F9E] =	sst s5  }
0xe: {  	[smem:$0x3F9F] =	sst s6  }
0xf: {  	[smem:$0x3FA0] =	sst s7  }
0x10: {  	[smem:$0x3FA1] =	sst s8  }
0x11: {  	[smem:$0x3FA2] =	sst s9;
	s0 =	simm.s32 @!p0 $0x0  }
0x12: {  	s1 =	sld [smem:$0x3F88];
	s0 =	simm.s32 @p0 $0x1  }
0x13: {  	[smem:$0x3FA3] =	sst s0;
	s0 =	simm.s32 @!p1 $0x0  }
0x14: {  	s2 =	sld [smem:$0x3F87];
	s0 =	simm.s32 @p1 $0x1  }
0x15: {  	[smem:$0x3FA4] =	sst s0;
	s0 =	simm.s32 @!p2 $0x0  }
0x16: {  	s3 =	sld [smem:$0x3FDB];
	s0 =	simm.s32 @p2 $0x1  }
0x17: {  	s4 =	simm.s32 $0x1BF5;
	[smem:$0x3FA6] =	sst s0  }
0x18: {  	s0 =	sld [smem:$0x3F89];
	_ =	swait.ge [sflag:s4], $0x0  }
0x19: {  	s7 =	sld [smem:$0x3F8A]  }
0x1a: {  	s8 =	sadd.s32 $0xFFFFE003, lr  }
0x1b: {  	s9 =	sadd.s32 $0xFFFFFEF7, lr;
	s5 =	simm.s32 $0xFFFFFFFF;
	p2 =	slt.u32 s8, $0xFFFFF086  }
0x1c: {  	p1 =	slt.u32 s9, $0xF7A;
	s5 =	simm.s32 @!p2 $0x0  }
0x1d: {  	s5 =	simm.s32 @p1 $0x1;
	p0 =	seq.s32 s7, s2  }
0x1e: {  	s7 =	smul.u32 @!p0 $0xF7A, s2;
	p2 =	seq.s32 @!p0 s5, $0x0  }
0x1f: {  	s9 =	smul.u32 $0xF7A, s1;
	s8 =	simm.s32 @!p0 $0x1BF5;
	p2 =	por !p2, p0  }
0x20: {  	[sflag:s8] =	ssyncset.s32 @!p0 $0xFFFFF086;
	s6 =	sadd.s32 @!p0 s3, s7;
	s7 =	simm.s32 @!p0 $0x108  }
0x21: {  	s3 =	sadd.s32 s3, s9;
	s6 =	sadd.s32 @!p0 $0x88, s6;
	s7 =	simm.s32 @p2 $0x1082  }
0x22: {  	[simem:s7], [sflag:s8] =	dma.local @!p0 [hbm:s6], $0xF7A  }
0x23: {  	s9 =	sor.u32 $0xD0000000, s2;
	s6 =	simm.s32 $0x108;
	_ =	swait.ge @!p0 [sflag:s8], $0x0  }
0x24: {  	s3 =	sadd.s32 $0x88, s3;
	s6 =	simm.s32 @!p1 $0x1082;
	[sflag:s4] =	ssyncset.s32 $0xFFFFF086  }
0x25: {  	[simem:s6], [sflag:s4] =	dma.local [hbm:s3], $0xF7A  }
0x26: {  	[smem:$0x3F8A] =	sst s1;
	(tag) =	ssettag s2;
	_ =	strace s9  }
0x27: {  	s1 =	sld [smem:$0x3F9A]  }
0x28: {  	s2 =	sld [smem:$0x3F9B]  }
0x29: {  	s4 =	sld [smem:$0x3F9D]  }
0x2a: {  	p0 =	seq.s32 s5, $0x0;
	s5 =	sld [smem:$0x3F9E]  }
0x2b: {  	s6 =	sld [smem:$0x3F9F]  }
0x2c: {  	s7 =	sld [smem:$0x3FA0]  }
0x2d: {  	s3 =	simm.s32 $0x108;
	s8 =	sld [smem:$0x3FA1]  }
0x2e: {  	s3 =	simm.s32 @!p0 $0x1082;
	s9 =	sld [smem:$0x3FA2]  }
0x2f: {  	lr =	sadd.s32 s0, s3;
	s0 =	sld [smem:$0x3F99]  }
0x30: {  	s3 =	sld [smem:$0x3F9C]  }
0x31: {  	[smem:$0x3FA5] =	sst s10  }
0x32: {  	s10 =	sld [smem:$0x3FA3];
	_ =	sdelay $0x3  }
0x33: {  	p0 =	seq.s32 s10, $0x1;
	s10 =	sld [smem:$0x3FA5];
	_ =	sdelay $0x3  }
0x34: {  	[smem:$0x3FA5] =	sst s10  }
0x35: {  	s10 =	sld [smem:$0x3FA4];
	_ =	sdelay $0x3  }
0x36: {  	p1 =	seq.s32 s10, $0x1;
	s10 =	sld [smem:$0x3FA5];
	_ =	sdelay $0x3  }
0x37: {  	[smem:$0x3FA5] =	sst s10  }
0x38: {  	s10 =	sld [smem:$0x3FA6]  }
0x39: {  	_ = 	snop;
	(pc) =	sbr.ind lr, $3  }
0x3a: {  	_ = 	snop  }
0x3b: {  	_ = 	snop  }
0x3c: {  	p2 =	seq.s32 s10, $0x1;
	s10 =	sld [smem:$0x3FA5]  }
0x3d: {  	_ =	shalt  }
0x3e: {  	_ =	shalt  }
0x3f: {  	_ =	shalt  }
0x40: {  	_ =	shalt  }
0x41: {  	_ =	shalt  }
0x42: {  	_ =	shalt  }
0x43: {  	_ =	shalt  }
0x44: {  	_ =	shalt  }
0x45: {  	_ =	shalt  }
0x46: {  	_ =	shalt  }
0x47: {  	_ =	shalt  }
0x48: {  	_ =	shalt  }
0x49: {  	_ =	shalt  }
0x4a: {  	_ =	shalt  }
0x4b: {  	_ =	shalt  }
0x4c: {  	_ =	shalt  }
0x4d: {  	_ =	shalt  }
0x4e: {  	_ =	shalt  }
0x4f: {  	_ =	shalt  }
0x50: {  	_ =	shalt  }
0x51: {  	_ =	shalt  }
0x52: {  	_ =	shalt  }
0x53: {  	_ =	shalt  }
0x54: {  	_ =	shalt  }
0x55: {  	_ =	shalt  }
0x56: {  	_ =	shalt  }
0x57: {  	_ =	shalt  }
0x58: {  	_ =	shalt  }
0x59: {  	_ =	shalt  }
0x5a: {  	_ =	shalt  }
0x5b: {  	_ =	shalt  }
0x5c: {  	_ =	shalt  }
0x5d: {  	_ =	shalt  }
0x5e: {  	_ =	shalt  }
0x5f: {  	_ =	shalt  }
0x60: {  	_ =	shalt  }
0x61: {  	_ =	shalt  }
0x62: {  	_ =	shalt  }
0x63: {  	_ =	shalt  }
0x64: {  	_ =	shalt  }
0x65: {  	_ =	shalt  }
0x66: {  	_ =	shalt  }
0x67: {  	_ =	shalt  }
0x68: {  	_ =	shalt  }
0x69: {  	_ =	shalt  }
0x6a: {  	_ =	shalt  }
0x6b: {  	_ =	shalt  }
0x6c: {  	_ =	shalt  }
0x6d: {  	_ =	shalt  }
0x6e: {  	_ =	shalt  }
0x6f: {  	_ =	shalt  }
0x70: {  	_ =	shalt  }
0x71: {  	_ =	shalt  }
0x72: {  	_ =	shalt  }
0x73: {  	_ =	shalt  }
0x74: {  	_ =	shalt  }
0x75: {  	_ =	shalt  }
0x76: {  	_ =	shalt  }
0x77: {  	_ =	shalt  }
0x78: {  	_ =	shalt  }
0x79: {  	_ =	shalt  }
0x7a: {  	_ =	shalt  }
0x7b: {  	_ =	shalt  }
0x7c: {  	_ =	shalt  }
0x7d: {  	_ =	shalt  }
0x7e: {  	_ =	shalt  }
0x7f: {  	_ =	shalt  }
0x80: {  	_ =	shalt  }
0x81: {  	_ =	shalt  }
0x82: {  	_ =	shalt  }
0x83: {  	_ =	shalt  }
0x84: {  	_ =	shalt  }
0x85: {  	_ =	shalt  }
0x86: {  	_ =	shalt  }
0x87: {  	_ =	shalt  }
.Lfunc_end0:
.L_simem_size_0:
called_computation_lowered:
.L_overlay_start_0:
0x88: {  	s2 =	sld [smem:$0x3FD9]  }
0x89: {  	s3 =	sld [smem:$0x3FFE];
	_ =	sdelay $0x1  }
0x8a: {  	s1 =	srdreg.scid  }
0x8b: {  	s0 =	sand.u32 $0x1, s1  }
0x8c: {  	s14 =	sshll.u32 s0, $0xA;
	s2 =	sadd.s32 s3, s2  }
0x8d: {  	s2 =	sadd.s32 s2, s14  }
0x8e: {  	[smem:$0x3FB1] =	sst s2  }
0x8f: {  	_ = 	snop  }
0x90: {  	s2 =	sld [smem:$0x3FD0];
	_ =	sdelay $0x2  }
0x91: {  	s15 =	simm.s32 $0xA;
	s4 =	simm.s32 $0x10  }
0x92: {  	[smem:s4], [sflag:s15] =	dma.local [hbm:s2], $0x1  }
0x93: {  	_ =	swait.eq [sflag:s15], $0x1  }
0x94: {  	[sflag:s15] =	ssyncset.done $0x0  }
0x95: {  	[sflag:s15] =	ssyncadd.s32 $0xFFFFFFFF  }
0x96: {  	s16 =	sld [smem:$0x10];
	(tm) =	ssettm $0x1  }
0x97: {  	s17 =	sld [smem:$0x3FFB];
	_ =	sdelay $0x3  }
0x98: {  	_ =	strace s17  }
0x99: {  	s3 =	sld [smem:$0x3FFC];
	_ =	sdelay $0x3  }
0x9a: {  	_ =	strace s3  }
0x9b: {  	s3 =	sld [smem:$0x3FFD];
	_ =	sdelay $0x3  }
0x9c: {  	_ =	strace s3  }
0x9d: {  	_ =	strace $0x8FFFFFFF  }
0x9e: {  	s18 =	sld [smem:$0x3FDB];
	_ =	sdelay $0x1  }
0x9f: {  	s19 =	simm.s32 $_scs_section_size  }
0xa0: {  	s5 =	simm.s32 $_size__tile_overlayer_lowered;
	s6 =	simm.s32 $_tile_overlayer_lowered  }
0xa1: {  	s22 =	simm.s32 $0x1BFF;
	s21 =	sshll.u32 s6, $0x1;
	s3 =	sadd.s32 s19, s18  }
0xa2: {  	s7 =	simm.s32 $0x0;
	s20 =	sshll.u32 s5, $0x1;
	s5 =	sadd.s32 s21, s3  }
0xa3: {  	[timem:s7], [sflag:s22] =	dma.local [hbm:s5], s20  }
0xa4: {  	_ =	swait.ge [sflag:s22], s20  }
0xa5: {  	s4 =	ssub.s32 $0x0, s20;
	[sflag:s22] =	ssyncset.done $0x0  }
0xa6: {  	[sflag:s22] =	ssyncadd.s32 s4;
	_ =	sdelay $0x1  }
0xa7: {  	s23 =	simm.s32 $0x1B8B  }
0xa8: {  	_ =	swait.ge [sflag:s23], $0x1  }
0xa9: {  	[sflag:s23] =	ssyncset.done $0x0  }
0xaa: {  	s25 =	simm.s32 $0x1B8E;
	s24 =	sld [smem:$0x3FFE];
	[sflag:s23] =	ssyncadd.s32 $0xFFFFFFFF  }
0xab: {  	s26 =	simm.s32 $execute0_lowered;
	[smem:$0x3FD2] =	sst s25  }
0xac: {  	s5 =	sshll.u32 s26, $0x1;
	_ =	strace $0x80000046;
	[dreg:$0x1] =	wrdreg $0xFFFFFFFF  }
0xad: {  	s28 =	simm.s32 $_size_execute0_lowered;
	s3 =	sadd.s32 s3, s5;
	[dreg:$0x0] =	wrdreg $0x0  }
0xae: {  	s5 =	sshll.u32 s28, $0x1;
	[dreg:$0x2] =	wrdreg s3  }
0xaf: {  	[dreg:$0x3] =	wrdreg s5  }
0xb0: {  	[dreg:$0x4] =	wrdreg $0xC0  }
0xb1: {  	_ =	task [dreg:s7], $0x5FFFF  }
0xb2: {  	[dreg:$0x1] =	wrdreg $0xFFFFFFFF  }
0xb3: {  	[dreg:$0x0] =	wrdreg $0x60  }
0xb4: {  	[dreg:$0x2] =	wrdreg s24  }
0xb5: {  	[dreg:$0x3] =	wrdreg s16  }
0xb6: {  	[dreg:$0x4] =	wrdreg $0x8E000  }
0xb7: {  	[dreg:$0x5] =	wrdreg $0x9  }
0xb8: {  	_ =	task.clear_ibuf [dreg:s7], $0x6FFFF;
	_ =	strace $0x90000046  }
0xb9: {  	s29 =	simm.s32 $0x9;
	_ =	strace $0x80000048  }
0xba: {  	_ =	swait.ge [sflag:s29], $0x1  }
0xbb: {  	[sflag:s29] =	ssyncadd.s32 $0xFFFFFFFF  }
0xbc: {  	_ =	strace $0x90000048  }
0xbd: {  	_ =	sfence  }
0xbe: {  	s30 =	sld [smem:$0x0];
	_ =	sdelay $0x2  }
0xbf: {  	s31 =	sshll.u32 s1, $0xD;
	s1 =	sshrl.u32 s1, $0x2  }
0xc0: {  	s3 =	sand.u32 $0x4000, s31;
	s1 =	sadd.s32 s1, s30  }
0xc1: {  	s0 =	sor.u32 s3, s0;
	s1 =	sshll.u32 s1, $0x11  }
0xc2: {  	s0 =	sor.u32 s1, s0  }
0xc3: {  	s0 =	sadd.s32 $0x8F2B, s0  }
0xc4: {  	[sflag:s0] =	ssyncadd.remote.s32 $0x1  }
0xc5: {  	_ =	sfence.sel $0xFFFF  }
0xc6: {  	[dreg:$0x0] =	wrdreg $0xFFFFFFFF;
	(pc) =	sbr.abs _section_cstart, $3  }
0xc7: {  	[dreg:$0x1] =	wrdreg $0xFFFFFFFF  }
0xc8: {  	_ =	task.clear_ibuf [dreg:s7], $0x2FFFF;
	_ =	strace $0x9FFFFFFF  }
0xc9: {  	(tm) =	ssettm $0x7FFFFFFF  }
tec
execute0_lowered:
.L_overlay_start_1:
0x0: {  	(tag) =	ssettag $0x1  }
0x1: {  	s0 =	rddreg [dreg:$0x0]  }
0x2: {  	s14 =	rddreg [dreg:$0x1]  }
0x3: {  	s1 =	rddreg [dreg:$0x2];
	s2 =	simm.s32 $0x0;
	s3 =	srdreg.scid  }
0x4: {  	[smem:$0x7FF] =	sst s2;
	s7 =	sand.u32 $0x1, s3;
	s3 =	stileid.u32  }
0x5: {  	s13 =	sadd.s32 $0x2600, s0;
	s4 =	sadd.s32 $0x12600, s0;
	s9 =	smul.u32 $0x2380, s3  }
0x6: {  	s5 =	sadd.s32 $0xFC00, s0;
	s0 =	sadd.s32 $0x12C00, s0;
	s15 =	smul.u32 $0x480, s7  }
0x7: {  	_ =	strace $0x80000047;
	s10 =	sshll.u32 s3, $0x7;
	s26 =	smul.u32 $0x14400, s3  }
0x8: {  	s12 =	smul.u32 $0x288000, s7;
	s16 =	sshllo.u32 s7, $0x1;
	s18 =	sor.u32 $0x144010, s10  }
0x9: {  	s17 =	sor.u32 $0x144000, s10;
	s20 =	sor.u32 $0x144020, s10;
	s21 =	smul.u32 $0x144000, s16  }
0xa: {  	s6 =	ssub.s32 $0x2, s7;
	s22 =	sor.u32 $0x144030, s10;
	s23 =	sor.u32 $0x144040, s10  }
0xb: {  	s8 =	sshrl.u32 s6, $0x1;
	s24 =	sor.u32 $0x144050, s10;
	s25 =	sor.u32 $0x144060, s10  }
0xc: {  	v8 =	vlaneseq.u32;
	s19 =	ssub.s32 s6, s8;
	s11 =	sshrl.u32 s9, $0x3;
	s8 =	sadd.s32 s26, s1  }
0xd: {  	s12 =	sadd.s32 s26, s12;
	v3 =	vor.u32 s20, v8;
	v4 =	vor.u32 s22, v8;
	s20 =	simm.s32 $0x6A80;
	s22 =	simm.s32 $0x2380  }
0xe: {  	v5 =	vor.u32 s23, v8;
	v6 =	vor.u32 s24, v8;
	v7 =	vor.u32 s25, v8;
	s23 =	simm.s32 $0x1;
	s24 =	simm.s32 $0x4700;
	s25 =	simm.s32 $0x0  }
0xf: {  	s6 =	sadd.s32 s13, s11;
	s7 =	sadd.s32 s14, s11;
	s21 =	sadd.s32 s26, s21  }
0x10: {  	s26 =	sor.u32 $0x144070, s10;
	s28 =	sshrl.u32 s12, $0x3;
	s30 =	sadd.s32 $0x4700, s11  }
0x11: {  	s31 =	sadd.s32 $0x8E00, s11;
	s19 =	smax.u32 s19, $0x1;
	s9 =	sadd.s32 s0, s28  }
0x12: {  	s28 =	smul.u32 $0x240, s16;
	s29 =	sshrl.u32 s21, $0x3;
	s11 =	sadd.s32 s13, s30  }
0x13: {  	s12 =	sadd.s32 s14, s30;
	s13 =	sadd.s32 s13, s31;
	s14 =	sadd.s32 s14, s31  }
0x14: {  	v0 =	vmov s15;
	v1 =	vor.u32 s17, v8;
	s21 =	simm.s32 $0x2;
	s10 =	sadd.s32 s0, s29;
	s15 =	sadd.s32 $0xA2000, s9  }
0x15: {  	v2 =	vor.u32 s18, v8;
	v8 =	vor.u32 s26, v8;
	s17 =	sadd.s32 $0x144000, s9;
	s16 =	sadd.s32 $0xA2000, s10;
	s18 =	sadd.s32 $0x144000, s10;
	v9 =	vmov s28  }
.LBB2_1:
0x16: {  	[tilespmem:s20], [sflag:$0x2] =	stream.linear.gather [hbm4b:s4+s2], $0x2380, $0x38;
	[tilespmem:$0x1D280] =	vst v63  }
0x17: {  	_ =	swait.ge [sflag:s21], $0x2380  }
0x18: {  	[sflag:s21] =	ssyncset.done $0x0  }
0x19: {  	[sflag:s21] =	ssyncadd.s32 $0xFFFFDC80  }
0x1a: {  	[tilespmem:s2], [sflag:$0x2] =	stream.linear.gather [hbm4b:s6+s2], $0x2380, $0x38;
	[tilespmem:$0x1D280] =	vst v63  }
0x1b: {  	_ =	swait.ge [sflag:s21], $0x2380  }
0x1c: {  	[sflag:s21] =	ssyncset.done $0x0  }
0x1d: {  	[sflag:s21] =	ssyncadd.s32 $0xFFFFDC80  }
0x1e: {  	[tilespmem:s22], [sflag:$0x2] =	stream.linear.gather [hbm4b:s7+s2], $0x2380, $0x38;
	[tilespmem:$0x1D280] =	vst v63  }
0x1f: {  	_ =	swait.ge [sflag:s21], $0x2380  }
0x20: {  	s29 =	sshll.u32 s3, $0x6;
	s26 =	sshrl.u32 s8, $0x3;
	[sflag:s21] =	ssyncset.done $0x0  }
0x21: {  	s30 =	simm.s32 $0x0;
	s28 =	sor.u32 $0x1C01, s29;
	[sflag:s21] =	ssyncadd.s32 $0xFFFFDC80  }
0x22: {  	[spmem:s26], [sflag:s28] =	dma.local [hbm:s5], $0x2880  }
0x23: {  	v10 =	vld [tilespmem:s30+$0x23F0]  }
0x24: {  	v11 =	vld [tilespmem:s30+$0x2380]  }
0x25: {  	v12 =	vld [tilespmem:s30+$0x2390]  }
0x26: {  	v13 =	vld [tilespmem:s30+$0x70]  }
0x27: {  	v14 =	vld [tilespmem:s30+$0x23A0]  }
0x28: {  	v20 =	vld [tilespmem:s30+$0x23E0]  }
0x29: {  	v15 =	vld [tilespmem:s30+$0x23B0]  }
0x2a: {  	v16 =	vld [tilespmem:s30+$0x23C0];
	v10 =	vsub.s32 v10, v0;
	v11 =	vsub.s32 v11, v0  }
0x2b: {  	v18 =	vld [tilespmem:s30+$0x23D0];
	v17 =	vmul.u32 $0x900, v10;
	vm6 =	vlt.u32 v11, $0x240;
	v19 =	vmul.u32 $0x900, v11  }
0x2c: {  	v21 =	vld [tilespmem:s30+$0x0];
	v11 =	vsub.s32 v12, v0;
	vm0 =	vlt.u32 v10, $0x240;
	v12 =	vsub.s32 v14, v0  }
0x2d: {  	v14 =	vsub.s32 v20, v0;
	v22 =	vmul.u32 $0x900, v11;
	vm4 =	vlt.u32 v11, $0x240  }
0x2e: {  	v23 =	vld [tilespmem:s30+$0x10];
	v11 =	vsub.s32 v15, v0;
	vm5 =	vlt.u32 v14, $0x240;
	v10 =	vadd.s32 v13, v17  }
0x2f: {  	v15 =	vld [tilespmem:s30+$0x20];
	v14 =	vmul.u32 $0x900, v14;
	vm1 =	vlt.u32 v11, $0x240;
	v10 =	vsel vm0, v10, v8  }
0x30: {  	vm0 =	vlt.u32 v12, $0x240;
	[tilespmem:s30+$0x4770] =	vst v10;
	v10 =	vmul.u32 $0x900, v12;
	v12 =	vsub.s32 v16, v0;
	v16 =	vld [tilespmem:s30+$0x30]  }
0x31: {  	v11 =	vmul.u32 $0x900, v11;
	v13 =	vsub.s32 v18, v0;
	v17 =	vld [tilespmem:s30+$0x40];
	v19 =	vadd.s32 v21, v19  }
0x32: {  	v18 =	vld [tilespmem:s30+$0x50];
	vm3 =	vlt.u32 v13, $0x240;
	v13 =	vmul.u32 $0x900, v13;
	v20 =	vsel vm6, v19, v1  }
0x33: {  	s31 =	simm.s32 $0x80;
	s0 =	simm.s32 $0x400;
	v21 =	vadd.s32 v23, v22;
	v19 =	vld [tilespmem:s30+$0x60];
	vm2 =	vlt.u32 v12, $0x240;
	v12 =	vmul.u32 $0x900, v12  }
.LBB2_2:
0x34: {  	p0 =	sne.s32 s0, $0x8C00;
	v22 =	vld [tilespmem:s31+$0x23F0];
	[tilespmem:s30+$0x4700] =	vst v20;
	v20 =	vsel vm4, v21, v2;
	v10 =	vadd.s32 v15, v10  }
0x35: {  	v15 =	vld [tilespmem:s31+$0x2380];
	[tilespmem:s30+$0x4710] =	vst v20;
	v10 =	vsel vm0, v10, v3;
	v11 =	vadd.s32 v16, v11  }
0x36: {  	v16 =	vld [tilespmem:s31+$0x2390];
	[tilespmem:s30+$0x4720] =	vst v10;
	v10 =	vsel vm1, v11, v4;
	v11 =	vadd.s32 v17, v12  }
0x37: {  	v12 =	vld [tilespmem:s31+$0x70];
	[tilespmem:s30+$0x4730] =	vst v10;
	v10 =	vsel vm2, v11, v5;
	v11 =	vadd.s32 v18, v13  }
0x38: {  	v13 =	vld [tilespmem:s31+$0x23A0];
	[tilespmem:s30+$0x4740] =	vst v10;
	v10 =	vsel vm3, v11, v6;
	v11 =	vadd.s32 v19, v14  }
0x39: {  	v14 =	vld [tilespmem:s31+$0x23B0];
	v17 =	vsub.s32 v22, v0;
	[tilespmem:s30+$0x4750] =	vst v10;
	v10 =	vsel vm5, v11, v7  }
0x3a: {  	v11 =	vsub.s32 v15, v0;
	v18 =	vld [tilespmem:s31+$0x23C0];
	v15 =	vmul.u32 $0x900, v17;
	[tilespmem:s30+$0x4760] =	vst v10;
	s30 =	smov.u32 s31  }
0x3b: {  	vm6 =	vlt.u32 v11, $0x240;
	v19 =	vmul.u32 $0x900, v11;
	v10 =	vsub.s32 v16, v0;
	v20 =	vld [tilespmem:s30+$0x23D0]  }
0x3c: {  	vm0 =	vlt.u32 v17, $0x240;
	v21 =	vmul.u32 $0x900, v10;
	v22 =	vld [tilespmem:s30+$0x23E0];
	v11 =	vadd.s32 v12, v15  }
0x3d: {  	vm4 =	vlt.u32 v10, $0x240;
	v23 =	vld [tilespmem:s30+$0x0];
	v10 =	vsub.s32 v13, v0;
	v11 =	vsel vm0, v11, v8  }
0x3e: {  	v24 =	vld [tilespmem:s30+$0x10];
	vm0 =	vlt.u32 v10, $0x240;
	v10 =	vmul.u32 $0x900, v10;
	v12 =	vsub.s32 v14, v0;
	[tilespmem:s30+$0x4770] =	vst v11  }
.Ltmp0:
0x3f: {  	v15 =	vld [tilespmem:s30+$0x20];
	vm1 =	vlt.u32 v12, $0x240;
	v11 =	vmul.u32 $0x900, v12;
	v12 =	vsub.s32 v18, v0;
	(pc) =	sbr.rel @p0 .LBB2_2-.Ltmp0, $4  }
0x40: {  	v16 =	vld [tilespmem:s30+$0x30];
	vm2 =	vlt.u32 v12, $0x240;
	v12 =	vmul.u32 $0x900, v12;
	v13 =	vsub.s32 v20, v0  }
0x41: {  	v17 =	vld [tilespmem:s30+$0x40];
	vm3 =	vlt.u32 v13, $0x240;
	v13 =	vmul.u32 $0x900, v13;
	v14 =	vsub.s32 v22, v0  }
0x42: {  	v19 =	vadd.s32 v23, v19;
	v18 =	vld [tilespmem:s30+$0x50];
	vm5 =	vlt.u32 v14, $0x240;
	v14 =	vmul.u32 $0x900, v14  }
0x43: {  	s31 =	sshra.s32 s0, $0x2;
	s0 =	sadd.s32 $0x200, s0;
	v20 =	vsel vm6, v19, v1;
	v21 =	vadd.s32 v24, v21;
	v19 =	vld [tilespmem:s30+$0x60]  }
0x44: {  	v22 =	vld [tilespmem:s31+$0x23F0];
	[tilespmem:s30+$0x4700] =	vst v20;
	v20 =	vsel vm4, v21, v2;
	v10 =	vadd.s32 v15, v10  }
0x45: {  	v21 =	vld [tilespmem:s31+$0x2380];
	[tilespmem:s30+$0x4710] =	vst v20;
	v10 =	vsel vm0, v10, v3;
	v11 =	vadd.s32 v16, v11  }
0x46: {  	v15 =	vld [tilespmem:s31+$0x2390];
	[tilespmem:s30+$0x4720] =	vst v10;
	v10 =	vsel vm1, v11, v4;
	v12 =	vadd.s32 v17, v12  }
0x47: {  	v11 =	vld [tilespmem:s31+$0x70];
	[tilespmem:s30+$0x4730] =	vst v10;
	v10 =	vsel vm2, v12, v5;
	v13 =	vadd.s32 v18, v13  }
0x48: {  	v12 =	vld [tilespmem:s31+$0x23A0];
	[tilespmem:s30+$0x4740] =	vst v10;
	v10 =	vsel vm3, v13, v6;
	v14 =	vadd.s32 v19, v14  }
0x49: {  	v13 =	vld [tilespmem:s31+$0x23B0];
	[tilespmem:s30+$0x4750] =	vst v10;
	v10 =	vsel vm5, v14, v7  }
0x4a: {  	v16 =	vsub.s32 v22, v0;
	v14 =	vld [tilespmem:s31+$0x23C0];
	[tilespmem:s30+$0x4760] =	vst v10  }
0x4b: {  	v10 =	vmul.u32 $0x900, v16;
	v17 =	vld [tilespmem:s31+$0x23D0]  }
0x4c: {  	vm0 =	vlt.u32 v16, $0x240;
	v18 =	vld [tilespmem:s31+$0x23E0]  }
0x4d: {  	v16 =	vsub.s32 v21, v0;
	v15 =	vsub.s32 v15, v0;
	v10 =	vadd.s32 v11, v10;
	v11 =	vld [tilespmem:s31+$0x0]  }
0x4e: {  	v19 =	vld [tilespmem:s31+$0x10];
	vm1 =	vlt.u32 v15, $0x240;
	v10 =	vsel vm0, v10, v8;
	vm0 =	vlt.u32 v16, $0x240  }
0x4f: {  	v16 =	vmul.u32 $0x900, v16;
	v12 =	vsub.s32 v12, v0;
	[tilespmem:s31+$0x4770] =	vst v10;
	v10 =	vmul.u32 $0x900, v15;
	v15 =	vld [tilespmem:s31+$0x20]  }
0x50: {  	v20 =	vld [tilespmem:s31+$0x30];
	vm2 =	vlt.u32 v12, $0x240;
	v12 =	vmul.u32 $0x900, v12;
	v13 =	vsub.s32 v13, v0  }
0x51: {  	v21 =	vld [tilespmem:s31+$0x40];
	vm3 =	vlt.u32 v13, $0x240;
	v13 =	vmul.u32 $0x900, v13;
	v14 =	vsub.s32 v14, v0  }
0x52: {  	vm4 =	vlt.u32 v14, $0x240;
	v14 =	vmul.u32 $0x900, v14;
	v11 =	vadd.s32 v11, v16;
	v16 =	vld [tilespmem:s31+$0x50]  }
0x53: {  	v17 =	vsub.s32 v17, v0;
	v10 =	vadd.s32 v19, v10;
	v19 =	vld [tilespmem:s31+$0x60];
	v11 =	vsel vm0, v11, v1  }
0x54: {  	v22 =	vmul.u32 $0x900, v17;
	v10 =	vsel vm1, v10, v2;
	[tilespmem:s31+$0x4700] =	vst v11;
	v11 =	vadd.s32 v15, v12  }
0x55: {  	[tilespmem:s31+$0x4710] =	vst v10;
	v12 =	vsub.s32 v18, v0;
	v10 =	vsel vm2, v11, v3;
	v11 =	vadd.s32 v20, v13  }
0x56: {  	v13 =	vmul.u32 $0x900, v12;
	[tilespmem:s31+$0x4720] =	vst v10;
	v10 =	vsel vm3, v11, v4;
	v11 =	vadd.s32 v21, v14  }
0x57: {  	vm0 =	vlt.u32 v17, $0x240;
	[tilespmem:s31+$0x4730] =	vst v10;
	v10 =	vsel vm4, v11, v5;
	v11 =	vadd.s32 v16, v22  }
0x58: {  	vm1 =	vlt.u32 v12, $0x240;
	[tilespmem:s31+$0x4740] =	vst v10;
	v10 =	vsel vm0, v11, v6;
	v11 =	vadd.s32 v19, v13  }
0x59: {  	[tilespmem:s31+$0x4750] =	vst v10;
	v10 =	vsel vm1, v11, v7  }
0x5a: {  	[tilespmem:s31+$0x4760] =	vst v10  }
0x5b: {  	_ =	swait.ge [sflag:s23], $0x2880  }
0x5c: {  	[sflag:s23] =	ssyncset.done $0x0  }
0x5d: {  	[sflag:s23] =	ssyncadd.s32 $0xFFFFD780  }
0x5e: {  	[bflag:$0x0] =	sbarrier.arrive $0xFFFF  }
0x5f: {  	[spmem:s1] =	stream.indirect.scatter.add.f32 [tilespmem:s20], [sflag:$0x2], $0x1, s24, s22, $0xb8;
	[tilespmem:$0x1D280] =	vst v63  }
0x60: {  	_ =	swait.ge [sflag:s21], $0x2380  }
0x61: {  	[sflag:s21] =	ssyncset.done $0x0  }
0x62: {  	[sflag:s21] =	ssyncadd.s32 $0xFFFFDC80  }
0x63: {  	s29 =	sor.u32 $0x1C02, s29;
	[bflag:$0x0] =	sbarrier.arrive $0xFFFF  }
0x64: {  	[hbm:s9], [sflag:s29] =	dma.local [spmem:s26], $0x2880  }
0x65: {  	_ =	swait.ge [sflag:s21], $0x2880  }
0x66: {  	[sflag:s21] =	ssyncset.done $0x0  }
0x67: {  	[sflag:s21] =	ssyncadd.s32 $0xFFFFD780  }
0x68: {  	s30 =	simm.s32 $0x0;
	[bflag:$0x0] =	sbarrier.arrive $0xFFFF  }
0x69: {  	[spmem:s26], [sflag:s28] =	dma.local [hbm:s5], $0x2880  }
0x6a: {  	v10 =	vld [tilespmem:s30+$0x23F0]  }
0x6b: {  	v11 =	vld [tilespmem:s30+$0x2380]  }
0x6c: {  	v12 =	vld [tilespmem:s30+$0x2390]  }
0x6d: {  	v13 =	vld [tilespmem:s30+$0x70]  }
0x6e: {  	v14 =	vld [tilespmem:s30+$0x23A0]  }
0x6f: {  	v20 =	vld [tilespmem:s30+$0x23E0]  }
0x70: {  	v15 =	vld [tilespmem:s30+$0x23B0]  }
0x71: {  	v16 =	vld [tilespmem:s30+$0x23C0];
	v10 =	vsub.s32 v10, v9;
	v11 =	vsub.s32 v11, v9  }
0x72: {  	v18 =	vld [tilespmem:s30+$0x23D0];
	v17 =	vmul.u32 $0x900, v10;
	vm6 =	vlt.u32 v11, $0x240;
	v19 =	vmul.u32 $0x900, v11  }
0x73: {  	v21 =	vld [tilespmem:s30+$0x0];
	v11 =	vsub.s32 v12, v9;
	vm0 =	vlt.u32 v10, $0x240;
	v12 =	vsub.s32 v14, v9  }
0x74: {  	v14 =	vsub.s32 v20, v9;
	v22 =	vmul.u32 $0x900, v11;
	vm4 =	vlt.u32 v11, $0x240  }
0x75: {  	v23 =	vld [tilespmem:s30+$0x10];
	v11 =	vsub.s32 v15, v9;
	vm5 =	vlt.u32 v14, $0x240;
	v10 =	vadd.s32 v13, v17  }
0x76: {  	v15 =	vld [tilespmem:s30+$0x20];
	v14 =	vmul.u32 $0x900, v14;
	vm1 =	vlt.u32 v11, $0x240;
	v10 =	vsel vm0, v10, v8  }
0x77: {  	vm0 =	vlt.u32 v12, $0x240;
	[tilespmem:s30+$0x4770] =	vst v10;
	v10 =	vmul.u32 $0x900, v12;
	v12 =	vsub.s32 v16, v9;
	v16 =	vld [tilespmem:s30+$0x30]  }
0x78: {  	v11 =	vmul.u32 $0x900, v11;
	v13 =	vsub.s32 v18, v9;
	v17 =	vld [tilespmem:s30+$0x40];
	v19 =	vadd.s32 v21, v19  }
0x79: {  	v18 =	vld [tilespmem:s30+$0x50];
	vm3 =	vlt.u32 v13, $0x240;
	v13 =	vmul.u32 $0x900, v13;
	v20 =	vsel vm6, v19, v1  }
0x7a: {  	s0 =	simm.s32 $0x400;
	s31 =	simm.s32 $0x80;
	v21 =	vadd.s32 v23, v22;
	v19 =	vld [tilespmem:s30+$0x60];
	vm2 =	vlt.u32 v12, $0x240;
	v12 =	vmul.u32 $0x900, v12  }
.LBB2_4:
0x7b: {  	p0 =	sne.s32 s0, $0x8C00;
	v22 =	vld [tilespmem:s31+$0x23F0];
	[tilespmem:s30+$0x4700] =	vst v20;
	v20 =	vsel vm4, v21, v2;
	v10 =	vadd.s32 v15, v10  }
0x7c: {  	v15 =	vld [tilespmem:s31+$0x2380];
	[tilespmem:s30+$0x4710] =	vst v20;
	v10 =	vsel vm0, v10, v3;
	v11 =	vadd.s32 v16, v11  }
0x7d: {  	v16 =	vld [tilespmem:s31+$0x2390];
	[tilespmem:s30+$0x4720] =	vst v10;
	v10 =	vsel vm1, v11, v4;
	v11 =	vadd.s32 v17, v12  }
0x7e: {  	v12 =	vld [tilespmem:s31+$0x70];
	[tilespmem:s30+$0x4730] =	vst v10;
	v10 =	vsel vm2, v11, v5;
	v11 =	vadd.s32 v18, v13  }
0x7f: {  	v13 =	vld [tilespmem:s31+$0x23A0];
	[tilespmem:s30+$0x4740] =	vst v10;
	v10 =	vsel vm3, v11, v6;
	v11 =	vadd.s32 v19, v14  }
0x80: {  	v14 =	vld [tilespmem:s31+$0x23B0];
	v17 =	vsub.s32 v22, v9;
	[tilespmem:s30+$0x4750] =	vst v10;
	v10 =	vsel vm5, v11, v7  }
0x81: {  	v11 =	vsub.s32 v15, v9;
	v18 =	vld [tilespmem:s31+$0x23C0];
	v15 =	vmul.u32 $0x900, v17;
	[tilespmem:s30+$0x4760] =	vst v10;
	s30 =	smov.u32 s31  }
0x82: {  	vm6 =	vlt.u32 v11, $0x240;
	v19 =	vmul.u32 $0x900, v11;
	v10 =	vsub.s32 v16, v9;
	v20 =	vld [tilespmem:s30+$0x23D0]  }
0x83: {  	vm0 =	vlt.u32 v17, $0x240;
	v21 =	vmul.u32 $0x900, v10;
	v22 =	vld [tilespmem:s30+$0x23E0];
	v11 =	vadd.s32 v12, v15  }
0x84: {  	vm4 =	vlt.u32 v10, $0x240;
	v23 =	vld [tilespmem:s30+$0x0];
	v10 =	vsub.s32 v13, v9;
	v11 =	vsel vm0, v11, v8  }
0x85: {  	v24 =	vld [tilespmem:s30+$0x10];
	vm0 =	vlt.u32 v10, $0x240;
	v10 =	vmul.u32 $0x900, v10;
	v12 =	vsub.s32 v14, v9;
	[tilespmem:s30+$0x4770] =	vst v11  }
.Ltmp1:
0x86: {  	v15 =	vld [tilespmem:s30+$0x20];
	vm1 =	vlt.u32 v12, $0x240;
	v11 =	vmul.u32 $0x900, v12;
	v12 =	vsub.s32 v18, v9;
	(pc) =	sbr.rel @p0 .LBB2_4-.Ltmp1, $4  }
0x87: {  	v16 =	vld [tilespmem:s30+$0x30];
	vm2 =	vlt.u32 v12, $0x240;
	v12 =	vmul.u32 $0x900, v12;
	v13 =	vsub.s32 v20, v9  }
0x88: {  	v17 =	vld [tilespmem:s30+$0x40];
	vm3 =	vlt.u32 v13, $0x240;
	v13 =	vmul.u32 $0x900, v13;
	v14 =	vsub.s32 v22, v9  }
0x89: {  	v19 =	vadd.s32 v23, v19;
	v18 =	vld [tilespmem:s30+$0x50];
	vm5 =	vlt.u32 v14, $0x240;
	v14 =	vmul.u32 $0x900, v14  }
0x8a: {  	s31 =	sshra.s32 s0, $0x2;
	s0 =	sadd.s32 $0x200, s0;
	v20 =	vsel vm6, v19, v1;
	v21 =	vadd.s32 v24, v21;
	v19 =	vld [tilespmem:s30+$0x60]  }
0x8b: {  	v22 =	vld [tilespmem:s31+$0x23F0];
	[tilespmem:s30+$0x4700] =	vst v20;
	v20 =	vsel vm4, v21, v2;
	v10 =	vadd.s32 v15, v10  }
0x8c: {  	v21 =	vld [tilespmem:s31+$0x2380];
	[tilespmem:s30+$0x4710] =	vst v20;
	v10 =	vsel vm0, v10, v3;
	v11 =	vadd.s32 v16, v11  }
0x8d: {  	v15 =	vld [tilespmem:s31+$0x2390];
	[tilespmem:s30+$0x4720] =	vst v10;
	v10 =	vsel vm1, v11, v4;
	v12 =	vadd.s32 v17, v12  }
0x8e: {  	v11 =	vld [tilespmem:s31+$0x70];
	[tilespmem:s30+$0x4730] =	vst v10;
	v10 =	vsel vm2, v12, v5;
	v13 =	vadd.s32 v18, v13  }
0x8f: {  	v12 =	vld [tilespmem:s31+$0x23A0];
	[tilespmem:s30+$0x4740] =	vst v10;
	v10 =	vsel vm3, v13, v6;
	v14 =	vadd.s32 v19, v14  }
0x90: {  	v13 =	vld [tilespmem:s31+$0x23B0];
	[tilespmem:s30+$0x4750] =	vst v10;
	v10 =	vsel vm5, v14, v7  }
0x91: {  	v16 =	vsub.s32 v22, v9;
	v14 =	vld [tilespmem:s31+$0x23C0];
	[tilespmem:s30+$0x4760] =	vst v10  }
0x92: {  	v10 =	vmul.u32 $0x900, v16;
	v17 =	vld [tilespmem:s31+$0x23D0]  }
0x93: {  	vm0 =	vlt.u32 v16, $0x240;
	v18 =	vld [tilespmem:s31+$0x23E0]  }
0x94: {  	v16 =	vsub.s32 v21, v9;
	v15 =	vsub.s32 v15, v9;
	v10 =	vadd.s32 v11, v10;
	v11 =	vld [tilespmem:s31+$0x0]  }
0x95: {  	v19 =	vld [tilespmem:s31+$0x10];
	vm1 =	vlt.u32 v15, $0x240;
	v10 =	vsel vm0, v10, v8;
	vm0 =	vlt.u32 v16, $0x240  }
0x96: {  	v16 =	vmul.u32 $0x900, v16;
	v12 =	vsub.s32 v12, v9;
	[tilespmem:s31+$0x4770] =	vst v10;
	v10 =	vmul.u32 $0x900, v15;
	v15 =	vld [tilespmem:s31+$0x20]  }
0x97: {  	v20 =	vld [tilespmem:s31+$0x30];
	vm2 =	vlt.u32 v12, $0x240;
	v12 =	vmul.u32 $0x900, v12;
	v13 =	vsub.s32 v13, v9  }
0x98: {  	v21 =	vld [tilespmem:s31+$0x40];
	vm3 =	vlt.u32 v13, $0x240;
	v13 =	vmul.u32 $0x900, v13;
	v14 =	vsub.s32 v14, v9  }
0x99: {  	vm4 =	vlt.u32 v14, $0x240;
	v14 =	vmul.u32 $0x900, v14;
	v11 =	vadd.s32 v11, v16;
	v16 =	vld [tilespmem:s31+$0x50]  }
0x9a: {  	v17 =	vsub.s32 v17, v9;
	v10 =	vadd.s32 v19, v10;
	v19 =	vld [tilespmem:s31+$0x60];
	v11 =	vsel vm0, v11, v1  }
0x9b: {  	v22 =	vmul.u32 $0x900, v17;
	v10 =	vsel vm1, v10, v2;
	[tilespmem:s31+$0x4700] =	vst v11;
	v11 =	vadd.s32 v15, v12  }
0x9c: {  	[tilespmem:s31+$0x4710] =	vst v10;
	v12 =	vsub.s32 v18, v9;
	v10 =	vsel vm2, v11, v3;
	v11 =	vadd.s32 v20, v13  }
0x9d: {  	v13 =	vmul.u32 $0x900, v12;
	[tilespmem:s31+$0x4720] =	vst v10;
	v10 =	vsel vm3, v11, v4;
	v11 =	vadd.s32 v21, v14  }
0x9e: {  	vm0 =	vlt.u32 v17, $0x240;
	[tilespmem:s31+$0x4730] =	vst v10;
	v10 =	vsel vm4, v11, v5;
	v11 =	vadd.s32 v16, v22  }
0x9f: {  	vm1 =	vlt.u32 v12, $0x240;
	[tilespmem:s31+$0x4740] =	vst v10;
	v10 =	vsel vm0, v11, v6;
	v11 =	vadd.s32 v19, v13  }
0xa0: {  	[tilespmem:s31+$0x4750] =	vst v10;
	v10 =	vsel vm1, v11, v7  }
0xa1: {  	[tilespmem:s31+$0x4760] =	vst v10  }
0xa2: {  	_ =	swait.ge [sflag:s23], $0x2880  }
0xa3: {  	[sflag:s23] =	ssyncset.done $0x0  }
0xa4: {  	[sflag:s23] =	ssyncadd.s32 $0xFFFFD780  }
0xa5: {  	[bflag:$0x0] =	sbarrier.arrive $0xFFFF  }
0xa6: {  	[spmem:s1] =	stream.indirect.scatter.add.f32 [tilespmem:s20], [sflag:$0x2], $0x1, s24, s22, $0xb8;
	[tilespmem:$0x1D280] =	vst v63  }
0xa7: {  	_ =	swait.ge [sflag:s21], $0x2380  }
0xa8: {  	[sflag:s21] =	ssyncset.done $0x0  }
0xa9: {  	[sflag:s21] =	ssyncadd.s32 $0xFFFFDC80  }
0xaa: {  	[bflag:$0x0] =	sbarrier.arrive $0xFFFF  }
0xab: {  	[hbm:s10], [sflag:s29] =	dma.local [spmem:s26], $0x2880  }
0xac: {  	_ =	swait.ge [sflag:s21], $0x2880  }
0xad: {  	[sflag:s21] =	ssyncset.done $0x0  }
0xae: {  	[sflag:s21] =	ssyncadd.s32 $0xFFFFD780  }
0xaf: {  	s0 =	simm.s32 $0x0;
	[bflag:$0x0] =	sbarrier.arrive $0xFFFF  }
0xb0: {  	[tilespmem:s0], [sflag:$0x2] =	stream.linear.gather [hbm4b:s11+s0], $0x2380, $0x38;
	[tilespmem:$0x1D280] =	vst v63  }
0xb1: {  	_ =	swait.ge [sflag:s21], $0x2380  }
0xb2: {  	[sflag:s21] =	ssyncset.done $0x0  }
0xb3: {  	[sflag:s21] =	ssyncadd.s32 $0xFFFFDC80  }
0xb4: {  	[tilespmem:s22], [sflag:$0x2] =	stream.linear.gather [hbm4b:s12+s0], $0x2380, $0x38;
	[tilespmem:$0x1D280] =	vst v63  }
0xb5: {  	_ =	swait.ge [sflag:s21], $0x2380  }
0xb6: {  	[sflag:s21] =	ssyncset.done $0x0  }
0xb7: {  	s30 =	simm.s32 $0x0;
	[sflag:s21] =	ssyncadd.s32 $0xFFFFDC80  }
0xb8: {  	[spmem:s26], [sflag:s28] =	dma.local [hbm:s5], $0x2880  }
0xb9: {  	v10 =	vld [tilespmem:s30+$0x23F0]  }
0xba: {  	v11 =	vld [tilespmem:s30+$0x2380]  }
0xbb: {  	v12 =	vld [tilespmem:s30+$0x2390]  }
0xbc: {  	v13 =	vld [tilespmem:s30+$0x70]  }
0xbd: {  	v14 =	vld [tilespmem:s30+$0x23A0]  }
0xbe: {  	v20 =	vld [tilespmem:s30+$0x23E0]  }
0xbf: {  	v15 =	vld [tilespmem:s30+$0x23B0]  }
0xc0: {  	v16 =	vld [tilespmem:s30+$0x23C0];
	v10 =	vsub.s32 v10, v0;
	v11 =	vsub.s32 v11, v0  }
0xc1: {  	v18 =	vld [tilespmem:s30+$0x23D0];
	v17 =	vmul.u32 $0x900, v10;
	vm6 =	vlt.u32 v11, $0x240;
	v19 =	vmul.u32 $0x900, v11  }
0xc2: {  	v21 =	vld [tilespmem:s30+$0x0];
	v11 =	vsub.s32 v12, v0;
	vm0 =	vlt.u32 v10, $0x240;
	v12 =	vsub.s32 v14, v0  }
0xc3: {  	v14 =	vsub.s32 v20, v0;
	v22 =	vmul.u32 $0x900, v11;
	vm4 =	vlt.u32 v11, $0x240  }
0xc4: {  	v23 =	vld [tilespmem:s30+$0x10];
	v11 =	vsub.s32 v15, v0;
	vm5 =	vlt.u32 v14, $0x240;
	v10 =	vadd.s32 v13, v17  }
0xc5: {  	v15 =	vld [tilespmem:s30+$0x20];
	v14 =	vmul.u32 $0x900, v14;
	vm1 =	vlt.u32 v11, $0x240;
	v10 =	vsel vm0, v10, v8  }
0xc6: {  	vm0 =	vlt.u32 v12, $0x240;
	[tilespmem:s30+$0x4770] =	vst v10;
	v10 =	vmul.u32 $0x900, v12;
	v12 =	vsub.s32 v16, v0;
	v16 =	vld [tilespmem:s30+$0x30]  }
0xc7: {  	v11 =	vmul.u32 $0x900, v11;
	v13 =	vsub.s32 v18, v0;
	v17 =	vld [tilespmem:s30+$0x40];
	v19 =	vadd.s32 v21, v19  }
0xc8: {  	v18 =	vld [tilespmem:s30+$0x50];
	vm3 =	vlt.u32 v13, $0x240;
	v13 =	vmul.u32 $0x900, v13;
	v20 =	vsel vm6, v19, v1  }
0xc9: {  	s31 =	simm.s32 $0x80;
	s0 =	simm.s32 $0x400;
	v21 =	vadd.s32 v23, v22;
	v19 =	vld [tilespmem:s30+$0x60];
	vm2 =	vlt.u32 v12, $0x240;
	v12 =	vmul.u32 $0x900, v12  }
.LBB2_6:
0xca: {  	p0 =	sne.s32 s0, $0x8C00;
	v22 =	vld [tilespmem:s31+$0x23F0];
	[tilespmem:s30+$0x4700] =	vst v20;
	v20 =	vsel vm4, v21, v2;
	v10 =	vadd.s32 v15, v10  }
0xcb: {  	v15 =	vld [tilespmem:s31+$0x2380];
	[tilespmem:s30+$0x4710] =	vst v20;
	v10 =	vsel vm0, v10, v3;
	v11 =	vadd.s32 v16, v11  }
0xcc: {  	v16 =	vld [tilespmem:s31+$0x2390];
	[tilespmem:s30+$0x4720] =	vst v10;
	v10 =	vsel vm1, v11, v4;
	v11 =	vadd.s32 v17, v12  }
0xcd: {  	v12 =	vld [tilespmem:s31+$0x70];
	[tilespmem:s30+$0x4730] =	vst v10;
	v10 =	vsel vm2, v11, v5;
	v11 =	vadd.s32 v18, v13  }
0xce: {  	v13 =	vld [tilespmem:s31+$0x23A0];
	[tilespmem:s30+$0x4740] =	vst v10;
	v10 =	vsel vm3, v11, v6;
	v11 =	vadd.s32 v19, v14  }
0xcf: {  	v14 =	vld [tilespmem:s31+$0x23B0];
	v17 =	vsub.s32 v22, v0;
	[tilespmem:s30+$0x4750] =	vst v10;
	v10 =	vsel vm5, v11, v7  }
0xd0: {  	v11 =	vsub.s32 v15, v0;
	v18 =	vld [tilespmem:s31+$0x23C0];
	v15 =	vmul.u32 $0x900, v17;
	[tilespmem:s30+$0x4760] =	vst v10;
	s30 =	smov.u32 s31  }
0xd1: {  	vm6 =	vlt.u32 v11, $0x240;
	v19 =	vmul.u32 $0x900, v11;
	v10 =	vsub.s32 v16, v0;
	v20 =	vld [tilespmem:s30+$0x23D0]  }
0xd2: {  	vm0 =	vlt.u32 v17, $0x240;
	v21 =	vmul.u32 $0x900, v10;
	v22 =	vld [tilespmem:s30+$0x23E0];
	v11 =	vadd.s32 v12, v15  }
0xd3: {  	vm4 =	vlt.u32 v10, $0x240;
	v23 =	vld [tilespmem:s30+$0x0];
	v10 =	vsub.s32 v13, v0;
	v11 =	vsel vm0, v11, v8  }
0xd4: {  	v24 =	vld [tilespmem:s30+$0x10];
	vm0 =	vlt.u32 v10, $0x240;
	v10 =	vmul.u32 $0x900, v10;
	v12 =	vsub.s32 v14, v0;
	[tilespmem:s30+$0x4770] =	vst v11  }
.Ltmp2:
0xd5: {  	v15 =	vld [tilespmem:s30+$0x20];
	vm1 =	vlt.u32 v12, $0x240;
	v11 =	vmul.u32 $0x900, v12;
	v12 =	vsub.s32 v18, v0;
	(pc) =	sbr.rel @p0 .LBB2_6-.Ltmp2, $4  }
0xd6: {  	v16 =	vld [tilespmem:s30+$0x30];
	vm2 =	vlt.u32 v12, $0x240;
	v12 =	vmul.u32 $0x900, v12;
	v13 =	vsub.s32 v20, v0  }
0xd7: {  	v17 =	vld [tilespmem:s30+$0x40];
	vm3 =	vlt.u32 v13, $0x240;
	v13 =	vmul.u32 $0x900, v13;
	v14 =	vsub.s32 v22, v0  }
0xd8: {  	v19 =	vadd.s32 v23, v19;
	v18 =	vld [tilespmem:s30+$0x50];
	vm5 =	vlt.u32 v14, $0x240;
	v14 =	vmul.u32 $0x900, v14  }
0xd9: {  	s31 =	sshra.s32 s0, $0x2;
	s0 =	sadd.s32 $0x200, s0;
	v20 =	vsel vm6, v19, v1;
	v21 =	vadd.s32 v24, v21;
	v19 =	vld [tilespmem:s30+$0x60]  }
0xda: {  	v22 =	vld [tilespmem:s31+$0x23F0];
	[tilespmem:s30+$0x4700] =	vst v20;
	v20 =	vsel vm4, v21, v2;
	v10 =	vadd.s32 v15, v10  }
0xdb: {  	v21 =	vld [tilespmem:s31+$0x2380];
	[tilespmem:s30+$0x4710] =	vst v20;
	v10 =	vsel vm0, v10, v3;
	v11 =	vadd.s32 v16, v11  }
0xdc: {  	v15 =	vld [tilespmem:s31+$0x2390];
	[tilespmem:s30+$0x4720] =	vst v10;
	v10 =	vsel vm1, v11, v4;
	v12 =	vadd.s32 v17, v12  }
0xdd: {  	v11 =	vld [tilespmem:s31+$0x70];
	[tilespmem:s30+$0x4730] =	vst v10;
	v10 =	vsel vm2, v12, v5;
	v13 =	vadd.s32 v18, v13  }
0xde: {  	v12 =	vld [tilespmem:s31+$0x23A0];
	[tilespmem:s30+$0x4740] =	vst v10;
	v10 =	vsel vm3, v13, v6;
	v14 =	vadd.s32 v19, v14  }
0xdf: {  	v13 =	vld [tilespmem:s31+$0x23B0];
	[tilespmem:s30+$0x4750] =	vst v10;
	v10 =	vsel vm5, v14, v7  }
0xe0: {  	v16 =	vsub.s32 v22, v0;
	v14 =	vld [tilespmem:s31+$0x23C0];
	[tilespmem:s30+$0x4760] =	vst v10  }
0xe1: {  	v10 =	vmul.u32 $0x900, v16;
	v17 =	vld [tilespmem:s31+$0x23D0]  }
0xe2: {  	vm0 =	vlt.u32 v16, $0x240;
	v18 =	vld [tilespmem:s31+$0x23E0]  }
0xe3: {  	v16 =	vsub.s32 v21, v0;
	v15 =	vsub.s32 v15, v0;
	v10 =	vadd.s32 v11, v10;
	v11 =	vld [tilespmem:s31+$0x0]  }
0xe4: {  	v19 =	vld [tilespmem:s31+$0x10];
	vm1 =	vlt.u32 v15, $0x240;
	v10 =	vsel vm0, v10, v8;
	vm0 =	vlt.u32 v16, $0x240  }
0xe5: {  	v16 =	vmul.u32 $0x900, v16;
	v12 =	vsub.s32 v12, v0;
	[tilespmem:s31+$0x4770] =	vst v10;
	v10 =	vmul.u32 $0x900, v15;
	v15 =	vld [tilespmem:s31+$0x20]  }
0xe6: {  	v20 =	vld [tilespmem:s31+$0x30];
	vm2 =	vlt.u32 v12, $0x240;
	v12 =	vmul.u32 $0x900, v12;
	v13 =	vsub.s32 v13, v0  }
0xe7: {  	v21 =	vld [tilespmem:s31+$0x40];
	vm3 =	vlt.u32 v13, $0x240;
	v13 =	vmul.u32 $0x900, v13;
	v14 =	vsub.s32 v14, v0  }
0xe8: {  	vm4 =	vlt.u32 v14, $0x240;
	v14 =	vmul.u32 $0x900, v14;
	v11 =	vadd.s32 v11, v16;
	v16 =	vld [tilespmem:s31+$0x50]  }
0xe9: {  	v17 =	vsub.s32 v17, v0;
	v10 =	vadd.s32 v19, v10;
	v19 =	vld [tilespmem:s31+$0x60];
	v11 =	vsel vm0, v11, v1  }
0xea: {  	v22 =	vmul.u32 $0x900, v17;
	v10 =	vsel vm1, v10, v2;
	[tilespmem:s31+$0x4700] =	vst v11;
	v11 =	vadd.s32 v15, v12  }
0xeb: {  	[tilespmem:s31+$0x4710] =	vst v10;
	v12 =	vsub.s32 v18, v0;
	v10 =	vsel vm2, v11, v3;
	v11 =	vadd.s32 v20, v13  }
0xec: {  	v13 =	vmul.u32 $0x900, v12;
	[tilespmem:s31+$0x4720] =	vst v10;
	v10 =	vsel vm3, v11, v4;
	v11 =	vadd.s32 v21, v14  }
0xed: {  	vm0 =	vlt.u32 v17, $0x240;
	[tilespmem:s31+$0x4730] =	vst v10;
	v10 =	vsel vm4, v11, v5;
	v11 =	vadd.s32 v16, v22  }
0xee: {  	vm1 =	vlt.u32 v12, $0x240;
	[tilespmem:s31+$0x4740] =	vst v10;
	v10 =	vsel vm0, v11, v6;
	v11 =	vadd.s32 v19, v13  }
0xef: {  	[tilespmem:s31+$0x4750] =	vst v10;
	v10 =	vsel vm1, v11, v7  }
0xf0: {  	[tilespmem:s31+$0x4760] =	vst v10  }
0xf1: {  	_ =	swait.ge [sflag:s23], $0x2880  }
0xf2: {  	[sflag:s23] =	ssyncset.done $0x0  }
0xf3: {  	[sflag:s23] =	ssyncadd.s32 $0xFFFFD780  }
0xf4: {  	[bflag:$0x0] =	sbarrier.arrive $0xFFFF  }
0xf5: {  	[spmem:s1] =	stream.indirect.scatter.add.f32 [tilespmem:s20], [sflag:$0x2], $0x1, s24, s22, $0xb8;
	[tilespmem:$0x1D280] =	vst v63  }
0xf6: {  	_ =	swait.ge [sflag:s21], $0x2380  }
0xf7: {  	[sflag:s21] =	ssyncset.done $0x0  }
0xf8: {  	[sflag:s21] =	ssyncadd.s32 $0xFFFFDC80  }
0xf9: {  	[bflag:$0x0] =	sbarrier.arrive $0xFFFF  }
0xfa: {  	[hbm:s15], [sflag:s29] =	dma.local [spmem:s26], $0x2880  }
0xfb: {  	_ =	swait.ge [sflag:s21], $0x2880  }
0xfc: {  	[sflag:s21] =	ssyncset.done $0x0  }
0xfd: {  	[sflag:s21] =	ssyncadd.s32 $0xFFFFD780  }
0xfe: {  	s30 =	simm.s32 $0x0;
	[bflag:$0x0] =	sbarrier.arrive $0xFFFF  }
0xff: {  	[spmem:s26], [sflag:s28] =	dma.local [hbm:s5], $0x2880  }
0x100: {  	v10 =	vld [tilespmem:s30+$0x23F0]  }
0x101: {  	v11 =	vld [tilespmem:s30+$0x2380]  }
0x102: {  	v12 =	vld [tilespmem:s30+$0x2390]  }
0x103: {  	v13 =	vld [tilespmem:s30+$0x70]  }
0x104: {  	v14 =	vld [tilespmem:s30+$0x23A0]  }
0x105: {  	v20 =	vld [tilespmem:s30+$0x23E0]  }
0x106: {  	v15 =	vld [tilespmem:s30+$0x23B0]  }
0x107: {  	v16 =	vld [tilespmem:s30+$0x23C0];
	v10 =	vsub.s32 v10, v9;
	v11 =	vsub.s32 v11, v9  }
0x108: {  	v18 =	vld [tilespmem:s30+$0x23D0];
	v17 =	vmul.u32 $0x900, v10;
	vm6 =	vlt.u32 v11, $0x240;
	v19 =	vmul.u32 $0x900, v11  }
0x109: {  	v21 =	vld [tilespmem:s30+$0x0];
	v11 =	vsub.s32 v12, v9;
	vm0 =	vlt.u32 v10, $0x240;
	v12 =	vsub.s32 v14, v9  }
0x10a: {  	v14 =	vsub.s32 v20, v9;
	v22 =	vmul.u32 $0x900, v11;
	vm4 =	vlt.u32 v11, $0x240  }
0x10b: {  	v23 =	vld [tilespmem:s30+$0x10];
	v11 =	vsub.s32 v15, v9;
	vm5 =	vlt.u32 v14, $0x240;
	v10 =	vadd.s32 v13, v17  }
0x10c: {  	v15 =	vld [tilespmem:s30+$0x20];
	v14 =	vmul.u32 $0x900, v14;
	vm1 =	vlt.u32 v11, $0x240;
	v10 =	vsel vm0, v10, v8  }
0x10d: {  	vm0 =	vlt.u32 v12, $0x240;
	[tilespmem:s30+$0x4770] =	vst v10;
	v10 =	vmul.u32 $0x900, v12;
	v12 =	vsub.s32 v16, v9;
	v16 =	vld [tilespmem:s30+$0x30]  }
0x10e: {  	v11 =	vmul.u32 $0x900, v11;
	v13 =	vsub.s32 v18, v9;
	v17 =	vld [tilespmem:s30+$0x40];
	v19 =	vadd.s32 v21, v19  }
0x10f: {  	v18 =	vld [tilespmem:s30+$0x50];
	vm3 =	vlt.u32 v13, $0x240;
	v13 =	vmul.u32 $0x900, v13;
	v20 =	vsel vm6, v19, v1  }
0x110: {  	s0 =	simm.s32 $0x400;
	s31 =	simm.s32 $0x80;
	v21 =	vadd.s32 v23, v22;
	v19 =	vld [tilespmem:s30+$0x60];
	vm2 =	vlt.u32 v12, $0x240;
	v12 =	vmul.u32 $0x900, v12  }
.LBB2_8:
0x111: {  	p0 =	sne.s32 s0, $0x8C00;
	v22 =	vld [tilespmem:s31+$0x23F0];
	[tilespmem:s30+$0x4700] =	vst v20;
	v20 =	vsel vm4, v21, v2;
	v10 =	vadd.s32 v15, v10  }
0x112: {  	v15 =	vld [tilespmem:s31+$0x2380];
	[tilespmem:s30+$0x4710] =	vst v20;
	v10 =	vsel vm0, v10, v3;
	v11 =	vadd.s32 v16, v11  }
0x113: {  	v16 =	vld [tilespmem:s31+$0x2390];
	[tilespmem:s30+$0x4720] =	vst v10;
	v10 =	vsel vm1, v11, v4;
	v11 =	vadd.s32 v17, v12  }
0x114: {  	v12 =	vld [tilespmem:s31+$0x70];
	[tilespmem:s30+$0x4730] =	vst v10;
	v10 =	vsel vm2, v11, v5;
	v11 =	vadd.s32 v18, v13  }
0x115: {  	v13 =	vld [tilespmem:s31+$0x23A0];
	[tilespmem:s30+$0x4740] =	vst v10;
	v10 =	vsel vm3, v11, v6;
	v11 =	vadd.s32 v19, v14  }
0x116: {  	v14 =	vld [tilespmem:s31+$0x23B0];
	v17 =	vsub.s32 v22, v9;
	[tilespmem:s30+$0x4750] =	vst v10;
	v10 =	vsel vm5, v11, v7  }
0x117: {  	v11 =	vsub.s32 v15, v9;
	v18 =	vld [tilespmem:s31+$0x23C0];
	v15 =	vmul.u32 $0x900, v17;
	[tilespmem:s30+$0x4760] =	vst v10;
	s30 =	smov.u32 s31  }
0x118: {  	vm6 =	vlt.u32 v11, $0x240;
	v19 =	vmul.u32 $0x900, v11;
	v10 =	vsub.s32 v16, v9;
	v20 =	vld [tilespmem:s30+$0x23D0]  }
0x119: {  	vm0 =	vlt.u32 v17, $0x240;
	v21 =	vmul.u32 $0x900, v10;
	v22 =	vld [tilespmem:s30+$0x23E0];
	v11 =	vadd.s32 v12, v15  }
0x11a: {  	vm4 =	vlt.u32 v10, $0x240;
	v23 =	vld [tilespmem:s30+$0x0];
	v10 =	vsub.s32 v13, v9;
	v11 =	vsel vm0, v11, v8  }
0x11b: {  	v24 =	vld [tilespmem:s30+$0x10];
	vm0 =	vlt.u32 v10, $0x240;
	v10 =	vmul.u32 $0x900, v10;
	v12 =	vsub.s32 v14, v9;
	[tilespmem:s30+$0x4770] =	vst v11  }
.Ltmp3:
0x11c: {  	v15 =	vld [tilespmem:s30+$0x20];
	vm1 =	vlt.u32 v12, $0x240;
	v11 =	vmul.u32 $0x900, v12;
	v12 =	vsub.s32 v18, v9;
	(pc) =	sbr.rel @p0 .LBB2_8-.Ltmp3, $4  }
0x11d: {  	v16 =	vld [tilespmem:s30+$0x30];
	vm2 =	vlt.u32 v12, $0x240;
	v12 =	vmul.u32 $0x900, v12;
	v13 =	vsub.s32 v20, v9  }
0x11e: {  	v17 =	vld [tilespmem:s30+$0x40];
	vm3 =	vlt.u32 v13, $0x240;
	v13 =	vmul.u32 $0x900, v13;
	v14 =	vsub.s32 v22, v9  }
0x11f: {  	v19 =	vadd.s32 v23, v19;
	v18 =	vld [tilespmem:s30+$0x50];
	vm5 =	vlt.u32 v14, $0x240;
	v14 =	vmul.u32 $0x900, v14  }
0x120: {  	s31 =	sshra.s32 s0, $0x2;
	s0 =	sadd.s32 $0x200, s0;
	v20 =	vsel vm6, v19, v1;
	v21 =	vadd.s32 v24, v21;
	v19 =	vld [tilespmem:s30+$0x60]  }
0x121: {  	v22 =	vld [tilespmem:s31+$0x23F0];
	[tilespmem:s30+$0x4700] =	vst v20;
	v20 =	vsel vm4, v21, v2;
	v10 =	vadd.s32 v15, v10  }
0x122: {  	v21 =	vld [tilespmem:s31+$0x2380];
	[tilespmem:s30+$0x4710] =	vst v20;
	v10 =	vsel vm0, v10, v3;
	v11 =	vadd.s32 v16, v11  }
0x123: {  	v15 =	vld [tilespmem:s31+$0x2390];
	[tilespmem:s30+$0x4720] =	vst v10;
	v10 =	vsel vm1, v11, v4;
	v12 =	vadd.s32 v17, v12  }
0x124: {  	v11 =	vld [tilespmem:s31+$0x70];
	[tilespmem:s30+$0x4730] =	vst v10;
	v10 =	vsel vm2, v12, v5;
	v13 =	vadd.s32 v18, v13  }
0x125: {  	v12 =	vld [tilespmem:s31+$0x23A0];
	[tilespmem:s30+$0x4740] =	vst v10;
	v10 =	vsel vm3, v13, v6;
	v14 =	vadd.s32 v19, v14  }
0x126: {  	v13 =	vld [tilespmem:s31+$0x23B0];
	[tilespmem:s30+$0x4750] =	vst v10;
	v10 =	vsel vm5, v14, v7  }
0x127: {  	v16 =	vsub.s32 v22, v9;
	v14 =	vld [tilespmem:s31+$0x23C0];
	[tilespmem:s30+$0x4760] =	vst v10  }
0x128: {  	v10 =	vmul.u32 $0x900, v16;
	v17 =	vld [tilespmem:s31+$0x23D0]  }
0x129: {  	vm0 =	vlt.u32 v16, $0x240;
	v18 =	vld [tilespmem:s31+$0x23E0]  }
0x12a: {  	v16 =	vsub.s32 v21, v9;
	v15 =	vsub.s32 v15, v9;
	v10 =	vadd.s32 v11, v10;
	v11 =	vld [tilespmem:s31+$0x0]  }
0x12b: {  	v19 =	vld [tilespmem:s31+$0x10];
	vm1 =	vlt.u32 v15, $0x240;
	v10 =	vsel vm0, v10, v8;
	vm0 =	vlt.u32 v16, $0x240  }
0x12c: {  	v16 =	vmul.u32 $0x900, v16;
	v12 =	vsub.s32 v12, v9;
	[tilespmem:s31+$0x4770] =	vst v10;
	v10 =	vmul.u32 $0x900, v15;
	v15 =	vld [tilespmem:s31+$0x20]  }
0x12d: {  	v20 =	vld [tilespmem:s31+$0x30];
	vm2 =	vlt.u32 v12, $0x240;
	v12 =	vmul.u32 $0x900, v12;
	v13 =	vsub.s32 v13, v9  }
0x12e: {  	v21 =	vld [tilespmem:s31+$0x40];
	vm3 =	vlt.u32 v13, $0x240;
	v13 =	vmul.u32 $0x900, v13;
	v14 =	vsub.s32 v14, v9  }
0x12f: {  	vm4 =	vlt.u32 v14, $0x240;
	v14 =	vmul.u32 $0x900, v14;
	v11 =	vadd.s32 v11, v16;
	v16 =	vld [tilespmem:s31+$0x50]  }
0x130: {  	v17 =	vsub.s32 v17, v9;
	v10 =	vadd.s32 v19, v10;
	v19 =	vld [tilespmem:s31+$0x60];
	v11 =	vsel vm0, v11, v1  }
0x131: {  	v22 =	vmul.u32 $0x900, v17;
	v10 =	vsel vm1, v10, v2;
	[tilespmem:s31+$0x4700] =	vst v11;
	v11 =	vadd.s32 v15, v12  }
0x132: {  	[tilespmem:s31+$0x4710] =	vst v10;
	v12 =	vsub.s32 v18, v9;
	v10 =	vsel vm2, v11, v3;
	v11 =	vadd.s32 v20, v13  }
0x133: {  	v13 =	vmul.u32 $0x900, v12;
	[tilespmem:s31+$0x4720] =	vst v10;
	v10 =	vsel vm3, v11, v4;
	v11 =	vadd.s32 v21, v14  }
0x134: {  	vm0 =	vlt.u32 v17, $0x240;
	[tilespmem:s31+$0x4730] =	vst v10;
	v10 =	vsel vm4, v11, v5;
	v11 =	vadd.s32 v16, v22  }
0x135: {  	vm1 =	vlt.u32 v12, $0x240;
	[tilespmem:s31+$0x4740] =	vst v10;
	v10 =	vsel vm0, v11, v6;
	v11 =	vadd.s32 v19, v13  }
0x136: {  	[tilespmem:s31+$0x4750] =	vst v10;
	v10 =	vsel vm1, v11, v7  }
0x137: {  	[tilespmem:s31+$0x4760] =	vst v10  }
0x138: {  	_ =	swait.ge [sflag:s23], $0x2880  }
0x139: {  	[sflag:s23] =	ssyncset.done $0x0  }
0x13a: {  	[sflag:s23] =	ssyncadd.s32 $0xFFFFD780  }
0x13b: {  	[bflag:$0x0] =	sbarrier.arrive $0xFFFF  }
0x13c: {  	[spmem:s1] =	stream.indirect.scatter.add.f32 [tilespmem:s20], [sflag:$0x2], $0x1, s24, s22, $0xb8;
	[tilespmem:$0x1D280] =	vst v63  }
0x13d: {  	_ =	swait.ge [sflag:s21], $0x2380  }
0x13e: {  	[sflag:s21] =	ssyncset.done $0x0  }
0x13f: {  	[sflag:s21] =	ssyncadd.s32 $0xFFFFDC80  }
0x140: {  	[bflag:$0x0] =	sbarrier.arrive $0xFFFF  }
0x141: {  	[hbm:s16], [sflag:s29] =	dma.local [spmem:s26], $0x2880  }
0x142: {  	_ =	swait.ge [sflag:s21], $0x2880  }
0x143: {  	[sflag:s21] =	ssyncset.done $0x0  }
0x144: {  	[sflag:s21] =	ssyncadd.s32 $0xFFFFD780  }
0x145: {  	s0 =	simm.s32 $0x0;
	[bflag:$0x0] =	sbarrier.arrive $0xFFFF  }
0x146: {  	[tilespmem:s0], [sflag:$0x2] =	stream.linear.gather [hbm4b:s13+s0], $0x2380, $0x38;
	[tilespmem:$0x1D280] =	vst v63  }
0x147: {  	_ =	swait.ge [sflag:s21], $0x2380  }
0x148: {  	[sflag:s21] =	ssyncset.done $0x0  }
0x149: {  	[sflag:s21] =	ssyncadd.s32 $0xFFFFDC80  }
0x14a: {  	[tilespmem:s22], [sflag:$0x2] =	stream.linear.gather [hbm4b:s14+s0], $0x2380, $0x38;
	[tilespmem:$0x1D280] =	vst v63  }
0x14b: {  	_ =	swait.ge [sflag:s21], $0x2380  }
0x14c: {  	[sflag:s21] =	ssyncset.done $0x0  }
0x14d: {  	s30 =	simm.s32 $0x0;
	[sflag:s21] =	ssyncadd.s32 $0xFFFFDC80  }
0x14e: {  	[spmem:s26], [sflag:s28] =	dma.local [hbm:s5], $0x2880  }
0x14f: {  	v10 =	vld [tilespmem:s30+$0x23F0]  }
0x150: {  	v11 =	vld [tilespmem:s30+$0x2380]  }
0x151: {  	v12 =	vld [tilespmem:s30+$0x2390]  }
0x152: {  	v13 =	vld [tilespmem:s30+$0x70]  }
0x153: {  	v14 =	vld [tilespmem:s30+$0x23A0]  }
0x154: {  	v20 =	vld [tilespmem:s30+$0x23E0]  }
0x155: {  	v15 =	vld [tilespmem:s30+$0x23B0]  }
0x156: {  	v16 =	vld [tilespmem:s30+$0x23C0];
	v10 =	vsub.s32 v10, v0;
	v11 =	vsub.s32 v11, v0  }
0x157: {  	v18 =	vld [tilespmem:s30+$0x23D0];
	v17 =	vmul.u32 $0x900, v10;
	vm6 =	vlt.u32 v11, $0x240;
	v19 =	vmul.u32 $0x900, v11  }
0x158: {  	v21 =	vld [tilespmem:s30+$0x0];
	v11 =	vsub.s32 v12, v0;
	vm0 =	vlt.u32 v10, $0x240;
	v12 =	vsub.s32 v14, v0  }
0x159: {  	v14 =	vsub.s32 v20, v0;
	v22 =	vmul.u32 $0x900, v11;
	vm4 =	vlt.u32 v11, $0x240  }
0x15a: {  	v23 =	vld [tilespmem:s30+$0x10];
	v11 =	vsub.s32 v15, v0;
	vm5 =	vlt.u32 v14, $0x240;
	v10 =	vadd.s32 v13, v17  }
0x15b: {  	v15 =	vld [tilespmem:s30+$0x20];
	v14 =	vmul.u32 $0x900, v14;
	vm1 =	vlt.u32 v11, $0x240;
	v10 =	vsel vm0, v10, v8  }
0x15c: {  	vm0 =	vlt.u32 v12, $0x240;
	[tilespmem:s30+$0x4770] =	vst v10;
	v10 =	vmul.u32 $0x900, v12;
	v12 =	vsub.s32 v16, v0;
	v16 =	vld [tilespmem:s30+$0x30]  }
0x15d: {  	v11 =	vmul.u32 $0x900, v11;
	v13 =	vsub.s32 v18, v0;
	v17 =	vld [tilespmem:s30+$0x40];
	v19 =	vadd.s32 v21, v19  }
0x15e: {  	v18 =	vld [tilespmem:s30+$0x50];
	vm3 =	vlt.u32 v13, $0x240;
	v13 =	vmul.u32 $0x900, v13;
	v20 =	vsel vm6, v19, v1  }
0x15f: {  	s31 =	simm.s32 $0x80;
	s0 =	simm.s32 $0x400;
	v21 =	vadd.s32 v23, v22;
	v19 =	vld [tilespmem:s30+$0x60];
	vm2 =	vlt.u32 v12, $0x240;
	v12 =	vmul.u32 $0x900, v12  }
.LBB2_10:
0x160: {  	p0 =	sne.s32 s0, $0x8C00;
	v22 =	vld [tilespmem:s31+$0x23F0];
	[tilespmem:s30+$0x4700] =	vst v20;
	v20 =	vsel vm4, v21, v2;
	v10 =	vadd.s32 v15, v10  }
0x161: {  	v15 =	vld [tilespmem:s31+$0x2380];
	[tilespmem:s30+$0x4710] =	vst v20;
	v10 =	vsel vm0, v10, v3;
	v11 =	vadd.s32 v16, v11  }
0x162: {  	v16 =	vld [tilespmem:s31+$0x2390];
	[tilespmem:s30+$0x4720] =	vst v10;
	v10 =	vsel vm1, v11, v4;
	v11 =	vadd.s32 v17, v12  }
0x163: {  	v12 =	vld [tilespmem:s31+$0x70];
	[tilespmem:s30+$0x4730] =	vst v10;
	v10 =	vsel vm2, v11, v5;
	v11 =	vadd.s32 v18, v13  }
0x164: {  	v13 =	vld [tilespmem:s31+$0x23A0];
	[tilespmem:s30+$0x4740] =	vst v10;
	v10 =	vsel vm3, v11, v6;
	v11 =	vadd.s32 v19, v14  }
0x165: {  	v14 =	vld [tilespmem:s31+$0x23B0];
	v17 =	vsub.s32 v22, v0;
	[tilespmem:s30+$0x4750] =	vst v10;
	v10 =	vsel vm5, v11, v7  }
0x166: {  	v11 =	vsub.s32 v15, v0;
	v18 =	vld [tilespmem:s31+$0x23C0];
	v15 =	vmul.u32 $0x900, v17;
	[tilespmem:s30+$0x4760] =	vst v10;
	s30 =	smov.u32 s31  }
0x167: {  	vm6 =	vlt.u32 v11, $0x240;
	v19 =	vmul.u32 $0x900, v11;
	v10 =	vsub.s32 v16, v0;
	v20 =	vld [tilespmem:s30+$0x23D0]  }
0x168: {  	vm0 =	vlt.u32 v17, $0x240;
	v21 =	vmul.u32 $0x900, v10;
	v22 =	vld [tilespmem:s30+$0x23E0];
	v11 =	vadd.s32 v12, v15  }
0x169: {  	vm4 =	vlt.u32 v10, $0x240;
	v23 =	vld [tilespmem:s30+$0x0];
	v10 =	vsub.s32 v13, v0;
	v11 =	vsel vm0, v11, v8  }
0x16a: {  	v24 =	vld [tilespmem:s30+$0x10];
	vm0 =	vlt.u32 v10, $0x240;
	v10 =	vmul.u32 $0x900, v10;
	v12 =	vsub.s32 v14, v0;
	[tilespmem:s30+$0x4770] =	vst v11  }
.Ltmp4:
0x16b: {  	v15 =	vld [tilespmem:s30+$0x20];
	vm1 =	vlt.u32 v12, $0x240;
	v11 =	vmul.u32 $0x900, v12;
	v12 =	vsub.s32 v18, v0;
	(pc) =	sbr.rel @p0 .LBB2_10-.Ltmp4, $4  }
0x16c: {  	v16 =	vld [tilespmem:s30+$0x30];
	vm2 =	vlt.u32 v12, $0x240;
	v12 =	vmul.u32 $0x900, v12;
	v13 =	vsub.s32 v20, v0  }
0x16d: {  	v17 =	vld [tilespmem:s30+$0x40];
	vm3 =	vlt.u32 v13, $0x240;
	v13 =	vmul.u32 $0x900, v13;
	v14 =	vsub.s32 v22, v0  }
0x16e: {  	v19 =	vadd.s32 v23, v19;
	v18 =	vld [tilespmem:s30+$0x50];
	vm5 =	vlt.u32 v14, $0x240;
	v14 =	vmul.u32 $0x900, v14  }
0x16f: {  	s31 =	sshra.s32 s0, $0x2;
	s0 =	sadd.s32 $0x200, s0;
	v20 =	vsel vm6, v19, v1;
	v21 =	vadd.s32 v24, v21;
	v19 =	vld [tilespmem:s30+$0x60]  }
0x170: {  	v22 =	vld [tilespmem:s31+$0x23F0];
	[tilespmem:s30+$0x4700] =	vst v20;
	v20 =	vsel vm4, v21, v2;
	v10 =	vadd.s32 v15, v10  }
0x171: {  	v21 =	vld [tilespmem:s31+$0x2380];
	[tilespmem:s30+$0x4710] =	vst v20;
	v10 =	vsel vm0, v10, v3;
	v11 =	vadd.s32 v16, v11  }
0x172: {  	v15 =	vld [tilespmem:s31+$0x2390];
	[tilespmem:s30+$0x4720] =	vst v10;
	v10 =	vsel vm1, v11, v4;
	v12 =	vadd.s32 v17, v12  }
0x173: {  	v11 =	vld [tilespmem:s31+$0x70];
	[tilespmem:s30+$0x4730] =	vst v10;
	v10 =	vsel vm2, v12, v5;
	v13 =	vadd.s32 v18, v13  }
0x174: {  	v12 =	vld [tilespmem:s31+$0x23A0];
	[tilespmem:s30+$0x4740] =	vst v10;
	v10 =	vsel vm3, v13, v6;
	v14 =	vadd.s32 v19, v14  }
0x175: {  	v13 =	vld [tilespmem:s31+$0x23B0];
	[tilespmem:s30+$0x4750] =	vst v10;
	v10 =	vsel vm5, v14, v7  }
0x176: {  	v16 =	vsub.s32 v22, v0;
	v14 =	vld [tilespmem:s31+$0x23C0];
	[tilespmem:s30+$0x4760] =	vst v10  }
0x177: {  	v10 =	vmul.u32 $0x900, v16;
	v17 =	vld [tilespmem:s31+$0x23D0]  }
0x178: {  	vm0 =	vlt.u32 v16, $0x240;
	v18 =	vld [tilespmem:s31+$0x23E0]  }
0x179: {  	v16 =	vsub.s32 v21, v0;
	v15 =	vsub.s32 v15, v0;
	v10 =	vadd.s32 v11, v10;
	v11 =	vld [tilespmem:s31+$0x0]  }
0x17a: {  	v19 =	vld [tilespmem:s31+$0x10];
	vm1 =	vlt.u32 v15, $0x240;
	v10 =	vsel vm0, v10, v8;
	vm0 =	vlt.u32 v16, $0x240  }
0x17b: {  	v16 =	vmul.u32 $0x900, v16;
	v12 =	vsub.s32 v12, v0;
	[tilespmem:s31+$0x4770] =	vst v10;
	v10 =	vmul.u32 $0x900, v15;
	v15 =	vld [tilespmem:s31+$0x20]  }
0x17c: {  	v20 =	vld [tilespmem:s31+$0x30];
	vm2 =	vlt.u32 v12, $0x240;
	v12 =	vmul.u32 $0x900, v12;
	v13 =	vsub.s32 v13, v0  }
0x17d: {  	v21 =	vld [tilespmem:s31+$0x40];
	vm3 =	vlt.u32 v13, $0x240;
	v13 =	vmul.u32 $0x900, v13;
	v14 =	vsub.s32 v14, v0  }
0x17e: {  	vm4 =	vlt.u32 v14, $0x240;
	v14 =	vmul.u32 $0x900, v14;
	v11 =	vadd.s32 v11, v16;
	v16 =	vld [tilespmem:s31+$0x50]  }
0x17f: {  	v17 =	vsub.s32 v17, v0;
	v10 =	vadd.s32 v19, v10;
	v19 =	vld [tilespmem:s31+$0x60];
	v11 =	vsel vm0, v11, v1  }
0x180: {  	v22 =	vmul.u32 $0x900, v17;
	v10 =	vsel vm1, v10, v2;
	[tilespmem:s31+$0x4700] =	vst v11;
	v11 =	vadd.s32 v15, v12  }
0x181: {  	[tilespmem:s31+$0x4710] =	vst v10;
	v12 =	vsub.s32 v18, v0;
	v10 =	vsel vm2, v11, v3;
	v11 =	vadd.s32 v20, v13  }
0x182: {  	v13 =	vmul.u32 $0x900, v12;
	[tilespmem:s31+$0x4720] =	vst v10;
	v10 =	vsel vm3, v11, v4;
	v11 =	vadd.s32 v21, v14  }
0x183: {  	vm0 =	vlt.u32 v17, $0x240;
	[tilespmem:s31+$0x4730] =	vst v10;
	v10 =	vsel vm4, v11, v5;
	v11 =	vadd.s32 v16, v22  }
0x184: {  	vm1 =	vlt.u32 v12, $0x240;
	[tilespmem:s31+$0x4740] =	vst v10;
	v10 =	vsel vm0, v11, v6;
	v11 =	vadd.s32 v19, v13  }
0x185: {  	[tilespmem:s31+$0x4750] =	vst v10;
	v10 =	vsel vm1, v11, v7  }
0x186: {  	[tilespmem:s31+$0x4760] =	vst v10  }
0x187: {  	_ =	swait.ge [sflag:s23], $0x2880  }
0x188: {  	[sflag:s23] =	ssyncset.done $0x0  }
0x189: {  	[sflag:s23] =	ssyncadd.s32 $0xFFFFD780  }
0x18a: {  	[bflag:$0x0] =	sbarrier.arrive $0xFFFF  }
0x18b: {  	[spmem:s1] =	stream.indirect.scatter.add.f32 [tilespmem:s20], [sflag:$0x2], $0x1, s24, s22, $0xb8;
	[tilespmem:$0x1D280] =	vst v63  }
0x18c: {  	_ =	swait.ge [sflag:s21], $0x2380  }
0x18d: {  	[sflag:s21] =	ssyncset.done $0x0  }
0x18e: {  	[sflag:s21] =	ssyncadd.s32 $0xFFFFDC80  }
0x18f: {  	[bflag:$0x0] =	sbarrier.arrive $0xFFFF  }
0x190: {  	[hbm:s17], [sflag:s29] =	dma.local [spmem:s26], $0x2880  }
0x191: {  	_ =	swait.ge [sflag:s21], $0x2880  }
0x192: {  	[sflag:s21] =	ssyncset.done $0x0  }
0x193: {  	[sflag:s21] =	ssyncadd.s32 $0xFFFFD780  }
0x194: {  	[bflag:$0x0] =	sbarrier.arrive $0xFFFF  }
0x195: {  	[spmem:s26], [sflag:s28] =	dma.local [hbm:s5], $0x2880  }
0x196: {  	s28 =	simm.s32 $0x0  }
0x197: {  	v10 =	vld [tilespmem:s28+$0x23F0]  }
0x198: {  	v11 =	vld [tilespmem:s28+$0x2380]  }
0x199: {  	v12 =	vld [tilespmem:s28+$0x2390]  }
0x19a: {  	v13 =	vld [tilespmem:s28+$0x70]  }
0x19b: {  	v14 =	vld [tilespmem:s28+$0x23A0]  }
0x19c: {  	v20 =	vld [tilespmem:s28+$0x23E0]  }
0x19d: {  	v15 =	vld [tilespmem:s28+$0x23B0]  }
0x19e: {  	v16 =	vld [tilespmem:s28+$0x23C0];
	v10 =	vsub.s32 v10, v9;
	v11 =	vsub.s32 v11, v9  }
0x19f: {  	v18 =	vld [tilespmem:s28+$0x23D0];
	v17 =	vmul.u32 $0x900, v10;
	vm6 =	vlt.u32 v11, $0x240;
	v19 =	vmul.u32 $0x900, v11  }
0x1a0: {  	v21 =	vld [tilespmem:s28+$0x0];
	v11 =	vsub.s32 v12, v9;
	vm0 =	vlt.u32 v10, $0x240;
	v12 =	vsub.s32 v14, v9  }
0x1a1: {  	v14 =	vsub.s32 v20, v9;
	v22 =	vmul.u32 $0x900, v11;
	vm4 =	vlt.u32 v11, $0x240  }
0x1a2: {  	v23 =	vld [tilespmem:s28+$0x10];
	v11 =	vsub.s32 v15, v9;
	vm5 =	vlt.u32 v14, $0x240;
	v10 =	vadd.s32 v13, v17  }
0x1a3: {  	v15 =	vld [tilespmem:s28+$0x20];
	v14 =	vmul.u32 $0x900, v14;
	vm1 =	vlt.u32 v11, $0x240;
	v10 =	vsel vm0, v10, v8  }
0x1a4: {  	vm0 =	vlt.u32 v12, $0x240;
	[tilespmem:s28+$0x4770] =	vst v10;
	v10 =	vmul.u32 $0x900, v12;
	v12 =	vsub.s32 v16, v9;
	v16 =	vld [tilespmem:s28+$0x30]  }
0x1a5: {  	v11 =	vmul.u32 $0x900, v11;
	v13 =	vsub.s32 v18, v9;
	v17 =	vld [tilespmem:s28+$0x40];
	v19 =	vadd.s32 v21, v19  }
0x1a6: {  	v18 =	vld [tilespmem:s28+$0x50];
	vm3 =	vlt.u32 v13, $0x240;
	v13 =	vmul.u32 $0x900, v13;
	v20 =	vsel vm6, v19, v1  }
0x1a7: {  	s0 =	simm.s32 $0x400;
	s30 =	simm.s32 $0x80;
	v21 =	vadd.s32 v23, v22;
	v19 =	vld [tilespmem:s28+$0x60];
	vm2 =	vlt.u32 v12, $0x240;
	v12 =	vmul.u32 $0x900, v12  }
.LBB2_12:
0x1a8: {  	p0 =	sne.s32 s0, $0x8C00;
	v22 =	vld [tilespmem:s30+$0x23F0];
	[tilespmem:s28+$0x4700] =	vst v20;
	v20 =	vsel vm4, v21, v2;
	v10 =	vadd.s32 v15, v10  }
0x1a9: {  	v15 =	vld [tilespmem:s30+$0x2380];
	[tilespmem:s28+$0x4710] =	vst v20;
	v10 =	vsel vm0, v10, v3;
	v11 =	vadd.s32 v16, v11  }
0x1aa: {  	v16 =	vld [tilespmem:s30+$0x2390];
	[tilespmem:s28+$0x4720] =	vst v10;
	v10 =	vsel vm1, v11, v4;
	v11 =	vadd.s32 v17, v12  }
0x1ab: {  	v12 =	vld [tilespmem:s30+$0x70];
	[tilespmem:s28+$0x4730] =	vst v10;
	v10 =	vsel vm2, v11, v5;
	v11 =	vadd.s32 v18, v13  }
0x1ac: {  	v13 =	vld [tilespmem:s30+$0x23A0];
	[tilespmem:s28+$0x4740] =	vst v10;
	v10 =	vsel vm3, v11, v6;
	v11 =	vadd.s32 v19, v14  }
0x1ad: {  	v14 =	vld [tilespmem:s30+$0x23B0];
	v17 =	vsub.s32 v22, v9;
	[tilespmem:s28+$0x4750] =	vst v10;
	v10 =	vsel vm5, v11, v7  }
0x1ae: {  	v11 =	vsub.s32 v15, v9;
	v18 =	vld [tilespmem:s30+$0x23C0];
	v15 =	vmul.u32 $0x900, v17;
	[tilespmem:s28+$0x4760] =	vst v10;
	s28 =	smov.u32 s30  }
0x1af: {  	vm6 =	vlt.u32 v11, $0x240;
	v19 =	vmul.u32 $0x900, v11;
	v10 =	vsub.s32 v16, v9;
	v20 =	vld [tilespmem:s28+$0x23D0]  }
0x1b0: {  	vm0 =	vlt.u32 v17, $0x240;
	v21 =	vmul.u32 $0x900, v10;
	v22 =	vld [tilespmem:s28+$0x23E0];
	v11 =	vadd.s32 v12, v15  }
0x1b1: {  	vm4 =	vlt.u32 v10, $0x240;
	v23 =	vld [tilespmem:s28+$0x0];
	v10 =	vsub.s32 v13, v9;
	v11 =	vsel vm0, v11, v8  }
0x1b2: {  	v24 =	vld [tilespmem:s28+$0x10];
	vm0 =	vlt.u32 v10, $0x240;
	v10 =	vmul.u32 $0x900, v10;
	v12 =	vsub.s32 v14, v9;
	[tilespmem:s28+$0x4770] =	vst v11  }
.Ltmp5:
0x1b3: {  	v15 =	vld [tilespmem:s28+$0x20];
	vm1 =	vlt.u32 v12, $0x240;
	v11 =	vmul.u32 $0x900, v12;
	v12 =	vsub.s32 v18, v9;
	(pc) =	sbr.rel @p0 .LBB2_12-.Ltmp5, $4  }
0x1b4: {  	v16 =	vld [tilespmem:s28+$0x30];
	vm2 =	vlt.u32 v12, $0x240;
	v12 =	vmul.u32 $0x900, v12;
	v13 =	vsub.s32 v20, v9  }
0x1b5: {  	v17 =	vld [tilespmem:s28+$0x40];
	vm3 =	vlt.u32 v13, $0x240;
	v13 =	vmul.u32 $0x900, v13;
	v14 =	vsub.s32 v22, v9  }
0x1b6: {  	v19 =	vadd.s32 v23, v19;
	v18 =	vld [tilespmem:s28+$0x50];
	vm5 =	vlt.u32 v14, $0x240;
	v14 =	vmul.u32 $0x900, v14  }
0x1b7: {  	s30 =	sshra.s32 s0, $0x2;
	s0 =	sadd.s32 $0x200, s0;
	v20 =	vsel vm6, v19, v1;
	v21 =	vadd.s32 v24, v21;
	v19 =	vld [tilespmem:s28+$0x60]  }
0x1b8: {  	v22 =	vld [tilespmem:s30+$0x23F0];
	[tilespmem:s28+$0x4700] =	vst v20;
	v46 =	vsel vm4, v21, v2;
	v10 =	vadd.s32 v15, v10  }
0x1b9: {  	v47 =	vld [tilespmem:s30+$0x2380];
	[tilespmem:s28+$0x4710] =	vst v46;
	v10 =	vsel vm0, v10, v3;
	v11 =	vadd.s32 v16, v11  }
0x1ba: {  	v48 =	vld [tilespmem:s30+$0x2390];
	[tilespmem:s28+$0x4720] =	vst v10;
	v10 =	vsel vm1, v11, v4;
	v12 =	vadd.s32 v17, v12  }
0x1bb: {  	v11 =	vld [tilespmem:s30+$0x70];
	[tilespmem:s28+$0x4730] =	vst v10;
	v10 =	vsel vm2, v12, v5;
	v13 =	vadd.s32 v18, v13  }
0x1bc: {  	v49 =	vld [tilespmem:s30+$0x23A0];
	[tilespmem:s28+$0x4740] =	vst v10;
	v10 =	vsel vm3, v13, v6;
	v14 =	vadd.s32 v19, v14  }
0x1bd: {  	v50 =	vld [tilespmem:s30+$0x23B0];
	[tilespmem:s28+$0x4750] =	vst v10;
	v10 =	vsel vm5, v14, v7  }
0x1be: {  	v52 =	vsub.s32 v22, v9;
	v51 =	vld [tilespmem:s30+$0x23C0];
	[tilespmem:s28+$0x4760] =	vst v10  }
0x1bf: {  	v10 =	vmul.u32 $0x900, v52;
	v53 =	vld [tilespmem:s30+$0x23D0]  }
0x1c0: {  	v55 =	vsub.s32 v47, v9;
	v54 =	vld [tilespmem:s30+$0x23E0]  }
0x1c1: {  	vm8 =	vlt.u32 v52, $0x240;
	vm9 =	vlt.u32 v55, $0x240;
	v10 =	vadd.s32 v11, v10;
	v11 =	vld [tilespmem:s30+$0x0]  }
0x1c2: {  	v56 =	vld [tilespmem:s30+$0x10];
	v16 =	vmul.u32 $0x900, v55;
	v15 =	vsub.s32 v48, v9;
	v10 =	vsel vm8, v10, v8  }
0x1c3: {  	v57 =	vld [tilespmem:s30+$0x20];
	vm10 =	vlt.u32 v15, $0x240;
	v12 =	vsub.s32 v49, v9;
	[tilespmem:s30+$0x4770] =	vst v10;
	v10 =	vmul.u32 $0x900, v15  }
0x1c4: {  	v20 =	vld [tilespmem:s30+$0x30];
	vm11 =	vlt.u32 v12, $0x240;
	v12 =	vmul.u32 $0x900, v12;
	v13 =	vsub.s32 v50, v9  }
0x1c5: {  	v58 =	vld [tilespmem:s30+$0x40];
	vm12 =	vlt.u32 v13, $0x240;
	v13 =	vmul.u32 $0x900, v13;
	v14 =	vsub.s32 v51, v9  }
0x1c6: {  	v59 =	vld [tilespmem:s30+$0x50];
	vm13 =	vlt.u32 v14, $0x240;
	v14 =	vmul.u32 $0x900, v14;
	v11 =	vadd.s32 v11, v16  }
0x1c7: {  	v60 =	vld [tilespmem:s30+$0x60];
	v17 =	vsub.s32 v53, v9;
	v10 =	vadd.s32 v56, v10;
	v11 =	vsel vm9, v11, v1  }
0x1c8: {  	v62 =	vsub.s32 v54, v9;
	v10 =	vsel vm10, v10, v2;
	[tilespmem:s30+$0x4700] =	vst v11;
	v11 =	vadd.s32 v57, v12  }
0x1c9: {  	v61 =	vmul.u32 $0x900, v17;
	[tilespmem:s30+$0x4710] =	vst v10;
	v10 =	vsel vm11, v11, v3;
	v11 =	vadd.s32 v20, v13  }
0x1ca: {  	v63 =	vmul.u32 $0x900, v62;
	[tilespmem:s30+$0x4720] =	vst v10;
	v10 =	vsel vm12, v11, v4;
	v11 =	vadd.s32 v58, v14  }
0x1cb: {  	vm14 =	vlt.u32 v17, $0x240;
	[tilespmem:s30+$0x4730] =	vst v10;
	v10 =	vsel vm13, v11, v5;
	v11 =	vadd.s32 v59, v61  }
0x1cc: {  	vm15 =	vlt.u32 v62, $0x240;
	[tilespmem:s30+$0x4740] =	vst v10;
	v10 =	vsel vm14, v11, v6;
	v11 =	vadd.s32 v60, v63  }
0x1cd: {  	[tilespmem:s30+$0x4750] =	vst v10;
	v10 =	vsel vm15, v11, v7  }
0x1ce: {  	[tilespmem:s30+$0x4760] =	vst v10  }
0x1cf: {  	_ =	swait.ge [sflag:s23], $0x2880  }
0x1d0: {  	[sflag:s23] =	ssyncset.done $0x0  }
0x1d1: {  	[sflag:s23] =	ssyncadd.s32 $0xFFFFD780  }
0x1d2: {  	[bflag:$0x0] =	sbarrier.arrive $0xFFFF  }
0x1d3: {  	[spmem:s1] =	stream.indirect.scatter.add.f32 [tilespmem:s20], [sflag:$0x2], $0x1, s24, s22, $0xb8;
	[tilespmem:$0x1D280] =	vst v63  }
0x1d4: {  	_ =	swait.ge [sflag:s21], $0x2380  }
0x1d5: {  	[sflag:s21] =	ssyncset.done $0x0  }
0x1d6: {  	s25 =	sadd.s32 $0x1, s25;
	[sflag:s21] =	ssyncadd.s32 $0xFFFFDC80  }
0x1d7: {  	p0 =	sne.s32 s25, s19;
	[bflag:$0x0] =	sbarrier.arrive $0xFFFF  }
0x1d8: {  	[hbm:s18], [sflag:s29] =	dma.local [spmem:s26], $0x2880  }
.Ltmp6:
0x1d9: {  	_ =	swait.ge [sflag:s21], $0x2880;
	(pc) =	sbr.rel @p0 .LBB2_1-.Ltmp6, $3  }
0x1da: {  	[sflag:s21] =	ssyncset.done $0x0  }
0x1db: {  	[sflag:s21] =	ssyncadd.s32 $0xFFFFD780  }
0x1dc: {  	[bflag:$0x0] =	sbarrier.arrive $0xFFFF;
	_ =	sdelay $0x1  }
0x1dd: {  	_ =	sfence.sel $0x180000  }
0x1de: {  	[bflag:$0x0] =	sbarrier.arrive $0xFFFF  }
0x1df: {  	_ =	strace $0x90000047  }
0x1e0: {  	[bflag:$0x2] =	sbarrier.arrive $0xFFFF  }
0x1e1: {  	p0 =	sne.s32 s3, $0x0;
	s0 =	rddreg [dreg:$0x3]  }
0x1e2: {  	s0 =	sadd.s32 @!p0 $0x100000, s0  }
0x1e3: {  	[sflag:s0] =	ssyncadd.tile.s32 @!p0 $0x1;
	_ =	shalt  }
.Lfunc_end2:
_tile_overlayer_lowered:
.L_overlay_start_2:
0x1e4: {  	(tag) =	ssettag $0x2  }
0x1e5: {  	s0 =	rddreg [dreg:$0x0];
	s2 =	stileid.u32  }
0x1e6: {  	s1 =	rddreg [dreg:$0x1];
	p0 =	sne.s32 s2, $0x0  }
0x1e7: {  	s3 =	rddreg [dreg:$0x2];
	[bflag:$0x3] =	sbarrier.arrive $0xFFFF;
	s2 =	simm.s32 @!p0 $0x1C02  }
0x1e8: {  	[timem:s3], [sflag:s2] =	dma.local @!p0 [hbm:s0], s1  }
0x1e9: {  	s0 =	simm.s32 @!p0 $0x2  }
0x1ea: {  	_ =	swait.ge @!p0 [sflag:s0], s1  }
0x1eb: {  	s1 =	ssub.s32 @!p0 $0x0, s1;
	[sflag:s0] =	ssyncset.done @!p0 $0x0  }
0x1ec: {  	[sflag:s0] =	ssyncadd.s32 @!p0 s1  }
0x1ed: {  	[bflag:$0x3] =	sbarrier.arrive $0xFFFF  }
0x1ee: {  	_ =	shalt  }

// kernel: kernel.13.cloned.1.call-start
scs
__scs_entry_jumppad:
0x0: {  	(pc) =	sbr.rel $0x88, $3  }
0x1: {  	(tag) =	ssettag $0x0;
	lr =	simm.s32 $0x1  }
0x2: {  	[smem:$0x3F8A] =	sst lr;
	_ =	strace $0xD0000000  }
0x3: {  	_ = 	snop  }
0x4: {  	_ = 	snop  }
0x5: {  	_ = 	snop  }
0x6: {  	_ = 	snop  }
0x7: {  	_ = 	snop  }
__scs_overlays_trampoline_lowered:
0x8: {  	[smem:$0x3F99] =	sst s0  }
0x9: {  	[smem:$0x3F9A] =	sst s1  }
0xa: {  	[smem:$0x3F9B] =	sst s2  }
0xb: {  	[smem:$0x3F9C] =	sst s3  }
0xc: {  	[smem:$0x3F9D] =	sst s4  }
0xd: {  	[smem:$0x3F9E] =	sst s5  }
0xe: {  	[smem:$0x3F9F] =	sst s6  }
0xf: {  	[smem:$0x3FA0] =	sst s7  }
0x10: {  	[smem:$0x3FA1] =	sst s8  }
0x11: {  	[smem:$0x3FA2] =	sst s9;
	s0 =	simm.s32 @!p0 $0x0  }
0x12: {  	s1 =	sld [smem:$0x3F88];
	s0 =	simm.s32 @p0 $0x1  }
0x13: {  	[smem:$0x3FA3] =	sst s0;
	s0 =	simm.s32 @!p1 $0x0  }
0x14: {  	s2 =	sld [smem:$0x3F87];
	s0 =	simm.s32 @p1 $0x1  }
0x15: {  	[smem:$0x3FA4] =	sst s0;
	s0 =	simm.s32 @!p2 $0x0  }
0x16: {  	s3 =	sld [smem:$0x3FDB];
	s0 =	simm.s32 @p2 $0x1  }
0x17: {  	s4 =	simm.s32 $0x1BF5;
	[smem:$0x3FA6] =	sst s0  }
0x18: {  	s0 =	sld [smem:$0x3F89];
	_ =	swait.ge [sflag:s4], $0x0  }
0x19: {  	s7 =	sld [smem:$0x3F8A]  }
0x1a: {  	s8 =	sadd.s32 $0xFFFFE003, lr  }
0x1b: {  	s9 =	sadd.s32 $0xFFFFFEF7, lr;
	s5 =	simm.s32 $0xFFFFFFFF;
	p2 =	slt.u32 s8, $0xFFFFF086  }
0x1c: {  	p1 =	slt.u32 s9, $0xF7A;
	s5 =	simm.s32 @!p2 $0x0  }
0x1d: {  	s5 =	simm.s32 @p1 $0x1;
	p0 =	seq.s32 s7, s2  }
0x1e: {  	s7 =	smul.u32 @!p0 $0xF7A, s2;
	p2 =	seq.s32 @!p0 s5, $0x0  }
0x1f: {  	s9 =	smul.u32 $0xF7A, s1;
	s8 =	simm.s32 @!p0 $0x1BF5;
	p2 =	por !p2, p0  }
0x20: {  	[sflag:s8] =	ssyncset.s32 @!p0 $0xFFFFF086;
	s6 =	sadd.s32 @!p0 s3, s7;
	s7 =	simm.s32 @!p0 $0x108  }
0x21: {  	s3 =	sadd.s32 s3, s9;
	s6 =	sadd.s32 @!p0 $0x88, s6;
	s7 =	simm.s32 @p2 $0x1082  }
0x22: {  	[simem:s7], [sflag:s8] =	dma.local @!p0 [hbm:s6], $0xF7A  }
0x23: {  	s9 =	sor.u32 $0xD0000000, s2;
	s6 =	simm.s32 $0x108;
	_ =	swait.ge @!p0 [sflag:s8], $0x0  }
0x24: {  	s3 =	sadd.s32 $0x88, s3;
	s6 =	simm.s32 @!p1 $0x1082;
	[sflag:s4] =	ssyncset.s32 $0xFFFFF086  }
0x25: {  	[simem:s6], [sflag:s4] =	dma.local [hbm:s3], $0xF7A  }
0x26: {  	[smem:$0x3F8A] =	sst s1;
	(tag) =	ssettag s2;
	_ =	strace s9  }
0x27: {  	s1 =	sld [smem:$0x3F9A]  }
0x28: {  	s2 =	sld [smem:$0x3F9B]  }
0x29: {  	s4 =	sld [smem:$0x3F9D]  }
0x2a: {  	p0 =	seq.s32 s5, $0x0;
	s5 =	sld [smem:$0x3F9E]  }
0x2b: {  	s6 =	sld [smem:$0x3F9F]  }
0x2c: {  	s7 =	sld [smem:$0x3FA0]  }
0x2d: {  	s3 =	simm.s32 $0x108;
	s8 =	sld [smem:$0x3FA1]  }
0x2e: {  	s3 =	simm.s32 @!p0 $0x1082;
	s9 =	sld [smem:$0x3FA2]  }
0x2f: {  	lr =	sadd.s32 s0, s3;
	s0 =	sld [smem:$0x3F99]  }
0x30: {  	s3 =	sld [smem:$0x3F9C]  }
0x31: {  	[smem:$0x3FA5] =	sst s10  }
0x32: {  	s10 =	sld [smem:$0x3FA3];
	_ =	sdelay $0x3  }
0x33: {  	p0 =	seq.s32 s10, $0x1;
	s10 =	sld [smem:$0x3FA5];
	_ =	sdelay $0x3  }
0x34: {  	[smem:$0x3FA5] =	sst s10  }
0x35: {  	s10 =	sld [smem:$0x3FA4];
	_ =	sdelay $0x3  }
0x36: {  	p1 =	seq.s32 s10, $0x1;
	s10 =	sld [smem:$0x3FA5];
	_ =	sdelay $0x3  }
0x37: {  	[smem:$0x3FA5] =	sst s10  }
0x38: {  	s10 =	sld [smem:$0x3FA6]  }
0x39: {  	_ = 	snop;
	(pc) =	sbr.ind lr, $3  }
0x3a: {  	_ = 	snop  }
0x3b: {  	_ = 	snop  }
0x3c: {  	p2 =	seq.s32 s10, $0x1;
	s10 =	sld [smem:$0x3FA5]  }
0x3d: {  	_ =	shalt  }
0x3e: {  	_ =	shalt  }
0x3f: {  	_ =	shalt  }
0x40: {  	_ =	shalt  }
0x41: {  	_ =	shalt  }
0x42: {  	_ =	shalt  }
0x43: {  	_ =	shalt  }
0x44: {  	_ =	shalt  }
0x45: {  	_ =	shalt  }
0x46: {  	_ =	shalt  }
0x47: {  	_ =	shalt  }
0x48: {  	_ =	shalt  }
0x49: {  	_ =	shalt  }
0x4a: {  	_ =	shalt  }
0x4b: {  	_ =	shalt  }
0x4c: {  	_ =	shalt  }
0x4d: {  	_ =	shalt  }
0x4e: {  	_ =	shalt  }
0x4f: {  	_ =	shalt  }
0x50: {  	_ =	shalt  }
0x51: {  	_ =	shalt  }
0x52: {  	_ =	shalt  }
0x53: {  	_ =	shalt  }
0x54: {  	_ =	shalt  }
0x55: {  	_ =	shalt  }
0x56: {  	_ =	shalt  }
0x57: {  	_ =	shalt  }
0x58: {  	_ =	shalt  }
0x59: {  	_ =	shalt  }
0x5a: {  	_ =	shalt  }
0x5b: {  	_ =	shalt  }
0x5c: {  	_ =	shalt  }
0x5d: {  	_ =	shalt  }
0x5e: {  	_ =	shalt  }
0x5f: {  	_ =	shalt  }
0x60: {  	_ =	shalt  }
0x61: {  	_ =	shalt  }
0x62: {  	_ =	shalt  }
0x63: {  	_ =	shalt  }
0x64: {  	_ =	shalt  }
0x65: {  	_ =	shalt  }
0x66: {  	_ =	shalt  }
0x67: {  	_ =	shalt  }
0x68: {  	_ =	shalt  }
0x69: {  	_ =	shalt  }
0x6a: {  	_ =	shalt  }
0x6b: {  	_ =	shalt  }
0x6c: {  	_ =	shalt  }
0x6d: {  	_ =	shalt  }
0x6e: {  	_ =	shalt  }
0x6f: {  	_ =	shalt  }
0x70: {  	_ =	shalt  }
0x71: {  	_ =	shalt  }
0x72: {  	_ =	shalt  }
0x73: {  	_ =	shalt  }
0x74: {  	_ =	shalt  }
0x75: {  	_ =	shalt  }
0x76: {  	_ =	shalt  }
0x77: {  	_ =	shalt  }
0x78: {  	_ =	shalt  }
0x79: {  	_ =	shalt  }
0x7a: {  	_ =	shalt  }
0x7b: {  	_ =	shalt  }
0x7c: {  	_ =	shalt  }
0x7d: {  	_ =	shalt  }
0x7e: {  	_ =	shalt  }
0x7f: {  	_ =	shalt  }
0x80: {  	_ =	shalt  }
0x81: {  	_ =	shalt  }
0x82: {  	_ =	shalt  }
0x83: {  	_ =	shalt  }
0x84: {  	_ =	shalt  }
0x85: {  	_ =	shalt  }
0x86: {  	_ =	shalt  }
0x87: {  	_ =	shalt  }
.Lfunc_end0:
.L_simem_size_0:
called_computation.1_lowered:
.L_overlay_start_0:
0x88: {  	s2 =	sld [smem:$0x3FD9]  }
0x89: {  	s3 =	sld [smem:$0x3FFE];
	_ =	sdelay $0x1  }
0x8a: {  	s1 =	srdreg.scid  }
0x8b: {  	s0 =	sand.u32 $0x1, s1  }
0x8c: {  	s14 =	sshll.u32 s0, $0xA;
	s2 =	sadd.s32 s3, s2  }
0x8d: {  	s2 =	sadd.s32 s2, s14  }
0x8e: {  	[smem:$0x3FB1] =	sst s2  }
0x8f: {  	_ = 	snop  }
0x90: {  	s2 =	sld [smem:$0x3FD0];
	_ =	sdelay $0x2  }
0x91: {  	s15 =	simm.s32 $0xA;
	s4 =	simm.s32 $0x10  }
0x92: {  	[smem:s4], [sflag:s15] =	dma.local [hbm:s2], $0x1  }
0x93: {  	_ =	swait.eq [sflag:s15], $0x1  }
0x94: {  	[sflag:s15] =	ssyncset.done $0x0  }
0x95: {  	s16 =	sld [smem:$0x10];
	[sflag:s15] =	ssyncadd.s32 $0xFFFFFFFF  }
0x96: {  	s17 =	sld [smem:$0x11];
	(tm) =	ssettm $0x1  }
0x97: {  	s18 =	sld [smem:$0x3FFB];
	_ =	sdelay $0x3  }
0x98: {  	_ =	strace s18  }
0x99: {  	s4 =	sld [smem:$0x3FFC];
	_ =	sdelay $0x3  }
0x9a: {  	_ =	strace s4  }
0x9b: {  	s4 =	sld [smem:$0x3FFD];
	_ =	sdelay $0x3  }
0x9c: {  	_ =	strace s4  }
0x9d: {  	_ =	strace $0x8FFFFFFF  }
0x9e: {  	s19 =	sld [smem:$0x3FDB];
	_ =	sdelay $0x1  }
0x9f: {  	s5 =	simm.s32 $_scs_section_size  }
0xa0: {  	s6 =	simm.s32 $_size__tile_overlayer_lowered;
	s7 =	simm.s32 $_tile_overlayer_lowered  }
0xa1: {  	s22 =	simm.s32 $0x1BFF;
	s21 =	sshll.u32 s7, $0x1;
	s4 =	sadd.s32 s5, s19  }
0xa2: {  	s8 =	simm.s32 $0x0;
	s20 =	sshll.u32 s6, $0x1;
	s6 =	sadd.s32 s21, s4  }
0xa3: {  	[timem:s8], [sflag:s22] =	dma.local [hbm:s6], s20  }
0xa4: {  	_ =	swait.ge [sflag:s22], s20  }
0xa5: {  	s5 =	ssub.s32 $0x0, s20;
	[sflag:s22] =	ssyncset.done $0x0  }
0xa6: {  	[sflag:s22] =	ssyncadd.s32 s5;
	_ =	sdelay $0x1  }
0xa7: {  	s23 =	simm.s32 $0x1B8B  }
0xa8: {  	_ =	swait.ge [sflag:s23], $0x1  }
0xa9: {  	[sflag:s23] =	ssyncset.done $0x0  }
0xaa: {  	s25 =	simm.s32 $0x1B8E;
	s24 =	sld [smem:$0x3FFE];
	[sflag:s23] =	ssyncadd.s32 $0xFFFFFFFF  }
0xab: {  	s26 =	simm.s32 $execute0_lowered;
	[smem:$0x3FD2] =	sst s25  }
0xac: {  	s6 =	sshll.u32 s26, $0x1;
	_ =	strace $0x80000049;
	[dreg:$0x1] =	wrdreg $0xFFFFFFFF  }
0xad: {  	s28 =	simm.s32 $_size_execute0_lowered;
	s4 =	sadd.s32 s4, s6;
	[dreg:$0x0] =	wrdreg $0x0  }
0xae: {  	s6 =	sshll.u32 s28, $0x1;
	[dreg:$0x2] =	wrdreg s4  }
0xaf: {  	[dreg:$0x3] =	wrdreg s6  }
0xb0: {  	[dreg:$0x4] =	wrdreg $0xC0  }
0xb1: {  	_ =	task [dreg:s8], $0x5FFFF  }
0xb2: {  	[dreg:$0x1] =	wrdreg $0xFFFFFFFF  }
0xb3: {  	[dreg:$0x0] =	wrdreg $0x60  }
0xb4: {  	[dreg:$0x2] =	wrdreg s24  }
0xb5: {  	[dreg:$0x3] =	wrdreg s17  }
0xb6: {  	[dreg:$0x4] =	wrdreg s16  }
0xb7: {  	[dreg:$0x5] =	wrdreg $0x9  }
0xb8: {  	_ =	task.clear_ibuf [dreg:s8], $0x6FFFF;
	_ =	strace $0x90000049  }
0xb9: {  	s29 =	simm.s32 $0x9;
	_ =	strace $0x8000004B  }
0xba: {  	_ =	swait.ge [sflag:s29], $0x1  }
0xbb: {  	[sflag:s29] =	ssyncadd.s32 $0xFFFFFFFF  }
0xbc: {  	_ =	strace $0x9000004B  }
0xbd: {  	_ =	sfence  }
0xbe: {  	s30 =	sld [smem:$0x0];
	_ =	sdelay $0x2  }
0xbf: {  	s31 =	sshll.u32 s1, $0xD;
	s1 =	sshrl.u32 s1, $0x2  }
0xc0: {  	s3 =	sand.u32 $0x4000, s31;
	s1 =	sadd.s32 s1, s30  }
0xc1: {  	s0 =	sor.u32 s3, s0;
	s1 =	sshll.u32 s1, $0x11  }
0xc2: {  	s0 =	sor.u32 s1, s0  }
0xc3: {  	s0 =	sadd.s32 $0x8F2B, s0  }
0xc4: {  	[sflag:s0] =	ssyncadd.remote.s32 $0x1  }
0xc5: {  	_ =	sfence.sel $0xFFFF  }
0xc6: {  	[dreg:$0x0] =	wrdreg $0xFFFFFFFF;
	(pc) =	sbr.abs _section_cstart, $3  }
0xc7: {  	[dreg:$0x1] =	wrdreg $0xFFFFFFFF  }
0xc8: {  	_ =	task.clear_ibuf [dreg:s8], $0x2FFFF;
	_ =	strace $0x9FFFFFFF  }
0xc9: {  	(tm) =	ssettm $0x7FFFFFFF  }
tec
execute0_lowered:
.L_overlay_start_1:
0x0: {  	(tag) =	ssettag $0x1  }
0x1: {  	s0 =	rddreg [dreg:$0x0]  }
0x2: {  	s1 =	rddreg [dreg:$0x1]  }
0x3: {  	s9 =	rddreg [dreg:$0x2]  }
0x4: {  	s2 =	simm.s32 $0x0;
	s3 =	srdreg.scid;
	s10 =	stileid.u32  }
0x5: {  	s15 =	simm.s32 $0x5;
	s16 =	simm.s32 $0x200;
	s17 =	simm.s32 $0x80  }
0x6: {  	s18 =	simm.s32 $0x400;
	s19 =	simm.s32 $0x4400;
	s20 =	simm.s32 $0x1  }
0x7: {  	s21 =	simm.s32 $0x3;
	s23 =	simm.s32 $0x2;
	s28 =	simm.s32 $0x300  }
0x8: {  	s29 =	simm.s32 $0x380;
	s30 =	simm.s32 $0x0;
	[smem:$0x7FF] =	sst s2  }
0x9: {  	s4 =	sand.u32 $0x1, s3;
	s5 =	sshll.u32 s10, $0x7;
	s3 =	sadd.s32 $0x2600, s0  }
0xa: {  	s25 =	sshll.u32 s10, $0xE;
	_ =	strace $0x8000004A;
	s6 =	sshll.u32 s4, $0x6  }
0xb: {  	s24 =	ssub.s32 $0x2, s4;
	s26 =	sshll.u32 s4, $0xD;
	s5 =	sor.u32 s6, s5  }
0xc: {  	s8 =	sshrl.u32 s24, $0x1;
	s31 =	sor.u32 s26, s25;
	s26 =	simm.s32 $0x280  }
0xd: {  	s7 =	sadd.s32 s5, s0;
	s0 =	sadd.s32 $0xB600, s0;
	s14 =	ssub.s32 s24, s8  }
0xe: {  	s5 =	sadd.s32 s1, s5;
	s6 =	sadd.s32 s9, s31;
	s11 =	sor.u32 $0x800, s31  }
0xf: {  	s12 =	sor.u32 $0x1000, s31;
	s13 =	sor.u32 $0x1800, s31;
	s24 =	simm.s32 $0x4  }
0x10: {  	s4 =	sadd.s32 $0x1F9000, s7;
	s7 =	sadd.s32 s9, s11;
	s8 =	sadd.s32 s9, s12  }
0x11: {  	s9 =	sadd.s32 s9, s13;
	s10 =	sadd.s32 s0, s31;
	s11 =	sadd.s32 s0, s11  }
0x12: {  	s12 =	sadd.s32 s0, s12;
	s13 =	sadd.s32 s0, s13;
	s14 =	smax.u32 s14, $0x1  }
.LBB2_1:
0x13: {  	[tilespmem:s2], [sflag:$0x5] =	stream.linear.gather [hbm4b:s4+s2], $0x200, $0x38;
	[tilespmem:$0x8400] =	vst v63  }
0x14: {  	_ =	swait.ge [sflag:s15], $0x200  }
0x15: {  	[sflag:s15] =	ssyncset.done $0x0  }
0x16: {  	[sflag:s15] =	ssyncadd.s32 $0xFFFFFE00  }
0x17: {  	[tilespmem:s16], [sflag:$0x5] =	stream.linear.gather [hbm4b:s5+s2], $0x200, $0x38;
	[tilespmem:$0x8400] =	vst v63  }
0x18: {  	s0 =	sand.u32 $0x600, s2;
	_ =	swait.ge [sflag:s15], $0x200  }
0x19: {  	s1 =	sand.u32 $0x70, s2;
	s0 =	sshrl.u32 s0, $0x2;
	[sflag:s15] =	ssyncset.done $0x0  }
0x1a: {  	s31 =	sor.u32 s1, s0;
	[sflag:s15] =	ssyncadd.s32 $0xFFFFFE00  }
0x1b: {  	v0 =	vld [tilespmem:s31+$0x200];
	_ =	sdelay $0x2  }
0x1c: {  	s22 =	simm.s32 $0x40  }
0x1d: {  	s22 =	sand.u32 $0x600, s22;
	s1 =	simm.s32 $0x80;
	s0 =	simm.s32 $0x10  }
.LBB2_2:
0x1e: {  	p0 =	sne.s32 s1, $0x7C0;
	s25 =	sand.u32 $0x70, s0;
	s22 =	sshrl.u32 s22, $0x2;
	v0 =	vadd.s32 $0x7F1, v0  }
0x1f: {  	[tilespmem:s31+$0x200] =	vst v0;
	s31 =	sor.u32 s25, s22  }
.Ltmp0:
0x20: {  	v0 =	vld [tilespmem:s31+$0x200];
	(pc) =	sbr.rel @p0 .LBB2_2-.Ltmp0, $2  }
0x21: {  	_ =	sdelay $0x2  }
0x22: {  	s0 =	sadd.s32 $0x10, s0;
	s22 =	sand.u32 $0x600, s1;
	s1 =	sadd.s32 $0x40, s1  }
0x23: {  	s0 =	sand.u32 $0x70, s0;
	s1 =	sshrl.u32 s22, $0x2;
	v0 =	vadd.s32 $0x7F1, v0  }
0x24: {  	s0 =	sor.u32 s0, s1;
	[tilespmem:s31+$0x200] =	vst v0  }
0x25: {  	v0 =	vld [tilespmem:s0+$0x200];
	_ =	sdelay $0x4  }
0x26: {  	v0 =	vadd.s32 $0x7F1, v0  }
0x27: {  	[tilespmem:s0+$0x200] =	vst v0  }
0x28: {  	[tilespmem:s18], [sflag:$0x1] =	stream.indirect.gather [hbm4b:s3+s17], $0x80, s2, s17, $0xb8;
	[tilespmem:$0x8400] =	vst v63  }
0x29: {  	_ = 	snop  }
0x2a: {  	[tilespmem:s19], [sflag:$0x2] =	stream.indirect.gather [hbm4b:s3+s17], $0x80, s17, s17, $0xb8;
	[tilespmem:$0x8400] =	vst v63  }
0x2b: {  	_ =	swait.ge [sflag:s20], $0x4000  }
0x2c: {  	[sflag:s20] =	ssyncset.done $0x0  }
0x2d: {  	[sflag:s20] =	ssyncadd.s32 $0xFFFFC000  }
0x2e: {  	[hbm4b:s6+s2] =	stream.linear.scatter [tilespmem:s18], [sflag:$0x3], $0x4000, $0x38;
	[tilespmem:$0x8400] =	vst v63  }
0x2f: {  	_ =	swait.ge [sflag:s21], $0x4000  }
0x30: {  	[sflag:s21] =	ssyncset.done $0x0  }
0x31: {  	s25 =	simm.s32 $0x100;
	[sflag:s21] =	ssyncadd.s32 $0xFFFFC000  }
0x32: {  	[tilespmem:s18], [sflag:$0x1] =	stream.indirect.gather [hbm4b:s3+s17], $0x80, s25, s17, $0xb8;
	[tilespmem:$0x8400] =	vst v63  }
0x33: {  	_ =	swait.ge [sflag:s23], $0x4000  }
0x34: {  	[sflag:s23] =	ssyncset.done $0x0  }
0x35: {  	[sflag:s23] =	ssyncadd.s32 $0xFFFFC000  }
0x36: {  	[hbm4b:s7+s2] =	stream.linear.scatter [tilespmem:s19], [sflag:$0x4], $0x4000, $0x38;
	[tilespmem:$0x8400] =	vst v63  }
0x37: {  	_ =	swait.ge [sflag:s24], $0x4000  }
0x38: {  	[sflag:s24] =	ssyncset.done $0x0  }
0x39: {  	s31 =	simm.s32 $0x180;
	[sflag:s24] =	ssyncadd.s32 $0xFFFFC000  }
0x3a: {  	[tilespmem:s19], [sflag:$0x2] =	stream.indirect.gather [hbm4b:s3+s17], $0x80, s31, s17, $0xb8;
	[tilespmem:$0x8400] =	vst v63  }
0x3b: {  	_ =	swait.ge [sflag:s20], $0x4000  }
0x3c: {  	[sflag:s20] =	ssyncset.done $0x0  }
0x3d: {  	[sflag:s20] =	ssyncadd.s32 $0xFFFFC000  }
0x3e: {  	[hbm4b:s8+s2] =	stream.linear.scatter [tilespmem:s18], [sflag:$0x3], $0x4000, $0x38;
	[tilespmem:$0x8400] =	vst v63  }
0x3f: {  	_ =	swait.ge [sflag:s21], $0x4000  }
0x40: {  	[sflag:s21] =	ssyncset.done $0x0  }
0x41: {  	[sflag:s21] =	ssyncadd.s32 $0xFFFFC000  }
0x42: {  	[tilespmem:s18], [sflag:$0x1] =	stream.indirect.gather [hbm4b:s3+s17], $0x80, s16, s17, $0xb8;
	[tilespmem:$0x8400] =	vst v63  }
0x43: {  	_ =	swait.ge [sflag:s23], $0x4000  }
0x44: {  	[sflag:s23] =	ssyncset.done $0x0  }
0x45: {  	[sflag:s23] =	ssyncadd.s32 $0xFFFFC000  }
0x46: {  	[hbm4b:s9+s2] =	stream.linear.scatter [tilespmem:s19], [sflag:$0x4], $0x4000, $0x38;
	[tilespmem:$0x8400] =	vst v63  }
0x47: {  	_ =	swait.ge [sflag:s24], $0x4000  }
0x48: {  	[sflag:s24] =	ssyncset.done $0x0  }
0x49: {  	[sflag:s24] =	ssyncadd.s32 $0xFFFFC000  }
0x4a: {  	[tilespmem:s19], [sflag:$0x2] =	stream.indirect.gather [hbm4b:s3+s17], $0x80, s26, s17, $0xb8;
	[tilespmem:$0x8400] =	vst v63  }
0x4b: {  	_ =	swait.ge [sflag:s20], $0x4000  }
0x4c: {  	[sflag:s20] =	ssyncset.done $0x0  }
0x4d: {  	[sflag:s20] =	ssyncadd.s32 $0xFFFFC000  }
0x4e: {  	[hbm4b:s10+s2] =	stream.linear.scatter [tilespmem:s18], [sflag:$0x3], $0x4000, $0x38;
	[tilespmem:$0x8400] =	vst v63  }
0x4f: {  	_ =	swait.ge [sflag:s21], $0x4000  }
0x50: {  	[sflag:s21] =	ssyncset.done $0x0  }
0x51: {  	[sflag:s21] =	ssyncadd.s32 $0xFFFFC000  }
0x52: {  	[tilespmem:s18], [sflag:$0x1] =	stream.indirect.gather [hbm4b:s3+s17], $0x80, s28, s17, $0xb8;
	[tilespmem:$0x8400] =	vst v63  }
0x53: {  	_ =	swait.ge [sflag:s23], $0x4000  }
0x54: {  	[sflag:s23] =	ssyncset.done $0x0  }
0x55: {  	[sflag:s23] =	ssyncadd.s32 $0xFFFFC000  }
0x56: {  	[hbm4b:s11+s2] =	stream.linear.scatter [tilespmem:s19], [sflag:$0x4], $0x4000, $0x38;
	[tilespmem:$0x8400] =	vst v63  }
0x57: {  	_ =	swait.ge [sflag:s24], $0x4000  }
0x58: {  	[sflag:s24] =	ssyncset.done $0x0  }
0x59: {  	[sflag:s24] =	ssyncadd.s32 $0xFFFFC000  }
0x5a: {  	[tilespmem:s19], [sflag:$0x2] =	stream.indirect.gather [hbm4b:s3+s17], $0x80, s29, s17, $0xb8;
	[tilespmem:$0x8400] =	vst v63  }
0x5b: {  	_ =	swait.ge [sflag:s20], $0x4000  }
0x5c: {  	[sflag:s20] =	ssyncset.done $0x0  }
0x5d: {  	[sflag:s20] =	ssyncadd.s32 $0xFFFFC000  }
0x5e: {  	[hbm4b:s12+s2] =	stream.linear.scatter [tilespmem:s18], [sflag:$0x3], $0x4000, $0x38;
	[tilespmem:$0x8400] =	vst v63  }
0x5f: {  	_ =	swait.ge [sflag:s23], $0x4000  }
0x60: {  	[sflag:s23] =	ssyncset.done $0x0  }
0x61: {  	s30 =	sadd.s32 $0x1, s30;
	[sflag:s23] =	ssyncadd.s32 $0xFFFFC000  }
0x62: {  	[hbm4b:s13+s2] =	stream.linear.scatter [tilespmem:s19], [sflag:$0x4], $0x4000, $0x38;
	[tilespmem:$0x8400] =	vst v63  }
0x63: {  	p0 =	sne.s32 s30, s14;
	_ =	swait.ge [sflag:s21], $0x4000  }
.Ltmp1:
0x64: {  	[sflag:s21] =	ssyncset.done $0x0;
	(pc) =	sbr.rel @p0 .LBB2_1-.Ltmp1, $4  }
0x65: {  	[sflag:s21] =	ssyncadd.s32 $0xFFFFC000  }
0x66: {  	_ =	swait.ge [sflag:s24], $0x4000  }
0x67: {  	[sflag:s24] =	ssyncset.done $0x0  }
0x68: {  	[sflag:s24] =	ssyncadd.s32 $0xFFFFC000  }
0x69: {  	_ =	sfence.sel $0x180000  }
0x6a: {  	[bflag:$0x0] =	sbarrier.arrive $0xFFFF  }
0x6b: {  	_ =	strace $0x9000004A  }
0x6c: {  	s0 =	stileid.u32;
	[bflag:$0x2] =	sbarrier.arrive $0xFFFF  }
0x6d: {  	p0 =	sne.s32 s0, $0x0;
	s0 =	rddreg [dreg:$0x3]  }
0x6e: {  	s0 =	sadd.s32 @!p0 $0x100000, s0  }
0x6f: {  	[sflag:s0] =	ssyncadd.tile.s32 @!p0 $0x1;
	_ =	shalt  }
.Lfunc_end2:
_tile_overlayer_lowered:
.L_overlay_start_2:
0x70: {  	(tag) =	ssettag $0x2  }
0x71: {  	s0 =	rddreg [dreg:$0x0];
	s2 =	stileid.u32  }
0x72: {  	s1 =	rddreg [dreg:$0x1];
	p0 =	sne.s32 s2, $0x0  }
0x73: {  	s3 =	rddreg [dreg:$0x2];
	[bflag:$0x3] =	sbarrier.arrive $0xFFFF;
	s2 =	simm.s32 @!p0 $0x1C05  }
0x74: {  	[timem:s3], [sflag:s2] =	dma.local @!p0 [hbm:s0], s1  }
0x75: {  	s0 =	simm.s32 @!p0 $0x5  }
0x76: {  	_ =	swait.ge @!p0 [sflag:s0], s1  }
0x77: {  	s1 =	ssub.s32 @!p0 $0x0, s1;
	[sflag:s0] =	ssyncset.done @!p0 $0x0  }
0x78: {  	[sflag:s0] =	ssyncadd.s32 @!p0 s1  }
0x79: {  	[bflag:$0x3] =	sbarrier.arrive $0xFFFF  }
0x7a: {  	_ =	shalt  }

</sc_bundles>
